<compile_context>
chip_gen: v7x
topology: tpu7x:2x2x1
jax: 0.10.2.dev20260603
libtpu: 0.0.44.dev20260713+nightly
codegen_flags: <defaults>
</compile_context>

<pallas_src>
import jax
import jax.numpy as jnp
from jax import lax
from jax.experimental import pallas as pl
from jax.experimental.pallas import tpu as pltpu
from jax.experimental.pallas import tpu_sc as plsc

_B = 16384
_K = 1000

_B_SC = 16 * 128
_B_TC = _B - _B_SC
_COLS_TC = 1024
_KH = 504

_KS0 = 0
_KS1 = 1234
_KS2 = _KS0 ^ _KS1 ^ 0x1BD11BDA
_KS = (_KS0, _KS1, _KS2)
_ROT = ((13, 15, 26, 6), (17, 29, 16, 24))

_LN2 = 0.6931471805599453
_SQRT2 = 1.4142135623730951


def _rotl(x, r):
    return lax.shift_left(x, r) | lax.shift_right_logical(x, 32 - r)


def _threefry_bits(x1):
    x0 = jnp.zeros_like(x1) + _KS[0]
    x1 = x1 + _KS[1]
    for i in range(5):
        for r in _ROT[i % 2]:
            x0 = x0 + x1
            x1 = _rotl(x1, r) ^ x0
        x0 = x0 + _KS[(i + 1) % 3]
        x1 = x1 + (_KS[(i + 2) % 3] + i + 1)
    return x0 ^ x1


def _bits_to_u(bits):
    fb = lax.shift_right_logical(bits, 9) | 0x3F800000
    return jnp.maximum(lax.bitcast_convert_type(fb, jnp.float32) - 1.0, 1e-20)



def _tc_body(logits_ref, out_ref):
    lg = logits_ref[...]
    m = jnp.max(lg)
    p2 = jnp.exp(lg - m)
    p2 = p2 * p2

    rbase = pl.program_id(0) * _COLS_TC
    row = lax.broadcasted_iota(jnp.int32, (_COLS_TC, _K), 0)
    col = lax.broadcasted_iota(jnp.int32, (_COLS_TC, _K), 1)
    u = _bits_to_u(_threefry_bits((rbase + row) * _K + col))

    w = -jnp.log(u)
    t = p2 / (w * w)
    out_ref[...] = (t / jnp.sum(t, axis=1, keepdims=True)).T


def _tc_part(logits):
    return pl.pallas_call(
        _tc_body,
        grid=(_B_TC // _COLS_TC,),
        in_specs=[pl.BlockSpec((1, _K), lambda i: (0, 0))],
        out_specs=pl.BlockSpec((_K, _COLS_TC), lambda i: (0, i)),
        out_shape=jax.ShapeDtypeStruct((_K, _B), jnp.float32),
    )(logits)



def _neg_log(u):
    ub = lax.bitcast_convert_type(u, jnp.int32)
    e = lax.shift_right_logical(ub, 23) - 127
    mb = (ub & 0x7FFFFF) | 0x3F800000
    m = lax.bitcast_convert_type(mb, jnp.float32)
    big = m > _SQRT2
    e = jnp.where(big, e + 1, e).astype(jnp.float32)
    m = jnp.where(big, m * 0.5, m)
    z = (m - 1.0) / (m + 1.0)
    z2 = z * z
    p = 1.0 + z2 * (1.0 / 3.0 + z2 * (0.2 + z2 * (1.0 / 7.0 + z2 * (1.0 / 9.0))))
    return -(e * _LN2 + (2.0 * z) * p)


def _lane_shuffle(v, stride):
    idx = lax.iota(jnp.int32, 16) ^ stride
    dn = lax.GatherDimensionNumbers(
        offset_dims=(), collapsed_slice_dims=(0,), start_index_map=(0,))
    return lax.gather(v, idx[:, None], dimension_numbers=dn, slice_sizes=(1,),
                      mode=lax.GatherScatterMode.PROMISE_IN_BOUNDS)


def _all_lanes_reduce(v, op):
    for stride in (8, 4, 2, 1):
        v = op(v, _lane_shuffle(v, stride))
    return v


def _sc_body(logits_hbm, out_hbm, p2_v, t_v, acc_v, acc2_v, shr_v):
    c = lax.axis_index("c")
    s = lax.axis_index("s")
    tilecol = c * 8 + (s & 7)
    half = lax.shift_right_logical(s, 3)
    k0 = half * _KH

    p2_v[pl.ds(992, 16)] = jnp.full((16,), -1e30, jnp.float32)
    p2_v[pl.ds(1008, 16)] = jnp.full((16,), -1e30, jnp.float32)
    pltpu.sync_copy(logits_hbm.at[0], p2_v.at[pl.ds(0, _K)])

    def _mx(j, acc):
        return jnp.maximum(acc, p2_v[pl.ds(j * 16, 16)])

    m16 = lax.fori_loop(0, 63, _mx, jnp.full((16,), -1e30, jnp.float32))
    m = _all_lanes_reduce(m16, jnp.maximum)

    def _p2(j, carry):
        v = jnp.exp(p2_v[pl.ds(j * 16, 16)] - m)
        p2_v[pl.ds(j * 16, 16)] = v * v
        return carry

    lax.fori_loop(0, 63, _p2, 0)

    lane1000 = lax.iota(jnp.int32, 16) * _K
    base0 = (_B_TC + tilecol * 128) * _K + k0

    zeros8 = tuple(jnp.zeros((16,), jnp.float32) for _ in range(8))

    @plsc.parallel_loop(0, _KH, carry=zeros8, unroll=2)
    def _cat(i, accs):
        k = k0 + i
        p2s = p2_v[pl.ds(k, 16)][0]
        new = []
        for g in range(8):
            x1 = (base0 + g * 16 * _K + i) + lane1000
            u = _bits_to_u(_threefry_bits(x1))
            w = _neg_log(u)
            t = p2s / (w * w)
            t_v[i, pl.ds(g * 16, 16)] = t
            new.append(accs[g] + t)
        return tuple(new)

    for g in range(8):
        acc_v[pl.ds(g * 16, 16)] = _cat[g]
    pltpu.sync_copy(acc_v, shr_v.at[s])
    plsc.subcore_barrier()
    pltpu.sync_copy(shr_v.at[s ^ 8], acc2_v)

    invs = tuple(1.0 / (_cat[g] + acc2_v[pl.ds(g * 16, 16)])
                 for g in range(8))

    @plsc.parallel_loop(0, _KH, unroll=4)
    def _scale(i):
        for g in range(8):
            t_v[i, pl.ds(g * 16, 16)] = t_v[i, pl.ds(g * 16, 16)] * invs[g]

    colmem = out_hbm.at[:, pl.ds(tilecol * 128, 128)]

    @pl.when(half == 0)
    def _dma0():
        pltpu.sync_copy(t_v.at[pl.ds(0, _KH)], colmem.at[pl.ds(0, _KH)])

    @pl.when(half == 1)
    def _dma1():
        pltpu.sync_copy(t_v.at[pl.ds(0, _K - _KH)],
                        colmem.at[pl.ds(_KH, _K - _KH)])


def _sc_part(logits_vec):
    mesh = plsc.VectorSubcoreMesh(core_axis_name="c", subcore_axis_name="s")
    fn = pl.kernel(
        _sc_body,
        out_type=jax.ShapeDtypeStruct((_K, _B_SC), jnp.float32),
        mesh=mesh,
        scratch_types=[
            pltpu.VMEM((1024,), jnp.float32),
            pltpu.VMEM((_KH, 128), jnp.float32),
            pltpu.VMEM((128,), jnp.float32),
            pltpu.VMEM((128,), jnp.float32),
            pltpu.VMEM_SHARED((16, 128), jnp.float32),
        ],
    )
    return fn(logits_vec)


def kernel(z, logits):
    del z
    out_tc = _tc_part(logits)
    out_sc = _sc_part(logits)
    full_t = lax.dynamic_update_slice(out_tc, out_sc, (0, _B_TC))
    return full_t.T

# --- scband reference (transcript-rebuilt; emitter-appended) ---
"""Pipeline reference for scband-gmmprior-24515673326092 (READ-ONLY COPY).

The authoritative reference and input builder live on the scoring server;
editing this copy changes nothing except your own understanding.
"""

import jax, jax.numpy as jnp
import numpy as np

B = 16384
K = 1000
TAU = 0.5

def setup_inputs(seed: int = 0) -> dict:
    key = jax.random.key(seed)
    k1, k2 = jax.random.split(key)
    z = jax.random.normal(k1, (B, 64), dtype=jnp.float32)
    # xavier_normal_ on shape (1, K): std = sqrt(2 / (fan_in + fan_out)) = sqrt(2 / (1 + K))
    std = float(np.sqrt(2.0 / (1.0 + K)))
    logits = jax.random.normal(k2, (1, K), dtype=jnp.float32) * std
    return {"z": z, "logits": logits}

def _gumbel_softmax_sample(logits_batch, tau):
    # Sample_Categorical: Gumbel-softmax (concrete) relaxation with temperature tau
    gkey = jax.random.key(1234)
    u = jax.random.uniform(gkey, logits_batch.shape, dtype=jnp.float32,
                           minval=1e-20, maxval=1.0)
    g = -jnp.log(-jnp.log(u))
    return jax.nn.softmax((logits_batch + g) / tau, axis=-1)

def reference(z, logits):
    batch_size = z.shape[0]
    ones = jnp.ones((batch_size, 1), dtype=jnp.float32)
    logp = jax.nn.log_softmax(logits, axis=-1)
    logits_batch = ones @ logp  # broadcast (1,K) log-probs to (B,K)
    out = _gumbel_softmax_sample(logits_batch, TAU)
    return out

if __name__ == "__main__":
    import jax
    _d = setup_inputs()
    print(jax.jit(kernel)(*tuple(_d.values())))

</pallas_src>

<mosaic_0001>
#map = affine_map<(d0, d1) -> (0, 0)>
module attributes {stable_mosaic.version = 14 : i64} {
  func.func @_sc_body(%arg0: i32, %arg1: i32, %arg2: memref<1x1000xf32, #tpu.memory_space<hbm>>, %arg3: memref<1000x2048xf32, #tpu.memory_space<hbm>>, %arg4: memref<1024xf32, #tpu.memory_space<vmem>>, %arg5: memref<504x128xf32, #tpu.memory_space<vmem>>, %arg6: memref<128xf32, #tpu.memory_space<vmem>>, %arg7: memref<128xf32, #tpu.memory_space<vmem>>, %arg8: memref<16x128xf32, #tpu.memory_space<vmem_shared>>) attributes {dimension_semantics = [#tpu.dimension_semantics<core_parallel>, #tpu.dimension_semantics<subcore_parallel>], iteration_bounds = array<i64: 2, 16>, scalar_prefetch = 0 : i64, scratch_operands = 5 : i64, tpu.core_type = #tpu.core_type<sc_vector_subcore>, window_params = [{transform_indices = #map}, {transform_indices = #map}]} {
    %mul3A = arith.constant 8 : i32
    %mul3A_0 = arith.muli %arg0, %mul3A : i32
    %and3A = arith.constant 7 : i32
    %and3A_1 = arith.andi %arg1, %and3A : i32
    %add3A = arith.addi %mul3A_0, %and3A_1 : i32
    %shift_right_logical3A = arith.constant 3 : i32
    %shift_right_logical3A_2 = arith.shrui %arg1, %shift_right_logical3A : i32
    %mul3A_3 = arith.constant 504 : i32
    %mul3A_4 = arith.muli %shift_right_logical3A_2, %mul3A_3 : i32
    %broadcast_in_dim3A = arith.constant -1.000000e+30 : f32
    %broadcast_in_dim3A_5 = vector.broadcast %broadcast_in_dim3A : f32 to vector<16xf32>
    %swap3A = arith.constant 992 : index
    %swap3A_6 = tpu.vector_load %arg4[%swap3A] {strides = array<i32>} : memref<1024xf32, #tpu.memory_space<vmem>>, vector<16xf32>,
    %swap3A_7 = vector.shape_cast %swap3A_6 : vector<16xf32> to vector<16xf32>
    %swap3A_8 = vector.shape_cast %broadcast_in_dim3A_5 : vector<16xf32> to vector<16xf32>
    tpu.vector_store %arg4[%swap3A], %swap3A_8 {strides = array<i32>} : memref<1024xf32, #tpu.memory_space<vmem>>, vector<16xf32>,
    %broadcast_in_dim3A_9 = arith.constant -1.000000e+30 : f32
    %broadcast_in_dim3A_10 = vector.broadcast %broadcast_in_dim3A_9 : f32 to vector<16xf32>
    %swap3A_11 = arith.constant 1008 : index
    %swap3A_12 = tpu.vector_load %arg4[%swap3A_11] {strides = array<i32>} : memref<1024xf32, #tpu.memory_space<vmem>>, vector<16xf32>,
    %swap3A_13 = vector.shape_cast %swap3A_12 : vector<16xf32> to vector<16xf32>
    %swap3A_14 = vector.shape_cast %broadcast_in_dim3A_10 : vector<16xf32> to vector<16xf32>
    tpu.vector_store %arg4[%swap3A_11], %swap3A_14 {strides = array<i32>} : memref<1024xf32, #tpu.memory_space<vmem>>, vector<16xf32>,
    %run_scoped3A = arith.constant 0 : i32
    "tpu.region"() ({
      %run_scoped3A_186 = tpu.sem_alloc : memref<!tpu.dma_semaphore, #tpu.memory_space<semaphore_mem>>
      %dma_start3A = arith.constant 0 : i32
      %dma_start3A_187 = tpu.memref_slice %arg4[%dma_start3A] : memref<1024xf32, #tpu.memory_space<vmem>> -> memref<1000xf32, #tpu.memory_space<vmem>>
      %dma_start3A_188 = arith.constant 0 : i32
      %dma_start3A_189 = tpu.memref_slice %arg2[%run_scoped3A, %dma_start3A_188] : memref<1x1000xf32, #tpu.memory_space<hbm>> -> memref<1x1000xf32, #tpu.memory_space<hbm>>
      %dma_start3A_190 = tpu.memref_squeeze %dma_start3A_189 : memref<1x1000xf32, #tpu.memory_space<hbm>> -> memref<1000xf32, #tpu.memory_space<hbm>>
      %dma_start3A_191 = arith.constant 0 : i32
      %dma_start3A_192 = tpu.memref_slice %arg4[%dma_start3A_191] : memref<1024xf32, #tpu.memory_space<vmem>> -> memref<1000xf32, #tpu.memory_space<vmem>>
      %dma_start3A_193 = arith.constant 0 : i32
      %dma_start3A_194 = tpu.memref_slice %arg2[%run_scoped3A, %dma_start3A_193] : memref<1x1000xf32, #tpu.memory_space<hbm>> -> memref<1x1000xf32, #tpu.memory_space<hbm>>
      %dma_start3A_195 = tpu.memref_squeeze %dma_start3A_194 : memref<1x1000xf32, #tpu.memory_space<hbm>> -> memref<1000xf32, #tpu.memory_space<hbm>>
      tpu.enqueue_dma source(%dma_start3A_195 : memref<1000xf32, #tpu.memory_space<hbm>>) target(%dma_start3A_192 : memref<1000xf32, #tpu.memory_space<vmem>>) target_semaphore(%run_scoped3A_186 : memref<!tpu.dma_semaphore, #tpu.memory_space<semaphore_mem>>)
      %dma_wait3A = arith.constant 0 : i32
      %dma_wait3A_196 = tpu.memref_slice %arg4[%dma_wait3A] : memref<1024xf32, #tpu.memory_space<vmem>> -> memref<1000xf32, #tpu.memory_space<vmem>>
      %dma_wait3A_197 = arith.constant 0 : i32
      %dma_wait3A_198 = tpu.memref_slice %arg2[%run_scoped3A, %dma_wait3A_197] : memref<1x1000xf32, #tpu.memory_space<hbm>> -> memref<1x1000xf32, #tpu.memory_space<hbm>>
      %dma_wait3A_199 = tpu.memref_squeeze %dma_wait3A_198 : memref<1x1000xf32, #tpu.memory_space<hbm>> -> memref<1000xf32, #tpu.memory_space<hbm>>
      %dma_wait3A_200 = arith.constant 0 : i32
      %dma_wait3A_201 = tpu.memref_slice %arg4[%dma_wait3A_200] : memref<1024xf32, #tpu.memory_space<vmem>> -> memref<1000xf32, #tpu.memory_space<vmem>>
      %dma_wait3A_202 = arith.constant 0 : i32
      %dma_wait3A_203 = tpu.memref_slice %arg2[%run_scoped3A, %dma_wait3A_202] : memref<1x1000xf32, #tpu.memory_space<hbm>> -> memref<1x1000xf32, #tpu.memory_space<hbm>>
      %dma_wait3A_204 = tpu.memref_squeeze %dma_wait3A_203 : memref<1x1000xf32, #tpu.memory_space<hbm>> -> memref<1000xf32, #tpu.memory_space<hbm>>
      tpu.wait_dma2 semaphore(%run_scoped3A_186 : memref<!tpu.dma_semaphore, #tpu.memory_space<semaphore_mem>>) src(%dma_wait3A_204 : memref<1000xf32, #tpu.memory_space<hbm>>) dst(%dma_wait3A_201 : memref<1000xf32, #tpu.memory_space<vmem>>)
      tpu.yield
    }) : () -> ()
    %broadcast_in_dim3A_15 = arith.constant -1.000000e+30 : f32
    %broadcast_in_dim3A_16 = vector.broadcast %broadcast_in_dim3A_15 : f32 to vector<16xf32>
    %scan3A = arith.constant 0 : i32
    %scan3A_17 = arith.constant 63 : i32
    %scan3A_18 = arith.addi %scan3A, %scan3A_17 : i32
    %scan3A_19 = arith.constant 1 : i32
    %scan3A_20 = scf.for %scan3A_186 = %scan3A to %scan3A_18 step %scan3A_19 iter_args(%scan3A_187 = %broadcast_in_dim3A_16) -> (vector<16xf32>)  : i32 {
      %mul3A_188 = arith.constant 16 : i32
      %mul3A_189 = arith.muli %scan3A_186, %mul3A_188 : i32
      %get3A_190 = arith.index_cast %mul3A_189 : i32 to index
      %get3A_191 = tpu.vector_load %arg4[%get3A_190] {strides = array<i32>} : memref<1024xf32, #tpu.memory_space<vmem>>, vector<16xf32>,
      %get3A_192 = vector.shape_cast %get3A_191 : vector<16xf32> to vector<16xf32>
      %max3A_193 = arith.maximumf %scan3A_187, %get3A_192 : vector<16xf32>
      scf.yield %max3A_193 : vector<16xf32>
    }
    %scan3A_21 = arith.constant 63 : i32
    %iota3A = tpu.iota {dimensions = array<i32: 0>} : vector<16xi32>
    %xor3A = arith.constant 8 : i32
    %xor3A_22 = vector.broadcast %xor3A : i32 to vector<16xi32>
    %xor3A_23 = arith.xori %iota3A, %xor3A_22 : vector<16xi32>
    %broadcast_in_dim3A_24 = vector.shape_cast %xor3A_23 : vector<16xi32> to vector<16x1xi32>
    %gather3A = vector.shape_cast %broadcast_in_dim3A_24 : vector<16x1xi32> to vector<16xi32>
    %gather3A_25 = tpu.dynamic_gather %scan3A_20[%gather3A] in [0] : vector<16xf32>, vector<16xi32> -> vector<16xf32>
    %max3A = arith.maximumf %scan3A_20, %gather3A_25 : vector<16xf32>
    %iota3A_26 = tpu.iota {dimensions = array<i32: 0>} : vector<16xi32>
    %xor3A_27 = arith.constant 4 : i32
    %xor3A_28 = vector.broadcast %xor3A_27 : i32 to vector<16xi32>
    %xor3A_29 = arith.xori %iota3A_26, %xor3A_28 : vector<16xi32>
    %broadcast_in_dim3A_30 = vector.shape_cast %xor3A_29 : vector<16xi32> to vector<16x1xi32>
    %gather3A_31 = vector.shape_cast %broadcast_in_dim3A_30 : vector<16x1xi32> to vector<16xi32>
    %gather3A_32 = tpu.dynamic_gather %max3A[%gather3A_31] in [0] : vector<16xf32>, vector<16xi32> -> vector<16xf32>
    %max3A_33 = arith.maximumf %max3A, %gather3A_32 : vector<16xf32>
    %iota3A_34 = tpu.iota {dimensions = array<i32: 0>} : vector<16xi32>
    %xor3A_35 = arith.constant 2 : i32
    %xor3A_36 = vector.broadcast %xor3A_35 : i32 to vector<16xi32>
    %xor3A_37 = arith.xori %iota3A_34, %xor3A_36 : vector<16xi32>
    %broadcast_in_dim3A_38 = vector.shape_cast %xor3A_37 : vector<16xi32> to vector<16x1xi32>
    %gather3A_39 = vector.shape_cast %broadcast_in_dim3A_38 : vector<16x1xi32> to vector<16xi32>
    %gather3A_40 = tpu.dynamic_gather %max3A_33[%gather3A_39] in [0] : vector<16xf32>, vector<16xi32> -> vector<16xf32>
    %max3A_41 = arith.maximumf %max3A_33, %gather3A_40 : vector<16xf32>
    %iota3A_42 = tpu.iota {dimensions = array<i32: 0>} : vector<16xi32>
    %xor3A_43 = arith.constant 1 : i32
    %xor3A_44 = vector.broadcast %xor3A_43 : i32 to vector<16xi32>
    %xor3A_45 = arith.xori %iota3A_42, %xor3A_44 : vector<16xi32>
    %broadcast_in_dim3A_46 = vector.shape_cast %xor3A_45 : vector<16xi32> to vector<16x1xi32>
    %gather3A_47 = vector.shape_cast %broadcast_in_dim3A_46 : vector<16x1xi32> to vector<16xi32>
    %gather3A_48 = tpu.dynamic_gather %max3A_41[%gather3A_47] in [0] : vector<16xf32>, vector<16xi32> -> vector<16xf32>
    %max3A_49 = arith.maximumf %max3A_41, %gather3A_48 : vector<16xf32>
    %scan3A_50 = arith.constant 0 : i32
    %scan3A_51 = arith.constant 0 : i32
    %scan3A_52 = arith.constant 63 : i32
    %scan3A_53 = arith.addi %scan3A_51, %scan3A_52 : i32
    %scan3A_54 = arith.constant 1 : i32
    scf.for %scan3A_186 = %scan3A_51 to %scan3A_53 step %scan3A_54  : i32 {
      %mul3A_187 = arith.constant 16 : i32
      %mul3A_188 = arith.muli %scan3A_186, %mul3A_187 : i32
      %get3A_189 = arith.index_cast %mul3A_188 : i32 to index
      %get3A_190 = tpu.vector_load %arg4[%get3A_189] {strides = array<i32>} : memref<1024xf32, #tpu.memory_space<vmem>>, vector<16xf32>,
      %get3A_191 = vector.shape_cast %get3A_190 : vector<16xf32> to vector<16xf32>
      %sub3A = arith.subf %get3A_191, %max3A_49 : vector<16xf32>
      %exp3A = math.exp %sub3A : vector<16xf32>
      %mul3A_192 = arith.mulf %exp3A, %exp3A : vector<16xf32>
      %mul3A_193 = arith.constant 16 : i32
      %mul3A_194 = arith.muli %scan3A_186, %mul3A_193 : i32
      %swap3A_195 = arith.index_cast %mul3A_194 : i32 to index
      %swap3A_196 = tpu.vector_load %arg4[%swap3A_195] {strides = array<i32>} : memref<1024xf32, #tpu.memory_space<vmem>>, vector<16xf32>,
      %swap3A_197 = vector.shape_cast %swap3A_196 : vector<16xf32> to vector<16xf32>
      %swap3A_198 = vector.shape_cast %mul3A_192 : vector<16xf32> to vector<16xf32>
      tpu.vector_store %arg4[%swap3A_195], %swap3A_198 {strides = array<i32>} : memref<1024xf32, #tpu.memory_space<vmem>>, vector<16xf32>,
    }
    %scan3A_55 = arith.constant 63 : i32
    %iota3A_56 = tpu.iota {dimensions = array<i32: 0>} : vector<16xi32>
    %mul3A_57 = arith.constant 1000 : i32
    %mul3A_58 = vector.broadcast %mul3A_57 : i32 to vector<16xi32>
    %mul3A_59 = arith.muli %iota3A_56, %mul3A_58 : vector<16xi32>
    %mul3A_60 = arith.constant 128 : i32
    %mul3A_61 = arith.muli %add3A, %mul3A_60 : i32
    %add3A_62 = arith.constant 14336 : i32
    %add3A_63 = arith.addi %add3A_62, %mul3A_61 : i32
    %mul3A_64 = arith.constant 1000 : i32
    %mul3A_65 = arith.muli %add3A_63, %mul3A_64 : i32
    %add3A_66 = arith.addi %mul3A_65, %mul3A_4 : i32
    %broadcast_in_dim3A_67 = arith.constant 0.000000e+00 : f32
    %broadcast_in_dim3A_68 = vector.broadcast %broadcast_in_dim3A_67 : f32 to vector<16xf32>
    %broadcast_in_dim3A_69 = arith.constant 0.000000e+00 : f32
    %broadcast_in_dim3A_70 = vector.broadcast %broadcast_in_dim3A_69 : f32 to vector<16xf32>
    %broadcast_in_dim3A_71 = arith.constant 0.000000e+00 : f32
    %broadcast_in_dim3A_72 = vector.broadcast %broadcast_in_dim3A_71 : f32 to vector<16xf32>
    %broadcast_in_dim3A_73 = arith.constant 0.000000e+00 : f32
    %broadcast_in_dim3A_74 = vector.broadcast %broadcast_in_dim3A_73 : f32 to vector<16xf32>
    %broadcast_in_dim3A_75 = arith.constant 0.000000e+00 : f32
    %broadcast_in_dim3A_76 = vector.broadcast %broadcast_in_dim3A_75 : f32 to vector<16xf32>
    %broadcast_in_dim3A_77 = arith.constant 0.000000e+00 : f32
    %broadcast_in_dim3A_78 = vector.broadcast %broadcast_in_dim3A_77 : f32 to vector<16xf32>
    %broadcast_in_dim3A_79 = arith.constant 0.000000e+00 : f32
    %broadcast_in_dim3A_80 = vector.broadcast %broadcast_in_dim3A_79 : f32 to vector<16xf32>
    %broadcast_in_dim3A_81 = arith.constant 0.000000e+00 : f32
    %broadcast_in_dim3A_82 = vector.broadcast %broadcast_in_dim3A_81 : f32 to vector<16xf32>
    %parallel_loop3A = arith.constant 0 : i32
    %parallel_loop3A_83 = arith.constant 504 : i32
    %parallel_loop3A_84 = arith.constant 1 : i32
    %parallel_loop3A_85:8 = scf.for %parallel_loop3A_186 = %parallel_loop3A to %parallel_loop3A_83 step %parallel_loop3A_84 iter_args(%parallel_loop3A_187 = %broadcast_in_dim3A_68, %parallel_loop3A_188 = %broadcast_in_dim3A_70, %parallel_loop3A_189 = %broadcast_in_dim3A_72, %parallel_loop3A_190 = %broadcast_in_dim3A_74, %parallel_loop3A_191 = %broadcast_in_dim3A_76, %parallel_loop3A_192 = %broadcast_in_dim3A_78, %parallel_loop3A_193 = %broadcast_in_dim3A_80, %parallel_loop3A_194 = %broadcast_in_dim3A_82) -> (vector<16xf32>, vector<16xf32>, vector<16xf32>, vector<16xf32>, vector<16xf32>, vector<16xf32>, vector<16xf32>, vector<16xf32>)  : i32 {
      %parallel_loop3A_195 = arith.addi %mul3A_4, %parallel_loop3A_186 : i32
      %parallel_loop3A_196 = arith.index_cast %parallel_loop3A_195 : i32 to index
      %parallel_loop3A_197 = tpu.vector_load %arg4[%parallel_loop3A_196] {strides = array<i32>} : memref<1024xf32, #tpu.memory_space<vmem>>, vector<16xf32>,
      %parallel_loop3A_198 = vector.shape_cast %parallel_loop3A_197 : vector<16xf32> to vector<16xf32>
      %parallel_loop3A_199 = vector.extract_strided_slice %parallel_loop3A_198 {offsets = [0], sizes = [1], strides = [1]} : vector<16xf32> to vector<1xf32>
      %parallel_loop3A_200 = vector.extract %parallel_loop3A_199[0] : f32 from vector<1xf32>
      %parallel_loop3A_201 = arith.constant 0 : i32
      %parallel_loop3A_202 = arith.addi %add3A_66, %parallel_loop3A_201 : i32
      %parallel_loop3A_203 = arith.addi %parallel_loop3A_202, %parallel_loop3A_186 : i32
      %parallel_loop3A_204 = vector.broadcast %parallel_loop3A_203 : i32 to vector<16xi32>
      %parallel_loop3A_205 = arith.addi %parallel_loop3A_204, %mul3A_59 : vector<16xi32>
      %parallel_loop3A_206 = arith.constant 0 : i32
      %parallel_loop3A_207 = vector.broadcast %parallel_loop3A_206 : i32 to vector<16xi32>
      %parallel_loop3A_208 = arith.constant 0 : i32
      %parallel_loop3A_209 = vector.broadcast %parallel_loop3A_208 : i32 to vector<16xi32>
      %parallel_loop3A_210 = arith.addi %parallel_loop3A_207, %parallel_loop3A_209 : vector<16xi32>
      %parallel_loop3A_211 = arith.constant 1234 : i32
      %parallel_loop3A_212 = vector.broadcast %parallel_loop3A_211 : i32 to vector<16xi32>
      %parallel_loop3A_213 = arith.addi %parallel_loop3A_205, %parallel_loop3A_212 : vector<16xi32>
      %parallel_loop3A_214 = arith.addi %parallel_loop3A_210, %parallel_loop3A_213 : vector<16xi32>
      %parallel_loop3A_215 = arith.constant 13 : i32
      %parallel_loop3A_216 = vector.broadcast %parallel_loop3A_215 : i32 to vector<16xi32>
      %parallel_loop3A_217 = arith.shli %parallel_loop3A_213, %parallel_loop3A_216 : vector<16xi32>
      %parallel_loop3A_218 = arith.constant 19 : i32
      %parallel_loop3A_219 = vector.broadcast %parallel_loop3A_218 : i32 to vector<16xi32>
      %parallel_loop3A_220 = arith.shrui %parallel_loop3A_213, %parallel_loop3A_219 : vector<16xi32>
      %parallel_loop3A_221 = arith.ori %parallel_loop3A_217, %parallel_loop3A_220 : vector<16xi32>
      %parallel_loop3A_222 = arith.xori %parallel_loop3A_221, %parallel_loop3A_214 : vector<16xi32>
      %parallel_loop3A_223 = arith.addi %parallel_loop3A_214, %parallel_loop3A_222 : vector<16xi32>
      %parallel_loop3A_224 = arith.constant 15 : i32
      %parallel_loop3A_225 = vector.broadcast %parallel_loop3A_224 : i32 to vector<16xi32>
      %parallel_loop3A_226 = arith.shli %parallel_loop3A_222, %parallel_loop3A_225 : vector<16xi32>
      %parallel_loop3A_227 = arith.constant 17 : i32
      %parallel_loop3A_228 = vector.broadcast %parallel_loop3A_227 : i32 to vector<16xi32>
      %parallel_loop3A_229 = arith.shrui %parallel_loop3A_222, %parallel_loop3A_228 : vector<16xi32>
      %parallel_loop3A_230 = arith.ori %parallel_loop3A_226, %parallel_loop3A_229 : vector<16xi32>
      %parallel_loop3A_231 = arith.xori %parallel_loop3A_230, %parallel_loop3A_223 : vector<16xi32>
      %parallel_loop3A_232 = arith.addi %parallel_loop3A_223, %parallel_loop3A_231 : vector<16xi32>
      %parallel_loop3A_233 = arith.constant 26 : i32
      %parallel_loop3A_234 = vector.broadcast %parallel_loop3A_233 : i32 to vector<16xi32>
      %parallel_loop3A_235 = arith.shli %parallel_loop3A_231, %parallel_loop3A_234 : vector<16xi32>
      %parallel_loop3A_236 = arith.constant 6 : i32
      %parallel_loop3A_237 = vector.broadcast %parallel_loop3A_236 : i32 to vector<16xi32>
      %parallel_loop3A_238 = arith.shrui %parallel_loop3A_231, %parallel_loop3A_237 : vector<16xi32>
      %parallel_loop3A_239 = arith.ori %parallel_loop3A_235, %parallel_loop3A_238 : vector<16xi32>
      %parallel_loop3A_240 = arith.xori %parallel_loop3A_239, %parallel_loop3A_232 : vector<16xi32>
      %parallel_loop3A_241 = arith.addi %parallel_loop3A_232, %parallel_loop3A_240 : vector<16xi32>
      %parallel_loop3A_242 = arith.constant 6 : i32
      %parallel_loop3A_243 = vector.broadcast %parallel_loop3A_242 : i32 to vector<16xi32>
      %parallel_loop3A_244 = arith.shli %parallel_loop3A_240, %parallel_loop3A_243 : vector<16xi32>
      %parallel_loop3A_245 = arith.constant 26 : i32
      %parallel_loop3A_246 = vector.broadcast %parallel_loop3A_245 : i32 to vector<16xi32>
      %parallel_loop3A_247 = arith.shrui %parallel_loop3A_240, %parallel_loop3A_246 : vector<16xi32>
      %parallel_loop3A_248 = arith.ori %parallel_loop3A_244, %parallel_loop3A_247 : vector<16xi32>
      %parallel_loop3A_249 = arith.xori %parallel_loop3A_248, %parallel_loop3A_241 : vector<16xi32>
      %parallel_loop3A_250 = arith.constant 1234 : i32
      %parallel_loop3A_251 = vector.broadcast %parallel_loop3A_250 : i32 to vector<16xi32>
      %parallel_loop3A_252 = arith.addi %parallel_loop3A_241, %parallel_loop3A_251 : vector<16xi32>
      %parallel_loop3A_253 = arith.constant 466689801 : i32
      %parallel_loop3A_254 = vector.broadcast %parallel_loop3A_253 : i32 to vector<16xi32>
      %parallel_loop3A_255 = arith.addi %parallel_loop3A_249, %parallel_loop3A_254 : vector<16xi32>
      %parallel_loop3A_256 = arith.addi %parallel_loop3A_252, %parallel_loop3A_255 : vector<16xi32>
      %parallel_loop3A_257 = arith.constant 17 : i32
      %parallel_loop3A_258 = vector.broadcast %parallel_loop3A_257 : i32 to vector<16xi32>
      %parallel_loop3A_259 = arith.shli %parallel_loop3A_255, %parallel_loop3A_258 : vector<16xi32>
      %parallel_loop3A_260 = arith.constant 15 : i32
      %parallel_loop3A_261 = vector.broadcast %parallel_loop3A_260 : i32 to vector<16xi32>
      %parallel_loop3A_262 = arith.shrui %parallel_loop3A_255, %parallel_loop3A_261 : vector<16xi32>
      %parallel_loop3A_263 = arith.ori %parallel_loop3A_259, %parallel_loop3A_262 : vector<16xi32>
      %parallel_loop3A_264 = arith.xori %parallel_loop3A_263, %parallel_loop3A_256 : vector<16xi32>
      %parallel_loop3A_265 = arith.addi %parallel_loop3A_256, %parallel_loop3A_264 : vector<16xi32>
      %parallel_loop3A_266 = arith.constant 29 : i32
      %parallel_loop3A_267 = vector.broadcast %parallel_loop3A_266 : i32 to vector<16xi32>
      %parallel_loop3A_268 = arith.shli %parallel_loop3A_264, %parallel_loop3A_267 : vector<16xi32>
      %parallel_loop3A_269 = arith.constant 3 : i32
      %parallel_loop3A_270 = vector.broadcast %parallel_loop3A_269 : i32 to vector<16xi32>
      %parallel_loop3A_271 = arith.shrui %parallel_loop3A_264, %parallel_loop3A_270 : vector<16xi32>
      %parallel_loop3A_272 = arith.ori %parallel_loop3A_268, %parallel_loop3A_271 : vector<16xi32>
      %parallel_loop3A_273 = arith.xori %parallel_loop3A_272, %parallel_loop3A_265 : vector<16xi32>
      %parallel_loop3A_274 = arith.addi %parallel_loop3A_265, %parallel_loop3A_273 : vector<16xi32>
      %parallel_loop3A_275 = arith.constant 16 : i32
      %parallel_loop3A_276 = vector.broadcast %parallel_loop3A_275 : i32 to vector<16xi32>
      %parallel_loop3A_277 = arith.shli %parallel_loop3A_273, %parallel_loop3A_276 : vector<16xi32>
      %parallel_loop3A_278 = arith.constant 16 : i32
      %parallel_loop3A_279 = vector.broadcast %parallel_loop3A_278 : i32 to vector<16xi32>
      %parallel_loop3A_280 = arith.shrui %parallel_loop3A_273, %parallel_loop3A_279 : vector<16xi32>
      %parallel_loop3A_281 = arith.ori %parallel_loop3A_277, %parallel_loop3A_280 : vector<16xi32>
      %parallel_loop3A_282 = arith.xori %parallel_loop3A_281, %parallel_loop3A_274 : vector<16xi32>
      %parallel_loop3A_283 = arith.addi %parallel_loop3A_274, %parallel_loop3A_282 : vector<16xi32>
      %parallel_loop3A_284 = arith.constant 24 : i32
      %parallel_loop3A_285 = vector.broadcast %parallel_loop3A_284 : i32 to vector<16xi32>
      %parallel_loop3A_286 = arith.shli %parallel_loop3A_282, %parallel_loop3A_285 : vector<16xi32>
      %parallel_loop3A_287 = arith.constant 8 : i32
      %parallel_loop3A_288 = vector.broadcast %parallel_loop3A_287 : i32 to vector<16xi32>
      %parallel_loop3A_289 = arith.shrui %parallel_loop3A_282, %parallel_loop3A_288 : vector<16xi32>
      %parallel_loop3A_290 = arith.ori %parallel_loop3A_286, %parallel_loop3A_289 : vector<16xi32>
      %parallel_loop3A_291 = arith.xori %parallel_loop3A_290, %parallel_loop3A_283 : vector<16xi32>
      %parallel_loop3A_292 = arith.constant 466689800 : i32
      %parallel_loop3A_293 = vector.broadcast %parallel_loop3A_292 : i32 to vector<16xi32>
      %parallel_loop3A_294 = arith.addi %parallel_loop3A_283, %parallel_loop3A_293 : vector<16xi32>
      %parallel_loop3A_295 = arith.constant 2 : i32
      %parallel_loop3A_296 = vector.broadcast %parallel_loop3A_295 : i32 to vector<16xi32>
      %parallel_loop3A_297 = arith.addi %parallel_loop3A_291, %parallel_loop3A_296 : vector<16xi32>
      %parallel_loop3A_298 = arith.addi %parallel_loop3A_294, %parallel_loop3A_297 : vector<16xi32>
      %parallel_loop3A_299 = arith.constant 13 : i32
      %parallel_loop3A_300 = vector.broadcast %parallel_loop3A_299 : i32 to vector<16xi32>
      %parallel_loop3A_301 = arith.shli %parallel_loop3A_297, %parallel_loop3A_300 : vector<16xi32>
      %parallel_loop3A_302 = arith.constant 19 : i32
      %parallel_loop3A_303 = vector.broadcast %parallel_loop3A_302 : i32 to vector<16xi32>
      %parallel_loop3A_304 = arith.shrui %parallel_loop3A_297, %parallel_loop3A_303 : vector<16xi32>
      %parallel_loop3A_305 = arith.ori %parallel_loop3A_301, %parallel_loop3A_304 : vector<16xi32>
      %parallel_loop3A_306 = arith.xori %parallel_loop3A_305, %parallel_loop3A_298 : vector<16xi32>
      %parallel_loop3A_307 = arith.addi %parallel_loop3A_298, %parallel_loop3A_306 : vector<16xi32>
      %parallel_loop3A_308 = arith.constant 15 : i32
      %parallel_loop3A_309 = vector.broadcast %parallel_loop3A_308 : i32 to vector<16xi32>
      %parallel_loop3A_310 = arith.shli %parallel_loop3A_306, %parallel_loop3A_309 : vector<16xi32>
      %parallel_loop3A_311 = arith.constant 17 : i32
      %parallel_loop3A_312 = vector.broadcast %parallel_loop3A_311 : i32 to vector<16xi32>
      %parallel_loop3A_313 = arith.shrui %parallel_loop3A_306, %parallel_loop3A_312 : vector<16xi32>
      %parallel_loop3A_314 = arith.ori %parallel_loop3A_310, %parallel_loop3A_313 : vector<16xi32>
      %parallel_loop3A_315 = arith.xori %parallel_loop3A_314, %parallel_loop3A_307 : vector<16xi32>
      %parallel_loop3A_316 = arith.addi %parallel_loop3A_307, %parallel_loop3A_315 : vector<16xi32>
      %parallel_loop3A_317 = arith.constant 26 : i32
      %parallel_loop3A_318 = vector.broadcast %parallel_loop3A_317 : i32 to vector<16xi32>
      %parallel_loop3A_319 = arith.shli %parallel_loop3A_315, %parallel_loop3A_318 : vector<16xi32>
      %parallel_loop3A_320 = arith.constant 6 : i32
      %parallel_loop3A_321 = vector.broadcast %parallel_loop3A_320 : i32 to vector<16xi32>
      %parallel_loop3A_322 = arith.shrui %parallel_loop3A_315, %parallel_loop3A_321 : vector<16xi32>
      %parallel_loop3A_323 = arith.ori %parallel_loop3A_319, %parallel_loop3A_322 : vector<16xi32>
      %parallel_loop3A_324 = arith.xori %parallel_loop3A_323, %parallel_loop3A_316 : vector<16xi32>
      %parallel_loop3A_325 = arith.addi %parallel_loop3A_316, %parallel_loop3A_324 : vector<16xi32>
      %parallel_loop3A_326 = arith.constant 6 : i32
      %parallel_loop3A_327 = vector.broadcast %parallel_loop3A_326 : i32 to vector<16xi32>
      %parallel_loop3A_328 = arith.shli %parallel_loop3A_324, %parallel_loop3A_327 : vector<16xi32>
      %parallel_loop3A_329 = arith.constant 26 : i32
      %parallel_loop3A_330 = vector.broadcast %parallel_loop3A_329 : i32 to vector<16xi32>
      %parallel_loop3A_331 = arith.shrui %parallel_loop3A_324, %parallel_loop3A_330 : vector<16xi32>
      %parallel_loop3A_332 = arith.ori %parallel_loop3A_328, %parallel_loop3A_331 : vector<16xi32>
      %parallel_loop3A_333 = arith.xori %parallel_loop3A_332, %parallel_loop3A_325 : vector<16xi32>
      %parallel_loop3A_334 = arith.constant 0 : i32
      %parallel_loop3A_335 = vector.broadcast %parallel_loop3A_334 : i32 to vector<16xi32>
      %parallel_loop3A_336 = arith.addi %parallel_loop3A_325, %parallel_loop3A_335 : vector<16xi32>
      %parallel_loop3A_337 = arith.constant 1237 : i32
      %parallel_loop3A_338 = vector.broadcast %parallel_loop3A_337 : i32 to vector<16xi32>
      %parallel_loop3A_339 = arith.addi %parallel_loop3A_333, %parallel_loop3A_338 : vector<16xi32>
      %parallel_loop3A_340 = arith.addi %parallel_loop3A_336, %parallel_loop3A_339 : vector<16xi32>
      %parallel_loop3A_341 = arith.constant 17 : i32
      %parallel_loop3A_342 = vector.broadcast %parallel_loop3A_341 : i32 to vector<16xi32>
      %parallel_loop3A_343 = arith.shli %parallel_loop3A_339, %parallel_loop3A_342 : vector<16xi32>
      %parallel_loop3A_344 = arith.constant 15 : i32
      %parallel_loop3A_345 = vector.broadcast %parallel_loop3A_344 : i32 to vector<16xi32>
      %parallel_loop3A_346 = arith.shrui %parallel_loop3A_339, %parallel_loop3A_345 : vector<16xi32>
      %parallel_loop3A_347 = arith.ori %parallel_loop3A_343, %parallel_loop3A_346 : vector<16xi32>
      %parallel_loop3A_348 = arith.xori %parallel_loop3A_347, %parallel_loop3A_340 : vector<16xi32>
      %parallel_loop3A_349 = arith.addi %parallel_loop3A_340, %parallel_loop3A_348 : vector<16xi32>
      %parallel_loop3A_350 = arith.constant 29 : i32
      %parallel_loop3A_351 = vector.broadcast %parallel_loop3A_350 : i32 to vector<16xi32>
      %parallel_loop3A_352 = arith.shli %parallel_loop3A_348, %parallel_loop3A_351 : vector<16xi32>
      %parallel_loop3A_353 = arith.constant 3 : i32
      %parallel_loop3A_354 = vector.broadcast %parallel_loop3A_353 : i32 to vector<16xi32>
      %parallel_loop3A_355 = arith.shrui %parallel_loop3A_348, %parallel_loop3A_354 : vector<16xi32>
      %parallel_loop3A_356 = arith.ori %parallel_loop3A_352, %parallel_loop3A_355 : vector<16xi32>
      %parallel_loop3A_357 = arith.xori %parallel_loop3A_356, %parallel_loop3A_349 : vector<16xi32>
      %parallel_loop3A_358 = arith.addi %parallel_loop3A_349, %parallel_loop3A_357 : vector<16xi32>
      %parallel_loop3A_359 = arith.constant 16 : i32
      %parallel_loop3A_360 = vector.broadcast %parallel_loop3A_359 : i32 to vector<16xi32>
      %parallel_loop3A_361 = arith.shli %parallel_loop3A_357, %parallel_loop3A_360 : vector<16xi32>
      %parallel_loop3A_362 = arith.constant 16 : i32
      %parallel_loop3A_363 = vector.broadcast %parallel_loop3A_362 : i32 to vector<16xi32>
      %parallel_loop3A_364 = arith.shrui %parallel_loop3A_357, %parallel_loop3A_363 : vector<16xi32>
      %parallel_loop3A_365 = arith.ori %parallel_loop3A_361, %parallel_loop3A_364 : vector<16xi32>
      %parallel_loop3A_366 = arith.xori %parallel_loop3A_365, %parallel_loop3A_358 : vector<16xi32>
      %parallel_loop3A_367 = arith.addi %parallel_loop3A_358, %parallel_loop3A_366 : vector<16xi32>
      %parallel_loop3A_368 = arith.constant 24 : i32
      %parallel_loop3A_369 = vector.broadcast %parallel_loop3A_368 : i32 to vector<16xi32>
      %parallel_loop3A_370 = arith.shli %parallel_loop3A_366, %parallel_loop3A_369 : vector<16xi32>
      %parallel_loop3A_371 = arith.constant 8 : i32
      %parallel_loop3A_372 = vector.broadcast %parallel_loop3A_371 : i32 to vector<16xi32>
      %parallel_loop3A_373 = arith.shrui %parallel_loop3A_366, %parallel_loop3A_372 : vector<16xi32>
      %parallel_loop3A_374 = arith.ori %parallel_loop3A_370, %parallel_loop3A_373 : vector<16xi32>
      %parallel_loop3A_375 = arith.xori %parallel_loop3A_374, %parallel_loop3A_367 : vector<16xi32>
      %parallel_loop3A_376 = arith.constant 1234 : i32
      %parallel_loop3A_377 = vector.broadcast %parallel_loop3A_376 : i32 to vector<16xi32>
      %parallel_loop3A_378 = arith.addi %parallel_loop3A_367, %parallel_loop3A_377 : vector<16xi32>
      %parallel_loop3A_379 = arith.constant 466689804 : i32
      %parallel_loop3A_380 = vector.broadcast %parallel_loop3A_379 : i32 to vector<16xi32>
      %parallel_loop3A_381 = arith.addi %parallel_loop3A_375, %parallel_loop3A_380 : vector<16xi32>
      %parallel_loop3A_382 = arith.addi %parallel_loop3A_378, %parallel_loop3A_381 : vector<16xi32>
      %parallel_loop3A_383 = arith.constant 13 : i32
      %parallel_loop3A_384 = vector.broadcast %parallel_loop3A_383 : i32 to vector<16xi32>
      %parallel_loop3A_385 = arith.shli %parallel_loop3A_381, %parallel_loop3A_384 : vector<16xi32>
      %parallel_loop3A_386 = arith.constant 19 : i32
      %parallel_loop3A_387 = vector.broadcast %parallel_loop3A_386 : i32 to vector<16xi32>
      %parallel_loop3A_388 = arith.shrui %parallel_loop3A_381, %parallel_loop3A_387 : vector<16xi32>
      %parallel_loop3A_389 = arith.ori %parallel_loop3A_385, %parallel_loop3A_388 : vector<16xi32>
      %parallel_loop3A_390 = arith.xori %parallel_loop3A_389, %parallel_loop3A_382 : vector<16xi32>
      %parallel_loop3A_391 = arith.addi %parallel_loop3A_382, %parallel_loop3A_390 : vector<16xi32>
      %parallel_loop3A_392 = arith.constant 15 : i32
      %parallel_loop3A_393 = vector.broadcast %parallel_loop3A_392 : i32 to vector<16xi32>
      %parallel_loop3A_394 = arith.shli %parallel_loop3A_390, %parallel_loop3A_393 : vector<16xi32>
      %parallel_loop3A_395 = arith.constant 17 : i32
      %parallel_loop3A_396 = vector.broadcast %parallel_loop3A_395 : i32 to vector<16xi32>
      %parallel_loop3A_397 = arith.shrui %parallel_loop3A_390, %parallel_loop3A_396 : vector<16xi32>
      %parallel_loop3A_398 = arith.ori %parallel_loop3A_394, %parallel_loop3A_397 : vector<16xi32>
      %parallel_loop3A_399 = arith.xori %parallel_loop3A_398, %parallel_loop3A_391 : vector<16xi32>
      %parallel_loop3A_400 = arith.addi %parallel_loop3A_391, %parallel_loop3A_399 : vector<16xi32>
      %parallel_loop3A_401 = arith.constant 26 : i32
      %parallel_loop3A_402 = vector.broadcast %parallel_loop3A_401 : i32 to vector<16xi32>
      %parallel_loop3A_403 = arith.shli %parallel_loop3A_399, %parallel_loop3A_402 : vector<16xi32>
      %parallel_loop3A_404 = arith.constant 6 : i32
      %parallel_loop3A_405 = vector.broadcast %parallel_loop3A_404 : i32 to vector<16xi32>
      %parallel_loop3A_406 = arith.shrui %parallel_loop3A_399, %parallel_loop3A_405 : vector<16xi32>
      %parallel_loop3A_407 = arith.ori %parallel_loop3A_403, %parallel_loop3A_406 : vector<16xi32>
      %parallel_loop3A_408 = arith.xori %parallel_loop3A_407, %parallel_loop3A_400 : vector<16xi32>
      %parallel_loop3A_409 = arith.addi %parallel_loop3A_400, %parallel_loop3A_408 : vector<16xi32>
      %parallel_loop3A_410 = arith.constant 6 : i32
      %parallel_loop3A_411 = vector.broadcast %parallel_loop3A_410 : i32 to vector<16xi32>
      %parallel_loop3A_412 = arith.shli %parallel_loop3A_408, %parallel_loop3A_411 : vector<16xi32>
      %parallel_loop3A_413 = arith.constant 26 : i32
      %parallel_loop3A_414 = vector.broadcast %parallel_loop3A_413 : i32 to vector<16xi32>
      %parallel_loop3A_415 = arith.shrui %parallel_loop3A_408, %parallel_loop3A_414 : vector<16xi32>
      %parallel_loop3A_416 = arith.ori %parallel_loop3A_412, %parallel_loop3A_415 : vector<16xi32>
      %parallel_loop3A_417 = arith.xori %parallel_loop3A_416, %parallel_loop3A_409 : vector<16xi32>
      %parallel_loop3A_418 = arith.constant 466689800 : i32
      %parallel_loop3A_419 = vector.broadcast %parallel_loop3A_418 : i32 to vector<16xi32>
      %parallel_loop3A_420 = arith.addi %parallel_loop3A_409, %parallel_loop3A_419 : vector<16xi32>
      %parallel_loop3A_421 = arith.constant 5 : i32
      %parallel_loop3A_422 = vector.broadcast %parallel_loop3A_421 : i32 to vector<16xi32>
      %parallel_loop3A_423 = arith.addi %parallel_loop3A_417, %parallel_loop3A_422 : vector<16xi32>
      %parallel_loop3A_424 = arith.xori %parallel_loop3A_420, %parallel_loop3A_423 : vector<16xi32>
      %parallel_loop3A_425 = arith.constant 9 : i32
      %parallel_loop3A_426 = vector.broadcast %parallel_loop3A_425 : i32 to vector<16xi32>
      %parallel_loop3A_427 = arith.shrui %parallel_loop3A_424, %parallel_loop3A_426 : vector<16xi32>
      %parallel_loop3A_428 = arith.constant 1065353216 : i32
      %parallel_loop3A_429 = vector.broadcast %parallel_loop3A_428 : i32 to vector<16xi32>
      %parallel_loop3A_430 = arith.ori %parallel_loop3A_427, %parallel_loop3A_429 : vector<16xi32>
      %parallel_loop3A_431 = tpu.bitcast %parallel_loop3A_430 : vector<16xi32> -> vector<16xf32>
      %parallel_loop3A_432 = arith.constant 1.000000e+00 : f32
      %parallel_loop3A_433 = vector.broadcast %parallel_loop3A_432 : f32 to vector<16xf32>
      %parallel_loop3A_434 = arith.subf %parallel_loop3A_431, %parallel_loop3A_433 : vector<16xf32>
      %parallel_loop3A_435 = arith.constant 9.99999968E-21 : f32
      %parallel_loop3A_436 = vector.broadcast %parallel_loop3A_435 : f32 to vector<16xf32>
      %parallel_loop3A_437 = arith.maximumf %parallel_loop3A_434, %parallel_loop3A_436 : vector<16xf32>
      %parallel_loop3A_438 = tpu.bitcast %parallel_loop3A_437 : vector<16xf32> -> vector<16xi32>
      %parallel_loop3A_439 = arith.constant 23 : i32
      %parallel_loop3A_440 = vector.broadcast %parallel_loop3A_439 : i32 to vector<16xi32>
      %parallel_loop3A_441 = arith.shrui %parallel_loop3A_438, %parallel_loop3A_440 : vector<16xi32>
      %parallel_loop3A_442 = arith.constant 127 : i32
      %parallel_loop3A_443 = vector.broadcast %parallel_loop3A_442 : i32 to vector<16xi32>
      %parallel_loop3A_444 = arith.subi %parallel_loop3A_441, %parallel_loop3A_443 : vector<16xi32>
      %parallel_loop3A_445 = arith.constant 8388607 : i32
      %parallel_loop3A_446 = vector.broadcast %parallel_loop3A_445 : i32 to vector<16xi32>
      %parallel_loop3A_447 = arith.andi %parallel_loop3A_438, %parallel_loop3A_446 : vector<16xi32>
      %parallel_loop3A_448 = arith.constant 1065353216 : i32
      %parallel_loop3A_449 = vector.broadcast %parallel_loop3A_448 : i32 to vector<16xi32>
      %parallel_loop3A_450 = arith.ori %parallel_loop3A_447, %parallel_loop3A_449 : vector<16xi32>
      %parallel_loop3A_451 = tpu.bitcast %parallel_loop3A_450 : vector<16xi32> -> vector<16xf32>
      %parallel_loop3A_452 = arith.constant 1.41421354 : f32
      %parallel_loop3A_453 = vector.broadcast %parallel_loop3A_452 : f32 to vector<16xf32>
      %parallel_loop3A_454 = arith.cmpf ogt, %parallel_loop3A_451, %parallel_loop3A_453 : vector<16xf32>
      %parallel_loop3A_455 = arith.constant 1 : i32
      %parallel_loop3A_456 = vector.broadcast %parallel_loop3A_455 : i32 to vector<16xi32>
      %parallel_loop3A_457 = arith.addi %parallel_loop3A_444, %parallel_loop3A_456 : vector<16xi32>
      %parallel_loop3A_458 = arith.select %parallel_loop3A_454, %parallel_loop3A_457, %parallel_loop3A_444 : vector<16xi1>, vector<16xi32>
      %parallel_loop3A_459 = arith.sitofp %parallel_loop3A_458 : vector<16xi32> to vector<16xf32>
      %parallel_loop3A_460 = arith.constant 5.000000e-01 : f32
      %parallel_loop3A_461 = vector.broadcast %parallel_loop3A_460 : f32 to vector<16xf32>
      %parallel_loop3A_462 = arith.mulf %parallel_loop3A_451, %parallel_loop3A_461 : vector<16xf32>
      %parallel_loop3A_463 = arith.select %parallel_loop3A_454, %parallel_loop3A_462, %parallel_loop3A_451 : vector<16xi1>, vector<16xf32>
      %parallel_loop3A_464 = arith.constant 1.000000e+00 : f32
      %parallel_loop3A_465 = vector.broadcast %parallel_loop3A_464 : f32 to vector<16xf32>
      %parallel_loop3A_466 = arith.subf %parallel_loop3A_463, %parallel_loop3A_465 : vector<16xf32>
      %parallel_loop3A_467 = arith.constant 1.000000e+00 : f32
      %parallel_loop3A_468 = vector.broadcast %parallel_loop3A_467 : f32 to vector<16xf32>
      %parallel_loop3A_469 = arith.addf %parallel_loop3A_463, %parallel_loop3A_468 : vector<16xf32>
      %parallel_loop3A_470 = arith.divf %parallel_loop3A_466, %parallel_loop3A_469 : vector<16xf32>
      %parallel_loop3A_471 = arith.mulf %parallel_loop3A_470, %parallel_loop3A_470 : vector<16xf32>
      %parallel_loop3A_472 = arith.constant 0.111111112 : f32
      %parallel_loop3A_473 = vector.broadcast %parallel_loop3A_472 : f32 to vector<16xf32>
      %parallel_loop3A_474 = arith.mulf %parallel_loop3A_471, %parallel_loop3A_473 : vector<16xf32>
      %parallel_loop3A_475 = arith.constant 0.142857149 : f32
      %parallel_loop3A_476 = vector.broadcast %parallel_loop3A_475 : f32 to vector<16xf32>
      %parallel_loop3A_477 = arith.addf %parallel_loop3A_476, %parallel_loop3A_474 : vector<16xf32>
      %parallel_loop3A_478 = arith.mulf %parallel_loop3A_471, %parallel_loop3A_477 : vector<16xf32>
      %parallel_loop3A_479 = arith.constant 2.000000e-01 : f32
      %parallel_loop3A_480 = vector.broadcast %parallel_loop3A_479 : f32 to vector<16xf32>
      %parallel_loop3A_481 = arith.addf %parallel_loop3A_480, %parallel_loop3A_478 : vector<16xf32>
      %parallel_loop3A_482 = arith.mulf %parallel_loop3A_471, %parallel_loop3A_481 : vector<16xf32>
      %parallel_loop3A_483 = arith.constant 0.333333343 : f32
      %parallel_loop3A_484 = vector.broadcast %parallel_loop3A_483 : f32 to vector<16xf32>
      %parallel_loop3A_485 = arith.addf %parallel_loop3A_484, %parallel_loop3A_482 : vector<16xf32>
      %parallel_loop3A_486 = arith.mulf %parallel_loop3A_471, %parallel_loop3A_485 : vector<16xf32>
      %parallel_loop3A_487 = arith.constant 1.000000e+00 : f32
      %parallel_loop3A_488 = vector.broadcast %parallel_loop3A_487 : f32 to vector<16xf32>
      %parallel_loop3A_489 = arith.addf %parallel_loop3A_488, %parallel_loop3A_486 : vector<16xf32>
      %parallel_loop3A_490 = arith.constant 0.693147182 : f32
      %parallel_loop3A_491 = vector.broadcast %parallel_loop3A_490 : f32 to vector<16xf32>
      %parallel_loop3A_492 = arith.mulf %parallel_loop3A_459, %parallel_loop3A_491 : vector<16xf32>
      %parallel_loop3A_493 = arith.constant 2.000000e+00 : f32
      %parallel_loop3A_494 = vector.broadcast %parallel_loop3A_493 : f32 to vector<16xf32>
      %parallel_loop3A_495 = arith.mulf %parallel_loop3A_494, %parallel_loop3A_470 : vector<16xf32>
      %parallel_loop3A_496 = arith.mulf %parallel_loop3A_495, %parallel_loop3A_489 : vector<16xf32>
      %parallel_loop3A_497 = arith.addf %parallel_loop3A_492, %parallel_loop3A_496 : vector<16xf32>
      %parallel_loop3A_498 = arith.constant 0.000000e+00 : f32
      %parallel_loop3A_499 = vector.broadcast %parallel_loop3A_498 : f32 to vector<16xf32>
      %parallel_loop3A_500 = arith.subf %parallel_loop3A_499, %parallel_loop3A_497 : vector<16xf32>
      %parallel_loop3A_501 = arith.mulf %parallel_loop3A_500, %parallel_loop3A_500 : vector<16xf32>
      %parallel_loop3A_502 = vector.broadcast %parallel_loop3A_200 : f32 to vector<16xf32>
      %parallel_loop3A_503 = arith.divf %parallel_loop3A_502, %parallel_loop3A_501 : vector<16xf32>
      %parallel_loop3A_504 = arith.index_cast %parallel_loop3A_186 : i32 to index
      %parallel_loop3A_505 = arith.constant 0 : index
      %parallel_loop3A_506 = tpu.vector_load %arg5[%parallel_loop3A_504, %parallel_loop3A_505] {strides = array<i32>} : memref<504x128xf32, #tpu.memory_space<vmem>>, vector<1x16xf32>,
      %parallel_loop3A_507 = vector.shape_cast %parallel_loop3A_506 : vector<1x16xf32> to vector<16xf32>
      %parallel_loop3A_508 = vector.shape_cast %parallel_loop3A_503 : vector<16xf32> to vector<1x16xf32>
      tpu.vector_store %arg5[%parallel_loop3A_504, %parallel_loop3A_505], %parallel_loop3A_508 {strides = array<i32>} : memref<504x128xf32, #tpu.memory_space<vmem>>, vector<1x16xf32>,
      %parallel_loop3A_509 = arith.addf %parallel_loop3A_187, %parallel_loop3A_503 : vector<16xf32>
      %parallel_loop3A_510 = arith.constant 16000 : i32
      %parallel_loop3A_511 = arith.addi %add3A_66, %parallel_loop3A_510 : i32
      %parallel_loop3A_512 = arith.addi %parallel_loop3A_511, %parallel_loop3A_186 : i32
      %parallel_loop3A_513 = vector.broadcast %parallel_loop3A_512 : i32 to vector<16xi32>
      %parallel_loop3A_514 = arith.addi %parallel_loop3A_513, %mul3A_59 : vector<16xi32>
      %parallel_loop3A_515 = arith.constant 0 : i32
      %parallel_loop3A_516 = vector.broadcast %parallel_loop3A_515 : i32 to vector<16xi32>
      %parallel_loop3A_517 = arith.constant 0 : i32
      %parallel_loop3A_518 = vector.broadcast %parallel_loop3A_517 : i32 to vector<16xi32>
      %parallel_loop3A_519 = arith.addi %parallel_loop3A_516, %parallel_loop3A_518 : vector<16xi32>
      %parallel_loop3A_520 = arith.constant 1234 : i32
      %parallel_loop3A_521 = vector.broadcast %parallel_loop3A_520 : i32 to vector<16xi32>
      %parallel_loop3A_522 = arith.addi %parallel_loop3A_514, %parallel_loop3A_521 : vector<16xi32>
      %parallel_loop3A_523 = arith.addi %parallel_loop3A_519, %parallel_loop3A_522 : vector<16xi32>
      %parallel_loop3A_524 = arith.constant 13 : i32
      %parallel_loop3A_525 = vector.broadcast %parallel_loop3A_524 : i32 to vector<16xi32>
      %parallel_loop3A_526 = arith.shli %parallel_loop3A_522, %parallel_loop3A_525 : vector<16xi32>
      %parallel_loop3A_527 = arith.constant 19 : i32
      %parallel_loop3A_528 = vector.broadcast %parallel_loop3A_527 : i32 to vector<16xi32>
      %parallel_loop3A_529 = arith.shrui %parallel_loop3A_522, %parallel_loop3A_528 : vector<16xi32>
      %parallel_loop3A_530 = arith.ori %parallel_loop3A_526, %parallel_loop3A_529 : vector<16xi32>
      %parallel_loop3A_531 = arith.xori %parallel_loop3A_530, %parallel_loop3A_523 : vector<16xi32>
      %parallel_loop3A_532 = arith.addi %parallel_loop3A_523, %parallel_loop3A_531 : vector<16xi32>
      %parallel_loop3A_533 = arith.constant 15 : i32
      %parallel_loop3A_534 = vector.broadcast %parallel_loop3A_533 : i32 to vector<16xi32>
      %parallel_loop3A_535 = arith.shli %parallel_loop3A_531, %parallel_loop3A_534 : vector<16xi32>
      %parallel_loop3A_536 = arith.constant 17 : i32
      %parallel_loop3A_537 = vector.broadcast %parallel_loop3A_536 : i32 to vector<16xi32>
      %parallel_loop3A_538 = arith.shrui %parallel_loop3A_531, %parallel_loop3A_537 : vector<16xi32>
      %parallel_loop3A_539 = arith.ori %parallel_loop3A_535, %parallel_loop3A_538 : vector<16xi32>
      %parallel_loop3A_540 = arith.xori %parallel_loop3A_539, %parallel_loop3A_532 : vector<16xi32>
      %parallel_loop3A_541 = arith.addi %parallel_loop3A_532, %parallel_loop3A_540 : vector<16xi32>
      %parallel_loop3A_542 = arith.constant 26 : i32
      %parallel_loop3A_543 = vector.broadcast %parallel_loop3A_542 : i32 to vector<16xi32>
      %parallel_loop3A_544 = arith.shli %parallel_loop3A_540, %parallel_loop3A_543 : vector<16xi32>
      %parallel_loop3A_545 = arith.constant 6 : i32
      %parallel_loop3A_546 = vector.broadcast %parallel_loop3A_545 : i32 to vector<16xi32>
      %parallel_loop3A_547 = arith.shrui %parallel_loop3A_540, %parallel_loop3A_546 : vector<16xi32>
      %parallel_loop3A_548 = arith.ori %parallel_loop3A_544, %parallel_loop3A_547 : vector<16xi32>
      %parallel_loop3A_549 = arith.xori %parallel_loop3A_548, %parallel_loop3A_541 : vector<16xi32>
      %parallel_loop3A_550 = arith.addi %parallel_loop3A_541, %parallel_loop3A_549 : vector<16xi32>
      %parallel_loop3A_551 = arith.constant 6 : i32
      %parallel_loop3A_552 = vector.broadcast %parallel_loop3A_551 : i32 to vector<16xi32>
      %parallel_loop3A_553 = arith.shli %parallel_loop3A_549, %parallel_loop3A_552 : vector<16xi32>
      %parallel_loop3A_554 = arith.constant 26 : i32
      %parallel_loop3A_555 = vector.broadcast %parallel_loop3A_554 : i32 to vector<16xi32>
      %parallel_loop3A_556 = arith.shrui %parallel_loop3A_549, %parallel_loop3A_555 : vector<16xi32>
      %parallel_loop3A_557 = arith.ori %parallel_loop3A_553, %parallel_loop3A_556 : vector<16xi32>
      %parallel_loop3A_558 = arith.xori %parallel_loop3A_557, %parallel_loop3A_550 : vector<16xi32>
      %parallel_loop3A_559 = arith.constant 1234 : i32
      %parallel_loop3A_560 = vector.broadcast %parallel_loop3A_559 : i32 to vector<16xi32>
      %parallel_loop3A_561 = arith.addi %parallel_loop3A_550, %parallel_loop3A_560 : vector<16xi32>
      %parallel_loop3A_562 = arith.constant 466689801 : i32
      %parallel_loop3A_563 = vector.broadcast %parallel_loop3A_562 : i32 to vector<16xi32>
      %parallel_loop3A_564 = arith.addi %parallel_loop3A_558, %parallel_loop3A_563 : vector<16xi32>
      %parallel_loop3A_565 = arith.addi %parallel_loop3A_561, %parallel_loop3A_564 : vector<16xi32>
      %parallel_loop3A_566 = arith.constant 17 : i32
      %parallel_loop3A_567 = vector.broadcast %parallel_loop3A_566 : i32 to vector<16xi32>
      %parallel_loop3A_568 = arith.shli %parallel_loop3A_564, %parallel_loop3A_567 : vector<16xi32>
      %parallel_loop3A_569 = arith.constant 15 : i32
      %parallel_loop3A_570 = vector.broadcast %parallel_loop3A_569 : i32 to vector<16xi32>
      %parallel_loop3A_571 = arith.shrui %parallel_loop3A_564, %parallel_loop3A_570 : vector<16xi32>
      %parallel_loop3A_572 = arith.ori %parallel_loop3A_568, %parallel_loop3A_571 : vector<16xi32>
      %parallel_loop3A_573 = arith.xori %parallel_loop3A_572, %parallel_loop3A_565 : vector<16xi32>
      %parallel_loop3A_574 = arith.addi %parallel_loop3A_565, %parallel_loop3A_573 : vector<16xi32>
      %parallel_loop3A_575 = arith.constant 29 : i32
      %parallel_loop3A_576 = vector.broadcast %parallel_loop3A_575 : i32 to vector<16xi32>
      %parallel_loop3A_577 = arith.shli %parallel_loop3A_573, %parallel_loop3A_576 : vector<16xi32>
      %parallel_loop3A_578 = arith.constant 3 : i32
      %parallel_loop3A_579 = vector.broadcast %parallel_loop3A_578 : i32 to vector<16xi32>
      %parallel_loop3A_580 = arith.shrui %parallel_loop3A_573, %parallel_loop3A_579 : vector<16xi32>
      %parallel_loop3A_581 = arith.ori %parallel_loop3A_577, %parallel_loop3A_580 : vector<16xi32>
      %parallel_loop3A_582 = arith.xori %parallel_loop3A_581, %parallel_loop3A_574 : vector<16xi32>
      %parallel_loop3A_583 = arith.addi %parallel_loop3A_574, %parallel_loop3A_582 : vector<16xi32>
      %parallel_loop3A_584 = arith.constant 16 : i32
      %parallel_loop3A_585 = vector.broadcast %parallel_loop3A_584 : i32 to vector<16xi32>
      %parallel_loop3A_586 = arith.shli %parallel_loop3A_582, %parallel_loop3A_585 : vector<16xi32>
      %parallel_loop3A_587 = arith.constant 16 : i32
      %parallel_loop3A_588 = vector.broadcast %parallel_loop3A_587 : i32 to vector<16xi32>
      %parallel_loop3A_589 = arith.shrui %parallel_loop3A_582, %parallel_loop3A_588 : vector<16xi32>
      %parallel_loop3A_590 = arith.ori %parallel_loop3A_586, %parallel_loop3A_589 : vector<16xi32>
      %parallel_loop3A_591 = arith.xori %parallel_loop3A_590, %parallel_loop3A_583 : vector<16xi32>
      %parallel_loop3A_592 = arith.addi %parallel_loop3A_583, %parallel_loop3A_591 : vector<16xi32>
      %parallel_loop3A_593 = arith.constant 24 : i32
      %parallel_loop3A_594 = vector.broadcast %parallel_loop3A_593 : i32 to vector<16xi32>
      %parallel_loop3A_595 = arith.shli %parallel_loop3A_591, %parallel_loop3A_594 : vector<16xi32>
      %parallel_loop3A_596 = arith.constant 8 : i32
      %parallel_loop3A_597 = vector.broadcast %parallel_loop3A_596 : i32 to vector<16xi32>
      %parallel_loop3A_598 = arith.shrui %parallel_loop3A_591, %parallel_loop3A_597 : vector<16xi32>
      %parallel_loop3A_599 = arith.ori %parallel_loop3A_595, %parallel_loop3A_598 : vector<16xi32>
      %parallel_loop3A_600 = arith.xori %parallel_loop3A_599, %parallel_loop3A_592 : vector<16xi32>
      %parallel_loop3A_601 = arith.constant 466689800 : i32
      %parallel_loop3A_602 = vector.broadcast %parallel_loop3A_601 : i32 to vector<16xi32>
      %parallel_loop3A_603 = arith.addi %parallel_loop3A_592, %parallel_loop3A_602 : vector<16xi32>
      %parallel_loop3A_604 = arith.constant 2 : i32
      %parallel_loop3A_605 = vector.broadcast %parallel_loop3A_604 : i32 to vector<16xi32>
      %parallel_loop3A_606 = arith.addi %parallel_loop3A_600, %parallel_loop3A_605 : vector<16xi32>
      %parallel_loop3A_607 = arith.addi %parallel_loop3A_603, %parallel_loop3A_606 : vector<16xi32>
      %parallel_loop3A_608 = arith.constant 13 : i32
      %parallel_loop3A_609 = vector.broadcast %parallel_loop3A_608 : i32 to vector<16xi32>
      %parallel_loop3A_610 = arith.shli %parallel_loop3A_606, %parallel_loop3A_609 : vector<16xi32>
      %parallel_loop3A_611 = arith.constant 19 : i32
      %parallel_loop3A_612 = vector.broadcast %parallel_loop3A_611 : i32 to vector<16xi32>
      %parallel_loop3A_613 = arith.shrui %parallel_loop3A_606, %parallel_loop3A_612 : vector<16xi32>
      %parallel_loop3A_614 = arith.ori %parallel_loop3A_610, %parallel_loop3A_613 : vector<16xi32>
      %parallel_loop3A_615 = arith.xori %parallel_loop3A_614, %parallel_loop3A_607 : vector<16xi32>
      %parallel_loop3A_616 = arith.addi %parallel_loop3A_607, %parallel_loop3A_615 : vector<16xi32>
      %parallel_loop3A_617 = arith.constant 15 : i32
      %parallel_loop3A_618 = vector.broadcast %parallel_loop3A_617 : i32 to vector<16xi32>
      %parallel_loop3A_619 = arith.shli %parallel_loop3A_615, %parallel_loop3A_618 : vector<16xi32>
      %parallel_loop3A_620 = arith.constant 17 : i32
      %parallel_loop3A_621 = vector.broadcast %parallel_loop3A_620 : i32 to vector<16xi32>
      %parallel_loop3A_622 = arith.shrui %parallel_loop3A_615, %parallel_loop3A_621 : vector<16xi32>
      %parallel_loop3A_623 = arith.ori %parallel_loop3A_619, %parallel_loop3A_622 : vector<16xi32>
      %parallel_loop3A_624 = arith.xori %parallel_loop3A_623, %parallel_loop3A_616 : vector<16xi32>
      %parallel_loop3A_625 = arith.addi %parallel_loop3A_616, %parallel_loop3A_624 : vector<16xi32>
      %parallel_loop3A_626 = arith.constant 26 : i32
      %parallel_loop3A_627 = vector.broadcast %parallel_loop3A_626 : i32 to vector<16xi32>
      %parallel_loop3A_628 = arith.shli %parallel_loop3A_624, %parallel_loop3A_627 : vector<16xi32>
      %parallel_loop3A_629 = arith.constant 6 : i32
      %parallel_loop3A_630 = vector.broadcast %parallel_loop3A_629 : i32 to vector<16xi32>
      %parallel_loop3A_631 = arith.shrui %parallel_loop3A_624, %parallel_loop3A_630 : vector<16xi32>
      %parallel_loop3A_632 = arith.ori %parallel_loop3A_628, %parallel_loop3A_631 : vector<16xi32>
      %parallel_loop3A_633 = arith.xori %parallel_loop3A_632, %parallel_loop3A_625 : vector<16xi32>
      %parallel_loop3A_634 = arith.addi %parallel_loop3A_625, %parallel_loop3A_633 : vector<16xi32>
      %parallel_loop3A_635 = arith.constant 6 : i32
      %parallel_loop3A_636 = vector.broadcast %parallel_loop3A_635 : i32 to vector<16xi32>
      %parallel_loop3A_637 = arith.shli %parallel_loop3A_633, %parallel_loop3A_636 : vector<16xi32>
      %parallel_loop3A_638 = arith.constant 26 : i32
      %parallel_loop3A_639 = vector.broadcast %parallel_loop3A_638 : i32 to vector<16xi32>
      %parallel_loop3A_640 = arith.shrui %parallel_loop3A_633, %parallel_loop3A_639 : vector<16xi32>
      %parallel_loop3A_641 = arith.ori %parallel_loop3A_637, %parallel_loop3A_640 : vector<16xi32>
      %parallel_loop3A_642 = arith.xori %parallel_loop3A_641, %parallel_loop3A_634 : vector<16xi32>
      %parallel_loop3A_643 = arith.constant 0 : i32
      %parallel_loop3A_644 = vector.broadcast %parallel_loop3A_643 : i32 to vector<16xi32>
      %parallel_loop3A_645 = arith.addi %parallel_loop3A_634, %parallel_loop3A_644 : vector<16xi32>
      %parallel_loop3A_646 = arith.constant 1237 : i32
      %parallel_loop3A_647 = vector.broadcast %parallel_loop3A_646 : i32 to vector<16xi32>
      %parallel_loop3A_648 = arith.addi %parallel_loop3A_642, %parallel_loop3A_647 : vector<16xi32>
      %parallel_loop3A_649 = arith.addi %parallel_loop3A_645, %parallel_loop3A_648 : vector<16xi32>
      %parallel_loop3A_650 = arith.constant 17 : i32
      %parallel_loop3A_651 = vector.broadcast %parallel_loop3A_650 : i32 to vector<16xi32>
      %parallel_loop3A_652 = arith.shli %parallel_loop3A_648, %parallel_loop3A_651 : vector<16xi32>
      %parallel_loop3A_653 = arith.constant 15 : i32
      %parallel_loop3A_654 = vector.broadcast %parallel_loop3A_653 : i32 to vector<16xi32>
      %parallel_loop3A_655 = arith.shrui %parallel_loop3A_648, %parallel_loop3A_654 : vector<16xi32>
      %parallel_loop3A_656 = arith.ori %parallel_loop3A_652, %parallel_loop3A_655 : vector<16xi32>
      %parallel_loop3A_657 = arith.xori %parallel_loop3A_656, %parallel_loop3A_649 : vector<16xi32>
      %parallel_loop3A_658 = arith.addi %parallel_loop3A_649, %parallel_loop3A_657 : vector<16xi32>
      %parallel_loop3A_659 = arith.constant 29 : i32
      %parallel_loop3A_660 = vector.broadcast %parallel_loop3A_659 : i32 to vector<16xi32>
      %parallel_loop3A_661 = arith.shli %parallel_loop3A_657, %parallel_loop3A_660 : vector<16xi32>
      %parallel_loop3A_662 = arith.constant 3 : i32
      %parallel_loop3A_663 = vector.broadcast %parallel_loop3A_662 : i32 to vector<16xi32>
      %parallel_loop3A_664 = arith.shrui %parallel_loop3A_657, %parallel_loop3A_663 : vector<16xi32>
      %parallel_loop3A_665 = arith.ori %parallel_loop3A_661, %parallel_loop3A_664 : vector<16xi32>
      %parallel_loop3A_666 = arith.xori %parallel_loop3A_665, %parallel_loop3A_658 : vector<16xi32>
      %parallel_loop3A_667 = arith.addi %parallel_loop3A_658, %parallel_loop3A_666 : vector<16xi32>
      %parallel_loop3A_668 = arith.constant 16 : i32
      %parallel_loop3A_669 = vector.broadcast %parallel_loop3A_668 : i32 to vector<16xi32>
      %parallel_loop3A_670 = arith.shli %parallel_loop3A_666, %parallel_loop3A_669 : vector<16xi32>
      %parallel_loop3A_671 = arith.constant 16 : i32
      %parallel_loop3A_672 = vector.broadcast %parallel_loop3A_671 : i32 to vector<16xi32>
      %parallel_loop3A_673 = arith.shrui %parallel_loop3A_666, %parallel_loop3A_672 : vector<16xi32>
      %parallel_loop3A_674 = arith.ori %parallel_loop3A_670, %parallel_loop3A_673 : vector<16xi32>
      %parallel_loop3A_675 = arith.xori %parallel_loop3A_674, %parallel_loop3A_667 : vector<16xi32>
      %parallel_loop3A_676 = arith.addi %parallel_loop3A_667, %parallel_loop3A_675 : vector<16xi32>
      %parallel_loop3A_677 = arith.constant 24 : i32
      %parallel_loop3A_678 = vector.broadcast %parallel_loop3A_677 : i32 to vector<16xi32>
      %parallel_loop3A_679 = arith.shli %parallel_loop3A_675, %parallel_loop3A_678 : vector<16xi32>
      %parallel_loop3A_680 = arith.constant 8 : i32
      %parallel_loop3A_681 = vector.broadcast %parallel_loop3A_680 : i32 to vector<16xi32>
      %parallel_loop3A_682 = arith.shrui %parallel_loop3A_675, %parallel_loop3A_681 : vector<16xi32>
      %parallel_loop3A_683 = arith.ori %parallel_loop3A_679, %parallel_loop3A_682 : vector<16xi32>
      %parallel_loop3A_684 = arith.xori %parallel_loop3A_683, %parallel_loop3A_676 : vector<16xi32>
      %parallel_loop3A_685 = arith.constant 1234 : i32
      %parallel_loop3A_686 = vector.broadcast %parallel_loop3A_685 : i32 to vector<16xi32>
      %parallel_loop3A_687 = arith.addi %parallel_loop3A_676, %parallel_loop3A_686 : vector<16xi32>
      %parallel_loop3A_688 = arith.constant 466689804 : i32
      %parallel_loop3A_689 = vector.broadcast %parallel_loop3A_688 : i32 to vector<16xi32>
      %parallel_loop3A_690 = arith.addi %parallel_loop3A_684, %parallel_loop3A_689 : vector<16xi32>
      %parallel_loop3A_691 = arith.addi %parallel_loop3A_687, %parallel_loop3A_690 : vector<16xi32>
      %parallel_loop3A_692 = arith.constant 13 : i32
      %parallel_loop3A_693 = vector.broadcast %parallel_loop3A_692 : i32 to vector<16xi32>
      %parallel_loop3A_694 = arith.shli %parallel_loop3A_690, %parallel_loop3A_693 : vector<16xi32>
      %parallel_loop3A_695 = arith.constant 19 : i32
      %parallel_loop3A_696 = vector.broadcast %parallel_loop3A_695 : i32 to vector<16xi32>
      %parallel_loop3A_697 = arith.shrui %parallel_loop3A_690, %parallel_loop3A_696 : vector<16xi32>
      %parallel_loop3A_698 = arith.ori %parallel_loop3A_694, %parallel_loop3A_697 : vector<16xi32>
      %parallel_loop3A_699 = arith.xori %parallel_loop3A_698, %parallel_loop3A_691 : vector<16xi32>
      %parallel_loop3A_700 = arith.addi %parallel_loop3A_691, %parallel_loop3A_699 : vector<16xi32>
      %parallel_loop3A_701 = arith.constant 15 : i32
      %parallel_loop3A_702 = vector.broadcast %parallel_loop3A_701 : i32 to vector<16xi32>
      %parallel_loop3A_703 = arith.shli %parallel_loop3A_699, %parallel_loop3A_702 : vector<16xi32>
      %parallel_loop3A_704 = arith.constant 17 : i32
      %parallel_loop3A_705 = vector.broadcast %parallel_loop3A_704 : i32 to vector<16xi32>
      %parallel_loop3A_706 = arith.shrui %parallel_loop3A_699, %parallel_loop3A_705 : vector<16xi32>
      %parallel_loop3A_707 = arith.ori %parallel_loop3A_703, %parallel_loop3A_706 : vector<16xi32>
      %parallel_loop3A_708 = arith.xori %parallel_loop3A_707, %parallel_loop3A_700 : vector<16xi32>
      %parallel_loop3A_709 = arith.addi %parallel_loop3A_700, %parallel_loop3A_708 : vector<16xi32>
      %parallel_loop3A_710 = arith.constant 26 : i32
      %parallel_loop3A_711 = vector.broadcast %parallel_loop3A_710 : i32 to vector<16xi32>
      %parallel_loop3A_712 = arith.shli %parallel_loop3A_708, %parallel_loop3A_711 : vector<16xi32>
      %parallel_loop3A_713 = arith.constant 6 : i32
      %parallel_loop3A_714 = vector.broadcast %parallel_loop3A_713 : i32 to vector<16xi32>
      %parallel_loop3A_715 = arith.shrui %parallel_loop3A_708, %parallel_loop3A_714 : vector<16xi32>
      %parallel_loop3A_716 = arith.ori %parallel_loop3A_712, %parallel_loop3A_715 : vector<16xi32>
      %parallel_loop3A_717 = arith.xori %parallel_loop3A_716, %parallel_loop3A_709 : vector<16xi32>
      %parallel_loop3A_718 = arith.addi %parallel_loop3A_709, %parallel_loop3A_717 : vector<16xi32>
      %parallel_loop3A_719 = arith.constant 6 : i32
      %parallel_loop3A_720 = vector.broadcast %parallel_loop3A_719 : i32 to vector<16xi32>
      %parallel_loop3A_721 = arith.shli %parallel_loop3A_717, %parallel_loop3A_720 : vector<16xi32>
      %parallel_loop3A_722 = arith.constant 26 : i32
      %parallel_loop3A_723 = vector.broadcast %parallel_loop3A_722 : i32 to vector<16xi32>
      %parallel_loop3A_724 = arith.shrui %parallel_loop3A_717, %parallel_loop3A_723 : vector<16xi32>
      %parallel_loop3A_725 = arith.ori %parallel_loop3A_721, %parallel_loop3A_724 : vector<16xi32>
      %parallel_loop3A_726 = arith.xori %parallel_loop3A_725, %parallel_loop3A_718 : vector<16xi32>
      %parallel_loop3A_727 = arith.constant 466689800 : i32
      %parallel_loop3A_728 = vector.broadcast %parallel_loop3A_727 : i32 to vector<16xi32>
      %parallel_loop3A_729 = arith.addi %parallel_loop3A_718, %parallel_loop3A_728 : vector<16xi32>
      %parallel_loop3A_730 = arith.constant 5 : i32
      %parallel_loop3A_731 = vector.broadcast %parallel_loop3A_730 : i32 to vector<16xi32>
      %parallel_loop3A_732 = arith.addi %parallel_loop3A_726, %parallel_loop3A_731 : vector<16xi32>
      %parallel_loop3A_733 = arith.xori %parallel_loop3A_729, %parallel_loop3A_732 : vector<16xi32>
      %parallel_loop3A_734 = arith.constant 9 : i32
      %parallel_loop3A_735 = vector.broadcast %parallel_loop3A_734 : i32 to vector<16xi32>
      %parallel_loop3A_736 = arith.shrui %parallel_loop3A_733, %parallel_loop3A_735 : vector<16xi32>
      %parallel_loop3A_737 = arith.constant 1065353216 : i32
      %parallel_loop3A_738 = vector.broadcast %parallel_loop3A_737 : i32 to vector<16xi32>
      %parallel_loop3A_739 = arith.ori %parallel_loop3A_736, %parallel_loop3A_738 : vector<16xi32>
      %parallel_loop3A_740 = tpu.bitcast %parallel_loop3A_739 : vector<16xi32> -> vector<16xf32>
      %parallel_loop3A_741 = arith.constant 1.000000e+00 : f32
      %parallel_loop3A_742 = vector.broadcast %parallel_loop3A_741 : f32 to vector<16xf32>
      %parallel_loop3A_743 = arith.subf %parallel_loop3A_740, %parallel_loop3A_742 : vector<16xf32>
      %parallel_loop3A_744 = arith.constant 9.99999968E-21 : f32
      %parallel_loop3A_745 = vector.broadcast %parallel_loop3A_744 : f32 to vector<16xf32>
      %parallel_loop3A_746 = arith.maximumf %parallel_loop3A_743, %parallel_loop3A_745 : vector<16xf32>
      %parallel_loop3A_747 = tpu.bitcast %parallel_loop3A_746 : vector<16xf32> -> vector<16xi32>
      %parallel_loop3A_748 = arith.constant 23 : i32
      %parallel_loop3A_749 = vector.broadcast %parallel_loop3A_748 : i32 to vector<16xi32>
      %parallel_loop3A_750 = arith.shrui %parallel_loop3A_747, %parallel_loop3A_749 : vector<16xi32>
      %parallel_loop3A_751 = arith.constant 127 : i32
      %parallel_loop3A_752 = vector.broadcast %parallel_loop3A_751 : i32 to vector<16xi32>
      %parallel_loop3A_753 = arith.subi %parallel_loop3A_750, %parallel_loop3A_752 : vector<16xi32>
      %parallel_loop3A_754 = arith.constant 8388607 : i32
      %parallel_loop3A_755 = vector.broadcast %parallel_loop3A_754 : i32 to vector<16xi32>
      %parallel_loop3A_756 = arith.andi %parallel_loop3A_747, %parallel_loop3A_755 : vector<16xi32>
      %parallel_loop3A_757 = arith.constant 1065353216 : i32
      %parallel_loop3A_758 = vector.broadcast %parallel_loop3A_757 : i32 to vector<16xi32>
      %parallel_loop3A_759 = arith.ori %parallel_loop3A_756, %parallel_loop3A_758 : vector<16xi32>
      %parallel_loop3A_760 = tpu.bitcast %parallel_loop3A_759 : vector<16xi32> -> vector<16xf32>
      %parallel_loop3A_761 = arith.constant 1.41421354 : f32
      %parallel_loop3A_762 = vector.broadcast %parallel_loop3A_761 : f32 to vector<16xf32>
      %parallel_loop3A_763 = arith.cmpf ogt, %parallel_loop3A_760, %parallel_loop3A_762 : vector<16xf32>
      %parallel_loop3A_764 = arith.constant 1 : i32
      %parallel_loop3A_765 = vector.broadcast %parallel_loop3A_764 : i32 to vector<16xi32>
      %parallel_loop3A_766 = arith.addi %parallel_loop3A_753, %parallel_loop3A_765 : vector<16xi32>
      %parallel_loop3A_767 = arith.select %parallel_loop3A_763, %parallel_loop3A_766, %parallel_loop3A_753 : vector<16xi1>, vector<16xi32>
      %parallel_loop3A_768 = arith.sitofp %parallel_loop3A_767 : vector<16xi32> to vector<16xf32>
      %parallel_loop3A_769 = arith.constant 5.000000e-01 : f32
      %parallel_loop3A_770 = vector.broadcast %parallel_loop3A_769 : f32 to vector<16xf32>
      %parallel_loop3A_771 = arith.mulf %parallel_loop3A_760, %parallel_loop3A_770 : vector<16xf32>
      %parallel_loop3A_772 = arith.select %parallel_loop3A_763, %parallel_loop3A_771, %parallel_loop3A_760 : vector<16xi1>, vector<16xf32>
      %parallel_loop3A_773 = arith.constant 1.000000e+00 : f32
      %parallel_loop3A_774 = vector.broadcast %parallel_loop3A_773 : f32 to vector<16xf32>
      %parallel_loop3A_775 = arith.subf %parallel_loop3A_772, %parallel_loop3A_774 : vector<16xf32>
      %parallel_loop3A_776 = arith.constant 1.000000e+00 : f32
      %parallel_loop3A_777 = vector.broadcast %parallel_loop3A_776 : f32 to vector<16xf32>
      %parallel_loop3A_778 = arith.addf %parallel_loop3A_772, %parallel_loop3A_777 : vector<16xf32>
      %parallel_loop3A_779 = arith.divf %parallel_loop3A_775, %parallel_loop3A_778 : vector<16xf32>
      %parallel_loop3A_780 = arith.mulf %parallel_loop3A_779, %parallel_loop3A_779 : vector<16xf32>
      %parallel_loop3A_781 = arith.constant 0.111111112 : f32
      %parallel_loop3A_782 = vector.broadcast %parallel_loop3A_781 : f32 to vector<16xf32>
      %parallel_loop3A_783 = arith.mulf %parallel_loop3A_780, %parallel_loop3A_782 : vector<16xf32>
      %parallel_loop3A_784 = arith.constant 0.142857149 : f32
      %parallel_loop3A_785 = vector.broadcast %parallel_loop3A_784 : f32 to vector<16xf32>
      %parallel_loop3A_786 = arith.addf %parallel_loop3A_785, %parallel_loop3A_783 : vector<16xf32>
      %parallel_loop3A_787 = arith.mulf %parallel_loop3A_780, %parallel_loop3A_786 : vector<16xf32>
      %parallel_loop3A_788 = arith.constant 2.000000e-01 : f32
      %parallel_loop3A_789 = vector.broadcast %parallel_loop3A_788 : f32 to vector<16xf32>
      %parallel_loop3A_790 = arith.addf %parallel_loop3A_789, %parallel_loop3A_787 : vector<16xf32>
      %parallel_loop3A_791 = arith.mulf %parallel_loop3A_780, %parallel_loop3A_790 : vector<16xf32>
      %parallel_loop3A_792 = arith.constant 0.333333343 : f32
      %parallel_loop3A_793 = vector.broadcast %parallel_loop3A_792 : f32 to vector<16xf32>
      %parallel_loop3A_794 = arith.addf %parallel_loop3A_793, %parallel_loop3A_791 : vector<16xf32>
      %parallel_loop3A_795 = arith.mulf %parallel_loop3A_780, %parallel_loop3A_794 : vector<16xf32>
      %parallel_loop3A_796 = arith.constant 1.000000e+00 : f32
      %parallel_loop3A_797 = vector.broadcast %parallel_loop3A_796 : f32 to vector<16xf32>
      %parallel_loop3A_798 = arith.addf %parallel_loop3A_797, %parallel_loop3A_795 : vector<16xf32>
      %parallel_loop3A_799 = arith.constant 0.693147182 : f32
      %parallel_loop3A_800 = vector.broadcast %parallel_loop3A_799 : f32 to vector<16xf32>
      %parallel_loop3A_801 = arith.mulf %parallel_loop3A_768, %parallel_loop3A_800 : vector<16xf32>
      %parallel_loop3A_802 = arith.constant 2.000000e+00 : f32
      %parallel_loop3A_803 = vector.broadcast %parallel_loop3A_802 : f32 to vector<16xf32>
      %parallel_loop3A_804 = arith.mulf %parallel_loop3A_803, %parallel_loop3A_779 : vector<16xf32>
      %parallel_loop3A_805 = arith.mulf %parallel_loop3A_804, %parallel_loop3A_798 : vector<16xf32>
      %parallel_loop3A_806 = arith.addf %parallel_loop3A_801, %parallel_loop3A_805 : vector<16xf32>
      %parallel_loop3A_807 = arith.constant 0.000000e+00 : f32
      %parallel_loop3A_808 = vector.broadcast %parallel_loop3A_807 : f32 to vector<16xf32>
      %parallel_loop3A_809 = arith.subf %parallel_loop3A_808, %parallel_loop3A_806 : vector<16xf32>
      %parallel_loop3A_810 = arith.mulf %parallel_loop3A_809, %parallel_loop3A_809 : vector<16xf32>
      %parallel_loop3A_811 = vector.broadcast %parallel_loop3A_200 : f32 to vector<16xf32>
      %parallel_loop3A_812 = arith.divf %parallel_loop3A_811, %parallel_loop3A_810 : vector<16xf32>
      %parallel_loop3A_813 = arith.index_cast %parallel_loop3A_186 : i32 to index
      %parallel_loop3A_814 = arith.constant 16 : index
      %parallel_loop3A_815 = tpu.vector_load %arg5[%parallel_loop3A_813, %parallel_loop3A_814] {strides = array<i32>} : memref<504x128xf32, #tpu.memory_space<vmem>>, vector<1x16xf32>,
      %parallel_loop3A_816 = vector.shape_cast %parallel_loop3A_815 : vector<1x16xf32> to vector<16xf32>
      %parallel_loop3A_817 = vector.shape_cast %parallel_loop3A_812 : vector<16xf32> to vector<1x16xf32>
      tpu.vector_store %arg5[%parallel_loop3A_813, %parallel_loop3A_814], %parallel_loop3A_817 {strides = array<i32>} : memref<504x128xf32, #tpu.memory_space<vmem>>, vector<1x16xf32>,
      %parallel_loop3A_818 = arith.addf %parallel_loop3A_188, %parallel_loop3A_812 : vector<16xf32>
      %parallel_loop3A_819 = arith.constant 32000 : i32
      %parallel_loop3A_820 = arith.addi %add3A_66, %parallel_loop3A_819 : i32
      %parallel_loop3A_821 = arith.addi %parallel_loop3A_820, %parallel_loop3A_186 : i32
      %parallel_loop3A_822 = vector.broadcast %parallel_loop3A_821 : i32 to vector<16xi32>
      %parallel_loop3A_823 = arith.addi %parallel_loop3A_822, %mul3A_59 : vector<16xi32>
      %parallel_loop3A_824 = arith.constant 0 : i32
      %parallel_loop3A_825 = vector.broadcast %parallel_loop3A_824 : i32 to vector<16xi32>
      %parallel_loop3A_826 = arith.constant 0 : i32
      %parallel_loop3A_827 = vector.broadcast %parallel_loop3A_826 : i32 to vector<16xi32>
      %parallel_loop3A_828 = arith.addi %parallel_loop3A_825, %parallel_loop3A_827 : vector<16xi32>
      %parallel_loop3A_829 = arith.constant 1234 : i32
      %parallel_loop3A_830 = vector.broadcast %parallel_loop3A_829 : i32 to vector<16xi32>
      %parallel_loop3A_831 = arith.addi %parallel_loop3A_823, %parallel_loop3A_830 : vector<16xi32>
      %parallel_loop3A_832 = arith.addi %parallel_loop3A_828, %parallel_loop3A_831 : vector<16xi32>
      %parallel_loop3A_833 = arith.constant 13 : i32
      %parallel_loop3A_834 = vector.broadcast %parallel_loop3A_833 : i32 to vector<16xi32>
      %parallel_loop3A_835 = arith.shli %parallel_loop3A_831, %parallel_loop3A_834 : vector<16xi32>
      %parallel_loop3A_836 = arith.constant 19 : i32
      %parallel_loop3A_837 = vector.broadcast %parallel_loop3A_836 : i32 to vector<16xi32>
      %parallel_loop3A_838 = arith.shrui %parallel_loop3A_831, %parallel_loop3A_837 : vector<16xi32>
      %parallel_loop3A_839 = arith.ori %parallel_loop3A_835, %parallel_loop3A_838 : vector<16xi32>
      %parallel_loop3A_840 = arith.xori %parallel_loop3A_839, %parallel_loop3A_832 : vector<16xi32>
      %parallel_loop3A_841 = arith.addi %parallel_loop3A_832, %parallel_loop3A_840 : vector<16xi32>
      %parallel_loop3A_842 = arith.constant 15 : i32
      %parallel_loop3A_843 = vector.broadcast %parallel_loop3A_842 : i32 to vector<16xi32>
      %parallel_loop3A_844 = arith.shli %parallel_loop3A_840, %parallel_loop3A_843 : vector<16xi32>
      %parallel_loop3A_845 = arith.constant 17 : i32
      %parallel_loop3A_846 = vector.broadcast %parallel_loop3A_845 : i32 to vector<16xi32>
      %parallel_loop3A_847 = arith.shrui %parallel_loop3A_840, %parallel_loop3A_846 : vector<16xi32>
      %parallel_loop3A_848 = arith.ori %parallel_loop3A_844, %parallel_loop3A_847 : vector<16xi32>
      %parallel_loop3A_849 = arith.xori %parallel_loop3A_848, %parallel_loop3A_841 : vector<16xi32>
      %parallel_loop3A_850 = arith.addi %parallel_loop3A_841, %parallel_loop3A_849 : vector<16xi32>
      %parallel_loop3A_851 = arith.constant 26 : i32
      %parallel_loop3A_852 = vector.broadcast %parallel_loop3A_851 : i32 to vector<16xi32>
      %parallel_loop3A_853 = arith.shli %parallel_loop3A_849, %parallel_loop3A_852 : vector<16xi32>
      %parallel_loop3A_854 = arith.constant 6 : i32
      %parallel_loop3A_855 = vector.broadcast %parallel_loop3A_854 : i32 to vector<16xi32>
      %parallel_loop3A_856 = arith.shrui %parallel_loop3A_849, %parallel_loop3A_855 : vector<16xi32>
      %parallel_loop3A_857 = arith.ori %parallel_loop3A_853, %parallel_loop3A_856 : vector<16xi32>
      %parallel_loop3A_858 = arith.xori %parallel_loop3A_857, %parallel_loop3A_850 : vector<16xi32>
      %parallel_loop3A_859 = arith.addi %parallel_loop3A_850, %parallel_loop3A_858 : vector<16xi32>
      %parallel_loop3A_860 = arith.constant 6 : i32
      %parallel_loop3A_861 = vector.broadcast %parallel_loop3A_860 : i32 to vector<16xi32>
      %parallel_loop3A_862 = arith.shli %parallel_loop3A_858, %parallel_loop3A_861 : vector<16xi32>
      %parallel_loop3A_863 = arith.constant 26 : i32
      %parallel_loop3A_864 = vector.broadcast %parallel_loop3A_863 : i32 to vector<16xi32>
      %parallel_loop3A_865 = arith.shrui %parallel_loop3A_858, %parallel_loop3A_864 : vector<16xi32>
      %parallel_loop3A_866 = arith.ori %parallel_loop3A_862, %parallel_loop3A_865 : vector<16xi32>
      %parallel_loop3A_867 = arith.xori %parallel_loop3A_866, %parallel_loop3A_859 : vector<16xi32>
      %parallel_loop3A_868 = arith.constant 1234 : i32
      %parallel_loop3A_869 = vector.broadcast %parallel_loop3A_868 : i32 to vector<16xi32>
      %parallel_loop3A_870 = arith.addi %parallel_loop3A_859, %parallel_loop3A_869 : vector<16xi32>
      %parallel_loop3A_871 = arith.constant 466689801 : i32
      %parallel_loop3A_872 = vector.broadcast %parallel_loop3A_871 : i32 to vector<16xi32>
      %parallel_loop3A_873 = arith.addi %parallel_loop3A_867, %parallel_loop3A_872 : vector<16xi32>
      %parallel_loop3A_874 = arith.addi %parallel_loop3A_870, %parallel_loop3A_873 : vector<16xi32>
      %parallel_loop3A_875 = arith.constant 17 : i32
      %parallel_loop3A_876 = vector.broadcast %parallel_loop3A_875 : i32 to vector<16xi32>
      %parallel_loop3A_877 = arith.shli %parallel_loop3A_873, %parallel_loop3A_876 : vector<16xi32>
      %parallel_loop3A_878 = arith.constant 15 : i32
      %parallel_loop3A_879 = vector.broadcast %parallel_loop3A_878 : i32 to vector<16xi32>
      %parallel_loop3A_880 = arith.shrui %parallel_loop3A_873, %parallel_loop3A_879 : vector<16xi32>
      %parallel_loop3A_881 = arith.ori %parallel_loop3A_877, %parallel_loop3A_880 : vector<16xi32>
      %parallel_loop3A_882 = arith.xori %parallel_loop3A_881, %parallel_loop3A_874 : vector<16xi32>
      %parallel_loop3A_883 = arith.addi %parallel_loop3A_874, %parallel_loop3A_882 : vector<16xi32>
      %parallel_loop3A_884 = arith.constant 29 : i32
      %parallel_loop3A_885 = vector.broadcast %parallel_loop3A_884 : i32 to vector<16xi32>
      %parallel_loop3A_886 = arith.shli %parallel_loop3A_882, %parallel_loop3A_885 : vector<16xi32>
      %parallel_loop3A_887 = arith.constant 3 : i32
      %parallel_loop3A_888 = vector.broadcast %parallel_loop3A_887 : i32 to vector<16xi32>
      %parallel_loop3A_889 = arith.shrui %parallel_loop3A_882, %parallel_loop3A_888 : vector<16xi32>
      %parallel_loop3A_890 = arith.ori %parallel_loop3A_886, %parallel_loop3A_889 : vector<16xi32>
      %parallel_loop3A_891 = arith.xori %parallel_loop3A_890, %parallel_loop3A_883 : vector<16xi32>
      %parallel_loop3A_892 = arith.addi %parallel_loop3A_883, %parallel_loop3A_891 : vector<16xi32>
      %parallel_loop3A_893 = arith.constant 16 : i32
      %parallel_loop3A_894 = vector.broadcast %parallel_loop3A_893 : i32 to vector<16xi32>
      %parallel_loop3A_895 = arith.shli %parallel_loop3A_891, %parallel_loop3A_894 : vector<16xi32>
      %parallel_loop3A_896 = arith.constant 16 : i32
      %parallel_loop3A_897 = vector.broadcast %parallel_loop3A_896 : i32 to vector<16xi32>
      %parallel_loop3A_898 = arith.shrui %parallel_loop3A_891, %parallel_loop3A_897 : vector<16xi32>
      %parallel_loop3A_899 = arith.ori %parallel_loop3A_895, %parallel_loop3A_898 : vector<16xi32>
      %parallel_loop3A_900 = arith.xori %parallel_loop3A_899, %parallel_loop3A_892 : vector<16xi32>
      %parallel_loop3A_901 = arith.addi %parallel_loop3A_892, %parallel_loop3A_900 : vector<16xi32>
      %parallel_loop3A_902 = arith.constant 24 : i32
      %parallel_loop3A_903 = vector.broadcast %parallel_loop3A_902 : i32 to vector<16xi32>
      %parallel_loop3A_904 = arith.shli %parallel_loop3A_900, %parallel_loop3A_903 : vector<16xi32>
      %parallel_loop3A_905 = arith.constant 8 : i32
      %parallel_loop3A_906 = vector.broadcast %parallel_loop3A_905 : i32 to vector<16xi32>
      %parallel_loop3A_907 = arith.shrui %parallel_loop3A_900, %parallel_loop3A_906 : vector<16xi32>
      %parallel_loop3A_908 = arith.ori %parallel_loop3A_904, %parallel_loop3A_907 : vector<16xi32>
      %parallel_loop3A_909 = arith.xori %parallel_loop3A_908, %parallel_loop3A_901 : vector<16xi32>
      %parallel_loop3A_910 = arith.constant 466689800 : i32
      %parallel_loop3A_911 = vector.broadcast %parallel_loop3A_910 : i32 to vector<16xi32>
      %parallel_loop3A_912 = arith.addi %parallel_loop3A_901, %parallel_loop3A_911 : vector<16xi32>
      %parallel_loop3A_913 = arith.constant 2 : i32
      %parallel_loop3A_914 = vector.broadcast %parallel_loop3A_913 : i32 to vector<16xi32>
      %parallel_loop3A_915 = arith.addi %parallel_loop3A_909, %parallel_loop3A_914 : vector<16xi32>
      %parallel_loop3A_916 = arith.addi %parallel_loop3A_912, %parallel_loop3A_915 : vector<16xi32>
      %parallel_loop3A_917 = arith.constant 13 : i32
      %parallel_loop3A_918 = vector.broadcast %parallel_loop3A_917 : i32 to vector<16xi32>
      %parallel_loop3A_919 = arith.shli %parallel_loop3A_915, %parallel_loop3A_918 : vector<16xi32>
      %parallel_loop3A_920 = arith.constant 19 : i32
      %parallel_loop3A_921 = vector.broadcast %parallel_loop3A_920 : i32 to vector<16xi32>
      %parallel_loop3A_922 = arith.shrui %parallel_loop3A_915, %parallel_loop3A_921 : vector<16xi32>
      %parallel_loop3A_923 = arith.ori %parallel_loop3A_919, %parallel_loop3A_922 : vector<16xi32>
      %parallel_loop3A_924 = arith.xori %parallel_loop3A_923, %parallel_loop3A_916 : vector<16xi32>
      %parallel_loop3A_925 = arith.addi %parallel_loop3A_916, %parallel_loop3A_924 : vector<16xi32>
      %parallel_loop3A_926 = arith.constant 15 : i32
      %parallel_loop3A_927 = vector.broadcast %parallel_loop3A_926 : i32 to vector<16xi32>
      %parallel_loop3A_928 = arith.shli %parallel_loop3A_924, %parallel_loop3A_927 : vector<16xi32>
      %parallel_loop3A_929 = arith.constant 17 : i32
      %parallel_loop3A_930 = vector.broadcast %parallel_loop3A_929 : i32 to vector<16xi32>
      %parallel_loop3A_931 = arith.shrui %parallel_loop3A_924, %parallel_loop3A_930 : vector<16xi32>
      %parallel_loop3A_932 = arith.ori %parallel_loop3A_928, %parallel_loop3A_931 : vector<16xi32>
      %parallel_loop3A_933 = arith.xori %parallel_loop3A_932, %parallel_loop3A_925 : vector<16xi32>
      %parallel_loop3A_934 = arith.addi %parallel_loop3A_925, %parallel_loop3A_933 : vector<16xi32>
      %parallel_loop3A_935 = arith.constant 26 : i32
      %parallel_loop3A_936 = vector.broadcast %parallel_loop3A_935 : i32 to vector<16xi32>
      %parallel_loop3A_937 = arith.shli %parallel_loop3A_933, %parallel_loop3A_936 : vector<16xi32>
      %parallel_loop3A_938 = arith.constant 6 : i32
      %parallel_loop3A_939 = vector.broadcast %parallel_loop3A_938 : i32 to vector<16xi32>
      %parallel_loop3A_940 = arith.shrui %parallel_loop3A_933, %parallel_loop3A_939 : vector<16xi32>
      %parallel_loop3A_941 = arith.ori %parallel_loop3A_937, %parallel_loop3A_940 : vector<16xi32>
      %parallel_loop3A_942 = arith.xori %parallel_loop3A_941, %parallel_loop3A_934 : vector<16xi32>
      %parallel_loop3A_943 = arith.addi %parallel_loop3A_934, %parallel_loop3A_942 : vector<16xi32>
      %parallel_loop3A_944 = arith.constant 6 : i32
      %parallel_loop3A_945 = vector.broadcast %parallel_loop3A_944 : i32 to vector<16xi32>
      %parallel_loop3A_946 = arith.shli %parallel_loop3A_942, %parallel_loop3A_945 : vector<16xi32>
      %parallel_loop3A_947 = arith.constant 26 : i32
      %parallel_loop3A_948 = vector.broadcast %parallel_loop3A_947 : i32 to vector<16xi32>
      %parallel_loop3A_949 = arith.shrui %parallel_loop3A_942, %parallel_loop3A_948 : vector<16xi32>
      %parallel_loop3A_950 = arith.ori %parallel_loop3A_946, %parallel_loop3A_949 : vector<16xi32>
      %parallel_loop3A_951 = arith.xori %parallel_loop3A_950, %parallel_loop3A_943 : vector<16xi32>
      %parallel_loop3A_952 = arith.constant 0 : i32
      %parallel_loop3A_953 = vector.broadcast %parallel_loop3A_952 : i32 to vector<16xi32>
      %parallel_loop3A_954 = arith.addi %parallel_loop3A_943, %parallel_loop3A_953 : vector<16xi32>
      %parallel_loop3A_955 = arith.constant 1237 : i32
      %parallel_loop3A_956 = vector.broadcast %parallel_loop3A_955 : i32 to vector<16xi32>
      %parallel_loop3A_957 = arith.addi %parallel_loop3A_951, %parallel_loop3A_956 : vector<16xi32>
      %parallel_loop3A_958 = arith.addi %parallel_loop3A_954, %parallel_loop3A_957 : vector<16xi32>
      %parallel_loop3A_959 = arith.constant 17 : i32
      %parallel_loop3A_960 = vector.broadcast %parallel_loop3A_959 : i32 to vector<16xi32>
      %parallel_loop3A_961 = arith.shli %parallel_loop3A_957, %parallel_loop3A_960 : vector<16xi32>
      %parallel_loop3A_962 = arith.constant 15 : i32
      %parallel_loop3A_963 = vector.broadcast %parallel_loop3A_962 : i32 to vector<16xi32>
      %parallel_loop3A_964 = arith.shrui %parallel_loop3A_957, %parallel_loop3A_963 : vector<16xi32>
      %parallel_loop3A_965 = arith.ori %parallel_loop3A_961, %parallel_loop3A_964 : vector<16xi32>
      %parallel_loop3A_966 = arith.xori %parallel_loop3A_965, %parallel_loop3A_958 : vector<16xi32>
      %parallel_loop3A_967 = arith.addi %parallel_loop3A_958, %parallel_loop3A_966 : vector<16xi32>
      %parallel_loop3A_968 = arith.constant 29 : i32
      %parallel_loop3A_969 = vector.broadcast %parallel_loop3A_968 : i32 to vector<16xi32>
      %parallel_loop3A_970 = arith.shli %parallel_loop3A_966, %parallel_loop3A_969 : vector<16xi32>
      %parallel_loop3A_971 = arith.constant 3 : i32
      %parallel_loop3A_972 = vector.broadcast %parallel_loop3A_971 : i32 to vector<16xi32>
      %parallel_loop3A_973 = arith.shrui %parallel_loop3A_966, %parallel_loop3A_972 : vector<16xi32>
      %parallel_loop3A_974 = arith.ori %parallel_loop3A_970, %parallel_loop3A_973 : vector<16xi32>
      %parallel_loop3A_975 = arith.xori %parallel_loop3A_974, %parallel_loop3A_967 : vector<16xi32>
      %parallel_loop3A_976 = arith.addi %parallel_loop3A_967, %parallel_loop3A_975 : vector<16xi32>
      %parallel_loop3A_977 = arith.constant 16 : i32
      %parallel_loop3A_978 = vector.broadcast %parallel_loop3A_977 : i32 to vector<16xi32>
      %parallel_loop3A_979 = arith.shli %parallel_loop3A_975, %parallel_loop3A_978 : vector<16xi32>
      %parallel_loop3A_980 = arith.constant 16 : i32
      %parallel_loop3A_981 = vector.broadcast %parallel_loop3A_980 : i32 to vector<16xi32>
      %parallel_loop3A_982 = arith.shrui %parallel_loop3A_975, %parallel_loop3A_981 : vector<16xi32>
      %parallel_loop3A_983 = arith.ori %parallel_loop3A_979, %parallel_loop3A_982 : vector<16xi32>
      %parallel_loop3A_984 = arith.xori %parallel_loop3A_983, %parallel_loop3A_976 : vector<16xi32>
      %parallel_loop3A_985 = arith.addi %parallel_loop3A_976, %parallel_loop3A_984 : vector<16xi32>
      %parallel_loop3A_986 = arith.constant 24 : i32
      %parallel_loop3A_987 = vector.broadcast %parallel_loop3A_986 : i32 to vector<16xi32>
      %parallel_loop3A_988 = arith.shli %parallel_loop3A_984, %parallel_loop3A_987 : vector<16xi32>
      %parallel_loop3A_989 = arith.constant 8 : i32
      %parallel_loop3A_990 = vector.broadcast %parallel_loop3A_989 : i32 to vector<16xi32>
      %parallel_loop3A_991 = arith.shrui %parallel_loop3A_984, %parallel_loop3A_990 : vector<16xi32>
      %parallel_loop3A_992 = arith.ori %parallel_loop3A_988, %parallel_loop3A_991 : vector<16xi32>
      %parallel_loop3A_993 = arith.xori %parallel_loop3A_992, %parallel_loop3A_985 : vector<16xi32>
      %parallel_loop3A_994 = arith.constant 1234 : i32
      %parallel_loop3A_995 = vector.broadcast %parallel_loop3A_994 : i32 to vector<16xi32>
      %parallel_loop3A_996 = arith.addi %parallel_loop3A_985, %parallel_loop3A_995 : vector<16xi32>
      %parallel_loop3A_997 = arith.constant 466689804 : i32
      %parallel_loop3A_998 = vector.broadcast %parallel_loop3A_997 : i32 to vector<16xi32>
      %parallel_loop3A_999 = arith.addi %parallel_loop3A_993, %parallel_loop3A_998 : vector<16xi32>
      %parallel_loop3A_1000 = arith.addi %parallel_loop3A_996, %parallel_loop3A_999 : vector<16xi32>
      %parallel_loop3A_1001 = arith.constant 13 : i32
      %parallel_loop3A_1002 = vector.broadcast %parallel_loop3A_1001 : i32 to vector<16xi32>
      %parallel_loop3A_1003 = arith.shli %parallel_loop3A_999, %parallel_loop3A_1002 : vector<16xi32>
      %parallel_loop3A_1004 = arith.constant 19 : i32
      %parallel_loop3A_1005 = vector.broadcast %parallel_loop3A_1004 : i32 to vector<16xi32>
      %parallel_loop3A_1006 = arith.shrui %parallel_loop3A_999, %parallel_loop3A_1005 : vector<16xi32>
      %parallel_loop3A_1007 = arith.ori %parallel_loop3A_1003, %parallel_loop3A_1006 : vector<16xi32>
      %parallel_loop3A_1008 = arith.xori %parallel_loop3A_1007, %parallel_loop3A_1000 : vector<16xi32>
      %parallel_loop3A_1009 = arith.addi %parallel_loop3A_1000, %parallel_loop3A_1008 : vector<16xi32>
      %parallel_loop3A_1010 = arith.constant 15 : i32
      %parallel_loop3A_1011 = vector.broadcast %parallel_loop3A_1010 : i32 to vector<16xi32>
      %parallel_loop3A_1012 = arith.shli %parallel_loop3A_1008, %parallel_loop3A_1011 : vector<16xi32>
      %parallel_loop3A_1013 = arith.constant 17 : i32
      %parallel_loop3A_1014 = vector.broadcast %parallel_loop3A_1013 : i32 to vector<16xi32>
      %parallel_loop3A_1015 = arith.shrui %parallel_loop3A_1008, %parallel_loop3A_1014 : vector<16xi32>
      %parallel_loop3A_1016 = arith.ori %parallel_loop3A_1012, %parallel_loop3A_1015 : vector<16xi32>
      %parallel_loop3A_1017 = arith.xori %parallel_loop3A_1016, %parallel_loop3A_1009 : vector<16xi32>
      %parallel_loop3A_1018 = arith.addi %parallel_loop3A_1009, %parallel_loop3A_1017 : vector<16xi32>
      %parallel_loop3A_1019 = arith.constant 26 : i32
      %parallel_loop3A_1020 = vector.broadcast %parallel_loop3A_1019 : i32 to vector<16xi32>
      %parallel_loop3A_1021 = arith.shli %parallel_loop3A_1017, %parallel_loop3A_1020 : vector<16xi32>
      %parallel_loop3A_1022 = arith.constant 6 : i32
      %parallel_loop3A_1023 = vector.broadcast %parallel_loop3A_1022 : i32 to vector<16xi32>
      %parallel_loop3A_1024 = arith.shrui %parallel_loop3A_1017, %parallel_loop3A_1023 : vector<16xi32>
      %parallel_loop3A_1025 = arith.ori %parallel_loop3A_1021, %parallel_loop3A_1024 : vector<16xi32>
      %parallel_loop3A_1026 = arith.xori %parallel_loop3A_1025, %parallel_loop3A_1018 : vector<16xi32>
      %parallel_loop3A_1027 = arith.addi %parallel_loop3A_1018, %parallel_loop3A_1026 : vector<16xi32>
      %parallel_loop3A_1028 = arith.constant 6 : i32
      %parallel_loop3A_1029 = vector.broadcast %parallel_loop3A_1028 : i32 to vector<16xi32>
      %parallel_loop3A_1030 = arith.shli %parallel_loop3A_1026, %parallel_loop3A_1029 : vector<16xi32>
      %parallel_loop3A_1031 = arith.constant 26 : i32
      %parallel_loop3A_1032 = vector.broadcast %parallel_loop3A_1031 : i32 to vector<16xi32>
      %parallel_loop3A_1033 = arith.shrui %parallel_loop3A_1026, %parallel_loop3A_1032 : vector<16xi32>
      %parallel_loop3A_1034 = arith.ori %parallel_loop3A_1030, %parallel_loop3A_1033 : vector<16xi32>
      %parallel_loop3A_1035 = arith.xori %parallel_loop3A_1034, %parallel_loop3A_1027 : vector<16xi32>
      %parallel_loop3A_1036 = arith.constant 466689800 : i32
      %parallel_loop3A_1037 = vector.broadcast %parallel_loop3A_1036 : i32 to vector<16xi32>
      %parallel_loop3A_1038 = arith.addi %parallel_loop3A_1027, %parallel_loop3A_1037 : vector<16xi32>
      %parallel_loop3A_1039 = arith.constant 5 : i32
      %parallel_loop3A_1040 = vector.broadcast %parallel_loop3A_1039 : i32 to vector<16xi32>
      %parallel_loop3A_1041 = arith.addi %parallel_loop3A_1035, %parallel_loop3A_1040 : vector<16xi32>
      %parallel_loop3A_1042 = arith.xori %parallel_loop3A_1038, %parallel_loop3A_1041 : vector<16xi32>
      %parallel_loop3A_1043 = arith.constant 9 : i32
      %parallel_loop3A_1044 = vector.broadcast %parallel_loop3A_1043 : i32 to vector<16xi32>
      %parallel_loop3A_1045 = arith.shrui %parallel_loop3A_1042, %parallel_loop3A_1044 : vector<16xi32>
      %parallel_loop3A_1046 = arith.constant 1065353216 : i32
      %parallel_loop3A_1047 = vector.broadcast %parallel_loop3A_1046 : i32 to vector<16xi32>
      %parallel_loop3A_1048 = arith.ori %parallel_loop3A_1045, %parallel_loop3A_1047 : vector<16xi32>
      %parallel_loop3A_1049 = tpu.bitcast %parallel_loop3A_1048 : vector<16xi32> -> vector<16xf32>
      %parallel_loop3A_1050 = arith.constant 1.000000e+00 : f32
      %parallel_loop3A_1051 = vector.broadcast %parallel_loop3A_1050 : f32 to vector<16xf32>
      %parallel_loop3A_1052 = arith.subf %parallel_loop3A_1049, %parallel_loop3A_1051 : vector<16xf32>
      %parallel_loop3A_1053 = arith.constant 9.99999968E-21 : f32
      %parallel_loop3A_1054 = vector.broadcast %parallel_loop3A_1053 : f32 to vector<16xf32>
      %parallel_loop3A_1055 = arith.maximumf %parallel_loop3A_1052, %parallel_loop3A_1054 : vector<16xf32>
      %parallel_loop3A_1056 = tpu.bitcast %parallel_loop3A_1055 : vector<16xf32> -> vector<16xi32>
      %parallel_loop3A_1057 = arith.constant 23 : i32
      %parallel_loop3A_1058 = vector.broadcast %parallel_loop3A_1057 : i32 to vector<16xi32>
      %parallel_loop3A_1059 = arith.shrui %parallel_loop3A_1056, %parallel_loop3A_1058 : vector<16xi32>
      %parallel_loop3A_1060 = arith.constant 127 : i32
      %parallel_loop3A_1061 = vector.broadcast %parallel_loop3A_1060 : i32 to vector<16xi32>
      %parallel_loop3A_1062 = arith.subi %parallel_loop3A_1059, %parallel_loop3A_1061 : vector<16xi32>
      %parallel_loop3A_1063 = arith.constant 8388607 : i32
      %parallel_loop3A_1064 = vector.broadcast %parallel_loop3A_1063 : i32 to vector<16xi32>
      %parallel_loop3A_1065 = arith.andi %parallel_loop3A_1056, %parallel_loop3A_1064 : vector<16xi32>
      %parallel_loop3A_1066 = arith.constant 1065353216 : i32
      %parallel_loop3A_1067 = vector.broadcast %parallel_loop3A_1066 : i32 to vector<16xi32>
      %parallel_loop3A_1068 = arith.ori %parallel_loop3A_1065, %parallel_loop3A_1067 : vector<16xi32>
      %parallel_loop3A_1069 = tpu.bitcast %parallel_loop3A_1068 : vector<16xi32> -> vector<16xf32>
      %parallel_loop3A_1070 = arith.constant 1.41421354 : f32
      %parallel_loop3A_1071 = vector.broadcast %parallel_loop3A_1070 : f32 to vector<16xf32>
      %parallel_loop3A_1072 = arith.cmpf ogt, %parallel_loop3A_1069, %parallel_loop3A_1071 : vector<16xf32>
      %parallel_loop3A_1073 = arith.constant 1 : i32
      %parallel_loop3A_1074 = vector.broadcast %parallel_loop3A_1073 : i32 to vector<16xi32>
      %parallel_loop3A_1075 = arith.addi %parallel_loop3A_1062, %parallel_loop3A_1074 : vector<16xi32>
      %parallel_loop3A_1076 = arith.select %parallel_loop3A_1072, %parallel_loop3A_1075, %parallel_loop3A_1062 : vector<16xi1>, vector<16xi32>
      %parallel_loop3A_1077 = arith.sitofp %parallel_loop3A_1076 : vector<16xi32> to vector<16xf32>
      %parallel_loop3A_1078 = arith.constant 5.000000e-01 : f32
      %parallel_loop3A_1079 = vector.broadcast %parallel_loop3A_1078 : f32 to vector<16xf32>
      %parallel_loop3A_1080 = arith.mulf %parallel_loop3A_1069, %parallel_loop3A_1079 : vector<16xf32>
      %parallel_loop3A_1081 = arith.select %parallel_loop3A_1072, %parallel_loop3A_1080, %parallel_loop3A_1069 : vector<16xi1>, vector<16xf32>
      %parallel_loop3A_1082 = arith.constant 1.000000e+00 : f32
      %parallel_loop3A_1083 = vector.broadcast %parallel_loop3A_1082 : f32 to vector<16xf32>
      %parallel_loop3A_1084 = arith.subf %parallel_loop3A_1081, %parallel_loop3A_1083 : vector<16xf32>
      %parallel_loop3A_1085 = arith.constant 1.000000e+00 : f32
      %parallel_loop3A_1086 = vector.broadcast %parallel_loop3A_1085 : f32 to vector<16xf32>
      %parallel_loop3A_1087 = arith.addf %parallel_loop3A_1081, %parallel_loop3A_1086 : vector<16xf32>
      %parallel_loop3A_1088 = arith.divf %parallel_loop3A_1084, %parallel_loop3A_1087 : vector<16xf32>
      %parallel_loop3A_1089 = arith.mulf %parallel_loop3A_1088, %parallel_loop3A_1088 : vector<16xf32>
      %parallel_loop3A_1090 = arith.constant 0.111111112 : f32
      %parallel_loop3A_1091 = vector.broadcast %parallel_loop3A_1090 : f32 to vector<16xf32>
      %parallel_loop3A_1092 = arith.mulf %parallel_loop3A_1089, %parallel_loop3A_1091 : vector<16xf32>
      %parallel_loop3A_1093 = arith.constant 0.142857149 : f32
      %parallel_loop3A_1094 = vector.broadcast %parallel_loop3A_1093 : f32 to vector<16xf32>
      %parallel_loop3A_1095 = arith.addf %parallel_loop3A_1094, %parallel_loop3A_1092 : vector<16xf32>
      %parallel_loop3A_1096 = arith.mulf %parallel_loop3A_1089, %parallel_loop3A_1095 : vector<16xf32>
      %parallel_loop3A_1097 = arith.constant 2.000000e-01 : f32
      %parallel_loop3A_1098 = vector.broadcast %parallel_loop3A_1097 : f32 to vector<16xf32>
      %parallel_loop3A_1099 = arith.addf %parallel_loop3A_1098, %parallel_loop3A_1096 : vector<16xf32>
      %parallel_loop3A_1100 = arith.mulf %parallel_loop3A_1089, %parallel_loop3A_1099 : vector<16xf32>
      %parallel_loop3A_1101 = arith.constant 0.333333343 : f32
      %parallel_loop3A_1102 = vector.broadcast %parallel_loop3A_1101 : f32 to vector<16xf32>
      %parallel_loop3A_1103 = arith.addf %parallel_loop3A_1102, %parallel_loop3A_1100 : vector<16xf32>
      %parallel_loop3A_1104 = arith.mulf %parallel_loop3A_1089, %parallel_loop3A_1103 : vector<16xf32>
      %parallel_loop3A_1105 = arith.constant 1.000000e+00 : f32
      %parallel_loop3A_1106 = vector.broadcast %parallel_loop3A_1105 : f32 to vector<16xf32>
      %parallel_loop3A_1107 = arith.addf %parallel_loop3A_1106, %parallel_loop3A_1104 : vector<16xf32>
      %parallel_loop3A_1108 = arith.constant 0.693147182 : f32
      %parallel_loop3A_1109 = vector.broadcast %parallel_loop3A_1108 : f32 to vector<16xf32>
      %parallel_loop3A_1110 = arith.mulf %parallel_loop3A_1077, %parallel_loop3A_1109 : vector<16xf32>
      %parallel_loop3A_1111 = arith.constant 2.000000e+00 : f32
      %parallel_loop3A_1112 = vector.broadcast %parallel_loop3A_1111 : f32 to vector<16xf32>
      %parallel_loop3A_1113 = arith.mulf %parallel_loop3A_1112, %parallel_loop3A_1088 : vector<16xf32>
      %parallel_loop3A_1114 = arith.mulf %parallel_loop3A_1113, %parallel_loop3A_1107 : vector<16xf32>
      %parallel_loop3A_1115 = arith.addf %parallel_loop3A_1110, %parallel_loop3A_1114 : vector<16xf32>
      %parallel_loop3A_1116 = arith.constant 0.000000e+00 : f32
      %parallel_loop3A_1117 = vector.broadcast %parallel_loop3A_1116 : f32 to vector<16xf32>
      %parallel_loop3A_1118 = arith.subf %parallel_loop3A_1117, %parallel_loop3A_1115 : vector<16xf32>
      %parallel_loop3A_1119 = arith.mulf %parallel_loop3A_1118, %parallel_loop3A_1118 : vector<16xf32>
      %parallel_loop3A_1120 = vector.broadcast %parallel_loop3A_200 : f32 to vector<16xf32>
      %parallel_loop3A_1121 = arith.divf %parallel_loop3A_1120, %parallel_loop3A_1119 : vector<16xf32>
      %parallel_loop3A_1122 = arith.index_cast %parallel_loop3A_186 : i32 to index
      %parallel_loop3A_1123 = arith.constant 32 : index
      %parallel_loop3A_1124 = tpu.vector_load %arg5[%parallel_loop3A_1122, %parallel_loop3A_1123] {strides = array<i32>} : memref<504x128xf32, #tpu.memory_space<vmem>>, vector<1x16xf32>,
      %parallel_loop3A_1125 = vector.shape_cast %parallel_loop3A_1124 : vector<1x16xf32> to vector<16xf32>
      %parallel_loop3A_1126 = vector.shape_cast %parallel_loop3A_1121 : vector<16xf32> to vector<1x16xf32>
      tpu.vector_store %arg5[%parallel_loop3A_1122, %parallel_loop3A_1123], %parallel_loop3A_1126 {strides = array<i32>} : memref<504x128xf32, #tpu.memory_space<vmem>>, vector<1x16xf32>,
      %parallel_loop3A_1127 = arith.addf %parallel_loop3A_189, %parallel_loop3A_1121 : vector<16xf32>
      %parallel_loop3A_1128 = arith.constant 48000 : i32
      %parallel_loop3A_1129 = arith.addi %add3A_66, %parallel_loop3A_1128 : i32
      %parallel_loop3A_1130 = arith.addi %parallel_loop3A_1129, %parallel_loop3A_186 : i32
      %parallel_loop3A_1131 = vector.broadcast %parallel_loop3A_1130 : i32 to vector<16xi32>
      %parallel_loop3A_1132 = arith.addi %parallel_loop3A_1131, %mul3A_59 : vector<16xi32>
      %parallel_loop3A_1133 = arith.constant 0 : i32
      %parallel_loop3A_1134 = vector.broadcast %parallel_loop3A_1133 : i32 to vector<16xi32>
      %parallel_loop3A_1135 = arith.constant 0 : i32
      %parallel_loop3A_1136 = vector.broadcast %parallel_loop3A_1135 : i32 to vector<16xi32>
      %parallel_loop3A_1137 = arith.addi %parallel_loop3A_1134, %parallel_loop3A_1136 : vector<16xi32>
      %parallel_loop3A_1138 = arith.constant 1234 : i32
      %parallel_loop3A_1139 = vector.broadcast %parallel_loop3A_1138 : i32 to vector<16xi32>
      %parallel_loop3A_1140 = arith.addi %parallel_loop3A_1132, %parallel_loop3A_1139 : vector<16xi32>
      %parallel_loop3A_1141 = arith.addi %parallel_loop3A_1137, %parallel_loop3A_1140 : vector<16xi32>
      %parallel_loop3A_1142 = arith.constant 13 : i32
      %parallel_loop3A_1143 = vector.broadcast %parallel_loop3A_1142 : i32 to vector<16xi32>
      %parallel_loop3A_1144 = arith.shli %parallel_loop3A_1140, %parallel_loop3A_1143 : vector<16xi32>
      %parallel_loop3A_1145 = arith.constant 19 : i32
      %parallel_loop3A_1146 = vector.broadcast %parallel_loop3A_1145 : i32 to vector<16xi32>
      %parallel_loop3A_1147 = arith.shrui %parallel_loop3A_1140, %parallel_loop3A_1146 : vector<16xi32>
      %parallel_loop3A_1148 = arith.ori %parallel_loop3A_1144, %parallel_loop3A_1147 : vector<16xi32>
      %parallel_loop3A_1149 = arith.xori %parallel_loop3A_1148, %parallel_loop3A_1141 : vector<16xi32>
      %parallel_loop3A_1150 = arith.addi %parallel_loop3A_1141, %parallel_loop3A_1149 : vector<16xi32>
      %parallel_loop3A_1151 = arith.constant 15 : i32
      %parallel_loop3A_1152 = vector.broadcast %parallel_loop3A_1151 : i32 to vector<16xi32>
      %parallel_loop3A_1153 = arith.shli %parallel_loop3A_1149, %parallel_loop3A_1152 : vector<16xi32>
      %parallel_loop3A_1154 = arith.constant 17 : i32
      %parallel_loop3A_1155 = vector.broadcast %parallel_loop3A_1154 : i32 to vector<16xi32>
      %parallel_loop3A_1156 = arith.shrui %parallel_loop3A_1149, %parallel_loop3A_1155 : vector<16xi32>
      %parallel_loop3A_1157 = arith.ori %parallel_loop3A_1153, %parallel_loop3A_1156 : vector<16xi32>
      %parallel_loop3A_1158 = arith.xori %parallel_loop3A_1157, %parallel_loop3A_1150 : vector<16xi32>
      %parallel_loop3A_1159 = arith.addi %parallel_loop3A_1150, %parallel_loop3A_1158 : vector<16xi32>
      %parallel_loop3A_1160 = arith.constant 26 : i32
      %parallel_loop3A_1161 = vector.broadcast %parallel_loop3A_1160 : i32 to vector<16xi32>
      %parallel_loop3A_1162 = arith.shli %parallel_loop3A_1158, %parallel_loop3A_1161 : vector<16xi32>
      %parallel_loop3A_1163 = arith.constant 6 : i32
      %parallel_loop3A_1164 = vector.broadcast %parallel_loop3A_1163 : i32 to vector<16xi32>
      %parallel_loop3A_1165 = arith.shrui %parallel_loop3A_1158, %parallel_loop3A_1164 : vector<16xi32>
      %parallel_loop3A_1166 = arith.ori %parallel_loop3A_1162, %parallel_loop3A_1165 : vector<16xi32>
      %parallel_loop3A_1167 = arith.xori %parallel_loop3A_1166, %parallel_loop3A_1159 : vector<16xi32>
      %parallel_loop3A_1168 = arith.addi %parallel_loop3A_1159, %parallel_loop3A_1167 : vector<16xi32>
      %parallel_loop3A_1169 = arith.constant 6 : i32
      %parallel_loop3A_1170 = vector.broadcast %parallel_loop3A_1169 : i32 to vector<16xi32>
      %parallel_loop3A_1171 = arith.shli %parallel_loop3A_1167, %parallel_loop3A_1170 : vector<16xi32>
      %parallel_loop3A_1172 = arith.constant 26 : i32
      %parallel_loop3A_1173 = vector.broadcast %parallel_loop3A_1172 : i32 to vector<16xi32>
      %parallel_loop3A_1174 = arith.shrui %parallel_loop3A_1167, %parallel_loop3A_1173 : vector<16xi32>
      %parallel_loop3A_1175 = arith.ori %parallel_loop3A_1171, %parallel_loop3A_1174 : vector<16xi32>
      %parallel_loop3A_1176 = arith.xori %parallel_loop3A_1175, %parallel_loop3A_1168 : vector<16xi32>
      %parallel_loop3A_1177 = arith.constant 1234 : i32
      %parallel_loop3A_1178 = vector.broadcast %parallel_loop3A_1177 : i32 to vector<16xi32>
      %parallel_loop3A_1179 = arith.addi %parallel_loop3A_1168, %parallel_loop3A_1178 : vector<16xi32>
      %parallel_loop3A_1180 = arith.constant 466689801 : i32
      %parallel_loop3A_1181 = vector.broadcast %parallel_loop3A_1180 : i32 to vector<16xi32>
      %parallel_loop3A_1182 = arith.addi %parallel_loop3A_1176, %parallel_loop3A_1181 : vector<16xi32>
      %parallel_loop3A_1183 = arith.addi %parallel_loop3A_1179, %parallel_loop3A_1182 : vector<16xi32>
      %parallel_loop3A_1184 = arith.constant 17 : i32
      %parallel_loop3A_1185 = vector.broadcast %parallel_loop3A_1184 : i32 to vector<16xi32>
      %parallel_loop3A_1186 = arith.shli %parallel_loop3A_1182, %parallel_loop3A_1185 : vector<16xi32>
      %parallel_loop3A_1187 = arith.constant 15 : i32
      %parallel_loop3A_1188 = vector.broadcast %parallel_loop3A_1187 : i32 to vector<16xi32>
      %parallel_loop3A_1189 = arith.shrui %parallel_loop3A_1182, %parallel_loop3A_1188 : vector<16xi32>
      %parallel_loop3A_1190 = arith.ori %parallel_loop3A_1186, %parallel_loop3A_1189 : vector<16xi32>
      %parallel_loop3A_1191 = arith.xori %parallel_loop3A_1190, %parallel_loop3A_1183 : vector<16xi32>
      %parallel_loop3A_1192 = arith.addi %parallel_loop3A_1183, %parallel_loop3A_1191 : vector<16xi32>
      %parallel_loop3A_1193 = arith.constant 29 : i32
      %parallel_loop3A_1194 = vector.broadcast %parallel_loop3A_1193 : i32 to vector<16xi32>
      %parallel_loop3A_1195 = arith.shli %parallel_loop3A_1191, %parallel_loop3A_1194 : vector<16xi32>
      %parallel_loop3A_1196 = arith.constant 3 : i32
      %parallel_loop3A_1197 = vector.broadcast %parallel_loop3A_1196 : i32 to vector<16xi32>
      %parallel_loop3A_1198 = arith.shrui %parallel_loop3A_1191, %parallel_loop3A_1197 : vector<16xi32>
      %parallel_loop3A_1199 = arith.ori %parallel_loop3A_1195, %parallel_loop3A_1198 : vector<16xi32>
      %parallel_loop3A_1200 = arith.xori %parallel_loop3A_1199, %parallel_loop3A_1192 : vector<16xi32>
      %parallel_loop3A_1201 = arith.addi %parallel_loop3A_1192, %parallel_loop3A_1200 : vector<16xi32>
      %parallel_loop3A_1202 = arith.constant 16 : i32
      %parallel_loop3A_1203 = vector.broadcast %parallel_loop3A_1202 : i32 to vector<16xi32>
      %parallel_loop3A_1204 = arith.shli %parallel_loop3A_1200, %parallel_loop3A_1203 : vector<16xi32>
      %parallel_loop3A_1205 = arith.constant 16 : i32
      %parallel_loop3A_1206 = vector.broadcast %parallel_loop3A_1205 : i32 to vector<16xi32>
      %parallel_loop3A_1207 = arith.shrui %parallel_loop3A_1200, %parallel_loop3A_1206 : vector<16xi32>
      %parallel_loop3A_1208 = arith.ori %parallel_loop3A_1204, %parallel_loop3A_1207 : vector<16xi32>
      %parallel_loop3A_1209 = arith.xori %parallel_loop3A_1208, %parallel_loop3A_1201 : vector<16xi32>
      %parallel_loop3A_1210 = arith.addi %parallel_loop3A_1201, %parallel_loop3A_1209 : vector<16xi32>
      %parallel_loop3A_1211 = arith.constant 24 : i32
      %parallel_loop3A_1212 = vector.broadcast %parallel_loop3A_1211 : i32 to vector<16xi32>
      %parallel_loop3A_1213 = arith.shli %parallel_loop3A_1209, %parallel_loop3A_1212 : vector<16xi32>
      %parallel_loop3A_1214 = arith.constant 8 : i32
      %parallel_loop3A_1215 = vector.broadcast %parallel_loop3A_1214 : i32 to vector<16xi32>
      %parallel_loop3A_1216 = arith.shrui %parallel_loop3A_1209, %parallel_loop3A_1215 : vector<16xi32>
      %parallel_loop3A_1217 = arith.ori %parallel_loop3A_1213, %parallel_loop3A_1216 : vector<16xi32>
      %parallel_loop3A_1218 = arith.xori %parallel_loop3A_1217, %parallel_loop3A_1210 : vector<16xi32>
      %parallel_loop3A_1219 = arith.constant 466689800 : i32
      %parallel_loop3A_1220 = vector.broadcast %parallel_loop3A_1219 : i32 to vector<16xi32>
      %parallel_loop3A_1221 = arith.addi %parallel_loop3A_1210, %parallel_loop3A_1220 : vector<16xi32>
      %parallel_loop3A_1222 = arith.constant 2 : i32
      %parallel_loop3A_1223 = vector.broadcast %parallel_loop3A_1222 : i32 to vector<16xi32>
      %parallel_loop3A_1224 = arith.addi %parallel_loop3A_1218, %parallel_loop3A_1223 : vector<16xi32>
      %parallel_loop3A_1225 = arith.addi %parallel_loop3A_1221, %parallel_loop3A_1224 : vector<16xi32>
      %parallel_loop3A_1226 = arith.constant 13 : i32
      %parallel_loop3A_1227 = vector.broadcast %parallel_loop3A_1226 : i32 to vector<16xi32>
      %parallel_loop3A_1228 = arith.shli %parallel_loop3A_1224, %parallel_loop3A_1227 : vector<16xi32>
      %parallel_loop3A_1229 = arith.constant 19 : i32
      %parallel_loop3A_1230 = vector.broadcast %parallel_loop3A_1229 : i32 to vector<16xi32>
      %parallel_loop3A_1231 = arith.shrui %parallel_loop3A_1224, %parallel_loop3A_1230 : vector<16xi32>
      %parallel_loop3A_1232 = arith.ori %parallel_loop3A_1228, %parallel_loop3A_1231 : vector<16xi32>
      %parallel_loop3A_1233 = arith.xori %parallel_loop3A_1232, %parallel_loop3A_1225 : vector<16xi32>
      %parallel_loop3A_1234 = arith.addi %parallel_loop3A_1225, %parallel_loop3A_1233 : vector<16xi32>
      %parallel_loop3A_1235 = arith.constant 15 : i32
      %parallel_loop3A_1236 = vector.broadcast %parallel_loop3A_1235 : i32 to vector<16xi32>
      %parallel_loop3A_1237 = arith.shli %parallel_loop3A_1233, %parallel_loop3A_1236 : vector<16xi32>
      %parallel_loop3A_1238 = arith.constant 17 : i32
      %parallel_loop3A_1239 = vector.broadcast %parallel_loop3A_1238 : i32 to vector<16xi32>
      %parallel_loop3A_1240 = arith.shrui %parallel_loop3A_1233, %parallel_loop3A_1239 : vector<16xi32>
      %parallel_loop3A_1241 = arith.ori %parallel_loop3A_1237, %parallel_loop3A_1240 : vector<16xi32>
      %parallel_loop3A_1242 = arith.xori %parallel_loop3A_1241, %parallel_loop3A_1234 : vector<16xi32>
      %parallel_loop3A_1243 = arith.addi %parallel_loop3A_1234, %parallel_loop3A_1242 : vector<16xi32>
      %parallel_loop3A_1244 = arith.constant 26 : i32
      %parallel_loop3A_1245 = vector.broadcast %parallel_loop3A_1244 : i32 to vector<16xi32>
      %parallel_loop3A_1246 = arith.shli %parallel_loop3A_1242, %parallel_loop3A_1245 : vector<16xi32>
      %parallel_loop3A_1247 = arith.constant 6 : i32
      %parallel_loop3A_1248 = vector.broadcast %parallel_loop3A_1247 : i32 to vector<16xi32>
      %parallel_loop3A_1249 = arith.shrui %parallel_loop3A_1242, %parallel_loop3A_1248 : vector<16xi32>
      %parallel_loop3A_1250 = arith.ori %parallel_loop3A_1246, %parallel_loop3A_1249 : vector<16xi32>
      %parallel_loop3A_1251 = arith.xori %parallel_loop3A_1250, %parallel_loop3A_1243 : vector<16xi32>
      %parallel_loop3A_1252 = arith.addi %parallel_loop3A_1243, %parallel_loop3A_1251 : vector<16xi32>
      %parallel_loop3A_1253 = arith.constant 6 : i32
      %parallel_loop3A_1254 = vector.broadcast %parallel_loop3A_1253 : i32 to vector<16xi32>
      %parallel_loop3A_1255 = arith.shli %parallel_loop3A_1251, %parallel_loop3A_1254 : vector<16xi32>
      %parallel_loop3A_1256 = arith.constant 26 : i32
      %parallel_loop3A_1257 = vector.broadcast %parallel_loop3A_1256 : i32 to vector<16xi32>
      %parallel_loop3A_1258 = arith.shrui %parallel_loop3A_1251, %parallel_loop3A_1257 : vector<16xi32>
      %parallel_loop3A_1259 = arith.ori %parallel_loop3A_1255, %parallel_loop3A_1258 : vector<16xi32>
      %parallel_loop3A_1260 = arith.xori %parallel_loop3A_1259, %parallel_loop3A_1252 : vector<16xi32>
      %parallel_loop3A_1261 = arith.constant 0 : i32
      %parallel_loop3A_1262 = vector.broadcast %parallel_loop3A_1261 : i32 to vector<16xi32>
      %parallel_loop3A_1263 = arith.addi %parallel_loop3A_1252, %parallel_loop3A_1262 : vector<16xi32>
      %parallel_loop3A_1264 = arith.constant 1237 : i32
      %parallel_loop3A_1265 = vector.broadcast %parallel_loop3A_1264 : i32 to vector<16xi32>
      %parallel_loop3A_1266 = arith.addi %parallel_loop3A_1260, %parallel_loop3A_1265 : vector<16xi32>
      %parallel_loop3A_1267 = arith.addi %parallel_loop3A_1263, %parallel_loop3A_1266 : vector<16xi32>
      %parallel_loop3A_1268 = arith.constant 17 : i32
      %parallel_loop3A_1269 = vector.broadcast %parallel_loop3A_1268 : i32 to vector<16xi32>
      %parallel_loop3A_1270 = arith.shli %parallel_loop3A_1266, %parallel_loop3A_1269 : vector<16xi32>
      %parallel_loop3A_1271 = arith.constant 15 : i32
      %parallel_loop3A_1272 = vector.broadcast %parallel_loop3A_1271 : i32 to vector<16xi32>
      %parallel_loop3A_1273 = arith.shrui %parallel_loop3A_1266, %parallel_loop3A_1272 : vector<16xi32>
      %parallel_loop3A_1274 = arith.ori %parallel_loop3A_1270, %parallel_loop3A_1273 : vector<16xi32>
      %parallel_loop3A_1275 = arith.xori %parallel_loop3A_1274, %parallel_loop3A_1267 : vector<16xi32>
      %parallel_loop3A_1276 = arith.addi %parallel_loop3A_1267, %parallel_loop3A_1275 : vector<16xi32>
      %parallel_loop3A_1277 = arith.constant 29 : i32
      %parallel_loop3A_1278 = vector.broadcast %parallel_loop3A_1277 : i32 to vector<16xi32>
      %parallel_loop3A_1279 = arith.shli %parallel_loop3A_1275, %parallel_loop3A_1278 : vector<16xi32>
      %parallel_loop3A_1280 = arith.constant 3 : i32
      %parallel_loop3A_1281 = vector.broadcast %parallel_loop3A_1280 : i32 to vector<16xi32>
      %parallel_loop3A_1282 = arith.shrui %parallel_loop3A_1275, %parallel_loop3A_1281 : vector<16xi32>
      %parallel_loop3A_1283 = arith.ori %parallel_loop3A_1279, %parallel_loop3A_1282 : vector<16xi32>
      %parallel_loop3A_1284 = arith.xori %parallel_loop3A_1283, %parallel_loop3A_1276 : vector<16xi32>
      %parallel_loop3A_1285 = arith.addi %parallel_loop3A_1276, %parallel_loop3A_1284 : vector<16xi32>
      %parallel_loop3A_1286 = arith.constant 16 : i32
      %parallel_loop3A_1287 = vector.broadcast %parallel_loop3A_1286 : i32 to vector<16xi32>
      %parallel_loop3A_1288 = arith.shli %parallel_loop3A_1284, %parallel_loop3A_1287 : vector<16xi32>
      %parallel_loop3A_1289 = arith.constant 16 : i32
      %parallel_loop3A_1290 = vector.broadcast %parallel_loop3A_1289 : i32 to vector<16xi32>
      %parallel_loop3A_1291 = arith.shrui %parallel_loop3A_1284, %parallel_loop3A_1290 : vector<16xi32>
      %parallel_loop3A_1292 = arith.ori %parallel_loop3A_1288, %parallel_loop3A_1291 : vector<16xi32>
      %parallel_loop3A_1293 = arith.xori %parallel_loop3A_1292, %parallel_loop3A_1285 : vector<16xi32>
      %parallel_loop3A_1294 = arith.addi %parallel_loop3A_1285, %parallel_loop3A_1293 : vector<16xi32>
      %parallel_loop3A_1295 = arith.constant 24 : i32
      %parallel_loop3A_1296 = vector.broadcast %parallel_loop3A_1295 : i32 to vector<16xi32>
      %parallel_loop3A_1297 = arith.shli %parallel_loop3A_1293, %parallel_loop3A_1296 : vector<16xi32>
      %parallel_loop3A_1298 = arith.constant 8 : i32
      %parallel_loop3A_1299 = vector.broadcast %parallel_loop3A_1298 : i32 to vector<16xi32>
      %parallel_loop3A_1300 = arith.shrui %parallel_loop3A_1293, %parallel_loop3A_1299 : vector<16xi32>
      %parallel_loop3A_1301 = arith.ori %parallel_loop3A_1297, %parallel_loop3A_1300 : vector<16xi32>
      %parallel_loop3A_1302 = arith.xori %parallel_loop3A_1301, %parallel_loop3A_1294 : vector<16xi32>
      %parallel_loop3A_1303 = arith.constant 1234 : i32
      %parallel_loop3A_1304 = vector.broadcast %parallel_loop3A_1303 : i32 to vector<16xi32>
      %parallel_loop3A_1305 = arith.addi %parallel_loop3A_1294, %parallel_loop3A_1304 : vector<16xi32>
      %parallel_loop3A_1306 = arith.constant 466689804 : i32
      %parallel_loop3A_1307 = vector.broadcast %parallel_loop3A_1306 : i32 to vector<16xi32>
      %parallel_loop3A_1308 = arith.addi %parallel_loop3A_1302, %parallel_loop3A_1307 : vector<16xi32>
      %parallel_loop3A_1309 = arith.addi %parallel_loop3A_1305, %parallel_loop3A_1308 : vector<16xi32>
      %parallel_loop3A_1310 = arith.constant 13 : i32
      %parallel_loop3A_1311 = vector.broadcast %parallel_loop3A_1310 : i32 to vector<16xi32>
      %parallel_loop3A_1312 = arith.shli %parallel_loop3A_1308, %parallel_loop3A_1311 : vector<16xi32>
      %parallel_loop3A_1313 = arith.constant 19 : i32
      %parallel_loop3A_1314 = vector.broadcast %parallel_loop3A_1313 : i32 to vector<16xi32>
      %parallel_loop3A_1315 = arith.shrui %parallel_loop3A_1308, %parallel_loop3A_1314 : vector<16xi32>
      %parallel_loop3A_1316 = arith.ori %parallel_loop3A_1312, %parallel_loop3A_1315 : vector<16xi32>
      %parallel_loop3A_1317 = arith.xori %parallel_loop3A_1316, %parallel_loop3A_1309 : vector<16xi32>
      %parallel_loop3A_1318 = arith.addi %parallel_loop3A_1309, %parallel_loop3A_1317 : vector<16xi32>
      %parallel_loop3A_1319 = arith.constant 15 : i32
      %parallel_loop3A_1320 = vector.broadcast %parallel_loop3A_1319 : i32 to vector<16xi32>
      %parallel_loop3A_1321 = arith.shli %parallel_loop3A_1317, %parallel_loop3A_1320 : vector<16xi32>
      %parallel_loop3A_1322 = arith.constant 17 : i32
      %parallel_loop3A_1323 = vector.broadcast %parallel_loop3A_1322 : i32 to vector<16xi32>
      %parallel_loop3A_1324 = arith.shrui %parallel_loop3A_1317, %parallel_loop3A_1323 : vector<16xi32>
      %parallel_loop3A_1325 = arith.ori %parallel_loop3A_1321, %parallel_loop3A_1324 : vector<16xi32>
      %parallel_loop3A_1326 = arith.xori %parallel_loop3A_1325, %parallel_loop3A_1318 : vector<16xi32>
      %parallel_loop3A_1327 = arith.addi %parallel_loop3A_1318, %parallel_loop3A_1326 : vector<16xi32>
      %parallel_loop3A_1328 = arith.constant 26 : i32
      %parallel_loop3A_1329 = vector.broadcast %parallel_loop3A_1328 : i32 to vector<16xi32>
      %parallel_loop3A_1330 = arith.shli %parallel_loop3A_1326, %parallel_loop3A_1329 : vector<16xi32>
      %parallel_loop3A_1331 = arith.constant 6 : i32
      %parallel_loop3A_1332 = vector.broadcast %parallel_loop3A_1331 : i32 to vector<16xi32>
      %parallel_loop3A_1333 = arith.shrui %parallel_loop3A_1326, %parallel_loop3A_1332 : vector<16xi32>
      %parallel_loop3A_1334 = arith.ori %parallel_loop3A_1330, %parallel_loop3A_1333 : vector<16xi32>
      %parallel_loop3A_1335 = arith.xori %parallel_loop3A_1334, %parallel_loop3A_1327 : vector<16xi32>
      %parallel_loop3A_1336 = arith.addi %parallel_loop3A_1327, %parallel_loop3A_1335 : vector<16xi32>
      %parallel_loop3A_1337 = arith.constant 6 : i32
      %parallel_loop3A_1338 = vector.broadcast %parallel_loop3A_1337 : i32 to vector<16xi32>
      %parallel_loop3A_1339 = arith.shli %parallel_loop3A_1335, %parallel_loop3A_1338 : vector<16xi32>
      %parallel_loop3A_1340 = arith.constant 26 : i32
      %parallel_loop3A_1341 = vector.broadcast %parallel_loop3A_1340 : i32 to vector<16xi32>
      %parallel_loop3A_1342 = arith.shrui %parallel_loop3A_1335, %parallel_loop3A_1341 : vector<16xi32>
      %parallel_loop3A_1343 = arith.ori %parallel_loop3A_1339, %parallel_loop3A_1342 : vector<16xi32>
      %parallel_loop3A_1344 = arith.xori %parallel_loop3A_1343, %parallel_loop3A_1336 : vector<16xi32>
      %parallel_loop3A_1345 = arith.constant 466689800 : i32
      %parallel_loop3A_1346 = vector.broadcast %parallel_loop3A_1345 : i32 to vector<16xi32>
      %parallel_loop3A_1347 = arith.addi %parallel_loop3A_1336, %parallel_loop3A_1346 : vector<16xi32>
      %parallel_loop3A_1348 = arith.constant 5 : i32
      %parallel_loop3A_1349 = vector.broadcast %parallel_loop3A_1348 : i32 to vector<16xi32>
      %parallel_loop3A_1350 = arith.addi %parallel_loop3A_1344, %parallel_loop3A_1349 : vector<16xi32>
      %parallel_loop3A_1351 = arith.xori %parallel_loop3A_1347, %parallel_loop3A_1350 : vector<16xi32>
      %parallel_loop3A_1352 = arith.constant 9 : i32
      %parallel_loop3A_1353 = vector.broadcast %parallel_loop3A_1352 : i32 to vector<16xi32>
      %parallel_loop3A_1354 = arith.shrui %parallel_loop3A_1351, %parallel_loop3A_1353 : vector<16xi32>
      %parallel_loop3A_1355 = arith.constant 1065353216 : i32
      %parallel_loop3A_1356 = vector.broadcast %parallel_loop3A_1355 : i32 to vector<16xi32>
      %parallel_loop3A_1357 = arith.ori %parallel_loop3A_1354, %parallel_loop3A_1356 : vector<16xi32>
      %parallel_loop3A_1358 = tpu.bitcast %parallel_loop3A_1357 : vector<16xi32> -> vector<16xf32>
      %parallel_loop3A_1359 = arith.constant 1.000000e+00 : f32
      %parallel_loop3A_1360 = vector.broadcast %parallel_loop3A_1359 : f32 to vector<16xf32>
      %parallel_loop3A_1361 = arith.subf %parallel_loop3A_1358, %parallel_loop3A_1360 : vector<16xf32>
      %parallel_loop3A_1362 = arith.constant 9.99999968E-21 : f32
      %parallel_loop3A_1363 = vector.broadcast %parallel_loop3A_1362 : f32 to vector<16xf32>
      %parallel_loop3A_1364 = arith.maximumf %parallel_loop3A_1361, %parallel_loop3A_1363 : vector<16xf32>
      %parallel_loop3A_1365 = tpu.bitcast %parallel_loop3A_1364 : vector<16xf32> -> vector<16xi32>
      %parallel_loop3A_1366 = arith.constant 23 : i32
      %parallel_loop3A_1367 = vector.broadcast %parallel_loop3A_1366 : i32 to vector<16xi32>
      %parallel_loop3A_1368 = arith.shrui %parallel_loop3A_1365, %parallel_loop3A_1367 : vector<16xi32>
      %parallel_loop3A_1369 = arith.constant 127 : i32
      %parallel_loop3A_1370 = vector.broadcast %parallel_loop3A_1369 : i32 to vector<16xi32>
      %parallel_loop3A_1371 = arith.subi %parallel_loop3A_1368, %parallel_loop3A_1370 : vector<16xi32>
      %parallel_loop3A_1372 = arith.constant 8388607 : i32
      %parallel_loop3A_1373 = vector.broadcast %parallel_loop3A_1372 : i32 to vector<16xi32>
      %parallel_loop3A_1374 = arith.andi %parallel_loop3A_1365, %parallel_loop3A_1373 : vector<16xi32>
      %parallel_loop3A_1375 = arith.constant 1065353216 : i32
      %parallel_loop3A_1376 = vector.broadcast %parallel_loop3A_1375 : i32 to vector<16xi32>
      %parallel_loop3A_1377 = arith.ori %parallel_loop3A_1374, %parallel_loop3A_1376 : vector<16xi32>
      %parallel_loop3A_1378 = tpu.bitcast %parallel_loop3A_1377 : vector<16xi32> -> vector<16xf32>
      %parallel_loop3A_1379 = arith.constant 1.41421354 : f32
      %parallel_loop3A_1380 = vector.broadcast %parallel_loop3A_1379 : f32 to vector<16xf32>
      %parallel_loop3A_1381 = arith.cmpf ogt, %parallel_loop3A_1378, %parallel_loop3A_1380 : vector<16xf32>
      %parallel_loop3A_1382 = arith.constant 1 : i32
      %parallel_loop3A_1383 = vector.broadcast %parallel_loop3A_1382 : i32 to vector<16xi32>
      %parallel_loop3A_1384 = arith.addi %parallel_loop3A_1371, %parallel_loop3A_1383 : vector<16xi32>
      %parallel_loop3A_1385 = arith.select %parallel_loop3A_1381, %parallel_loop3A_1384, %parallel_loop3A_1371 : vector<16xi1>, vector<16xi32>
      %parallel_loop3A_1386 = arith.sitofp %parallel_loop3A_1385 : vector<16xi32> to vector<16xf32>
      %parallel_loop3A_1387 = arith.constant 5.000000e-01 : f32
      %parallel_loop3A_1388 = vector.broadcast %parallel_loop3A_1387 : f32 to vector<16xf32>
      %parallel_loop3A_1389 = arith.mulf %parallel_loop3A_1378, %parallel_loop3A_1388 : vector<16xf32>
      %parallel_loop3A_1390 = arith.select %parallel_loop3A_1381, %parallel_loop3A_1389, %parallel_loop3A_1378 : vector<16xi1>, vector<16xf32>
      %parallel_loop3A_1391 = arith.constant 1.000000e+00 : f32
      %parallel_loop3A_1392 = vector.broadcast %parallel_loop3A_1391 : f32 to vector<16xf32>
      %parallel_loop3A_1393 = arith.subf %parallel_loop3A_1390, %parallel_loop3A_1392 : vector<16xf32>
      %parallel_loop3A_1394 = arith.constant 1.000000e+00 : f32
      %parallel_loop3A_1395 = vector.broadcast %parallel_loop3A_1394 : f32 to vector<16xf32>
      %parallel_loop3A_1396 = arith.addf %parallel_loop3A_1390, %parallel_loop3A_1395 : vector<16xf32>
      %parallel_loop3A_1397 = arith.divf %parallel_loop3A_1393, %parallel_loop3A_1396 : vector<16xf32>
      %parallel_loop3A_1398 = arith.mulf %parallel_loop3A_1397, %parallel_loop3A_1397 : vector<16xf32>
      %parallel_loop3A_1399 = arith.constant 0.111111112 : f32
      %parallel_loop3A_1400 = vector.broadcast %parallel_loop3A_1399 : f32 to vector<16xf32>
      %parallel_loop3A_1401 = arith.mulf %parallel_loop3A_1398, %parallel_loop3A_1400 : vector<16xf32>
      %parallel_loop3A_1402 = arith.constant 0.142857149 : f32
      %parallel_loop3A_1403 = vector.broadcast %parallel_loop3A_1402 : f32 to vector<16xf32>
      %parallel_loop3A_1404 = arith.addf %parallel_loop3A_1403, %parallel_loop3A_1401 : vector<16xf32>
      %parallel_loop3A_1405 = arith.mulf %parallel_loop3A_1398, %parallel_loop3A_1404 : vector<16xf32>
      %parallel_loop3A_1406 = arith.constant 2.000000e-01 : f32
      %parallel_loop3A_1407 = vector.broadcast %parallel_loop3A_1406 : f32 to vector<16xf32>
      %parallel_loop3A_1408 = arith.addf %parallel_loop3A_1407, %parallel_loop3A_1405 : vector<16xf32>
      %parallel_loop3A_1409 = arith.mulf %parallel_loop3A_1398, %parallel_loop3A_1408 : vector<16xf32>
      %parallel_loop3A_1410 = arith.constant 0.333333343 : f32
      %parallel_loop3A_1411 = vector.broadcast %parallel_loop3A_1410 : f32 to vector<16xf32>
      %parallel_loop3A_1412 = arith.addf %parallel_loop3A_1411, %parallel_loop3A_1409 : vector<16xf32>
      %parallel_loop3A_1413 = arith.mulf %parallel_loop3A_1398, %parallel_loop3A_1412 : vector<16xf32>
      %parallel_loop3A_1414 = arith.constant 1.000000e+00 : f32
      %parallel_loop3A_1415 = vector.broadcast %parallel_loop3A_1414 : f32 to vector<16xf32>
      %parallel_loop3A_1416 = arith.addf %parallel_loop3A_1415, %parallel_loop3A_1413 : vector<16xf32>
      %parallel_loop3A_1417 = arith.constant 0.693147182 : f32
      %parallel_loop3A_1418 = vector.broadcast %parallel_loop3A_1417 : f32 to vector<16xf32>
      %parallel_loop3A_1419 = arith.mulf %parallel_loop3A_1386, %parallel_loop3A_1418 : vector<16xf32>
      %parallel_loop3A_1420 = arith.constant 2.000000e+00 : f32
      %parallel_loop3A_1421 = vector.broadcast %parallel_loop3A_1420 : f32 to vector<16xf32>
      %parallel_loop3A_1422 = arith.mulf %parallel_loop3A_1421, %parallel_loop3A_1397 : vector<16xf32>
      %parallel_loop3A_1423 = arith.mulf %parallel_loop3A_1422, %parallel_loop3A_1416 : vector<16xf32>
      %parallel_loop3A_1424 = arith.addf %parallel_loop3A_1419, %parallel_loop3A_1423 : vector<16xf32>
      %parallel_loop3A_1425 = arith.constant 0.000000e+00 : f32
      %parallel_loop3A_1426 = vector.broadcast %parallel_loop3A_1425 : f32 to vector<16xf32>
      %parallel_loop3A_1427 = arith.subf %parallel_loop3A_1426, %parallel_loop3A_1424 : vector<16xf32>
      %parallel_loop3A_1428 = arith.mulf %parallel_loop3A_1427, %parallel_loop3A_1427 : vector<16xf32>
      %parallel_loop3A_1429 = vector.broadcast %parallel_loop3A_200 : f32 to vector<16xf32>
      %parallel_loop3A_1430 = arith.divf %parallel_loop3A_1429, %parallel_loop3A_1428 : vector<16xf32>
      %parallel_loop3A_1431 = arith.index_cast %parallel_loop3A_186 : i32 to index
      %parallel_loop3A_1432 = arith.constant 48 : index
      %parallel_loop3A_1433 = tpu.vector_load %arg5[%parallel_loop3A_1431, %parallel_loop3A_1432] {strides = array<i32>} : memref<504x128xf32, #tpu.memory_space<vmem>>, vector<1x16xf32>,
      %parallel_loop3A_1434 = vector.shape_cast %parallel_loop3A_1433 : vector<1x16xf32> to vector<16xf32>
      %parallel_loop3A_1435 = vector.shape_cast %parallel_loop3A_1430 : vector<16xf32> to vector<1x16xf32>
      tpu.vector_store %arg5[%parallel_loop3A_1431, %parallel_loop3A_1432], %parallel_loop3A_1435 {strides = array<i32>} : memref<504x128xf32, #tpu.memory_space<vmem>>, vector<1x16xf32>,
      %parallel_loop3A_1436 = arith.addf %parallel_loop3A_190, %parallel_loop3A_1430 : vector<16xf32>
      %parallel_loop3A_1437 = arith.constant 64000 : i32
      %parallel_loop3A_1438 = arith.addi %add3A_66, %parallel_loop3A_1437 : i32
      %parallel_loop3A_1439 = arith.addi %parallel_loop3A_1438, %parallel_loop3A_186 : i32
      %parallel_loop3A_1440 = vector.broadcast %parallel_loop3A_1439 : i32 to vector<16xi32>
      %parallel_loop3A_1441 = arith.addi %parallel_loop3A_1440, %mul3A_59 : vector<16xi32>
      %parallel_loop3A_1442 = arith.constant 0 : i32
      %parallel_loop3A_1443 = vector.broadcast %parallel_loop3A_1442 : i32 to vector<16xi32>
      %parallel_loop3A_1444 = arith.constant 0 : i32
      %parallel_loop3A_1445 = vector.broadcast %parallel_loop3A_1444 : i32 to vector<16xi32>
      %parallel_loop3A_1446 = arith.addi %parallel_loop3A_1443, %parallel_loop3A_1445 : vector<16xi32>
      %parallel_loop3A_1447 = arith.constant 1234 : i32
      %parallel_loop3A_1448 = vector.broadcast %parallel_loop3A_1447 : i32 to vector<16xi32>
      %parallel_loop3A_1449 = arith.addi %parallel_loop3A_1441, %parallel_loop3A_1448 : vector<16xi32>
      %parallel_loop3A_1450 = arith.addi %parallel_loop3A_1446, %parallel_loop3A_1449 : vector<16xi32>
      %parallel_loop3A_1451 = arith.constant 13 : i32
      %parallel_loop3A_1452 = vector.broadcast %parallel_loop3A_1451 : i32 to vector<16xi32>
      %parallel_loop3A_1453 = arith.shli %parallel_loop3A_1449, %parallel_loop3A_1452 : vector<16xi32>
      %parallel_loop3A_1454 = arith.constant 19 : i32
      %parallel_loop3A_1455 = vector.broadcast %parallel_loop3A_1454 : i32 to vector<16xi32>
      %parallel_loop3A_1456 = arith.shrui %parallel_loop3A_1449, %parallel_loop3A_1455 : vector<16xi32>
      %parallel_loop3A_1457 = arith.ori %parallel_loop3A_1453, %parallel_loop3A_1456 : vector<16xi32>
      %parallel_loop3A_1458 = arith.xori %parallel_loop3A_1457, %parallel_loop3A_1450 : vector<16xi32>
      %parallel_loop3A_1459 = arith.addi %parallel_loop3A_1450, %parallel_loop3A_1458 : vector<16xi32>
      %parallel_loop3A_1460 = arith.constant 15 : i32
      %parallel_loop3A_1461 = vector.broadcast %parallel_loop3A_1460 : i32 to vector<16xi32>
      %parallel_loop3A_1462 = arith.shli %parallel_loop3A_1458, %parallel_loop3A_1461 : vector<16xi32>
      %parallel_loop3A_1463 = arith.constant 17 : i32
      %parallel_loop3A_1464 = vector.broadcast %parallel_loop3A_1463 : i32 to vector<16xi32>
      %parallel_loop3A_1465 = arith.shrui %parallel_loop3A_1458, %parallel_loop3A_1464 : vector<16xi32>
      %parallel_loop3A_1466 = arith.ori %parallel_loop3A_1462, %parallel_loop3A_1465 : vector<16xi32>
      %parallel_loop3A_1467 = arith.xori %parallel_loop3A_1466, %parallel_loop3A_1459 : vector<16xi32>
      %parallel_loop3A_1468 = arith.addi %parallel_loop3A_1459, %parallel_loop3A_1467 : vector<16xi32>
      %parallel_loop3A_1469 = arith.constant 26 : i32
      %parallel_loop3A_1470 = vector.broadcast %parallel_loop3A_1469 : i32 to vector<16xi32>
      %parallel_loop3A_1471 = arith.shli %parallel_loop3A_1467, %parallel_loop3A_1470 : vector<16xi32>
      %parallel_loop3A_1472 = arith.constant 6 : i32
      %parallel_loop3A_1473 = vector.broadcast %parallel_loop3A_1472 : i32 to vector<16xi32>
      %parallel_loop3A_1474 = arith.shrui %parallel_loop3A_1467, %parallel_loop3A_1473 : vector<16xi32>
      %parallel_loop3A_1475 = arith.ori %parallel_loop3A_1471, %parallel_loop3A_1474 : vector<16xi32>
      %parallel_loop3A_1476 = arith.xori %parallel_loop3A_1475, %parallel_loop3A_1468 : vector<16xi32>
      %parallel_loop3A_1477 = arith.addi %parallel_loop3A_1468, %parallel_loop3A_1476 : vector<16xi32>
      %parallel_loop3A_1478 = arith.constant 6 : i32
      %parallel_loop3A_1479 = vector.broadcast %parallel_loop3A_1478 : i32 to vector<16xi32>
      %parallel_loop3A_1480 = arith.shli %parallel_loop3A_1476, %parallel_loop3A_1479 : vector<16xi32>
      %parallel_loop3A_1481 = arith.constant 26 : i32
      %parallel_loop3A_1482 = vector.broadcast %parallel_loop3A_1481 : i32 to vector<16xi32>
      %parallel_loop3A_1483 = arith.shrui %parallel_loop3A_1476, %parallel_loop3A_1482 : vector<16xi32>
      %parallel_loop3A_1484 = arith.ori %parallel_loop3A_1480, %parallel_loop3A_1483 : vector<16xi32>
      %parallel_loop3A_1485 = arith.xori %parallel_loop3A_1484, %parallel_loop3A_1477 : vector<16xi32>
      %parallel_loop3A_1486 = arith.constant 1234 : i32
      %parallel_loop3A_1487 = vector.broadcast %parallel_loop3A_1486 : i32 to vector<16xi32>
      %parallel_loop3A_1488 = arith.addi %parallel_loop3A_1477, %parallel_loop3A_1487 : vector<16xi32>
      %parallel_loop3A_1489 = arith.constant 466689801 : i32
      %parallel_loop3A_1490 = vector.broadcast %parallel_loop3A_1489 : i32 to vector<16xi32>
      %parallel_loop3A_1491 = arith.addi %parallel_loop3A_1485, %parallel_loop3A_1490 : vector<16xi32>
      %parallel_loop3A_1492 = arith.addi %parallel_loop3A_1488, %parallel_loop3A_1491 : vector<16xi32>
      %parallel_loop3A_1493 = arith.constant 17 : i32
      %parallel_loop3A_1494 = vector.broadcast %parallel_loop3A_1493 : i32 to vector<16xi32>
      %parallel_loop3A_1495 = arith.shli %parallel_loop3A_1491, %parallel_loop3A_1494 : vector<16xi32>
      %parallel_loop3A_1496 = arith.constant 15 : i32
      %parallel_loop3A_1497 = vector.broadcast %parallel_loop3A_1496 : i32 to vector<16xi32>
      %parallel_loop3A_1498 = arith.shrui %parallel_loop3A_1491, %parallel_loop3A_1497 : vector<16xi32>
      %parallel_loop3A_1499 = arith.ori %parallel_loop3A_1495, %parallel_loop3A_1498 : vector<16xi32>
      %parallel_loop3A_1500 = arith.xori %parallel_loop3A_1499, %parallel_loop3A_1492 : vector<16xi32>
      %parallel_loop3A_1501 = arith.addi %parallel_loop3A_1492, %parallel_loop3A_1500 : vector<16xi32>
      %parallel_loop3A_1502 = arith.constant 29 : i32
      %parallel_loop3A_1503 = vector.broadcast %parallel_loop3A_1502 : i32 to vector<16xi32>
      %parallel_loop3A_1504 = arith.shli %parallel_loop3A_1500, %parallel_loop3A_1503 : vector<16xi32>
      %parallel_loop3A_1505 = arith.constant 3 : i32
      %parallel_loop3A_1506 = vector.broadcast %parallel_loop3A_1505 : i32 to vector<16xi32>
      %parallel_loop3A_1507 = arith.shrui %parallel_loop3A_1500, %parallel_loop3A_1506 : vector<16xi32>
      %parallel_loop3A_1508 = arith.ori %parallel_loop3A_1504, %parallel_loop3A_1507 : vector<16xi32>
      %parallel_loop3A_1509 = arith.xori %parallel_loop3A_1508, %parallel_loop3A_1501 : vector<16xi32>
      %parallel_loop3A_1510 = arith.addi %parallel_loop3A_1501, %parallel_loop3A_1509 : vector<16xi32>
      %parallel_loop3A_1511 = arith.constant 16 : i32
      %parallel_loop3A_1512 = vector.broadcast %parallel_loop3A_1511 : i32 to vector<16xi32>
      %parallel_loop3A_1513 = arith.shli %parallel_loop3A_1509, %parallel_loop3A_1512 : vector<16xi32>
      %parallel_loop3A_1514 = arith.constant 16 : i32
      %parallel_loop3A_1515 = vector.broadcast %parallel_loop3A_1514 : i32 to vector<16xi32>
      %parallel_loop3A_1516 = arith.shrui %parallel_loop3A_1509, %parallel_loop3A_1515 : vector<16xi32>
      %parallel_loop3A_1517 = arith.ori %parallel_loop3A_1513, %parallel_loop3A_1516 : vector<16xi32>
      %parallel_loop3A_1518 = arith.xori %parallel_loop3A_1517, %parallel_loop3A_1510 : vector<16xi32>
      %parallel_loop3A_1519 = arith.addi %parallel_loop3A_1510, %parallel_loop3A_1518 : vector<16xi32>
      %parallel_loop3A_1520 = arith.constant 24 : i32
      %parallel_loop3A_1521 = vector.broadcast %parallel_loop3A_1520 : i32 to vector<16xi32>
      %parallel_loop3A_1522 = arith.shli %parallel_loop3A_1518, %parallel_loop3A_1521 : vector<16xi32>
      %parallel_loop3A_1523 = arith.constant 8 : i32
      %parallel_loop3A_1524 = vector.broadcast %parallel_loop3A_1523 : i32 to vector<16xi32>
      %parallel_loop3A_1525 = arith.shrui %parallel_loop3A_1518, %parallel_loop3A_1524 : vector<16xi32>
      %parallel_loop3A_1526 = arith.ori %parallel_loop3A_1522, %parallel_loop3A_1525 : vector<16xi32>
      %parallel_loop3A_1527 = arith.xori %parallel_loop3A_1526, %parallel_loop3A_1519 : vector<16xi32>
      %parallel_loop3A_1528 = arith.constant 466689800 : i32
      %parallel_loop3A_1529 = vector.broadcast %parallel_loop3A_1528 : i32 to vector<16xi32>
      %parallel_loop3A_1530 = arith.addi %parallel_loop3A_1519, %parallel_loop3A_1529 : vector<16xi32>
      %parallel_loop3A_1531 = arith.constant 2 : i32
      %parallel_loop3A_1532 = vector.broadcast %parallel_loop3A_1531 : i32 to vector<16xi32>
      %parallel_loop3A_1533 = arith.addi %parallel_loop3A_1527, %parallel_loop3A_1532 : vector<16xi32>
      %parallel_loop3A_1534 = arith.addi %parallel_loop3A_1530, %parallel_loop3A_1533 : vector<16xi32>
      %parallel_loop3A_1535 = arith.constant 13 : i32
      %parallel_loop3A_1536 = vector.broadcast %parallel_loop3A_1535 : i32 to vector<16xi32>
      %parallel_loop3A_1537 = arith.shli %parallel_loop3A_1533, %parallel_loop3A_1536 : vector<16xi32>
      %parallel_loop3A_1538 = arith.constant 19 : i32
      %parallel_loop3A_1539 = vector.broadcast %parallel_loop3A_1538 : i32 to vector<16xi32>
      %parallel_loop3A_1540 = arith.shrui %parallel_loop3A_1533, %parallel_loop3A_1539 : vector<16xi32>
      %parallel_loop3A_1541 = arith.ori %parallel_loop3A_1537, %parallel_loop3A_1540 : vector<16xi32>
      %parallel_loop3A_1542 = arith.xori %parallel_loop3A_1541, %parallel_loop3A_1534 : vector<16xi32>
      %parallel_loop3A_1543 = arith.addi %parallel_loop3A_1534, %parallel_loop3A_1542 : vector<16xi32>
      %parallel_loop3A_1544 = arith.constant 15 : i32
      %parallel_loop3A_1545 = vector.broadcast %parallel_loop3A_1544 : i32 to vector<16xi32>
      %parallel_loop3A_1546 = arith.shli %parallel_loop3A_1542, %parallel_loop3A_1545 : vector<16xi32>
      %parallel_loop3A_1547 = arith.constant 17 : i32
      %parallel_loop3A_1548 = vector.broadcast %parallel_loop3A_1547 : i32 to vector<16xi32>
      %parallel_loop3A_1549 = arith.shrui %parallel_loop3A_1542, %parallel_loop3A_1548 : vector<16xi32>
      %parallel_loop3A_1550 = arith.ori %parallel_loop3A_1546, %parallel_loop3A_1549 : vector<16xi32>
      %parallel_loop3A_1551 = arith.xori %parallel_loop3A_1550, %parallel_loop3A_1543 : vector<16xi32>
      %parallel_loop3A_1552 = arith.addi %parallel_loop3A_1543, %parallel_loop3A_1551 : vector<16xi32>
      %parallel_loop3A_1553 = arith.constant 26 : i32
      %parallel_loop3A_1554 = vector.broadcast %parallel_loop3A_1553 : i32 to vector<16xi32>
      %parallel_loop3A_1555 = arith.shli %parallel_loop3A_1551, %parallel_loop3A_1554 : vector<16xi32>
      %parallel_loop3A_1556 = arith.constant 6 : i32
      %parallel_loop3A_1557 = vector.broadcast %parallel_loop3A_1556 : i32 to vector<16xi32>
      %parallel_loop3A_1558 = arith.shrui %parallel_loop3A_1551, %parallel_loop3A_1557 : vector<16xi32>
      %parallel_loop3A_1559 = arith.ori %parallel_loop3A_1555, %parallel_loop3A_1558 : vector<16xi32>
      %parallel_loop3A_1560 = arith.xori %parallel_loop3A_1559, %parallel_loop3A_1552 : vector<16xi32>
      %parallel_loop3A_1561 = arith.addi %parallel_loop3A_1552, %parallel_loop3A_1560 : vector<16xi32>
      %parallel_loop3A_1562 = arith.constant 6 : i32
      %parallel_loop3A_1563 = vector.broadcast %parallel_loop3A_1562 : i32 to vector<16xi32>
      %parallel_loop3A_1564 = arith.shli %parallel_loop3A_1560, %parallel_loop3A_1563 : vector<16xi32>
      %parallel_loop3A_1565 = arith.constant 26 : i32
      %parallel_loop3A_1566 = vector.broadcast %parallel_loop3A_1565 : i32 to vector<16xi32>
      %parallel_loop3A_1567 = arith.shrui %parallel_loop3A_1560, %parallel_loop3A_1566 : vector<16xi32>
      %parallel_loop3A_1568 = arith.ori %parallel_loop3A_1564, %parallel_loop3A_1567 : vector<16xi32>
      %parallel_loop3A_1569 = arith.xori %parallel_loop3A_1568, %parallel_loop3A_1561 : vector<16xi32>
      %parallel_loop3A_1570 = arith.constant 0 : i32
      %parallel_loop3A_1571 = vector.broadcast %parallel_loop3A_1570 : i32 to vector<16xi32>
      %parallel_loop3A_1572 = arith.addi %parallel_loop3A_1561, %parallel_loop3A_1571 : vector<16xi32>
      %parallel_loop3A_1573 = arith.constant 1237 : i32
      %parallel_loop3A_1574 = vector.broadcast %parallel_loop3A_1573 : i32 to vector<16xi32>
      %parallel_loop3A_1575 = arith.addi %parallel_loop3A_1569, %parallel_loop3A_1574 : vector<16xi32>
      %parallel_loop3A_1576 = arith.addi %parallel_loop3A_1572, %parallel_loop3A_1575 : vector<16xi32>
      %parallel_loop3A_1577 = arith.constant 17 : i32
      %parallel_loop3A_1578 = vector.broadcast %parallel_loop3A_1577 : i32 to vector<16xi32>
      %parallel_loop3A_1579 = arith.shli %parallel_loop3A_1575, %parallel_loop3A_1578 : vector<16xi32>
      %parallel_loop3A_1580 = arith.constant 15 : i32
      %parallel_loop3A_1581 = vector.broadcast %parallel_loop3A_1580 : i32 to vector<16xi32>
      %parallel_loop3A_1582 = arith.shrui %parallel_loop3A_1575, %parallel_loop3A_1581 : vector<16xi32>
      %parallel_loop3A_1583 = arith.ori %parallel_loop3A_1579, %parallel_loop3A_1582 : vector<16xi32>
      %parallel_loop3A_1584 = arith.xori %parallel_loop3A_1583, %parallel_loop3A_1576 : vector<16xi32>
      %parallel_loop3A_1585 = arith.addi %parallel_loop3A_1576, %parallel_loop3A_1584 : vector<16xi32>
      %parallel_loop3A_1586 = arith.constant 29 : i32
      %parallel_loop3A_1587 = vector.broadcast %parallel_loop3A_1586 : i32 to vector<16xi32>
      %parallel_loop3A_1588 = arith.shli %parallel_loop3A_1584, %parallel_loop3A_1587 : vector<16xi32>
      %parallel_loop3A_1589 = arith.constant 3 : i32
      %parallel_loop3A_1590 = vector.broadcast %parallel_loop3A_1589 : i32 to vector<16xi32>
      %parallel_loop3A_1591 = arith.shrui %parallel_loop3A_1584, %parallel_loop3A_1590 : vector<16xi32>
      %parallel_loop3A_1592 = arith.ori %parallel_loop3A_1588, %parallel_loop3A_1591 : vector<16xi32>
      %parallel_loop3A_1593 = arith.xori %parallel_loop3A_1592, %parallel_loop3A_1585 : vector<16xi32>
      %parallel_loop3A_1594 = arith.addi %parallel_loop3A_1585, %parallel_loop3A_1593 : vector<16xi32>
      %parallel_loop3A_1595 = arith.constant 16 : i32
      %parallel_loop3A_1596 = vector.broadcast %parallel_loop3A_1595 : i32 to vector<16xi32>
      %parallel_loop3A_1597 = arith.shli %parallel_loop3A_1593, %parallel_loop3A_1596 : vector<16xi32>
      %parallel_loop3A_1598 = arith.constant 16 : i32
      %parallel_loop3A_1599 = vector.broadcast %parallel_loop3A_1598 : i32 to vector<16xi32>
      %parallel_loop3A_1600 = arith.shrui %parallel_loop3A_1593, %parallel_loop3A_1599 : vector<16xi32>
      %parallel_loop3A_1601 = arith.ori %parallel_loop3A_1597, %parallel_loop3A_1600 : vector<16xi32>
      %parallel_loop3A_1602 = arith.xori %parallel_loop3A_1601, %parallel_loop3A_1594 : vector<16xi32>
      %parallel_loop3A_1603 = arith.addi %parallel_loop3A_1594, %parallel_loop3A_1602 : vector<16xi32>
      %parallel_loop3A_1604 = arith.constant 24 : i32
      %parallel_loop3A_1605 = vector.broadcast %parallel_loop3A_1604 : i32 to vector<16xi32>
      %parallel_loop3A_1606 = arith.shli %parallel_loop3A_1602, %parallel_loop3A_1605 : vector<16xi32>
      %parallel_loop3A_1607 = arith.constant 8 : i32
      %parallel_loop3A_1608 = vector.broadcast %parallel_loop3A_1607 : i32 to vector<16xi32>
      %parallel_loop3A_1609 = arith.shrui %parallel_loop3A_1602, %parallel_loop3A_1608 : vector<16xi32>
      %parallel_loop3A_1610 = arith.ori %parallel_loop3A_1606, %parallel_loop3A_1609 : vector<16xi32>
      %parallel_loop3A_1611 = arith.xori %parallel_loop3A_1610, %parallel_loop3A_1603 : vector<16xi32>
      %parallel_loop3A_1612 = arith.constant 1234 : i32
      %parallel_loop3A_1613 = vector.broadcast %parallel_loop3A_1612 : i32 to vector<16xi32>
      %parallel_loop3A_1614 = arith.addi %parallel_loop3A_1603, %parallel_loop3A_1613 : vector<16xi32>
      %parallel_loop3A_1615 = arith.constant 466689804 : i32
      %parallel_loop3A_1616 = vector.broadcast %parallel_loop3A_1615 : i32 to vector<16xi32>
      %parallel_loop3A_1617 = arith.addi %parallel_loop3A_1611, %parallel_loop3A_1616 : vector<16xi32>
      %parallel_loop3A_1618 = arith.addi %parallel_loop3A_1614, %parallel_loop3A_1617 : vector<16xi32>
      %parallel_loop3A_1619 = arith.constant 13 : i32
      %parallel_loop3A_1620 = vector.broadcast %parallel_loop3A_1619 : i32 to vector<16xi32>
      %parallel_loop3A_1621 = arith.shli %parallel_loop3A_1617, %parallel_loop3A_1620 : vector<16xi32>
      %parallel_loop3A_1622 = arith.constant 19 : i32
      %parallel_loop3A_1623 = vector.broadcast %parallel_loop3A_1622 : i32 to vector<16xi32>
      %parallel_loop3A_1624 = arith.shrui %parallel_loop3A_1617, %parallel_loop3A_1623 : vector<16xi32>
      %parallel_loop3A_1625 = arith.ori %parallel_loop3A_1621, %parallel_loop3A_1624 : vector<16xi32>
      %parallel_loop3A_1626 = arith.xori %parallel_loop3A_1625, %parallel_loop3A_1618 : vector<16xi32>
      %parallel_loop3A_1627 = arith.addi %parallel_loop3A_1618, %parallel_loop3A_1626 : vector<16xi32>
      %parallel_loop3A_1628 = arith.constant 15 : i32
      %parallel_loop3A_1629 = vector.broadcast %parallel_loop3A_1628 : i32 to vector<16xi32>
      %parallel_loop3A_1630 = arith.shli %parallel_loop3A_1626, %parallel_loop3A_1629 : vector<16xi32>
      %parallel_loop3A_1631 = arith.constant 17 : i32
      %parallel_loop3A_1632 = vector.broadcast %parallel_loop3A_1631 : i32 to vector<16xi32>
      %parallel_loop3A_1633 = arith.shrui %parallel_loop3A_1626, %parallel_loop3A_1632 : vector<16xi32>
      %parallel_loop3A_1634 = arith.ori %parallel_loop3A_1630, %parallel_loop3A_1633 : vector<16xi32>
      %parallel_loop3A_1635 = arith.xori %parallel_loop3A_1634, %parallel_loop3A_1627 : vector<16xi32>
      %parallel_loop3A_1636 = arith.addi %parallel_loop3A_1627, %parallel_loop3A_1635 : vector<16xi32>
      %parallel_loop3A_1637 = arith.constant 26 : i32
      %parallel_loop3A_1638 = vector.broadcast %parallel_loop3A_1637 : i32 to vector<16xi32>
      %parallel_loop3A_1639 = arith.shli %parallel_loop3A_1635, %parallel_loop3A_1638 : vector<16xi32>
      %parallel_loop3A_1640 = arith.constant 6 : i32
      %parallel_loop3A_1641 = vector.broadcast %parallel_loop3A_1640 : i32 to vector<16xi32>
      %parallel_loop3A_1642 = arith.shrui %parallel_loop3A_1635, %parallel_loop3A_1641 : vector<16xi32>
      %parallel_loop3A_1643 = arith.ori %parallel_loop3A_1639, %parallel_loop3A_1642 : vector<16xi32>
      %parallel_loop3A_1644 = arith.xori %parallel_loop3A_1643, %parallel_loop3A_1636 : vector<16xi32>
      %parallel_loop3A_1645 = arith.addi %parallel_loop3A_1636, %parallel_loop3A_1644 : vector<16xi32>
      %parallel_loop3A_1646 = arith.constant 6 : i32
      %parallel_loop3A_1647 = vector.broadcast %parallel_loop3A_1646 : i32 to vector<16xi32>
      %parallel_loop3A_1648 = arith.shli %parallel_loop3A_1644, %parallel_loop3A_1647 : vector<16xi32>
      %parallel_loop3A_1649 = arith.constant 26 : i32
      %parallel_loop3A_1650 = vector.broadcast %parallel_loop3A_1649 : i32 to vector<16xi32>
      %parallel_loop3A_1651 = arith.shrui %parallel_loop3A_1644, %parallel_loop3A_1650 : vector<16xi32>
      %parallel_loop3A_1652 = arith.ori %parallel_loop3A_1648, %parallel_loop3A_1651 : vector<16xi32>
      %parallel_loop3A_1653 = arith.xori %parallel_loop3A_1652, %parallel_loop3A_1645 : vector<16xi32>
      %parallel_loop3A_1654 = arith.constant 466689800 : i32
      %parallel_loop3A_1655 = vector.broadcast %parallel_loop3A_1654 : i32 to vector<16xi32>
      %parallel_loop3A_1656 = arith.addi %parallel_loop3A_1645, %parallel_loop3A_1655 : vector<16xi32>
      %parallel_loop3A_1657 = arith.constant 5 : i32
      %parallel_loop3A_1658 = vector.broadcast %parallel_loop3A_1657 : i32 to vector<16xi32>
      %parallel_loop3A_1659 = arith.addi %parallel_loop3A_1653, %parallel_loop3A_1658 : vector<16xi32>
      %parallel_loop3A_1660 = arith.xori %parallel_loop3A_1656, %parallel_loop3A_1659 : vector<16xi32>
      %parallel_loop3A_1661 = arith.constant 9 : i32
      %parallel_loop3A_1662 = vector.broadcast %parallel_loop3A_1661 : i32 to vector<16xi32>
      %parallel_loop3A_1663 = arith.shrui %parallel_loop3A_1660, %parallel_loop3A_1662 : vector<16xi32>
      %parallel_loop3A_1664 = arith.constant 1065353216 : i32
      %parallel_loop3A_1665 = vector.broadcast %parallel_loop3A_1664 : i32 to vector<16xi32>
      %parallel_loop3A_1666 = arith.ori %parallel_loop3A_1663, %parallel_loop3A_1665 : vector<16xi32>
      %parallel_loop3A_1667 = tpu.bitcast %parallel_loop3A_1666 : vector<16xi32> -> vector<16xf32>
      %parallel_loop3A_1668 = arith.constant 1.000000e+00 : f32
      %parallel_loop3A_1669 = vector.broadcast %parallel_loop3A_1668 : f32 to vector<16xf32>
      %parallel_loop3A_1670 = arith.subf %parallel_loop3A_1667, %parallel_loop3A_1669 : vector<16xf32>
      %parallel_loop3A_1671 = arith.constant 9.99999968E-21 : f32
      %parallel_loop3A_1672 = vector.broadcast %parallel_loop3A_1671 : f32 to vector<16xf32>
      %parallel_loop3A_1673 = arith.maximumf %parallel_loop3A_1670, %parallel_loop3A_1672 : vector<16xf32>
      %parallel_loop3A_1674 = tpu.bitcast %parallel_loop3A_1673 : vector<16xf32> -> vector<16xi32>
      %parallel_loop3A_1675 = arith.constant 23 : i32
      %parallel_loop3A_1676 = vector.broadcast %parallel_loop3A_1675 : i32 to vector<16xi32>
      %parallel_loop3A_1677 = arith.shrui %parallel_loop3A_1674, %parallel_loop3A_1676 : vector<16xi32>
      %parallel_loop3A_1678 = arith.constant 127 : i32
      %parallel_loop3A_1679 = vector.broadcast %parallel_loop3A_1678 : i32 to vector<16xi32>
      %parallel_loop3A_1680 = arith.subi %parallel_loop3A_1677, %parallel_loop3A_1679 : vector<16xi32>
      %parallel_loop3A_1681 = arith.constant 8388607 : i32
      %parallel_loop3A_1682 = vector.broadcast %parallel_loop3A_1681 : i32 to vector<16xi32>
      %parallel_loop3A_1683 = arith.andi %parallel_loop3A_1674, %parallel_loop3A_1682 : vector<16xi32>
      %parallel_loop3A_1684 = arith.constant 1065353216 : i32
      %parallel_loop3A_1685 = vector.broadcast %parallel_loop3A_1684 : i32 to vector<16xi32>
      %parallel_loop3A_1686 = arith.ori %parallel_loop3A_1683, %parallel_loop3A_1685 : vector<16xi32>
      %parallel_loop3A_1687 = tpu.bitcast %parallel_loop3A_1686 : vector<16xi32> -> vector<16xf32>
      %parallel_loop3A_1688 = arith.constant 1.41421354 : f32
      %parallel_loop3A_1689 = vector.broadcast %parallel_loop3A_1688 : f32 to vector<16xf32>
      %parallel_loop3A_1690 = arith.cmpf ogt, %parallel_loop3A_1687, %parallel_loop3A_1689 : vector<16xf32>
      %parallel_loop3A_1691 = arith.constant 1 : i32
      %parallel_loop3A_1692 = vector.broadcast %parallel_loop3A_1691 : i32 to vector<16xi32>
      %parallel_loop3A_1693 = arith.addi %parallel_loop3A_1680, %parallel_loop3A_1692 : vector<16xi32>
      %parallel_loop3A_1694 = arith.select %parallel_loop3A_1690, %parallel_loop3A_1693, %parallel_loop3A_1680 : vector<16xi1>, vector<16xi32>
      %parallel_loop3A_1695 = arith.sitofp %parallel_loop3A_1694 : vector<16xi32> to vector<16xf32>
      %parallel_loop3A_1696 = arith.constant 5.000000e-01 : f32
      %parallel_loop3A_1697 = vector.broadcast %parallel_loop3A_1696 : f32 to vector<16xf32>
      %parallel_loop3A_1698 = arith.mulf %parallel_loop3A_1687, %parallel_loop3A_1697 : vector<16xf32>
      %parallel_loop3A_1699 = arith.select %parallel_loop3A_1690, %parallel_loop3A_1698, %parallel_loop3A_1687 : vector<16xi1>, vector<16xf32>
      %parallel_loop3A_1700 = arith.constant 1.000000e+00 : f32
      %parallel_loop3A_1701 = vector.broadcast %parallel_loop3A_1700 : f32 to vector<16xf32>
      %parallel_loop3A_1702 = arith.subf %parallel_loop3A_1699, %parallel_loop3A_1701 : vector<16xf32>
      %parallel_loop3A_1703 = arith.constant 1.000000e+00 : f32
      %parallel_loop3A_1704 = vector.broadcast %parallel_loop3A_1703 : f32 to vector<16xf32>
      %parallel_loop3A_1705 = arith.addf %parallel_loop3A_1699, %parallel_loop3A_1704 : vector<16xf32>
      %parallel_loop3A_1706 = arith.divf %parallel_loop3A_1702, %parallel_loop3A_1705 : vector<16xf32>
      %parallel_loop3A_1707 = arith.mulf %parallel_loop3A_1706, %parallel_loop3A_1706 : vector<16xf32>
      %parallel_loop3A_1708 = arith.constant 0.111111112 : f32
      %parallel_loop3A_1709 = vector.broadcast %parallel_loop3A_1708 : f32 to vector<16xf32>
      %parallel_loop3A_1710 = arith.mulf %parallel_loop3A_1707, %parallel_loop3A_1709 : vector<16xf32>
      %parallel_loop3A_1711 = arith.constant 0.142857149 : f32
      %parallel_loop3A_1712 = vector.broadcast %parallel_loop3A_1711 : f32 to vector<16xf32>
      %parallel_loop3A_1713 = arith.addf %parallel_loop3A_1712, %parallel_loop3A_1710 : vector<16xf32>
      %parallel_loop3A_1714 = arith.mulf %parallel_loop3A_1707, %parallel_loop3A_1713 : vector<16xf32>
      %parallel_loop3A_1715 = arith.constant 2.000000e-01 : f32
      %parallel_loop3A_1716 = vector.broadcast %parallel_loop3A_1715 : f32 to vector<16xf32>
      %parallel_loop3A_1717 = arith.addf %parallel_loop3A_1716, %parallel_loop3A_1714 : vector<16xf32>
      %parallel_loop3A_1718 = arith.mulf %parallel_loop3A_1707, %parallel_loop3A_1717 : vector<16xf32>
      %parallel_loop3A_1719 = arith.constant 0.333333343 : f32
      %parallel_loop3A_1720 = vector.broadcast %parallel_loop3A_1719 : f32 to vector<16xf32>
      %parallel_loop3A_1721 = arith.addf %parallel_loop3A_1720, %parallel_loop3A_1718 : vector<16xf32>
      %parallel_loop3A_1722 = arith.mulf %parallel_loop3A_1707, %parallel_loop3A_1721 : vector<16xf32>
      %parallel_loop3A_1723 = arith.constant 1.000000e+00 : f32
      %parallel_loop3A_1724 = vector.broadcast %parallel_loop3A_1723 : f32 to vector<16xf32>
      %parallel_loop3A_1725 = arith.addf %parallel_loop3A_1724, %parallel_loop3A_1722 : vector<16xf32>
      %parallel_loop3A_1726 = arith.constant 0.693147182 : f32
      %parallel_loop3A_1727 = vector.broadcast %parallel_loop3A_1726 : f32 to vector<16xf32>
      %parallel_loop3A_1728 = arith.mulf %parallel_loop3A_1695, %parallel_loop3A_1727 : vector<16xf32>
      %parallel_loop3A_1729 = arith.constant 2.000000e+00 : f32
      %parallel_loop3A_1730 = vector.broadcast %parallel_loop3A_1729 : f32 to vector<16xf32>
      %parallel_loop3A_1731 = arith.mulf %parallel_loop3A_1730, %parallel_loop3A_1706 : vector<16xf32>
      %parallel_loop3A_1732 = arith.mulf %parallel_loop3A_1731, %parallel_loop3A_1725 : vector<16xf32>
      %parallel_loop3A_1733 = arith.addf %parallel_loop3A_1728, %parallel_loop3A_1732 : vector<16xf32>
      %parallel_loop3A_1734 = arith.constant 0.000000e+00 : f32
      %parallel_loop3A_1735 = vector.broadcast %parallel_loop3A_1734 : f32 to vector<16xf32>
      %parallel_loop3A_1736 = arith.subf %parallel_loop3A_1735, %parallel_loop3A_1733 : vector<16xf32>
      %parallel_loop3A_1737 = arith.mulf %parallel_loop3A_1736, %parallel_loop3A_1736 : vector<16xf32>
      %parallel_loop3A_1738 = vector.broadcast %parallel_loop3A_200 : f32 to vector<16xf32>
      %parallel_loop3A_1739 = arith.divf %parallel_loop3A_1738, %parallel_loop3A_1737 : vector<16xf32>
      %parallel_loop3A_1740 = arith.index_cast %parallel_loop3A_186 : i32 to index
      %parallel_loop3A_1741 = arith.constant 64 : index
      %parallel_loop3A_1742 = tpu.vector_load %arg5[%parallel_loop3A_1740, %parallel_loop3A_1741] {strides = array<i32>} : memref<504x128xf32, #tpu.memory_space<vmem>>, vector<1x16xf32>,
      %parallel_loop3A_1743 = vector.shape_cast %parallel_loop3A_1742 : vector<1x16xf32> to vector<16xf32>
      %parallel_loop3A_1744 = vector.shape_cast %parallel_loop3A_1739 : vector<16xf32> to vector<1x16xf32>
      tpu.vector_store %arg5[%parallel_loop3A_1740, %parallel_loop3A_1741], %parallel_loop3A_1744 {strides = array<i32>} : memref<504x128xf32, #tpu.memory_space<vmem>>, vector<1x16xf32>,
      %parallel_loop3A_1745 = arith.addf %parallel_loop3A_191, %parallel_loop3A_1739 : vector<16xf32>
      %parallel_loop3A_1746 = arith.constant 80000 : i32
      %parallel_loop3A_1747 = arith.addi %add3A_66, %parallel_loop3A_1746 : i32
      %parallel_loop3A_1748 = arith.addi %parallel_loop3A_1747, %parallel_loop3A_186 : i32
      %parallel_loop3A_1749 = vector.broadcast %parallel_loop3A_1748 : i32 to vector<16xi32>
      %parallel_loop3A_1750 = arith.addi %parallel_loop3A_1749, %mul3A_59 : vector<16xi32>
      %parallel_loop3A_1751 = arith.constant 0 : i32
      %parallel_loop3A_1752 = vector.broadcast %parallel_loop3A_1751 : i32 to vector<16xi32>
      %parallel_loop3A_1753 = arith.constant 0 : i32
      %parallel_loop3A_1754 = vector.broadcast %parallel_loop3A_1753 : i32 to vector<16xi32>
      %parallel_loop3A_1755 = arith.addi %parallel_loop3A_1752, %parallel_loop3A_1754 : vector<16xi32>
      %parallel_loop3A_1756 = arith.constant 1234 : i32
      %parallel_loop3A_1757 = vector.broadcast %parallel_loop3A_1756 : i32 to vector<16xi32>
      %parallel_loop3A_1758 = arith.addi %parallel_loop3A_1750, %parallel_loop3A_1757 : vector<16xi32>
      %parallel_loop3A_1759 = arith.addi %parallel_loop3A_1755, %parallel_loop3A_1758 : vector<16xi32>
      %parallel_loop3A_1760 = arith.constant 13 : i32
      %parallel_loop3A_1761 = vector.broadcast %parallel_loop3A_1760 : i32 to vector<16xi32>
      %parallel_loop3A_1762 = arith.shli %parallel_loop3A_1758, %parallel_loop3A_1761 : vector<16xi32>
      %parallel_loop3A_1763 = arith.constant 19 : i32
      %parallel_loop3A_1764 = vector.broadcast %parallel_loop3A_1763 : i32 to vector<16xi32>
      %parallel_loop3A_1765 = arith.shrui %parallel_loop3A_1758, %parallel_loop3A_1764 : vector<16xi32>
      %parallel_loop3A_1766 = arith.ori %parallel_loop3A_1762, %parallel_loop3A_1765 : vector<16xi32>
      %parallel_loop3A_1767 = arith.xori %parallel_loop3A_1766, %parallel_loop3A_1759 : vector<16xi32>
      %parallel_loop3A_1768 = arith.addi %parallel_loop3A_1759, %parallel_loop3A_1767 : vector<16xi32>
      %parallel_loop3A_1769 = arith.constant 15 : i32
      %parallel_loop3A_1770 = vector.broadcast %parallel_loop3A_1769 : i32 to vector<16xi32>
      %parallel_loop3A_1771 = arith.shli %parallel_loop3A_1767, %parallel_loop3A_1770 : vector<16xi32>
      %parallel_loop3A_1772 = arith.constant 17 : i32
      %parallel_loop3A_1773 = vector.broadcast %parallel_loop3A_1772 : i32 to vector<16xi32>
      %parallel_loop3A_1774 = arith.shrui %parallel_loop3A_1767, %parallel_loop3A_1773 : vector<16xi32>
      %parallel_loop3A_1775 = arith.ori %parallel_loop3A_1771, %parallel_loop3A_1774 : vector<16xi32>
      %parallel_loop3A_1776 = arith.xori %parallel_loop3A_1775, %parallel_loop3A_1768 : vector<16xi32>
      %parallel_loop3A_1777 = arith.addi %parallel_loop3A_1768, %parallel_loop3A_1776 : vector<16xi32>
      %parallel_loop3A_1778 = arith.constant 26 : i32
      %parallel_loop3A_1779 = vector.broadcast %parallel_loop3A_1778 : i32 to vector<16xi32>
      %parallel_loop3A_1780 = arith.shli %parallel_loop3A_1776, %parallel_loop3A_1779 : vector<16xi32>
      %parallel_loop3A_1781 = arith.constant 6 : i32
      %parallel_loop3A_1782 = vector.broadcast %parallel_loop3A_1781 : i32 to vector<16xi32>
      %parallel_loop3A_1783 = arith.shrui %parallel_loop3A_1776, %parallel_loop3A_1782 : vector<16xi32>
      %parallel_loop3A_1784 = arith.ori %parallel_loop3A_1780, %parallel_loop3A_1783 : vector<16xi32>
      %parallel_loop3A_1785 = arith.xori %parallel_loop3A_1784, %parallel_loop3A_1777 : vector<16xi32>
      %parallel_loop3A_1786 = arith.addi %parallel_loop3A_1777, %parallel_loop3A_1785 : vector<16xi32>
      %parallel_loop3A_1787 = arith.constant 6 : i32
      %parallel_loop3A_1788 = vector.broadcast %parallel_loop3A_1787 : i32 to vector<16xi32>
      %parallel_loop3A_1789 = arith.shli %parallel_loop3A_1785, %parallel_loop3A_1788 : vector<16xi32>
      %parallel_loop3A_1790 = arith.constant 26 : i32
      %parallel_loop3A_1791 = vector.broadcast %parallel_loop3A_1790 : i32 to vector<16xi32>
      %parallel_loop3A_1792 = arith.shrui %parallel_loop3A_1785, %parallel_loop3A_1791 : vector<16xi32>
      %parallel_loop3A_1793 = arith.ori %parallel_loop3A_1789, %parallel_loop3A_1792 : vector<16xi32>
      %parallel_loop3A_1794 = arith.xori %parallel_loop3A_1793, %parallel_loop3A_1786 : vector<16xi32>
      %parallel_loop3A_1795 = arith.constant 1234 : i32
      %parallel_loop3A_1796 = vector.broadcast %parallel_loop3A_1795 : i32 to vector<16xi32>
      %parallel_loop3A_1797 = arith.addi %parallel_loop3A_1786, %parallel_loop3A_1796 : vector<16xi32>
      %parallel_loop3A_1798 = arith.constant 466689801 : i32
      %parallel_loop3A_1799 = vector.broadcast %parallel_loop3A_1798 : i32 to vector<16xi32>
      %parallel_loop3A_1800 = arith.addi %parallel_loop3A_1794, %parallel_loop3A_1799 : vector<16xi32>
      %parallel_loop3A_1801 = arith.addi %parallel_loop3A_1797, %parallel_loop3A_1800 : vector<16xi32>
      %parallel_loop3A_1802 = arith.constant 17 : i32
      %parallel_loop3A_1803 = vector.broadcast %parallel_loop3A_1802 : i32 to vector<16xi32>
      %parallel_loop3A_1804 = arith.shli %parallel_loop3A_1800, %parallel_loop3A_1803 : vector<16xi32>
      %parallel_loop3A_1805 = arith.constant 15 : i32
      %parallel_loop3A_1806 = vector.broadcast %parallel_loop3A_1805 : i32 to vector<16xi32>
      %parallel_loop3A_1807 = arith.shrui %parallel_loop3A_1800, %parallel_loop3A_1806 : vector<16xi32>
      %parallel_loop3A_1808 = arith.ori %parallel_loop3A_1804, %parallel_loop3A_1807 : vector<16xi32>
      %parallel_loop3A_1809 = arith.xori %parallel_loop3A_1808, %parallel_loop3A_1801 : vector<16xi32>
      %parallel_loop3A_1810 = arith.addi %parallel_loop3A_1801, %parallel_loop3A_1809 : vector<16xi32>
      %parallel_loop3A_1811 = arith.constant 29 : i32
      %parallel_loop3A_1812 = vector.broadcast %parallel_loop3A_1811 : i32 to vector<16xi32>
      %parallel_loop3A_1813 = arith.shli %parallel_loop3A_1809, %parallel_loop3A_1812 : vector<16xi32>
      %parallel_loop3A_1814 = arith.constant 3 : i32
      %parallel_loop3A_1815 = vector.broadcast %parallel_loop3A_1814 : i32 to vector<16xi32>
      %parallel_loop3A_1816 = arith.shrui %parallel_loop3A_1809, %parallel_loop3A_1815 : vector<16xi32>
      %parallel_loop3A_1817 = arith.ori %parallel_loop3A_1813, %parallel_loop3A_1816 : vector<16xi32>
      %parallel_loop3A_1818 = arith.xori %parallel_loop3A_1817, %parallel_loop3A_1810 : vector<16xi32>
      %parallel_loop3A_1819 = arith.addi %parallel_loop3A_1810, %parallel_loop3A_1818 : vector<16xi32>
      %parallel_loop3A_1820 = arith.constant 16 : i32
      %parallel_loop3A_1821 = vector.broadcast %parallel_loop3A_1820 : i32 to vector<16xi32>
      %parallel_loop3A_1822 = arith.shli %parallel_loop3A_1818, %parallel_loop3A_1821 : vector<16xi32>
      %parallel_loop3A_1823 = arith.constant 16 : i32
      %parallel_loop3A_1824 = vector.broadcast %parallel_loop3A_1823 : i32 to vector<16xi32>
      %parallel_loop3A_1825 = arith.shrui %parallel_loop3A_1818, %parallel_loop3A_1824 : vector<16xi32>
      %parallel_loop3A_1826 = arith.ori %parallel_loop3A_1822, %parallel_loop3A_1825 : vector<16xi32>
      %parallel_loop3A_1827 = arith.xori %parallel_loop3A_1826, %parallel_loop3A_1819 : vector<16xi32>
      %parallel_loop3A_1828 = arith.addi %parallel_loop3A_1819, %parallel_loop3A_1827 : vector<16xi32>
      %parallel_loop3A_1829 = arith.constant 24 : i32
      %parallel_loop3A_1830 = vector.broadcast %parallel_loop3A_1829 : i32 to vector<16xi32>
      %parallel_loop3A_1831 = arith.shli %parallel_loop3A_1827, %parallel_loop3A_1830 : vector<16xi32>
      %parallel_loop3A_1832 = arith.constant 8 : i32
      %parallel_loop3A_1833 = vector.broadcast %parallel_loop3A_1832 : i32 to vector<16xi32>
      %parallel_loop3A_1834 = arith.shrui %parallel_loop3A_1827, %parallel_loop3A_1833 : vector<16xi32>
      %parallel_loop3A_1835 = arith.ori %parallel_loop3A_1831, %parallel_loop3A_1834 : vector<16xi32>
      %parallel_loop3A_1836 = arith.xori %parallel_loop3A_1835, %parallel_loop3A_1828 : vector<16xi32>
      %parallel_loop3A_1837 = arith.constant 466689800 : i32
      %parallel_loop3A_1838 = vector.broadcast %parallel_loop3A_1837 : i32 to vector<16xi32>
      %parallel_loop3A_1839 = arith.addi %parallel_loop3A_1828, %parallel_loop3A_1838 : vector<16xi32>
      %parallel_loop3A_1840 = arith.constant 2 : i32
      %parallel_loop3A_1841 = vector.broadcast %parallel_loop3A_1840 : i32 to vector<16xi32>
      %parallel_loop3A_1842 = arith.addi %parallel_loop3A_1836, %parallel_loop3A_1841 : vector<16xi32>
      %parallel_loop3A_1843 = arith.addi %parallel_loop3A_1839, %parallel_loop3A_1842 : vector<16xi32>
      %parallel_loop3A_1844 = arith.constant 13 : i32
      %parallel_loop3A_1845 = vector.broadcast %parallel_loop3A_1844 : i32 to vector<16xi32>
      %parallel_loop3A_1846 = arith.shli %parallel_loop3A_1842, %parallel_loop3A_1845 : vector<16xi32>
      %parallel_loop3A_1847 = arith.constant 19 : i32
      %parallel_loop3A_1848 = vector.broadcast %parallel_loop3A_1847 : i32 to vector<16xi32>
      %parallel_loop3A_1849 = arith.shrui %parallel_loop3A_1842, %parallel_loop3A_1848 : vector<16xi32>
      %parallel_loop3A_1850 = arith.ori %parallel_loop3A_1846, %parallel_loop3A_1849 : vector<16xi32>
      %parallel_loop3A_1851 = arith.xori %parallel_loop3A_1850, %parallel_loop3A_1843 : vector<16xi32>
      %parallel_loop3A_1852 = arith.addi %parallel_loop3A_1843, %parallel_loop3A_1851 : vector<16xi32>
      %parallel_loop3A_1853 = arith.constant 15 : i32
      %parallel_loop3A_1854 = vector.broadcast %parallel_loop3A_1853 : i32 to vector<16xi32>
      %parallel_loop3A_1855 = arith.shli %parallel_loop3A_1851, %parallel_loop3A_1854 : vector<16xi32>
      %parallel_loop3A_1856 = arith.constant 17 : i32
      %parallel_loop3A_1857 = vector.broadcast %parallel_loop3A_1856 : i32 to vector<16xi32>
      %parallel_loop3A_1858 = arith.shrui %parallel_loop3A_1851, %parallel_loop3A_1857 : vector<16xi32>
      %parallel_loop3A_1859 = arith.ori %parallel_loop3A_1855, %parallel_loop3A_1858 : vector<16xi32>
      %parallel_loop3A_1860 = arith.xori %parallel_loop3A_1859, %parallel_loop3A_1852 : vector<16xi32>
      %parallel_loop3A_1861 = arith.addi %parallel_loop3A_1852, %parallel_loop3A_1860 : vector<16xi32>
      %parallel_loop3A_1862 = arith.constant 26 : i32
      %parallel_loop3A_1863 = vector.broadcast %parallel_loop3A_1862 : i32 to vector<16xi32>
      %parallel_loop3A_1864 = arith.shli %parallel_loop3A_1860, %parallel_loop3A_1863 : vector<16xi32>
      %parallel_loop3A_1865 = arith.constant 6 : i32
      %parallel_loop3A_1866 = vector.broadcast %parallel_loop3A_1865 : i32 to vector<16xi32>
      %parallel_loop3A_1867 = arith.shrui %parallel_loop3A_1860, %parallel_loop3A_1866 : vector<16xi32>
      %parallel_loop3A_1868 = arith.ori %parallel_loop3A_1864, %parallel_loop3A_1867 : vector<16xi32>
      %parallel_loop3A_1869 = arith.xori %parallel_loop3A_1868, %parallel_loop3A_1861 : vector<16xi32>
      %parallel_loop3A_1870 = arith.addi %parallel_loop3A_1861, %parallel_loop3A_1869 : vector<16xi32>
      %parallel_loop3A_1871 = arith.constant 6 : i32
      %parallel_loop3A_1872 = vector.broadcast %parallel_loop3A_1871 : i32 to vector<16xi32>
      %parallel_loop3A_1873 = arith.shli %parallel_loop3A_1869, %parallel_loop3A_1872 : vector<16xi32>
      %parallel_loop3A_1874 = arith.constant 26 : i32
      %parallel_loop3A_1875 = vector.broadcast %parallel_loop3A_1874 : i32 to vector<16xi32>
      %parallel_loop3A_1876 = arith.shrui %parallel_loop3A_1869, %parallel_loop3A_1875 : vector<16xi32>
      %parallel_loop3A_1877 = arith.ori %parallel_loop3A_1873, %parallel_loop3A_1876 : vector<16xi32>
      %parallel_loop3A_1878 = arith.xori %parallel_loop3A_1877, %parallel_loop3A_1870 : vector<16xi32>
      %parallel_loop3A_1879 = arith.constant 0 : i32
      %parallel_loop3A_1880 = vector.broadcast %parallel_loop3A_1879 : i32 to vector<16xi32>
      %parallel_loop3A_1881 = arith.addi %parallel_loop3A_1870, %parallel_loop3A_1880 : vector<16xi32>
      %parallel_loop3A_1882 = arith.constant 1237 : i32
      %parallel_loop3A_1883 = vector.broadcast %parallel_loop3A_1882 : i32 to vector<16xi32>
      %parallel_loop3A_1884 = arith.addi %parallel_loop3A_1878, %parallel_loop3A_1883 : vector<16xi32>
      %parallel_loop3A_1885 = arith.addi %parallel_loop3A_1881, %parallel_loop3A_1884 : vector<16xi32>
      %parallel_loop3A_1886 = arith.constant 17 : i32
      %parallel_loop3A_1887 = vector.broadcast %parallel_loop3A_1886 : i32 to vector<16xi32>
      %parallel_loop3A_1888 = arith.shli %parallel_loop3A_1884, %parallel_loop3A_1887 : vector<16xi32>
      %parallel_loop3A_1889 = arith.constant 15 : i32
      %parallel_loop3A_1890 = vector.broadcast %parallel_loop3A_1889 : i32 to vector<16xi32>
      %parallel_loop3A_1891 = arith.shrui %parallel_loop3A_1884, %parallel_loop3A_1890 : vector<16xi32>
      %parallel_loop3A_1892 = arith.ori %parallel_loop3A_1888, %parallel_loop3A_1891 : vector<16xi32>
      %parallel_loop3A_1893 = arith.xori %parallel_loop3A_1892, %parallel_loop3A_1885 : vector<16xi32>
      %parallel_loop3A_1894 = arith.addi %parallel_loop3A_1885, %parallel_loop3A_1893 : vector<16xi32>
      %parallel_loop3A_1895 = arith.constant 29 : i32
      %parallel_loop3A_1896 = vector.broadcast %parallel_loop3A_1895 : i32 to vector<16xi32>
      %parallel_loop3A_1897 = arith.shli %parallel_loop3A_1893, %parallel_loop3A_1896 : vector<16xi32>
      %parallel_loop3A_1898 = arith.constant 3 : i32
      %parallel_loop3A_1899 = vector.broadcast %parallel_loop3A_1898 : i32 to vector<16xi32>
      %parallel_loop3A_1900 = arith.shrui %parallel_loop3A_1893, %parallel_loop3A_1899 : vector<16xi32>
      %parallel_loop3A_1901 = arith.ori %parallel_loop3A_1897, %parallel_loop3A_1900 : vector<16xi32>
      %parallel_loop3A_1902 = arith.xori %parallel_loop3A_1901, %parallel_loop3A_1894 : vector<16xi32>
      %parallel_loop3A_1903 = arith.addi %parallel_loop3A_1894, %parallel_loop3A_1902 : vector<16xi32>
      %parallel_loop3A_1904 = arith.constant 16 : i32
      %parallel_loop3A_1905 = vector.broadcast %parallel_loop3A_1904 : i32 to vector<16xi32>
      %parallel_loop3A_1906 = arith.shli %parallel_loop3A_1902, %parallel_loop3A_1905 : vector<16xi32>
      %parallel_loop3A_1907 = arith.constant 16 : i32
      %parallel_loop3A_1908 = vector.broadcast %parallel_loop3A_1907 : i32 to vector<16xi32>
      %parallel_loop3A_1909 = arith.shrui %parallel_loop3A_1902, %parallel_loop3A_1908 : vector<16xi32>
      %parallel_loop3A_1910 = arith.ori %parallel_loop3A_1906, %parallel_loop3A_1909 : vector<16xi32>
      %parallel_loop3A_1911 = arith.xori %parallel_loop3A_1910, %parallel_loop3A_1903 : vector<16xi32>
      %parallel_loop3A_1912 = arith.addi %parallel_loop3A_1903, %parallel_loop3A_1911 : vector<16xi32>
      %parallel_loop3A_1913 = arith.constant 24 : i32
      %parallel_loop3A_1914 = vector.broadcast %parallel_loop3A_1913 : i32 to vector<16xi32>
      %parallel_loop3A_1915 = arith.shli %parallel_loop3A_1911, %parallel_loop3A_1914 : vector<16xi32>
      %parallel_loop3A_1916 = arith.constant 8 : i32
      %parallel_loop3A_1917 = vector.broadcast %parallel_loop3A_1916 : i32 to vector<16xi32>
      %parallel_loop3A_1918 = arith.shrui %parallel_loop3A_1911, %parallel_loop3A_1917 : vector<16xi32>
      %parallel_loop3A_1919 = arith.ori %parallel_loop3A_1915, %parallel_loop3A_1918 : vector<16xi32>
      %parallel_loop3A_1920 = arith.xori %parallel_loop3A_1919, %parallel_loop3A_1912 : vector<16xi32>
      %parallel_loop3A_1921 = arith.constant 1234 : i32
      %parallel_loop3A_1922 = vector.broadcast %parallel_loop3A_1921 : i32 to vector<16xi32>
      %parallel_loop3A_1923 = arith.addi %parallel_loop3A_1912, %parallel_loop3A_1922 : vector<16xi32>
      %parallel_loop3A_1924 = arith.constant 466689804 : i32
      %parallel_loop3A_1925 = vector.broadcast %parallel_loop3A_1924 : i32 to vector<16xi32>
      %parallel_loop3A_1926 = arith.addi %parallel_loop3A_1920, %parallel_loop3A_1925 : vector<16xi32>
      %parallel_loop3A_1927 = arith.addi %parallel_loop3A_1923, %parallel_loop3A_1926 : vector<16xi32>
      %parallel_loop3A_1928 = arith.constant 13 : i32
      %parallel_loop3A_1929 = vector.broadcast %parallel_loop3A_1928 : i32 to vector<16xi32>
      %parallel_loop3A_1930 = arith.shli %parallel_loop3A_1926, %parallel_loop3A_1929 : vector<16xi32>
      %parallel_loop3A_1931 = arith.constant 19 : i32
      %parallel_loop3A_1932 = vector.broadcast %parallel_loop3A_1931 : i32 to vector<16xi32>
      %parallel_loop3A_1933 = arith.shrui %parallel_loop3A_1926, %parallel_loop3A_1932 : vector<16xi32>
      %parallel_loop3A_1934 = arith.ori %parallel_loop3A_1930, %parallel_loop3A_1933 : vector<16xi32>
      %parallel_loop3A_1935 = arith.xori %parallel_loop3A_1934, %parallel_loop3A_1927 : vector<16xi32>
      %parallel_loop3A_1936 = arith.addi %parallel_loop3A_1927, %parallel_loop3A_1935 : vector<16xi32>
      %parallel_loop3A_1937 = arith.constant 15 : i32
      %parallel_loop3A_1938 = vector.broadcast %parallel_loop3A_1937 : i32 to vector<16xi32>
      %parallel_loop3A_1939 = arith.shli %parallel_loop3A_1935, %parallel_loop3A_1938 : vector<16xi32>
      %parallel_loop3A_1940 = arith.constant 17 : i32
      %parallel_loop3A_1941 = vector.broadcast %parallel_loop3A_1940 : i32 to vector<16xi32>
      %parallel_loop3A_1942 = arith.shrui %parallel_loop3A_1935, %parallel_loop3A_1941 : vector<16xi32>
      %parallel_loop3A_1943 = arith.ori %parallel_loop3A_1939, %parallel_loop3A_1942 : vector<16xi32>
      %parallel_loop3A_1944 = arith.xori %parallel_loop3A_1943, %parallel_loop3A_1936 : vector<16xi32>
      %parallel_loop3A_1945 = arith.addi %parallel_loop3A_1936, %parallel_loop3A_1944 : vector<16xi32>
      %parallel_loop3A_1946 = arith.constant 26 : i32
      %parallel_loop3A_1947 = vector.broadcast %parallel_loop3A_1946 : i32 to vector<16xi32>
      %parallel_loop3A_1948 = arith.shli %parallel_loop3A_1944, %parallel_loop3A_1947 : vector<16xi32>
      %parallel_loop3A_1949 = arith.constant 6 : i32
      %parallel_loop3A_1950 = vector.broadcast %parallel_loop3A_1949 : i32 to vector<16xi32>
      %parallel_loop3A_1951 = arith.shrui %parallel_loop3A_1944, %parallel_loop3A_1950 : vector<16xi32>
      %parallel_loop3A_1952 = arith.ori %parallel_loop3A_1948, %parallel_loop3A_1951 : vector<16xi32>
      %parallel_loop3A_1953 = arith.xori %parallel_loop3A_1952, %parallel_loop3A_1945 : vector<16xi32>
      %parallel_loop3A_1954 = arith.addi %parallel_loop3A_1945, %parallel_loop3A_1953 : vector<16xi32>
      %parallel_loop3A_1955 = arith.constant 6 : i32
      %parallel_loop3A_1956 = vector.broadcast %parallel_loop3A_1955 : i32 to vector<16xi32>
      %parallel_loop3A_1957 = arith.shli %parallel_loop3A_1953, %parallel_loop3A_1956 : vector<16xi32>
      %parallel_loop3A_1958 = arith.constant 26 : i32
      %parallel_loop3A_1959 = vector.broadcast %parallel_loop3A_1958 : i32 to vector<16xi32>
      %parallel_loop3A_1960 = arith.shrui %parallel_loop3A_1953, %parallel_loop3A_1959 : vector<16xi32>
      %parallel_loop3A_1961 = arith.ori %parallel_loop3A_1957, %parallel_loop3A_1960 : vector<16xi32>
      %parallel_loop3A_1962 = arith.xori %parallel_loop3A_1961, %parallel_loop3A_1954 : vector<16xi32>
      %parallel_loop3A_1963 = arith.constant 466689800 : i32
      %parallel_loop3A_1964 = vector.broadcast %parallel_loop3A_1963 : i32 to vector<16xi32>
      %parallel_loop3A_1965 = arith.addi %parallel_loop3A_1954, %parallel_loop3A_1964 : vector<16xi32>
      %parallel_loop3A_1966 = arith.constant 5 : i32
      %parallel_loop3A_1967 = vector.broadcast %parallel_loop3A_1966 : i32 to vector<16xi32>
      %parallel_loop3A_1968 = arith.addi %parallel_loop3A_1962, %parallel_loop3A_1967 : vector<16xi32>
      %parallel_loop3A_1969 = arith.xori %parallel_loop3A_1965, %parallel_loop3A_1968 : vector<16xi32>
      %parallel_loop3A_1970 = arith.constant 9 : i32
      %parallel_loop3A_1971 = vector.broadcast %parallel_loop3A_1970 : i32 to vector<16xi32>
      %parallel_loop3A_1972 = arith.shrui %parallel_loop3A_1969, %parallel_loop3A_1971 : vector<16xi32>
      %parallel_loop3A_1973 = arith.constant 1065353216 : i32
      %parallel_loop3A_1974 = vector.broadcast %parallel_loop3A_1973 : i32 to vector<16xi32>
      %parallel_loop3A_1975 = arith.ori %parallel_loop3A_1972, %parallel_loop3A_1974 : vector<16xi32>
      %parallel_loop3A_1976 = tpu.bitcast %parallel_loop3A_1975 : vector<16xi32> -> vector<16xf32>
      %parallel_loop3A_1977 = arith.constant 1.000000e+00 : f32
      %parallel_loop3A_1978 = vector.broadcast %parallel_loop3A_1977 : f32 to vector<16xf32>
      %parallel_loop3A_1979 = arith.subf %parallel_loop3A_1976, %parallel_loop3A_1978 : vector<16xf32>
      %parallel_loop3A_1980 = arith.constant 9.99999968E-21 : f32
      %parallel_loop3A_1981 = vector.broadcast %parallel_loop3A_1980 : f32 to vector<16xf32>
      %parallel_loop3A_1982 = arith.maximumf %parallel_loop3A_1979, %parallel_loop3A_1981 : vector<16xf32>
      %parallel_loop3A_1983 = tpu.bitcast %parallel_loop3A_1982 : vector<16xf32> -> vector<16xi32>
      %parallel_loop3A_1984 = arith.constant 23 : i32
      %parallel_loop3A_1985 = vector.broadcast %parallel_loop3A_1984 : i32 to vector<16xi32>
      %parallel_loop3A_1986 = arith.shrui %parallel_loop3A_1983, %parallel_loop3A_1985 : vector<16xi32>
      %parallel_loop3A_1987 = arith.constant 127 : i32
      %parallel_loop3A_1988 = vector.broadcast %parallel_loop3A_1987 : i32 to vector<16xi32>
      %parallel_loop3A_1989 = arith.subi %parallel_loop3A_1986, %parallel_loop3A_1988 : vector<16xi32>
      %parallel_loop3A_1990 = arith.constant 8388607 : i32
      %parallel_loop3A_1991 = vector.broadcast %parallel_loop3A_1990 : i32 to vector<16xi32>
      %parallel_loop3A_1992 = arith.andi %parallel_loop3A_1983, %parallel_loop3A_1991 : vector<16xi32>
      %parallel_loop3A_1993 = arith.constant 1065353216 : i32
      %parallel_loop3A_1994 = vector.broadcast %parallel_loop3A_1993 : i32 to vector<16xi32>
      %parallel_loop3A_1995 = arith.ori %parallel_loop3A_1992, %parallel_loop3A_1994 : vector<16xi32>
      %parallel_loop3A_1996 = tpu.bitcast %parallel_loop3A_1995 : vector<16xi32> -> vector<16xf32>
      %parallel_loop3A_1997 = arith.constant 1.41421354 : f32
      %parallel_loop3A_1998 = vector.broadcast %parallel_loop3A_1997 : f32 to vector<16xf32>
      %parallel_loop3A_1999 = arith.cmpf ogt, %parallel_loop3A_1996, %parallel_loop3A_1998 : vector<16xf32>
      %parallel_loop3A_2000 = arith.constant 1 : i32
      %parallel_loop3A_2001 = vector.broadcast %parallel_loop3A_2000 : i32 to vector<16xi32>
      %parallel_loop3A_2002 = arith.addi %parallel_loop3A_1989, %parallel_loop3A_2001 : vector<16xi32>
      %parallel_loop3A_2003 = arith.select %parallel_loop3A_1999, %parallel_loop3A_2002, %parallel_loop3A_1989 : vector<16xi1>, vector<16xi32>
      %parallel_loop3A_2004 = arith.sitofp %parallel_loop3A_2003 : vector<16xi32> to vector<16xf32>
      %parallel_loop3A_2005 = arith.constant 5.000000e-01 : f32
      %parallel_loop3A_2006 = vector.broadcast %parallel_loop3A_2005 : f32 to vector<16xf32>
      %parallel_loop3A_2007 = arith.mulf %parallel_loop3A_1996, %parallel_loop3A_2006 : vector<16xf32>
      %parallel_loop3A_2008 = arith.select %parallel_loop3A_1999, %parallel_loop3A_2007, %parallel_loop3A_1996 : vector<16xi1>, vector<16xf32>
      %parallel_loop3A_2009 = arith.constant 1.000000e+00 : f32
      %parallel_loop3A_2010 = vector.broadcast %parallel_loop3A_2009 : f32 to vector<16xf32>
      %parallel_loop3A_2011 = arith.subf %parallel_loop3A_2008, %parallel_loop3A_2010 : vector<16xf32>
      %parallel_loop3A_2012 = arith.constant 1.000000e+00 : f32
      %parallel_loop3A_2013 = vector.broadcast %parallel_loop3A_2012 : f32 to vector<16xf32>
      %parallel_loop3A_2014 = arith.addf %parallel_loop3A_2008, %parallel_loop3A_2013 : vector<16xf32>
      %parallel_loop3A_2015 = arith.divf %parallel_loop3A_2011, %parallel_loop3A_2014 : vector<16xf32>
      %parallel_loop3A_2016 = arith.mulf %parallel_loop3A_2015, %parallel_loop3A_2015 : vector<16xf32>
      %parallel_loop3A_2017 = arith.constant 0.111111112 : f32
      %parallel_loop3A_2018 = vector.broadcast %parallel_loop3A_2017 : f32 to vector<16xf32>
      %parallel_loop3A_2019 = arith.mulf %parallel_loop3A_2016, %parallel_loop3A_2018 : vector<16xf32>
      %parallel_loop3A_2020 = arith.constant 0.142857149 : f32
      %parallel_loop3A_2021 = vector.broadcast %parallel_loop3A_2020 : f32 to vector<16xf32>
      %parallel_loop3A_2022 = arith.addf %parallel_loop3A_2021, %parallel_loop3A_2019 : vector<16xf32>
      %parallel_loop3A_2023 = arith.mulf %parallel_loop3A_2016, %parallel_loop3A_2022 : vector<16xf32>
      %parallel_loop3A_2024 = arith.constant 2.000000e-01 : f32
      %parallel_loop3A_2025 = vector.broadcast %parallel_loop3A_2024 : f32 to vector<16xf32>
      %parallel_loop3A_2026 = arith.addf %parallel_loop3A_2025, %parallel_loop3A_2023 : vector<16xf32>
      %parallel_loop3A_2027 = arith.mulf %parallel_loop3A_2016, %parallel_loop3A_2026 : vector<16xf32>
      %parallel_loop3A_2028 = arith.constant 0.333333343 : f32
      %parallel_loop3A_2029 = vector.broadcast %parallel_loop3A_2028 : f32 to vector<16xf32>
      %parallel_loop3A_2030 = arith.addf %parallel_loop3A_2029, %parallel_loop3A_2027 : vector<16xf32>
      %parallel_loop3A_2031 = arith.mulf %parallel_loop3A_2016, %parallel_loop3A_2030 : vector<16xf32>
      %parallel_loop3A_2032 = arith.constant 1.000000e+00 : f32
      %parallel_loop3A_2033 = vector.broadcast %parallel_loop3A_2032 : f32 to vector<16xf32>
      %parallel_loop3A_2034 = arith.addf %parallel_loop3A_2033, %parallel_loop3A_2031 : vector<16xf32>
      %parallel_loop3A_2035 = arith.constant 0.693147182 : f32
      %parallel_loop3A_2036 = vector.broadcast %parallel_loop3A_2035 : f32 to vector<16xf32>
      %parallel_loop3A_2037 = arith.mulf %parallel_loop3A_2004, %parallel_loop3A_2036 : vector<16xf32>
      %parallel_loop3A_2038 = arith.constant 2.000000e+00 : f32
      %parallel_loop3A_2039 = vector.broadcast %parallel_loop3A_2038 : f32 to vector<16xf32>
      %parallel_loop3A_2040 = arith.mulf %parallel_loop3A_2039, %parallel_loop3A_2015 : vector<16xf32>
      %parallel_loop3A_2041 = arith.mulf %parallel_loop3A_2040, %parallel_loop3A_2034 : vector<16xf32>
      %parallel_loop3A_2042 = arith.addf %parallel_loop3A_2037, %parallel_loop3A_2041 : vector<16xf32>
      %parallel_loop3A_2043 = arith.constant 0.000000e+00 : f32
      %parallel_loop3A_2044 = vector.broadcast %parallel_loop3A_2043 : f32 to vector<16xf32>
      %parallel_loop3A_2045 = arith.subf %parallel_loop3A_2044, %parallel_loop3A_2042 : vector<16xf32>
      %parallel_loop3A_2046 = arith.mulf %parallel_loop3A_2045, %parallel_loop3A_2045 : vector<16xf32>
      %parallel_loop3A_2047 = vector.broadcast %parallel_loop3A_200 : f32 to vector<16xf32>
      %parallel_loop3A_2048 = arith.divf %parallel_loop3A_2047, %parallel_loop3A_2046 : vector<16xf32>
      %parallel_loop3A_2049 = arith.index_cast %parallel_loop3A_186 : i32 to index
      %parallel_loop3A_2050 = arith.constant 80 : index
      %parallel_loop3A_2051 = tpu.vector_load %arg5[%parallel_loop3A_2049, %parallel_loop3A_2050] {strides = array<i32>} : memref<504x128xf32, #tpu.memory_space<vmem>>, vector<1x16xf32>,
      %parallel_loop3A_2052 = vector.shape_cast %parallel_loop3A_2051 : vector<1x16xf32> to vector<16xf32>
      %parallel_loop3A_2053 = vector.shape_cast %parallel_loop3A_2048 : vector<16xf32> to vector<1x16xf32>
      tpu.vector_store %arg5[%parallel_loop3A_2049, %parallel_loop3A_2050], %parallel_loop3A_2053 {strides = array<i32>} : memref<504x128xf32, #tpu.memory_space<vmem>>, vector<1x16xf32>,
      %parallel_loop3A_2054 = arith.addf %parallel_loop3A_192, %parallel_loop3A_2048 : vector<16xf32>
      %parallel_loop3A_2055 = arith.constant 96000 : i32
      %parallel_loop3A_2056 = arith.addi %add3A_66, %parallel_loop3A_2055 : i32
      %parallel_loop3A_2057 = arith.addi %parallel_loop3A_2056, %parallel_loop3A_186 : i32
      %parallel_loop3A_2058 = vector.broadcast %parallel_loop3A_2057 : i32 to vector<16xi32>
      %parallel_loop3A_2059 = arith.addi %parallel_loop3A_2058, %mul3A_59 : vector<16xi32>
      %parallel_loop3A_2060 = arith.constant 0 : i32
      %parallel_loop3A_2061 = vector.broadcast %parallel_loop3A_2060 : i32 to vector<16xi32>
      %parallel_loop3A_2062 = arith.constant 0 : i32
      %parallel_loop3A_2063 = vector.broadcast %parallel_loop3A_2062 : i32 to vector<16xi32>
      %parallel_loop3A_2064 = arith.addi %parallel_loop3A_2061, %parallel_loop3A_2063 : vector<16xi32>
      %parallel_loop3A_2065 = arith.constant 1234 : i32
      %parallel_loop3A_2066 = vector.broadcast %parallel_loop3A_2065 : i32 to vector<16xi32>
      %parallel_loop3A_2067 = arith.addi %parallel_loop3A_2059, %parallel_loop3A_2066 : vector<16xi32>
      %parallel_loop3A_2068 = arith.addi %parallel_loop3A_2064, %parallel_loop3A_2067 : vector<16xi32>
      %parallel_loop3A_2069 = arith.constant 13 : i32
      %parallel_loop3A_2070 = vector.broadcast %parallel_loop3A_2069 : i32 to vector<16xi32>
      %parallel_loop3A_2071 = arith.shli %parallel_loop3A_2067, %parallel_loop3A_2070 : vector<16xi32>
      %parallel_loop3A_2072 = arith.constant 19 : i32
      %parallel_loop3A_2073 = vector.broadcast %parallel_loop3A_2072 : i32 to vector<16xi32>
      %parallel_loop3A_2074 = arith.shrui %parallel_loop3A_2067, %parallel_loop3A_2073 : vector<16xi32>
      %parallel_loop3A_2075 = arith.ori %parallel_loop3A_2071, %parallel_loop3A_2074 : vector<16xi32>
      %parallel_loop3A_2076 = arith.xori %parallel_loop3A_2075, %parallel_loop3A_2068 : vector<16xi32>
      %parallel_loop3A_2077 = arith.addi %parallel_loop3A_2068, %parallel_loop3A_2076 : vector<16xi32>
      %parallel_loop3A_2078 = arith.constant 15 : i32
      %parallel_loop3A_2079 = vector.broadcast %parallel_loop3A_2078 : i32 to vector<16xi32>
      %parallel_loop3A_2080 = arith.shli %parallel_loop3A_2076, %parallel_loop3A_2079 : vector<16xi32>
      %parallel_loop3A_2081 = arith.constant 17 : i32
      %parallel_loop3A_2082 = vector.broadcast %parallel_loop3A_2081 : i32 to vector<16xi32>
      %parallel_loop3A_2083 = arith.shrui %parallel_loop3A_2076, %parallel_loop3A_2082 : vector<16xi32>
      %parallel_loop3A_2084 = arith.ori %parallel_loop3A_2080, %parallel_loop3A_2083 : vector<16xi32>
      %parallel_loop3A_2085 = arith.xori %parallel_loop3A_2084, %parallel_loop3A_2077 : vector<16xi32>
      %parallel_loop3A_2086 = arith.addi %parallel_loop3A_2077, %parallel_loop3A_2085 : vector<16xi32>
      %parallel_loop3A_2087 = arith.constant 26 : i32
      %parallel_loop3A_2088 = vector.broadcast %parallel_loop3A_2087 : i32 to vector<16xi32>
      %parallel_loop3A_2089 = arith.shli %parallel_loop3A_2085, %parallel_loop3A_2088 : vector<16xi32>
      %parallel_loop3A_2090 = arith.constant 6 : i32
      %parallel_loop3A_2091 = vector.broadcast %parallel_loop3A_2090 : i32 to vector<16xi32>
      %parallel_loop3A_2092 = arith.shrui %parallel_loop3A_2085, %parallel_loop3A_2091 : vector<16xi32>
      %parallel_loop3A_2093 = arith.ori %parallel_loop3A_2089, %parallel_loop3A_2092 : vector<16xi32>
      %parallel_loop3A_2094 = arith.xori %parallel_loop3A_2093, %parallel_loop3A_2086 : vector<16xi32>
      %parallel_loop3A_2095 = arith.addi %parallel_loop3A_2086, %parallel_loop3A_2094 : vector<16xi32>
      %parallel_loop3A_2096 = arith.constant 6 : i32
      %parallel_loop3A_2097 = vector.broadcast %parallel_loop3A_2096 : i32 to vector<16xi32>
      %parallel_loop3A_2098 = arith.shli %parallel_loop3A_2094, %parallel_loop3A_2097 : vector<16xi32>
      %parallel_loop3A_2099 = arith.constant 26 : i32
      %parallel_loop3A_2100 = vector.broadcast %parallel_loop3A_2099 : i32 to vector<16xi32>
      %parallel_loop3A_2101 = arith.shrui %parallel_loop3A_2094, %parallel_loop3A_2100 : vector<16xi32>
      %parallel_loop3A_2102 = arith.ori %parallel_loop3A_2098, %parallel_loop3A_2101 : vector<16xi32>
      %parallel_loop3A_2103 = arith.xori %parallel_loop3A_2102, %parallel_loop3A_2095 : vector<16xi32>
      %parallel_loop3A_2104 = arith.constant 1234 : i32
      %parallel_loop3A_2105 = vector.broadcast %parallel_loop3A_2104 : i32 to vector<16xi32>
      %parallel_loop3A_2106 = arith.addi %parallel_loop3A_2095, %parallel_loop3A_2105 : vector<16xi32>
      %parallel_loop3A_2107 = arith.constant 466689801 : i32
      %parallel_loop3A_2108 = vector.broadcast %parallel_loop3A_2107 : i32 to vector<16xi32>
      %parallel_loop3A_2109 = arith.addi %parallel_loop3A_2103, %parallel_loop3A_2108 : vector<16xi32>
      %parallel_loop3A_2110 = arith.addi %parallel_loop3A_2106, %parallel_loop3A_2109 : vector<16xi32>
      %parallel_loop3A_2111 = arith.constant 17 : i32
      %parallel_loop3A_2112 = vector.broadcast %parallel_loop3A_2111 : i32 to vector<16xi32>
      %parallel_loop3A_2113 = arith.shli %parallel_loop3A_2109, %parallel_loop3A_2112 : vector<16xi32>
      %parallel_loop3A_2114 = arith.constant 15 : i32
      %parallel_loop3A_2115 = vector.broadcast %parallel_loop3A_2114 : i32 to vector<16xi32>
      %parallel_loop3A_2116 = arith.shrui %parallel_loop3A_2109, %parallel_loop3A_2115 : vector<16xi32>
      %parallel_loop3A_2117 = arith.ori %parallel_loop3A_2113, %parallel_loop3A_2116 : vector<16xi32>
      %parallel_loop3A_2118 = arith.xori %parallel_loop3A_2117, %parallel_loop3A_2110 : vector<16xi32>
      %parallel_loop3A_2119 = arith.addi %parallel_loop3A_2110, %parallel_loop3A_2118 : vector<16xi32>
      %parallel_loop3A_2120 = arith.constant 29 : i32
      %parallel_loop3A_2121 = vector.broadcast %parallel_loop3A_2120 : i32 to vector<16xi32>
      %parallel_loop3A_2122 = arith.shli %parallel_loop3A_2118, %parallel_loop3A_2121 : vector<16xi32>
      %parallel_loop3A_2123 = arith.constant 3 : i32
      %parallel_loop3A_2124 = vector.broadcast %parallel_loop3A_2123 : i32 to vector<16xi32>
      %parallel_loop3A_2125 = arith.shrui %parallel_loop3A_2118, %parallel_loop3A_2124 : vector<16xi32>
      %parallel_loop3A_2126 = arith.ori %parallel_loop3A_2122, %parallel_loop3A_2125 : vector<16xi32>
      %parallel_loop3A_2127 = arith.xori %parallel_loop3A_2126, %parallel_loop3A_2119 : vector<16xi32>
      %parallel_loop3A_2128 = arith.addi %parallel_loop3A_2119, %parallel_loop3A_2127 : vector<16xi32>
      %parallel_loop3A_2129 = arith.constant 16 : i32
      %parallel_loop3A_2130 = vector.broadcast %parallel_loop3A_2129 : i32 to vector<16xi32>
      %parallel_loop3A_2131 = arith.shli %parallel_loop3A_2127, %parallel_loop3A_2130 : vector<16xi32>
      %parallel_loop3A_2132 = arith.constant 16 : i32
      %parallel_loop3A_2133 = vector.broadcast %parallel_loop3A_2132 : i32 to vector<16xi32>
      %parallel_loop3A_2134 = arith.shrui %parallel_loop3A_2127, %parallel_loop3A_2133 : vector<16xi32>
      %parallel_loop3A_2135 = arith.ori %parallel_loop3A_2131, %parallel_loop3A_2134 : vector<16xi32>
      %parallel_loop3A_2136 = arith.xori %parallel_loop3A_2135, %parallel_loop3A_2128 : vector<16xi32>
      %parallel_loop3A_2137 = arith.addi %parallel_loop3A_2128, %parallel_loop3A_2136 : vector<16xi32>
      %parallel_loop3A_2138 = arith.constant 24 : i32
      %parallel_loop3A_2139 = vector.broadcast %parallel_loop3A_2138 : i32 to vector<16xi32>
      %parallel_loop3A_2140 = arith.shli %parallel_loop3A_2136, %parallel_loop3A_2139 : vector<16xi32>
      %parallel_loop3A_2141 = arith.constant 8 : i32
      %parallel_loop3A_2142 = vector.broadcast %parallel_loop3A_2141 : i32 to vector<16xi32>
      %parallel_loop3A_2143 = arith.shrui %parallel_loop3A_2136, %parallel_loop3A_2142 : vector<16xi32>
      %parallel_loop3A_2144 = arith.ori %parallel_loop3A_2140, %parallel_loop3A_2143 : vector<16xi32>
      %parallel_loop3A_2145 = arith.xori %parallel_loop3A_2144, %parallel_loop3A_2137 : vector<16xi32>
      %parallel_loop3A_2146 = arith.constant 466689800 : i32
      %parallel_loop3A_2147 = vector.broadcast %parallel_loop3A_2146 : i32 to vector<16xi32>
      %parallel_loop3A_2148 = arith.addi %parallel_loop3A_2137, %parallel_loop3A_2147 : vector<16xi32>
      %parallel_loop3A_2149 = arith.constant 2 : i32
      %parallel_loop3A_2150 = vector.broadcast %parallel_loop3A_2149 : i32 to vector<16xi32>
      %parallel_loop3A_2151 = arith.addi %parallel_loop3A_2145, %parallel_loop3A_2150 : vector<16xi32>
      %parallel_loop3A_2152 = arith.addi %parallel_loop3A_2148, %parallel_loop3A_2151 : vector<16xi32>
      %parallel_loop3A_2153 = arith.constant 13 : i32
      %parallel_loop3A_2154 = vector.broadcast %parallel_loop3A_2153 : i32 to vector<16xi32>
      %parallel_loop3A_2155 = arith.shli %parallel_loop3A_2151, %parallel_loop3A_2154 : vector<16xi32>
      %parallel_loop3A_2156 = arith.constant 19 : i32
      %parallel_loop3A_2157 = vector.broadcast %parallel_loop3A_2156 : i32 to vector<16xi32>
      %parallel_loop3A_2158 = arith.shrui %parallel_loop3A_2151, %parallel_loop3A_2157 : vector<16xi32>
      %parallel_loop3A_2159 = arith.ori %parallel_loop3A_2155, %parallel_loop3A_2158 : vector<16xi32>
      %parallel_loop3A_2160 = arith.xori %parallel_loop3A_2159, %parallel_loop3A_2152 : vector<16xi32>
      %parallel_loop3A_2161 = arith.addi %parallel_loop3A_2152, %parallel_loop3A_2160 : vector<16xi32>
      %parallel_loop3A_2162 = arith.constant 15 : i32
      %parallel_loop3A_2163 = vector.broadcast %parallel_loop3A_2162 : i32 to vector<16xi32>
      %parallel_loop3A_2164 = arith.shli %parallel_loop3A_2160, %parallel_loop3A_2163 : vector<16xi32>
      %parallel_loop3A_2165 = arith.constant 17 : i32
      %parallel_loop3A_2166 = vector.broadcast %parallel_loop3A_2165 : i32 to vector<16xi32>
      %parallel_loop3A_2167 = arith.shrui %parallel_loop3A_2160, %parallel_loop3A_2166 : vector<16xi32>
      %parallel_loop3A_2168 = arith.ori %parallel_loop3A_2164, %parallel_loop3A_2167 : vector<16xi32>
      %parallel_loop3A_2169 = arith.xori %parallel_loop3A_2168, %parallel_loop3A_2161 : vector<16xi32>
      %parallel_loop3A_2170 = arith.addi %parallel_loop3A_2161, %parallel_loop3A_2169 : vector<16xi32>
      %parallel_loop3A_2171 = arith.constant 26 : i32
      %parallel_loop3A_2172 = vector.broadcast %parallel_loop3A_2171 : i32 to vector<16xi32>
      %parallel_loop3A_2173 = arith.shli %parallel_loop3A_2169, %parallel_loop3A_2172 : vector<16xi32>
      %parallel_loop3A_2174 = arith.constant 6 : i32
      %parallel_loop3A_2175 = vector.broadcast %parallel_loop3A_2174 : i32 to vector<16xi32>
      %parallel_loop3A_2176 = arith.shrui %parallel_loop3A_2169, %parallel_loop3A_2175 : vector<16xi32>
      %parallel_loop3A_2177 = arith.ori %parallel_loop3A_2173, %parallel_loop3A_2176 : vector<16xi32>
      %parallel_loop3A_2178 = arith.xori %parallel_loop3A_2177, %parallel_loop3A_2170 : vector<16xi32>
      %parallel_loop3A_2179 = arith.addi %parallel_loop3A_2170, %parallel_loop3A_2178 : vector<16xi32>
      %parallel_loop3A_2180 = arith.constant 6 : i32
      %parallel_loop3A_2181 = vector.broadcast %parallel_loop3A_2180 : i32 to vector<16xi32>
      %parallel_loop3A_2182 = arith.shli %parallel_loop3A_2178, %parallel_loop3A_2181 : vector<16xi32>
      %parallel_loop3A_2183 = arith.constant 26 : i32
      %parallel_loop3A_2184 = vector.broadcast %parallel_loop3A_2183 : i32 to vector<16xi32>
      %parallel_loop3A_2185 = arith.shrui %parallel_loop3A_2178, %parallel_loop3A_2184 : vector<16xi32>
      %parallel_loop3A_2186 = arith.ori %parallel_loop3A_2182, %parallel_loop3A_2185 : vector<16xi32>
      %parallel_loop3A_2187 = arith.xori %parallel_loop3A_2186, %parallel_loop3A_2179 : vector<16xi32>
      %parallel_loop3A_2188 = arith.constant 0 : i32
      %parallel_loop3A_2189 = vector.broadcast %parallel_loop3A_2188 : i32 to vector<16xi32>
      %parallel_loop3A_2190 = arith.addi %parallel_loop3A_2179, %parallel_loop3A_2189 : vector<16xi32>
      %parallel_loop3A_2191 = arith.constant 1237 : i32
      %parallel_loop3A_2192 = vector.broadcast %parallel_loop3A_2191 : i32 to vector<16xi32>
      %parallel_loop3A_2193 = arith.addi %parallel_loop3A_2187, %parallel_loop3A_2192 : vector<16xi32>
      %parallel_loop3A_2194 = arith.addi %parallel_loop3A_2190, %parallel_loop3A_2193 : vector<16xi32>
      %parallel_loop3A_2195 = arith.constant 17 : i32
      %parallel_loop3A_2196 = vector.broadcast %parallel_loop3A_2195 : i32 to vector<16xi32>
      %parallel_loop3A_2197 = arith.shli %parallel_loop3A_2193, %parallel_loop3A_2196 : vector<16xi32>
      %parallel_loop3A_2198 = arith.constant 15 : i32
      %parallel_loop3A_2199 = vector.broadcast %parallel_loop3A_2198 : i32 to vector<16xi32>
      %parallel_loop3A_2200 = arith.shrui %parallel_loop3A_2193, %parallel_loop3A_2199 : vector<16xi32>
      %parallel_loop3A_2201 = arith.ori %parallel_loop3A_2197, %parallel_loop3A_2200 : vector<16xi32>
      %parallel_loop3A_2202 = arith.xori %parallel_loop3A_2201, %parallel_loop3A_2194 : vector<16xi32>
      %parallel_loop3A_2203 = arith.addi %parallel_loop3A_2194, %parallel_loop3A_2202 : vector<16xi32>
      %parallel_loop3A_2204 = arith.constant 29 : i32
      %parallel_loop3A_2205 = vector.broadcast %parallel_loop3A_2204 : i32 to vector<16xi32>
      %parallel_loop3A_2206 = arith.shli %parallel_loop3A_2202, %parallel_loop3A_2205 : vector<16xi32>
      %parallel_loop3A_2207 = arith.constant 3 : i32
      %parallel_loop3A_2208 = vector.broadcast %parallel_loop3A_2207 : i32 to vector<16xi32>
      %parallel_loop3A_2209 = arith.shrui %parallel_loop3A_2202, %parallel_loop3A_2208 : vector<16xi32>
      %parallel_loop3A_2210 = arith.ori %parallel_loop3A_2206, %parallel_loop3A_2209 : vector<16xi32>
      %parallel_loop3A_2211 = arith.xori %parallel_loop3A_2210, %parallel_loop3A_2203 : vector<16xi32>
      %parallel_loop3A_2212 = arith.addi %parallel_loop3A_2203, %parallel_loop3A_2211 : vector<16xi32>
      %parallel_loop3A_2213 = arith.constant 16 : i32
      %parallel_loop3A_2214 = vector.broadcast %parallel_loop3A_2213 : i32 to vector<16xi32>
      %parallel_loop3A_2215 = arith.shli %parallel_loop3A_2211, %parallel_loop3A_2214 : vector<16xi32>
      %parallel_loop3A_2216 = arith.constant 16 : i32
      %parallel_loop3A_2217 = vector.broadcast %parallel_loop3A_2216 : i32 to vector<16xi32>
      %parallel_loop3A_2218 = arith.shrui %parallel_loop3A_2211, %parallel_loop3A_2217 : vector<16xi32>
      %parallel_loop3A_2219 = arith.ori %parallel_loop3A_2215, %parallel_loop3A_2218 : vector<16xi32>
      %parallel_loop3A_2220 = arith.xori %parallel_loop3A_2219, %parallel_loop3A_2212 : vector<16xi32>
      %parallel_loop3A_2221 = arith.addi %parallel_loop3A_2212, %parallel_loop3A_2220 : vector<16xi32>
      %parallel_loop3A_2222 = arith.constant 24 : i32
      %parallel_loop3A_2223 = vector.broadcast %parallel_loop3A_2222 : i32 to vector<16xi32>
      %parallel_loop3A_2224 = arith.shli %parallel_loop3A_2220, %parallel_loop3A_2223 : vector<16xi32>
      %parallel_loop3A_2225 = arith.constant 8 : i32
      %parallel_loop3A_2226 = vector.broadcast %parallel_loop3A_2225 : i32 to vector<16xi32>
      %parallel_loop3A_2227 = arith.shrui %parallel_loop3A_2220, %parallel_loop3A_2226 : vector<16xi32>
      %parallel_loop3A_2228 = arith.ori %parallel_loop3A_2224, %parallel_loop3A_2227 : vector<16xi32>
      %parallel_loop3A_2229 = arith.xori %parallel_loop3A_2228, %parallel_loop3A_2221 : vector<16xi32>
      %parallel_loop3A_2230 = arith.constant 1234 : i32
      %parallel_loop3A_2231 = vector.broadcast %parallel_loop3A_2230 : i32 to vector<16xi32>
      %parallel_loop3A_2232 = arith.addi %parallel_loop3A_2221, %parallel_loop3A_2231 : vector<16xi32>
      %parallel_loop3A_2233 = arith.constant 466689804 : i32
      %parallel_loop3A_2234 = vector.broadcast %parallel_loop3A_2233 : i32 to vector<16xi32>
      %parallel_loop3A_2235 = arith.addi %parallel_loop3A_2229, %parallel_loop3A_2234 : vector<16xi32>
      %parallel_loop3A_2236 = arith.addi %parallel_loop3A_2232, %parallel_loop3A_2235 : vector<16xi32>
      %parallel_loop3A_2237 = arith.constant 13 : i32
      %parallel_loop3A_2238 = vector.broadcast %parallel_loop3A_2237 : i32 to vector<16xi32>
      %parallel_loop3A_2239 = arith.shli %parallel_loop3A_2235, %parallel_loop3A_2238 : vector<16xi32>
      %parallel_loop3A_2240 = arith.constant 19 : i32
      %parallel_loop3A_2241 = vector.broadcast %parallel_loop3A_2240 : i32 to vector<16xi32>
      %parallel_loop3A_2242 = arith.shrui %parallel_loop3A_2235, %parallel_loop3A_2241 : vector<16xi32>
      %parallel_loop3A_2243 = arith.ori %parallel_loop3A_2239, %parallel_loop3A_2242 : vector<16xi32>
      %parallel_loop3A_2244 = arith.xori %parallel_loop3A_2243, %parallel_loop3A_2236 : vector<16xi32>
      %parallel_loop3A_2245 = arith.addi %parallel_loop3A_2236, %parallel_loop3A_2244 : vector<16xi32>
      %parallel_loop3A_2246 = arith.constant 15 : i32
      %parallel_loop3A_2247 = vector.broadcast %parallel_loop3A_2246 : i32 to vector<16xi32>
      %parallel_loop3A_2248 = arith.shli %parallel_loop3A_2244, %parallel_loop3A_2247 : vector<16xi32>
      %parallel_loop3A_2249 = arith.constant 17 : i32
      %parallel_loop3A_2250 = vector.broadcast %parallel_loop3A_2249 : i32 to vector<16xi32>
      %parallel_loop3A_2251 = arith.shrui %parallel_loop3A_2244, %parallel_loop3A_2250 : vector<16xi32>
      %parallel_loop3A_2252 = arith.ori %parallel_loop3A_2248, %parallel_loop3A_2251 : vector<16xi32>
      %parallel_loop3A_2253 = arith.xori %parallel_loop3A_2252, %parallel_loop3A_2245 : vector<16xi32>
      %parallel_loop3A_2254 = arith.addi %parallel_loop3A_2245, %parallel_loop3A_2253 : vector<16xi32>
      %parallel_loop3A_2255 = arith.constant 26 : i32
      %parallel_loop3A_2256 = vector.broadcast %parallel_loop3A_2255 : i32 to vector<16xi32>
      %parallel_loop3A_2257 = arith.shli %parallel_loop3A_2253, %parallel_loop3A_2256 : vector<16xi32>
      %parallel_loop3A_2258 = arith.constant 6 : i32
      %parallel_loop3A_2259 = vector.broadcast %parallel_loop3A_2258 : i32 to vector<16xi32>
      %parallel_loop3A_2260 = arith.shrui %parallel_loop3A_2253, %parallel_loop3A_2259 : vector<16xi32>
      %parallel_loop3A_2261 = arith.ori %parallel_loop3A_2257, %parallel_loop3A_2260 : vector<16xi32>
      %parallel_loop3A_2262 = arith.xori %parallel_loop3A_2261, %parallel_loop3A_2254 : vector<16xi32>
      %parallel_loop3A_2263 = arith.addi %parallel_loop3A_2254, %parallel_loop3A_2262 : vector<16xi32>
      %parallel_loop3A_2264 = arith.constant 6 : i32
      %parallel_loop3A_2265 = vector.broadcast %parallel_loop3A_2264 : i32 to vector<16xi32>
      %parallel_loop3A_2266 = arith.shli %parallel_loop3A_2262, %parallel_loop3A_2265 : vector<16xi32>
      %parallel_loop3A_2267 = arith.constant 26 : i32
      %parallel_loop3A_2268 = vector.broadcast %parallel_loop3A_2267 : i32 to vector<16xi32>
      %parallel_loop3A_2269 = arith.shrui %parallel_loop3A_2262, %parallel_loop3A_2268 : vector<16xi32>
      %parallel_loop3A_2270 = arith.ori %parallel_loop3A_2266, %parallel_loop3A_2269 : vector<16xi32>
      %parallel_loop3A_2271 = arith.xori %parallel_loop3A_2270, %parallel_loop3A_2263 : vector<16xi32>
      %parallel_loop3A_2272 = arith.constant 466689800 : i32
      %parallel_loop3A_2273 = vector.broadcast %parallel_loop3A_2272 : i32 to vector<16xi32>
      %parallel_loop3A_2274 = arith.addi %parallel_loop3A_2263, %parallel_loop3A_2273 : vector<16xi32>
      %parallel_loop3A_2275 = arith.constant 5 : i32
      %parallel_loop3A_2276 = vector.broadcast %parallel_loop3A_2275 : i32 to vector<16xi32>
      %parallel_loop3A_2277 = arith.addi %parallel_loop3A_2271, %parallel_loop3A_2276 : vector<16xi32>
      %parallel_loop3A_2278 = arith.xori %parallel_loop3A_2274, %parallel_loop3A_2277 : vector<16xi32>
      %parallel_loop3A_2279 = arith.constant 9 : i32
      %parallel_loop3A_2280 = vector.broadcast %parallel_loop3A_2279 : i32 to vector<16xi32>
      %parallel_loop3A_2281 = arith.shrui %parallel_loop3A_2278, %parallel_loop3A_2280 : vector<16xi32>
      %parallel_loop3A_2282 = arith.constant 1065353216 : i32
      %parallel_loop3A_2283 = vector.broadcast %parallel_loop3A_2282 : i32 to vector<16xi32>
      %parallel_loop3A_2284 = arith.ori %parallel_loop3A_2281, %parallel_loop3A_2283 : vector<16xi32>
      %parallel_loop3A_2285 = tpu.bitcast %parallel_loop3A_2284 : vector<16xi32> -> vector<16xf32>
      %parallel_loop3A_2286 = arith.constant 1.000000e+00 : f32
      %parallel_loop3A_2287 = vector.broadcast %parallel_loop3A_2286 : f32 to vector<16xf32>
      %parallel_loop3A_2288 = arith.subf %parallel_loop3A_2285, %parallel_loop3A_2287 : vector<16xf32>
      %parallel_loop3A_2289 = arith.constant 9.99999968E-21 : f32
      %parallel_loop3A_2290 = vector.broadcast %parallel_loop3A_2289 : f32 to vector<16xf32>
      %parallel_loop3A_2291 = arith.maximumf %parallel_loop3A_2288, %parallel_loop3A_2290 : vector<16xf32>
      %parallel_loop3A_2292 = tpu.bitcast %parallel_loop3A_2291 : vector<16xf32> -> vector<16xi32>
      %parallel_loop3A_2293 = arith.constant 23 : i32
      %parallel_loop3A_2294 = vector.broadcast %parallel_loop3A_2293 : i32 to vector<16xi32>
      %parallel_loop3A_2295 = arith.shrui %parallel_loop3A_2292, %parallel_loop3A_2294 : vector<16xi32>
      %parallel_loop3A_2296 = arith.constant 127 : i32
      %parallel_loop3A_2297 = vector.broadcast %parallel_loop3A_2296 : i32 to vector<16xi32>
      %parallel_loop3A_2298 = arith.subi %parallel_loop3A_2295, %parallel_loop3A_2297 : vector<16xi32>
      %parallel_loop3A_2299 = arith.constant 8388607 : i32
      %parallel_loop3A_2300 = vector.broadcast %parallel_loop3A_2299 : i32 to vector<16xi32>
      %parallel_loop3A_2301 = arith.andi %parallel_loop3A_2292, %parallel_loop3A_2300 : vector<16xi32>
      %parallel_loop3A_2302 = arith.constant 1065353216 : i32
      %parallel_loop3A_2303 = vector.broadcast %parallel_loop3A_2302 : i32 to vector<16xi32>
      %parallel_loop3A_2304 = arith.ori %parallel_loop3A_2301, %parallel_loop3A_2303 : vector<16xi32>
      %parallel_loop3A_2305 = tpu.bitcast %parallel_loop3A_2304 : vector<16xi32> -> vector<16xf32>
      %parallel_loop3A_2306 = arith.constant 1.41421354 : f32
      %parallel_loop3A_2307 = vector.broadcast %parallel_loop3A_2306 : f32 to vector<16xf32>
      %parallel_loop3A_2308 = arith.cmpf ogt, %parallel_loop3A_2305, %parallel_loop3A_2307 : vector<16xf32>
      %parallel_loop3A_2309 = arith.constant 1 : i32
      %parallel_loop3A_2310 = vector.broadcast %parallel_loop3A_2309 : i32 to vector<16xi32>
      %parallel_loop3A_2311 = arith.addi %parallel_loop3A_2298, %parallel_loop3A_2310 : vector<16xi32>
      %parallel_loop3A_2312 = arith.select %parallel_loop3A_2308, %parallel_loop3A_2311, %parallel_loop3A_2298 : vector<16xi1>, vector<16xi32>
      %parallel_loop3A_2313 = arith.sitofp %parallel_loop3A_2312 : vector<16xi32> to vector<16xf32>
      %parallel_loop3A_2314 = arith.constant 5.000000e-01 : f32
      %parallel_loop3A_2315 = vector.broadcast %parallel_loop3A_2314 : f32 to vector<16xf32>
      %parallel_loop3A_2316 = arith.mulf %parallel_loop3A_2305, %parallel_loop3A_2315 : vector<16xf32>
      %parallel_loop3A_2317 = arith.select %parallel_loop3A_2308, %parallel_loop3A_2316, %parallel_loop3A_2305 : vector<16xi1>, vector<16xf32>
      %parallel_loop3A_2318 = arith.constant 1.000000e+00 : f32
      %parallel_loop3A_2319 = vector.broadcast %parallel_loop3A_2318 : f32 to vector<16xf32>
      %parallel_loop3A_2320 = arith.subf %parallel_loop3A_2317, %parallel_loop3A_2319 : vector<16xf32>
      %parallel_loop3A_2321 = arith.constant 1.000000e+00 : f32
      %parallel_loop3A_2322 = vector.broadcast %parallel_loop3A_2321 : f32 to vector<16xf32>
      %parallel_loop3A_2323 = arith.addf %parallel_loop3A_2317, %parallel_loop3A_2322 : vector<16xf32>
      %parallel_loop3A_2324 = arith.divf %parallel_loop3A_2320, %parallel_loop3A_2323 : vector<16xf32>
      %parallel_loop3A_2325 = arith.mulf %parallel_loop3A_2324, %parallel_loop3A_2324 : vector<16xf32>
      %parallel_loop3A_2326 = arith.constant 0.111111112 : f32
      %parallel_loop3A_2327 = vector.broadcast %parallel_loop3A_2326 : f32 to vector<16xf32>
      %parallel_loop3A_2328 = arith.mulf %parallel_loop3A_2325, %parallel_loop3A_2327 : vector<16xf32>
      %parallel_loop3A_2329 = arith.constant 0.142857149 : f32
      %parallel_loop3A_2330 = vector.broadcast %parallel_loop3A_2329 : f32 to vector<16xf32>
      %parallel_loop3A_2331 = arith.addf %parallel_loop3A_2330, %parallel_loop3A_2328 : vector<16xf32>
      %parallel_loop3A_2332 = arith.mulf %parallel_loop3A_2325, %parallel_loop3A_2331 : vector<16xf32>
      %parallel_loop3A_2333 = arith.constant 2.000000e-01 : f32
      %parallel_loop3A_2334 = vector.broadcast %parallel_loop3A_2333 : f32 to vector<16xf32>
      %parallel_loop3A_2335 = arith.addf %parallel_loop3A_2334, %parallel_loop3A_2332 : vector<16xf32>
      %parallel_loop3A_2336 = arith.mulf %parallel_loop3A_2325, %parallel_loop3A_2335 : vector<16xf32>
      %parallel_loop3A_2337 = arith.constant 0.333333343 : f32
      %parallel_loop3A_2338 = vector.broadcast %parallel_loop3A_2337 : f32 to vector<16xf32>
      %parallel_loop3A_2339 = arith.addf %parallel_loop3A_2338, %parallel_loop3A_2336 : vector<16xf32>
      %parallel_loop3A_2340 = arith.mulf %parallel_loop3A_2325, %parallel_loop3A_2339 : vector<16xf32>
      %parallel_loop3A_2341 = arith.constant 1.000000e+00 : f32
      %parallel_loop3A_2342 = vector.broadcast %parallel_loop3A_2341 : f32 to vector<16xf32>
      %parallel_loop3A_2343 = arith.addf %parallel_loop3A_2342, %parallel_loop3A_2340 : vector<16xf32>
      %parallel_loop3A_2344 = arith.constant 0.693147182 : f32
      %parallel_loop3A_2345 = vector.broadcast %parallel_loop3A_2344 : f32 to vector<16xf32>
      %parallel_loop3A_2346 = arith.mulf %parallel_loop3A_2313, %parallel_loop3A_2345 : vector<16xf32>
      %parallel_loop3A_2347 = arith.constant 2.000000e+00 : f32
      %parallel_loop3A_2348 = vector.broadcast %parallel_loop3A_2347 : f32 to vector<16xf32>
      %parallel_loop3A_2349 = arith.mulf %parallel_loop3A_2348, %parallel_loop3A_2324 : vector<16xf32>
      %parallel_loop3A_2350 = arith.mulf %parallel_loop3A_2349, %parallel_loop3A_2343 : vector<16xf32>
      %parallel_loop3A_2351 = arith.addf %parallel_loop3A_2346, %parallel_loop3A_2350 : vector<16xf32>
      %parallel_loop3A_2352 = arith.constant 0.000000e+00 : f32
      %parallel_loop3A_2353 = vector.broadcast %parallel_loop3A_2352 : f32 to vector<16xf32>
      %parallel_loop3A_2354 = arith.subf %parallel_loop3A_2353, %parallel_loop3A_2351 : vector<16xf32>
      %parallel_loop3A_2355 = arith.mulf %parallel_loop3A_2354, %parallel_loop3A_2354 : vector<16xf32>
      %parallel_loop3A_2356 = vector.broadcast %parallel_loop3A_200 : f32 to vector<16xf32>
      %parallel_loop3A_2357 = arith.divf %parallel_loop3A_2356, %parallel_loop3A_2355 : vector<16xf32>
      %parallel_loop3A_2358 = arith.index_cast %parallel_loop3A_186 : i32 to index
      %parallel_loop3A_2359 = arith.constant 96 : index
      %parallel_loop3A_2360 = tpu.vector_load %arg5[%parallel_loop3A_2358, %parallel_loop3A_2359] {strides = array<i32>} : memref<504x128xf32, #tpu.memory_space<vmem>>, vector<1x16xf32>,
      %parallel_loop3A_2361 = vector.shape_cast %parallel_loop3A_2360 : vector<1x16xf32> to vector<16xf32>
      %parallel_loop3A_2362 = vector.shape_cast %parallel_loop3A_2357 : vector<16xf32> to vector<1x16xf32>
      tpu.vector_store %arg5[%parallel_loop3A_2358, %parallel_loop3A_2359], %parallel_loop3A_2362 {strides = array<i32>} : memref<504x128xf32, #tpu.memory_space<vmem>>, vector<1x16xf32>,
      %parallel_loop3A_2363 = arith.addf %parallel_loop3A_193, %parallel_loop3A_2357 : vector<16xf32>
      %parallel_loop3A_2364 = arith.constant 112000 : i32
      %parallel_loop3A_2365 = arith.addi %add3A_66, %parallel_loop3A_2364 : i32
      %parallel_loop3A_2366 = arith.addi %parallel_loop3A_2365, %parallel_loop3A_186 : i32
      %parallel_loop3A_2367 = vector.broadcast %parallel_loop3A_2366 : i32 to vector<16xi32>
      %parallel_loop3A_2368 = arith.addi %parallel_loop3A_2367, %mul3A_59 : vector<16xi32>
      %parallel_loop3A_2369 = arith.constant 0 : i32
      %parallel_loop3A_2370 = vector.broadcast %parallel_loop3A_2369 : i32 to vector<16xi32>
      %parallel_loop3A_2371 = arith.constant 0 : i32
      %parallel_loop3A_2372 = vector.broadcast %parallel_loop3A_2371 : i32 to vector<16xi32>
      %parallel_loop3A_2373 = arith.addi %parallel_loop3A_2370, %parallel_loop3A_2372 : vector<16xi32>
      %parallel_loop3A_2374 = arith.constant 1234 : i32
      %parallel_loop3A_2375 = vector.broadcast %parallel_loop3A_2374 : i32 to vector<16xi32>
      %parallel_loop3A_2376 = arith.addi %parallel_loop3A_2368, %parallel_loop3A_2375 : vector<16xi32>
      %parallel_loop3A_2377 = arith.addi %parallel_loop3A_2373, %parallel_loop3A_2376 : vector<16xi32>
      %parallel_loop3A_2378 = arith.constant 13 : i32
      %parallel_loop3A_2379 = vector.broadcast %parallel_loop3A_2378 : i32 to vector<16xi32>
      %parallel_loop3A_2380 = arith.shli %parallel_loop3A_2376, %parallel_loop3A_2379 : vector<16xi32>
      %parallel_loop3A_2381 = arith.constant 19 : i32
      %parallel_loop3A_2382 = vector.broadcast %parallel_loop3A_2381 : i32 to vector<16xi32>
      %parallel_loop3A_2383 = arith.shrui %parallel_loop3A_2376, %parallel_loop3A_2382 : vector<16xi32>
      %parallel_loop3A_2384 = arith.ori %parallel_loop3A_2380, %parallel_loop3A_2383 : vector<16xi32>
      %parallel_loop3A_2385 = arith.xori %parallel_loop3A_2384, %parallel_loop3A_2377 : vector<16xi32>
      %parallel_loop3A_2386 = arith.addi %parallel_loop3A_2377, %parallel_loop3A_2385 : vector<16xi32>
      %parallel_loop3A_2387 = arith.constant 15 : i32
      %parallel_loop3A_2388 = vector.broadcast %parallel_loop3A_2387 : i32 to vector<16xi32>
      %parallel_loop3A_2389 = arith.shli %parallel_loop3A_2385, %parallel_loop3A_2388 : vector<16xi32>
      %parallel_loop3A_2390 = arith.constant 17 : i32
      %parallel_loop3A_2391 = vector.broadcast %parallel_loop3A_2390 : i32 to vector<16xi32>
      %parallel_loop3A_2392 = arith.shrui %parallel_loop3A_2385, %parallel_loop3A_2391 : vector<16xi32>
      %parallel_loop3A_2393 = arith.ori %parallel_loop3A_2389, %parallel_loop3A_2392 : vector<16xi32>
      %parallel_loop3A_2394 = arith.xori %parallel_loop3A_2393, %parallel_loop3A_2386 : vector<16xi32>
      %parallel_loop3A_2395 = arith.addi %parallel_loop3A_2386, %parallel_loop3A_2394 : vector<16xi32>
      %parallel_loop3A_2396 = arith.constant 26 : i32
      %parallel_loop3A_2397 = vector.broadcast %parallel_loop3A_2396 : i32 to vector<16xi32>
      %parallel_loop3A_2398 = arith.shli %parallel_loop3A_2394, %parallel_loop3A_2397 : vector<16xi32>
      %parallel_loop3A_2399 = arith.constant 6 : i32
      %parallel_loop3A_2400 = vector.broadcast %parallel_loop3A_2399 : i32 to vector<16xi32>
      %parallel_loop3A_2401 = arith.shrui %parallel_loop3A_2394, %parallel_loop3A_2400 : vector<16xi32>
      %parallel_loop3A_2402 = arith.ori %parallel_loop3A_2398, %parallel_loop3A_2401 : vector<16xi32>
      %parallel_loop3A_2403 = arith.xori %parallel_loop3A_2402, %parallel_loop3A_2395 : vector<16xi32>
      %parallel_loop3A_2404 = arith.addi %parallel_loop3A_2395, %parallel_loop3A_2403 : vector<16xi32>
      %parallel_loop3A_2405 = arith.constant 6 : i32
      %parallel_loop3A_2406 = vector.broadcast %parallel_loop3A_2405 : i32 to vector<16xi32>
      %parallel_loop3A_2407 = arith.shli %parallel_loop3A_2403, %parallel_loop3A_2406 : vector<16xi32>
      %parallel_loop3A_2408 = arith.constant 26 : i32
      %parallel_loop3A_2409 = vector.broadcast %parallel_loop3A_2408 : i32 to vector<16xi32>
      %parallel_loop3A_2410 = arith.shrui %parallel_loop3A_2403, %parallel_loop3A_2409 : vector<16xi32>
      %parallel_loop3A_2411 = arith.ori %parallel_loop3A_2407, %parallel_loop3A_2410 : vector<16xi32>
      %parallel_loop3A_2412 = arith.xori %parallel_loop3A_2411, %parallel_loop3A_2404 : vector<16xi32>
      %parallel_loop3A_2413 = arith.constant 1234 : i32
      %parallel_loop3A_2414 = vector.broadcast %parallel_loop3A_2413 : i32 to vector<16xi32>
      %parallel_loop3A_2415 = arith.addi %parallel_loop3A_2404, %parallel_loop3A_2414 : vector<16xi32>
      %parallel_loop3A_2416 = arith.constant 466689801 : i32
      %parallel_loop3A_2417 = vector.broadcast %parallel_loop3A_2416 : i32 to vector<16xi32>
      %parallel_loop3A_2418 = arith.addi %parallel_loop3A_2412, %parallel_loop3A_2417 : vector<16xi32>
      %parallel_loop3A_2419 = arith.addi %parallel_loop3A_2415, %parallel_loop3A_2418 : vector<16xi32>
      %parallel_loop3A_2420 = arith.constant 17 : i32
      %parallel_loop3A_2421 = vector.broadcast %parallel_loop3A_2420 : i32 to vector<16xi32>
      %parallel_loop3A_2422 = arith.shli %parallel_loop3A_2418, %parallel_loop3A_2421 : vector<16xi32>
      %parallel_loop3A_2423 = arith.constant 15 : i32
      %parallel_loop3A_2424 = vector.broadcast %parallel_loop3A_2423 : i32 to vector<16xi32>
      %parallel_loop3A_2425 = arith.shrui %parallel_loop3A_2418, %parallel_loop3A_2424 : vector<16xi32>
      %parallel_loop3A_2426 = arith.ori %parallel_loop3A_2422, %parallel_loop3A_2425 : vector<16xi32>
      %parallel_loop3A_2427 = arith.xori %parallel_loop3A_2426, %parallel_loop3A_2419 : vector<16xi32>
      %parallel_loop3A_2428 = arith.addi %parallel_loop3A_2419, %parallel_loop3A_2427 : vector<16xi32>
      %parallel_loop3A_2429 = arith.constant 29 : i32
      %parallel_loop3A_2430 = vector.broadcast %parallel_loop3A_2429 : i32 to vector<16xi32>
      %parallel_loop3A_2431 = arith.shli %parallel_loop3A_2427, %parallel_loop3A_2430 : vector<16xi32>
      %parallel_loop3A_2432 = arith.constant 3 : i32
      %parallel_loop3A_2433 = vector.broadcast %parallel_loop3A_2432 : i32 to vector<16xi32>
      %parallel_loop3A_2434 = arith.shrui %parallel_loop3A_2427, %parallel_loop3A_2433 : vector<16xi32>
      %parallel_loop3A_2435 = arith.ori %parallel_loop3A_2431, %parallel_loop3A_2434 : vector<16xi32>
      %parallel_loop3A_2436 = arith.xori %parallel_loop3A_2435, %parallel_loop3A_2428 : vector<16xi32>
      %parallel_loop3A_2437 = arith.addi %parallel_loop3A_2428, %parallel_loop3A_2436 : vector<16xi32>
      %parallel_loop3A_2438 = arith.constant 16 : i32
      %parallel_loop3A_2439 = vector.broadcast %parallel_loop3A_2438 : i32 to vector<16xi32>
      %parallel_loop3A_2440 = arith.shli %parallel_loop3A_2436, %parallel_loop3A_2439 : vector<16xi32>
      %parallel_loop3A_2441 = arith.constant 16 : i32
      %parallel_loop3A_2442 = vector.broadcast %parallel_loop3A_2441 : i32 to vector<16xi32>
      %parallel_loop3A_2443 = arith.shrui %parallel_loop3A_2436, %parallel_loop3A_2442 : vector<16xi32>
      %parallel_loop3A_2444 = arith.ori %parallel_loop3A_2440, %parallel_loop3A_2443 : vector<16xi32>
      %parallel_loop3A_2445 = arith.xori %parallel_loop3A_2444, %parallel_loop3A_2437 : vector<16xi32>
      %parallel_loop3A_2446 = arith.addi %parallel_loop3A_2437, %parallel_loop3A_2445 : vector<16xi32>
      %parallel_loop3A_2447 = arith.constant 24 : i32
      %parallel_loop3A_2448 = vector.broadcast %parallel_loop3A_2447 : i32 to vector<16xi32>
      %parallel_loop3A_2449 = arith.shli %parallel_loop3A_2445, %parallel_loop3A_2448 : vector<16xi32>
      %parallel_loop3A_2450 = arith.constant 8 : i32
      %parallel_loop3A_2451 = vector.broadcast %parallel_loop3A_2450 : i32 to vector<16xi32>
      %parallel_loop3A_2452 = arith.shrui %parallel_loop3A_2445, %parallel_loop3A_2451 : vector<16xi32>
      %parallel_loop3A_2453 = arith.ori %parallel_loop3A_2449, %parallel_loop3A_2452 : vector<16xi32>
      %parallel_loop3A_2454 = arith.xori %parallel_loop3A_2453, %parallel_loop3A_2446 : vector<16xi32>
      %parallel_loop3A_2455 = arith.constant 466689800 : i32
      %parallel_loop3A_2456 = vector.broadcast %parallel_loop3A_2455 : i32 to vector<16xi32>
      %parallel_loop3A_2457 = arith.addi %parallel_loop3A_2446, %parallel_loop3A_2456 : vector<16xi32>
      %parallel_loop3A_2458 = arith.constant 2 : i32
      %parallel_loop3A_2459 = vector.broadcast %parallel_loop3A_2458 : i32 to vector<16xi32>
      %parallel_loop3A_2460 = arith.addi %parallel_loop3A_2454, %parallel_loop3A_2459 : vector<16xi32>
      %parallel_loop3A_2461 = arith.addi %parallel_loop3A_2457, %parallel_loop3A_2460 : vector<16xi32>
      %parallel_loop3A_2462 = arith.constant 13 : i32
      %parallel_loop3A_2463 = vector.broadcast %parallel_loop3A_2462 : i32 to vector<16xi32>
      %parallel_loop3A_2464 = arith.shli %parallel_loop3A_2460, %parallel_loop3A_2463 : vector<16xi32>
      %parallel_loop3A_2465 = arith.constant 19 : i32
      %parallel_loop3A_2466 = vector.broadcast %parallel_loop3A_2465 : i32 to vector<16xi32>
      %parallel_loop3A_2467 = arith.shrui %parallel_loop3A_2460, %parallel_loop3A_2466 : vector<16xi32>
      %parallel_loop3A_2468 = arith.ori %parallel_loop3A_2464, %parallel_loop3A_2467 : vector<16xi32>
      %parallel_loop3A_2469 = arith.xori %parallel_loop3A_2468, %parallel_loop3A_2461 : vector<16xi32>
      %parallel_loop3A_2470 = arith.addi %parallel_loop3A_2461, %parallel_loop3A_2469 : vector<16xi32>
      %parallel_loop3A_2471 = arith.constant 15 : i32
      %parallel_loop3A_2472 = vector.broadcast %parallel_loop3A_2471 : i32 to vector<16xi32>
      %parallel_loop3A_2473 = arith.shli %parallel_loop3A_2469, %parallel_loop3A_2472 : vector<16xi32>
      %parallel_loop3A_2474 = arith.constant 17 : i32
      %parallel_loop3A_2475 = vector.broadcast %parallel_loop3A_2474 : i32 to vector<16xi32>
      %parallel_loop3A_2476 = arith.shrui %parallel_loop3A_2469, %parallel_loop3A_2475 : vector<16xi32>
      %parallel_loop3A_2477 = arith.ori %parallel_loop3A_2473, %parallel_loop3A_2476 : vector<16xi32>
      %parallel_loop3A_2478 = arith.xori %parallel_loop3A_2477, %parallel_loop3A_2470 : vector<16xi32>
      %parallel_loop3A_2479 = arith.addi %parallel_loop3A_2470, %parallel_loop3A_2478 : vector<16xi32>
      %parallel_loop3A_2480 = arith.constant 26 : i32
      %parallel_loop3A_2481 = vector.broadcast %parallel_loop3A_2480 : i32 to vector<16xi32>
      %parallel_loop3A_2482 = arith.shli %parallel_loop3A_2478, %parallel_loop3A_2481 : vector<16xi32>
      %parallel_loop3A_2483 = arith.constant 6 : i32
      %parallel_loop3A_2484 = vector.broadcast %parallel_loop3A_2483 : i32 to vector<16xi32>
      %parallel_loop3A_2485 = arith.shrui %parallel_loop3A_2478, %parallel_loop3A_2484 : vector<16xi32>
      %parallel_loop3A_2486 = arith.ori %parallel_loop3A_2482, %parallel_loop3A_2485 : vector<16xi32>
      %parallel_loop3A_2487 = arith.xori %parallel_loop3A_2486, %parallel_loop3A_2479 : vector<16xi32>
      %parallel_loop3A_2488 = arith.addi %parallel_loop3A_2479, %parallel_loop3A_2487 : vector<16xi32>
      %parallel_loop3A_2489 = arith.constant 6 : i32
      %parallel_loop3A_2490 = vector.broadcast %parallel_loop3A_2489 : i32 to vector<16xi32>
      %parallel_loop3A_2491 = arith.shli %parallel_loop3A_2487, %parallel_loop3A_2490 : vector<16xi32>
      %parallel_loop3A_2492 = arith.constant 26 : i32
      %parallel_loop3A_2493 = vector.broadcast %parallel_loop3A_2492 : i32 to vector<16xi32>
      %parallel_loop3A_2494 = arith.shrui %parallel_loop3A_2487, %parallel_loop3A_2493 : vector<16xi32>
      %parallel_loop3A_2495 = arith.ori %parallel_loop3A_2491, %parallel_loop3A_2494 : vector<16xi32>
      %parallel_loop3A_2496 = arith.xori %parallel_loop3A_2495, %parallel_loop3A_2488 : vector<16xi32>
      %parallel_loop3A_2497 = arith.constant 0 : i32
      %parallel_loop3A_2498 = vector.broadcast %parallel_loop3A_2497 : i32 to vector<16xi32>
      %parallel_loop3A_2499 = arith.addi %parallel_loop3A_2488, %parallel_loop3A_2498 : vector<16xi32>
      %parallel_loop3A_2500 = arith.constant 1237 : i32
      %parallel_loop3A_2501 = vector.broadcast %parallel_loop3A_2500 : i32 to vector<16xi32>
      %parallel_loop3A_2502 = arith.addi %parallel_loop3A_2496, %parallel_loop3A_2501 : vector<16xi32>
      %parallel_loop3A_2503 = arith.addi %parallel_loop3A_2499, %parallel_loop3A_2502 : vector<16xi32>
      %parallel_loop3A_2504 = arith.constant 17 : i32
      %parallel_loop3A_2505 = vector.broadcast %parallel_loop3A_2504 : i32 to vector<16xi32>
      %parallel_loop3A_2506 = arith.shli %parallel_loop3A_2502, %parallel_loop3A_2505 : vector<16xi32>
      %parallel_loop3A_2507 = arith.constant 15 : i32
      %parallel_loop3A_2508 = vector.broadcast %parallel_loop3A_2507 : i32 to vector<16xi32>
      %parallel_loop3A_2509 = arith.shrui %parallel_loop3A_2502, %parallel_loop3A_2508 : vector<16xi32>
      %parallel_loop3A_2510 = arith.ori %parallel_loop3A_2506, %parallel_loop3A_2509 : vector<16xi32>
      %parallel_loop3A_2511 = arith.xori %parallel_loop3A_2510, %parallel_loop3A_2503 : vector<16xi32>
      %parallel_loop3A_2512 = arith.addi %parallel_loop3A_2503, %parallel_loop3A_2511 : vector<16xi32>
      %parallel_loop3A_2513 = arith.constant 29 : i32
      %parallel_loop3A_2514 = vector.broadcast %parallel_loop3A_2513 : i32 to vector<16xi32>
      %parallel_loop3A_2515 = arith.shli %parallel_loop3A_2511, %parallel_loop3A_2514 : vector<16xi32>
      %parallel_loop3A_2516 = arith.constant 3 : i32
      %parallel_loop3A_2517 = vector.broadcast %parallel_loop3A_2516 : i32 to vector<16xi32>
      %parallel_loop3A_2518 = arith.shrui %parallel_loop3A_2511, %parallel_loop3A_2517 : vector<16xi32>
      %parallel_loop3A_2519 = arith.ori %parallel_loop3A_2515, %parallel_loop3A_2518 : vector<16xi32>
      %parallel_loop3A_2520 = arith.xori %parallel_loop3A_2519, %parallel_loop3A_2512 : vector<16xi32>
      %parallel_loop3A_2521 = arith.addi %parallel_loop3A_2512, %parallel_loop3A_2520 : vector<16xi32>
      %parallel_loop3A_2522 = arith.constant 16 : i32
      %parallel_loop3A_2523 = vector.broadcast %parallel_loop3A_2522 : i32 to vector<16xi32>
      %parallel_loop3A_2524 = arith.shli %parallel_loop3A_2520, %parallel_loop3A_2523 : vector<16xi32>
      %parallel_loop3A_2525 = arith.constant 16 : i32
      %parallel_loop3A_2526 = vector.broadcast %parallel_loop3A_2525 : i32 to vector<16xi32>
      %parallel_loop3A_2527 = arith.shrui %parallel_loop3A_2520, %parallel_loop3A_2526 : vector<16xi32>
      %parallel_loop3A_2528 = arith.ori %parallel_loop3A_2524, %parallel_loop3A_2527 : vector<16xi32>
      %parallel_loop3A_2529 = arith.xori %parallel_loop3A_2528, %parallel_loop3A_2521 : vector<16xi32>
      %parallel_loop3A_2530 = arith.addi %parallel_loop3A_2521, %parallel_loop3A_2529 : vector<16xi32>
      %parallel_loop3A_2531 = arith.constant 24 : i32
      %parallel_loop3A_2532 = vector.broadcast %parallel_loop3A_2531 : i32 to vector<16xi32>
      %parallel_loop3A_2533 = arith.shli %parallel_loop3A_2529, %parallel_loop3A_2532 : vector<16xi32>
      %parallel_loop3A_2534 = arith.constant 8 : i32
      %parallel_loop3A_2535 = vector.broadcast %parallel_loop3A_2534 : i32 to vector<16xi32>
      %parallel_loop3A_2536 = arith.shrui %parallel_loop3A_2529, %parallel_loop3A_2535 : vector<16xi32>
      %parallel_loop3A_2537 = arith.ori %parallel_loop3A_2533, %parallel_loop3A_2536 : vector<16xi32>
      %parallel_loop3A_2538 = arith.xori %parallel_loop3A_2537, %parallel_loop3A_2530 : vector<16xi32>
      %parallel_loop3A_2539 = arith.constant 1234 : i32
      %parallel_loop3A_2540 = vector.broadcast %parallel_loop3A_2539 : i32 to vector<16xi32>
      %parallel_loop3A_2541 = arith.addi %parallel_loop3A_2530, %parallel_loop3A_2540 : vector<16xi32>
      %parallel_loop3A_2542 = arith.constant 466689804 : i32
      %parallel_loop3A_2543 = vector.broadcast %parallel_loop3A_2542 : i32 to vector<16xi32>
      %parallel_loop3A_2544 = arith.addi %parallel_loop3A_2538, %parallel_loop3A_2543 : vector<16xi32>
      %parallel_loop3A_2545 = arith.addi %parallel_loop3A_2541, %parallel_loop3A_2544 : vector<16xi32>
      %parallel_loop3A_2546 = arith.constant 13 : i32
      %parallel_loop3A_2547 = vector.broadcast %parallel_loop3A_2546 : i32 to vector<16xi32>
      %parallel_loop3A_2548 = arith.shli %parallel_loop3A_2544, %parallel_loop3A_2547 : vector<16xi32>
      %parallel_loop3A_2549 = arith.constant 19 : i32
      %parallel_loop3A_2550 = vector.broadcast %parallel_loop3A_2549 : i32 to vector<16xi32>
      %parallel_loop3A_2551 = arith.shrui %parallel_loop3A_2544, %parallel_loop3A_2550 : vector<16xi32>
      %parallel_loop3A_2552 = arith.ori %parallel_loop3A_2548, %parallel_loop3A_2551 : vector<16xi32>
      %parallel_loop3A_2553 = arith.xori %parallel_loop3A_2552, %parallel_loop3A_2545 : vector<16xi32>
      %parallel_loop3A_2554 = arith.addi %parallel_loop3A_2545, %parallel_loop3A_2553 : vector<16xi32>
      %parallel_loop3A_2555 = arith.constant 15 : i32
      %parallel_loop3A_2556 = vector.broadcast %parallel_loop3A_2555 : i32 to vector<16xi32>
      %parallel_loop3A_2557 = arith.shli %parallel_loop3A_2553, %parallel_loop3A_2556 : vector<16xi32>
      %parallel_loop3A_2558 = arith.constant 17 : i32
      %parallel_loop3A_2559 = vector.broadcast %parallel_loop3A_2558 : i32 to vector<16xi32>
      %parallel_loop3A_2560 = arith.shrui %parallel_loop3A_2553, %parallel_loop3A_2559 : vector<16xi32>
      %parallel_loop3A_2561 = arith.ori %parallel_loop3A_2557, %parallel_loop3A_2560 : vector<16xi32>
      %parallel_loop3A_2562 = arith.xori %parallel_loop3A_2561, %parallel_loop3A_2554 : vector<16xi32>
      %parallel_loop3A_2563 = arith.addi %parallel_loop3A_2554, %parallel_loop3A_2562 : vector<16xi32>
      %parallel_loop3A_2564 = arith.constant 26 : i32
      %parallel_loop3A_2565 = vector.broadcast %parallel_loop3A_2564 : i32 to vector<16xi32>
      %parallel_loop3A_2566 = arith.shli %parallel_loop3A_2562, %parallel_loop3A_2565 : vector<16xi32>
      %parallel_loop3A_2567 = arith.constant 6 : i32
      %parallel_loop3A_2568 = vector.broadcast %parallel_loop3A_2567 : i32 to vector<16xi32>
      %parallel_loop3A_2569 = arith.shrui %parallel_loop3A_2562, %parallel_loop3A_2568 : vector<16xi32>
      %parallel_loop3A_2570 = arith.ori %parallel_loop3A_2566, %parallel_loop3A_2569 : vector<16xi32>
      %parallel_loop3A_2571 = arith.xori %parallel_loop3A_2570, %parallel_loop3A_2563 : vector<16xi32>
      %parallel_loop3A_2572 = arith.addi %parallel_loop3A_2563, %parallel_loop3A_2571 : vector<16xi32>
      %parallel_loop3A_2573 = arith.constant 6 : i32
      %parallel_loop3A_2574 = vector.broadcast %parallel_loop3A_2573 : i32 to vector<16xi32>
      %parallel_loop3A_2575 = arith.shli %parallel_loop3A_2571, %parallel_loop3A_2574 : vector<16xi32>
      %parallel_loop3A_2576 = arith.constant 26 : i32
      %parallel_loop3A_2577 = vector.broadcast %parallel_loop3A_2576 : i32 to vector<16xi32>
      %parallel_loop3A_2578 = arith.shrui %parallel_loop3A_2571, %parallel_loop3A_2577 : vector<16xi32>
      %parallel_loop3A_2579 = arith.ori %parallel_loop3A_2575, %parallel_loop3A_2578 : vector<16xi32>
      %parallel_loop3A_2580 = arith.xori %parallel_loop3A_2579, %parallel_loop3A_2572 : vector<16xi32>
      %parallel_loop3A_2581 = arith.constant 466689800 : i32
      %parallel_loop3A_2582 = vector.broadcast %parallel_loop3A_2581 : i32 to vector<16xi32>
      %parallel_loop3A_2583 = arith.addi %parallel_loop3A_2572, %parallel_loop3A_2582 : vector<16xi32>
      %parallel_loop3A_2584 = arith.constant 5 : i32
      %parallel_loop3A_2585 = vector.broadcast %parallel_loop3A_2584 : i32 to vector<16xi32>
      %parallel_loop3A_2586 = arith.addi %parallel_loop3A_2580, %parallel_loop3A_2585 : vector<16xi32>
      %parallel_loop3A_2587 = arith.xori %parallel_loop3A_2583, %parallel_loop3A_2586 : vector<16xi32>
      %parallel_loop3A_2588 = arith.constant 9 : i32
      %parallel_loop3A_2589 = vector.broadcast %parallel_loop3A_2588 : i32 to vector<16xi32>
      %parallel_loop3A_2590 = arith.shrui %parallel_loop3A_2587, %parallel_loop3A_2589 : vector<16xi32>
      %parallel_loop3A_2591 = arith.constant 1065353216 : i32
      %parallel_loop3A_2592 = vector.broadcast %parallel_loop3A_2591 : i32 to vector<16xi32>
      %parallel_loop3A_2593 = arith.ori %parallel_loop3A_2590, %parallel_loop3A_2592 : vector<16xi32>
      %parallel_loop3A_2594 = tpu.bitcast %parallel_loop3A_2593 : vector<16xi32> -> vector<16xf32>
      %parallel_loop3A_2595 = arith.constant 1.000000e+00 : f32
      %parallel_loop3A_2596 = vector.broadcast %parallel_loop3A_2595 : f32 to vector<16xf32>
      %parallel_loop3A_2597 = arith.subf %parallel_loop3A_2594, %parallel_loop3A_2596 : vector<16xf32>
      %parallel_loop3A_2598 = arith.constant 9.99999968E-21 : f32
      %parallel_loop3A_2599 = vector.broadcast %parallel_loop3A_2598 : f32 to vector<16xf32>
      %parallel_loop3A_2600 = arith.maximumf %parallel_loop3A_2597, %parallel_loop3A_2599 : vector<16xf32>
      %parallel_loop3A_2601 = tpu.bitcast %parallel_loop3A_2600 : vector<16xf32> -> vector<16xi32>
      %parallel_loop3A_2602 = arith.constant 23 : i32
      %parallel_loop3A_2603 = vector.broadcast %parallel_loop3A_2602 : i32 to vector<16xi32>
      %parallel_loop3A_2604 = arith.shrui %parallel_loop3A_2601, %parallel_loop3A_2603 : vector<16xi32>
      %parallel_loop3A_2605 = arith.constant 127 : i32
      %parallel_loop3A_2606 = vector.broadcast %parallel_loop3A_2605 : i32 to vector<16xi32>
      %parallel_loop3A_2607 = arith.subi %parallel_loop3A_2604, %parallel_loop3A_2606 : vector<16xi32>
      %parallel_loop3A_2608 = arith.constant 8388607 : i32
      %parallel_loop3A_2609 = vector.broadcast %parallel_loop3A_2608 : i32 to vector<16xi32>
      %parallel_loop3A_2610 = arith.andi %parallel_loop3A_2601, %parallel_loop3A_2609 : vector<16xi32>
      %parallel_loop3A_2611 = arith.constant 1065353216 : i32
      %parallel_loop3A_2612 = vector.broadcast %parallel_loop3A_2611 : i32 to vector<16xi32>
      %parallel_loop3A_2613 = arith.ori %parallel_loop3A_2610, %parallel_loop3A_2612 : vector<16xi32>
      %parallel_loop3A_2614 = tpu.bitcast %parallel_loop3A_2613 : vector<16xi32> -> vector<16xf32>
      %parallel_loop3A_2615 = arith.constant 1.41421354 : f32
      %parallel_loop3A_2616 = vector.broadcast %parallel_loop3A_2615 : f32 to vector<16xf32>
      %parallel_loop3A_2617 = arith.cmpf ogt, %parallel_loop3A_2614, %parallel_loop3A_2616 : vector<16xf32>
      %parallel_loop3A_2618 = arith.constant 1 : i32
      %parallel_loop3A_2619 = vector.broadcast %parallel_loop3A_2618 : i32 to vector<16xi32>
      %parallel_loop3A_2620 = arith.addi %parallel_loop3A_2607, %parallel_loop3A_2619 : vector<16xi32>
      %parallel_loop3A_2621 = arith.select %parallel_loop3A_2617, %parallel_loop3A_2620, %parallel_loop3A_2607 : vector<16xi1>, vector<16xi32>
      %parallel_loop3A_2622 = arith.sitofp %parallel_loop3A_2621 : vector<16xi32> to vector<16xf32>
      %parallel_loop3A_2623 = arith.constant 5.000000e-01 : f32
      %parallel_loop3A_2624 = vector.broadcast %parallel_loop3A_2623 : f32 to vector<16xf32>
      %parallel_loop3A_2625 = arith.mulf %parallel_loop3A_2614, %parallel_loop3A_2624 : vector<16xf32>
      %parallel_loop3A_2626 = arith.select %parallel_loop3A_2617, %parallel_loop3A_2625, %parallel_loop3A_2614 : vector<16xi1>, vector<16xf32>
      %parallel_loop3A_2627 = arith.constant 1.000000e+00 : f32
      %parallel_loop3A_2628 = vector.broadcast %parallel_loop3A_2627 : f32 to vector<16xf32>
      %parallel_loop3A_2629 = arith.subf %parallel_loop3A_2626, %parallel_loop3A_2628 : vector<16xf32>
      %parallel_loop3A_2630 = arith.constant 1.000000e+00 : f32
      %parallel_loop3A_2631 = vector.broadcast %parallel_loop3A_2630 : f32 to vector<16xf32>
      %parallel_loop3A_2632 = arith.addf %parallel_loop3A_2626, %parallel_loop3A_2631 : vector<16xf32>
      %parallel_loop3A_2633 = arith.divf %parallel_loop3A_2629, %parallel_loop3A_2632 : vector<16xf32>
      %parallel_loop3A_2634 = arith.mulf %parallel_loop3A_2633, %parallel_loop3A_2633 : vector<16xf32>
      %parallel_loop3A_2635 = arith.constant 0.111111112 : f32
      %parallel_loop3A_2636 = vector.broadcast %parallel_loop3A_2635 : f32 to vector<16xf32>
      %parallel_loop3A_2637 = arith.mulf %parallel_loop3A_2634, %parallel_loop3A_2636 : vector<16xf32>
      %parallel_loop3A_2638 = arith.constant 0.142857149 : f32
      %parallel_loop3A_2639 = vector.broadcast %parallel_loop3A_2638 : f32 to vector<16xf32>
      %parallel_loop3A_2640 = arith.addf %parallel_loop3A_2639, %parallel_loop3A_2637 : vector<16xf32>
      %parallel_loop3A_2641 = arith.mulf %parallel_loop3A_2634, %parallel_loop3A_2640 : vector<16xf32>
      %parallel_loop3A_2642 = arith.constant 2.000000e-01 : f32
      %parallel_loop3A_2643 = vector.broadcast %parallel_loop3A_2642 : f32 to vector<16xf32>
      %parallel_loop3A_2644 = arith.addf %parallel_loop3A_2643, %parallel_loop3A_2641 : vector<16xf32>
      %parallel_loop3A_2645 = arith.mulf %parallel_loop3A_2634, %parallel_loop3A_2644 : vector<16xf32>
      %parallel_loop3A_2646 = arith.constant 0.333333343 : f32
      %parallel_loop3A_2647 = vector.broadcast %parallel_loop3A_2646 : f32 to vector<16xf32>
      %parallel_loop3A_2648 = arith.addf %parallel_loop3A_2647, %parallel_loop3A_2645 : vector<16xf32>
      %parallel_loop3A_2649 = arith.mulf %parallel_loop3A_2634, %parallel_loop3A_2648 : vector<16xf32>
      %parallel_loop3A_2650 = arith.constant 1.000000e+00 : f32
      %parallel_loop3A_2651 = vector.broadcast %parallel_loop3A_2650 : f32 to vector<16xf32>
      %parallel_loop3A_2652 = arith.addf %parallel_loop3A_2651, %parallel_loop3A_2649 : vector<16xf32>
      %parallel_loop3A_2653 = arith.constant 0.693147182 : f32
      %parallel_loop3A_2654 = vector.broadcast %parallel_loop3A_2653 : f32 to vector<16xf32>
      %parallel_loop3A_2655 = arith.mulf %parallel_loop3A_2622, %parallel_loop3A_2654 : vector<16xf32>
      %parallel_loop3A_2656 = arith.constant 2.000000e+00 : f32
      %parallel_loop3A_2657 = vector.broadcast %parallel_loop3A_2656 : f32 to vector<16xf32>
      %parallel_loop3A_2658 = arith.mulf %parallel_loop3A_2657, %parallel_loop3A_2633 : vector<16xf32>
      %parallel_loop3A_2659 = arith.mulf %parallel_loop3A_2658, %parallel_loop3A_2652 : vector<16xf32>
      %parallel_loop3A_2660 = arith.addf %parallel_loop3A_2655, %parallel_loop3A_2659 : vector<16xf32>
      %parallel_loop3A_2661 = arith.constant 0.000000e+00 : f32
      %parallel_loop3A_2662 = vector.broadcast %parallel_loop3A_2661 : f32 to vector<16xf32>
      %parallel_loop3A_2663 = arith.subf %parallel_loop3A_2662, %parallel_loop3A_2660 : vector<16xf32>
      %parallel_loop3A_2664 = arith.mulf %parallel_loop3A_2663, %parallel_loop3A_2663 : vector<16xf32>
      %parallel_loop3A_2665 = vector.broadcast %parallel_loop3A_200 : f32 to vector<16xf32>
      %parallel_loop3A_2666 = arith.divf %parallel_loop3A_2665, %parallel_loop3A_2664 : vector<16xf32>
      %parallel_loop3A_2667 = arith.index_cast %parallel_loop3A_186 : i32 to index
      %parallel_loop3A_2668 = arith.constant 112 : index
      %parallel_loop3A_2669 = tpu.vector_load %arg5[%parallel_loop3A_2667, %parallel_loop3A_2668] {strides = array<i32>} : memref<504x128xf32, #tpu.memory_space<vmem>>, vector<1x16xf32>,
      %parallel_loop3A_2670 = vector.shape_cast %parallel_loop3A_2669 : vector<1x16xf32> to vector<16xf32>
      %parallel_loop3A_2671 = vector.shape_cast %parallel_loop3A_2666 : vector<16xf32> to vector<1x16xf32>
      tpu.vector_store %arg5[%parallel_loop3A_2667, %parallel_loop3A_2668], %parallel_loop3A_2671 {strides = array<i32>} : memref<504x128xf32, #tpu.memory_space<vmem>>, vector<1x16xf32>,
      %parallel_loop3A_2672 = arith.addf %parallel_loop3A_194, %parallel_loop3A_2666 : vector<16xf32>
      scf.yield %parallel_loop3A_509, %parallel_loop3A_818, %parallel_loop3A_1127, %parallel_loop3A_1436, %parallel_loop3A_1745, %parallel_loop3A_2054, %parallel_loop3A_2363, %parallel_loop3A_2672 : vector<16xf32>, vector<16xf32>, vector<16xf32>, vector<16xf32>, vector<16xf32>, vector<16xf32>, vector<16xf32>, vector<16xf32>
    } {sc.loop_unroll_factor = 2 : i64, sc.parallel_access}
    %swap3A_86 = arith.constant 0 : index
    %swap3A_87 = tpu.vector_load %arg6[%swap3A_86] {strides = array<i32>} : memref<128xf32, #tpu.memory_space<vmem>>, vector<16xf32>,
    %swap3A_88 = vector.shape_cast %swap3A_87 : vector<16xf32> to vector<16xf32>
    %swap3A_89 = vector.shape_cast %parallel_loop3A_85#0 : vector<16xf32> to vector<16xf32>
    tpu.vector_store %arg6[%swap3A_86], %swap3A_89 {strides = array<i32>} : memref<128xf32, #tpu.memory_space<vmem>>, vector<16xf32>,
    %swap3A_90 = arith.constant 16 : index
    %swap3A_91 = tpu.vector_load %arg6[%swap3A_90] {strides = array<i32>} : memref<128xf32, #tpu.memory_space<vmem>>, vector<16xf32>,
    %swap3A_92 = vector.shape_cast %swap3A_91 : vector<16xf32> to vector<16xf32>
    %swap3A_93 = vector.shape_cast %parallel_loop3A_85#1 : vector<16xf32> to vector<16xf32>
    tpu.vector_store %arg6[%swap3A_90], %swap3A_93 {strides = array<i32>} : memref<128xf32, #tpu.memory_space<vmem>>, vector<16xf32>,
    %swap3A_94 = arith.constant 32 : index
    %swap3A_95 = tpu.vector_load %arg6[%swap3A_94] {strides = array<i32>} : memref<128xf32, #tpu.memory_space<vmem>>, vector<16xf32>,
    %swap3A_96 = vector.shape_cast %swap3A_95 : vector<16xf32> to vector<16xf32>
    %swap3A_97 = vector.shape_cast %parallel_loop3A_85#2 : vector<16xf32> to vector<16xf32>
    tpu.vector_store %arg6[%swap3A_94], %swap3A_97 {strides = array<i32>} : memref<128xf32, #tpu.memory_space<vmem>>, vector<16xf32>,
    %swap3A_98 = arith.constant 48 : index
    %swap3A_99 = tpu.vector_load %arg6[%swap3A_98] {strides = array<i32>} : memref<128xf32, #tpu.memory_space<vmem>>, vector<16xf32>,
    %swap3A_100 = vector.shape_cast %swap3A_99 : vector<16xf32> to vector<16xf32>
    %swap3A_101 = vector.shape_cast %parallel_loop3A_85#3 : vector<16xf32> to vector<16xf32>
    tpu.vector_store %arg6[%swap3A_98], %swap3A_101 {strides = array<i32>} : memref<128xf32, #tpu.memory_space<vmem>>, vector<16xf32>,
    %swap3A_102 = arith.constant 64 : index
    %swap3A_103 = tpu.vector_load %arg6[%swap3A_102] {strides = array<i32>} : memref<128xf32, #tpu.memory_space<vmem>>, vector<16xf32>,
    %swap3A_104 = vector.shape_cast %swap3A_103 : vector<16xf32> to vector<16xf32>
    %swap3A_105 = vector.shape_cast %parallel_loop3A_85#4 : vector<16xf32> to vector<16xf32>
    tpu.vector_store %arg6[%swap3A_102], %swap3A_105 {strides = array<i32>} : memref<128xf32, #tpu.memory_space<vmem>>, vector<16xf32>,
    %swap3A_106 = arith.constant 80 : index
    %swap3A_107 = tpu.vector_load %arg6[%swap3A_106] {strides = array<i32>} : memref<128xf32, #tpu.memory_space<vmem>>, vector<16xf32>,
    %swap3A_108 = vector.shape_cast %swap3A_107 : vector<16xf32> to vector<16xf32>
    %swap3A_109 = vector.shape_cast %parallel_loop3A_85#5 : vector<16xf32> to vector<16xf32>
    tpu.vector_store %arg6[%swap3A_106], %swap3A_109 {strides = array<i32>} : memref<128xf32, #tpu.memory_space<vmem>>, vector<16xf32>,
    %swap3A_110 = arith.constant 96 : index
    %swap3A_111 = tpu.vector_load %arg6[%swap3A_110] {strides = array<i32>} : memref<128xf32, #tpu.memory_space<vmem>>, vector<16xf32>,
    %swap3A_112 = vector.shape_cast %swap3A_111 : vector<16xf32> to vector<16xf32>
    %swap3A_113 = vector.shape_cast %parallel_loop3A_85#6 : vector<16xf32> to vector<16xf32>
    tpu.vector_store %arg6[%swap3A_110], %swap3A_113 {strides = array<i32>} : memref<128xf32, #tpu.memory_space<vmem>>, vector<16xf32>,
    %swap3A_114 = arith.constant 112 : index
    %swap3A_115 = tpu.vector_load %arg6[%swap3A_114] {strides = array<i32>} : memref<128xf32, #tpu.memory_space<vmem>>, vector<16xf32>,
    %swap3A_116 = vector.shape_cast %swap3A_115 : vector<16xf32> to vector<16xf32>
    %swap3A_117 = vector.shape_cast %parallel_loop3A_85#7 : vector<16xf32> to vector<16xf32>
    tpu.vector_store %arg6[%swap3A_114], %swap3A_117 {strides = array<i32>} : memref<128xf32, #tpu.memory_space<vmem>>, vector<16xf32>,
    "tpu.region"() ({
      %run_scoped3A_186 = tpu.sem_alloc : memref<!tpu.dma_semaphore, #tpu.memory_space<semaphore_mem>>
      %dma_start3A = arith.constant 0 : i32
      %dma_start3A_187 = tpu.memref_slice %arg8[%arg1, %dma_start3A] : memref<16x128xf32, #tpu.memory_space<vmem_shared>> -> memref<1x128xf32, #tpu.memory_space<vmem_shared>>
      %dma_start3A_188 = tpu.memref_squeeze %dma_start3A_187 : memref<1x128xf32, #tpu.memory_space<vmem_shared>> -> memref<128xf32, #tpu.memory_space<vmem_shared>>
      %dma_start3A_189 = arith.constant 0 : i32
      %dma_start3A_190 = tpu.memref_slice %arg8[%arg1, %dma_start3A_189] : memref<16x128xf32, #tpu.memory_space<vmem_shared>> -> memref<1x128xf32, #tpu.memory_space<vmem_shared>>
      %dma_start3A_191 = tpu.memref_squeeze %dma_start3A_190 : memref<1x128xf32, #tpu.memory_space<vmem_shared>> -> memref<128xf32, #tpu.memory_space<vmem_shared>>
      tpu.enqueue_dma source(%arg6 : memref<128xf32, #tpu.memory_space<vmem>>) target(%dma_start3A_191 : memref<128xf32, #tpu.memory_space<vmem_shared>>) target_semaphore(%run_scoped3A_186 : memref<!tpu.dma_semaphore, #tpu.memory_space<semaphore_mem>>)
      %dma_wait3A = arith.constant 0 : i32
      %dma_wait3A_192 = tpu.memref_slice %arg8[%arg1, %dma_wait3A] : memref<16x128xf32, #tpu.memory_space<vmem_shared>> -> memref<1x128xf32, #tpu.memory_space<vmem_shared>>
      %dma_wait3A_193 = tpu.memref_squeeze %dma_wait3A_192 : memref<1x128xf32, #tpu.memory_space<vmem_shared>> -> memref<128xf32, #tpu.memory_space<vmem_shared>>
      %dma_wait3A_194 = arith.constant 0 : i32
      %dma_wait3A_195 = tpu.memref_slice %arg8[%arg1, %dma_wait3A_194] : memref<16x128xf32, #tpu.memory_space<vmem_shared>> -> memref<1x128xf32, #tpu.memory_space<vmem_shared>>
      %dma_wait3A_196 = tpu.memref_squeeze %dma_wait3A_195 : memref<1x128xf32, #tpu.memory_space<vmem_shared>> -> memref<128xf32, #tpu.memory_space<vmem_shared>>
      tpu.wait_dma2 semaphore(%run_scoped3A_186 : memref<!tpu.dma_semaphore, #tpu.memory_space<semaphore_mem>>) src(%arg6 : memref<128xf32, #tpu.memory_space<vmem>>) dst(%dma_wait3A_196 : memref<128xf32, #tpu.memory_space<vmem_shared>>)
      tpu.yield
    }) : () -> ()
    %barrier3A = arith.constant 0 : index
    tpu.barrier barrier_id(%barrier3A)
    %xor3A_118 = arith.constant 8 : i32
    %xor3A_119 = arith.xori %arg1, %xor3A_118 : i32
    "tpu.region"() ({
      %run_scoped3A_186 = tpu.sem_alloc : memref<!tpu.dma_semaphore, #tpu.memory_space<semaphore_mem>>
      %dma_start3A = arith.constant 0 : i32
      %dma_start3A_187 = tpu.memref_slice %arg8[%xor3A_119, %dma_start3A] : memref<16x128xf32, #tpu.memory_space<vmem_shared>> -> memref<1x128xf32, #tpu.memory_space<vmem_shared>>
      %dma_start3A_188 = tpu.memref_squeeze %dma_start3A_187 : memref<1x128xf32, #tpu.memory_space<vmem_shared>> -> memref<128xf32, #tpu.memory_space<vmem_shared>>
      %dma_start3A_189 = arith.constant 0 : i32
      %dma_start3A_190 = tpu.memref_slice %arg8[%xor3A_119, %dma_start3A_189] : memref<16x128xf32, #tpu.memory_space<vmem_shared>> -> memref<1x128xf32, #tpu.memory_space<vmem_shared>>
      %dma_start3A_191 = tpu.memref_squeeze %dma_start3A_190 : memref<1x128xf32, #tpu.memory_space<vmem_shared>> -> memref<128xf32, #tpu.memory_space<vmem_shared>>
      tpu.enqueue_dma source(%dma_start3A_191 : memref<128xf32, #tpu.memory_space<vmem_shared>>) target(%arg7 : memref<128xf32, #tpu.memory_space<vmem>>) target_semaphore(%run_scoped3A_186 : memref<!tpu.dma_semaphore, #tpu.memory_space<semaphore_mem>>)
      %dma_wait3A = arith.constant 0 : i32
      %dma_wait3A_192 = tpu.memref_slice %arg8[%xor3A_119, %dma_wait3A] : memref<16x128xf32, #tpu.memory_space<vmem_shared>> -> memref<1x128xf32, #tpu.memory_space<vmem_shared>>
      %dma_wait3A_193 = tpu.memref_squeeze %dma_wait3A_192 : memref<1x128xf32, #tpu.memory_space<vmem_shared>> -> memref<128xf32, #tpu.memory_space<vmem_shared>>
      %dma_wait3A_194 = arith.constant 0 : i32
      %dma_wait3A_195 = tpu.memref_slice %arg8[%xor3A_119, %dma_wait3A_194] : memref<16x128xf32, #tpu.memory_space<vmem_shared>> -> memref<1x128xf32, #tpu.memory_space<vmem_shared>>
      %dma_wait3A_196 = tpu.memref_squeeze %dma_wait3A_195 : memref<1x128xf32, #tpu.memory_space<vmem_shared>> -> memref<128xf32, #tpu.memory_space<vmem_shared>>
      tpu.wait_dma2 semaphore(%run_scoped3A_186 : memref<!tpu.dma_semaphore, #tpu.memory_space<semaphore_mem>>) src(%dma_wait3A_196 : memref<128xf32, #tpu.memory_space<vmem_shared>>) dst(%arg7 : memref<128xf32, #tpu.memory_space<vmem>>)
      tpu.yield
    }) : () -> ()
    %get3A = arith.constant 0 : index
    %get3A_120 = tpu.vector_load %arg7[%get3A] {strides = array<i32>} : memref<128xf32, #tpu.memory_space<vmem>>, vector<16xf32>,
    %get3A_121 = vector.shape_cast %get3A_120 : vector<16xf32> to vector<16xf32>
    %add3A_122 = arith.addf %parallel_loop3A_85#0, %get3A_121 : vector<16xf32>
    %div3A = arith.constant 1.000000e+00 : f32
    %div3A_123 = vector.broadcast %div3A : f32 to vector<16xf32>
    %div3A_124 = arith.divf %div3A_123, %add3A_122 : vector<16xf32>
    %get3A_125 = arith.constant 16 : index
    %get3A_126 = tpu.vector_load %arg7[%get3A_125] {strides = array<i32>} : memref<128xf32, #tpu.memory_space<vmem>>, vector<16xf32>,
    %get3A_127 = vector.shape_cast %get3A_126 : vector<16xf32> to vector<16xf32>
    %add3A_128 = arith.addf %parallel_loop3A_85#1, %get3A_127 : vector<16xf32>
    %div3A_129 = arith.constant 1.000000e+00 : f32
    %div3A_130 = vector.broadcast %div3A_129 : f32 to vector<16xf32>
    %div3A_131 = arith.divf %div3A_130, %add3A_128 : vector<16xf32>
    %get3A_132 = arith.constant 32 : index
    %get3A_133 = tpu.vector_load %arg7[%get3A_132] {strides = array<i32>} : memref<128xf32, #tpu.memory_space<vmem>>, vector<16xf32>,
    %get3A_134 = vector.shape_cast %get3A_133 : vector<16xf32> to vector<16xf32>
    %add3A_135 = arith.addf %parallel_loop3A_85#2, %get3A_134 : vector<16xf32>
    %div3A_136 = arith.constant 1.000000e+00 : f32
    %div3A_137 = vector.broadcast %div3A_136 : f32 to vector<16xf32>
    %div3A_138 = arith.divf %div3A_137, %add3A_135 : vector<16xf32>
    %get3A_139 = arith.constant 48 : index
    %get3A_140 = tpu.vector_load %arg7[%get3A_139] {strides = array<i32>} : memref<128xf32, #tpu.memory_space<vmem>>, vector<16xf32>,
    %get3A_141 = vector.shape_cast %get3A_140 : vector<16xf32> to vector<16xf32>
    %add3A_142 = arith.addf %parallel_loop3A_85#3, %get3A_141 : vector<16xf32>
    %div3A_143 = arith.constant 1.000000e+00 : f32
    %div3A_144 = vector.broadcast %div3A_143 : f32 to vector<16xf32>
    %div3A_145 = arith.divf %div3A_144, %add3A_142 : vector<16xf32>
    %get3A_146 = arith.constant 64 : index
    %get3A_147 = tpu.vector_load %arg7[%get3A_146] {strides = array<i32>} : memref<128xf32, #tpu.memory_space<vmem>>, vector<16xf32>,
    %get3A_148 = vector.shape_cast %get3A_147 : vector<16xf32> to vector<16xf32>
    %add3A_149 = arith.addf %parallel_loop3A_85#4, %get3A_148 : vector<16xf32>
    %div3A_150 = arith.constant 1.000000e+00 : f32
    %div3A_151 = vector.broadcast %div3A_150 : f32 to vector<16xf32>
    %div3A_152 = arith.divf %div3A_151, %add3A_149 : vector<16xf32>
    %get3A_153 = arith.constant 80 : index
    %get3A_154 = tpu.vector_load %arg7[%get3A_153] {strides = array<i32>} : memref<128xf32, #tpu.memory_space<vmem>>, vector<16xf32>,
    %get3A_155 = vector.shape_cast %get3A_154 : vector<16xf32> to vector<16xf32>
    %add3A_156 = arith.addf %parallel_loop3A_85#5, %get3A_155 : vector<16xf32>
    %div3A_157 = arith.constant 1.000000e+00 : f32
    %div3A_158 = vector.broadcast %div3A_157 : f32 to vector<16xf32>
    %div3A_159 = arith.divf %div3A_158, %add3A_156 : vector<16xf32>
    %get3A_160 = arith.constant 96 : index
    %get3A_161 = tpu.vector_load %arg7[%get3A_160] {strides = array<i32>} : memref<128xf32, #tpu.memory_space<vmem>>, vector<16xf32>,
    %get3A_162 = vector.shape_cast %get3A_161 : vector<16xf32> to vector<16xf32>
    %add3A_163 = arith.addf %parallel_loop3A_85#6, %get3A_162 : vector<16xf32>
    %div3A_164 = arith.constant 1.000000e+00 : f32
    %div3A_165 = vector.broadcast %div3A_164 : f32 to vector<16xf32>
    %div3A_166 = arith.divf %div3A_165, %add3A_163 : vector<16xf32>
    %get3A_167 = arith.constant 112 : index
    %get3A_168 = tpu.vector_load %arg7[%get3A_167] {strides = array<i32>} : memref<128xf32, #tpu.memory_space<vmem>>, vector<16xf32>,
    %get3A_169 = vector.shape_cast %get3A_168 : vector<16xf32> to vector<16xf32>
    %add3A_170 = arith.addf %parallel_loop3A_85#7, %get3A_169 : vector<16xf32>
    %div3A_171 = arith.constant 1.000000e+00 : f32
    %div3A_172 = vector.broadcast %div3A_171 : f32 to vector<16xf32>
    %div3A_173 = arith.divf %div3A_172, %add3A_170 : vector<16xf32>
    %parallel_loop3A_174 = arith.constant 0 : i32
    %parallel_loop3A_175 = arith.constant 504 : i32
    %parallel_loop3A_176 = arith.constant 1 : i32
    scf.for %parallel_loop3A_186 = %parallel_loop3A_174 to %parallel_loop3A_175 step %parallel_loop3A_176  : i32 {
      %parallel_loop3A_187 = arith.index_cast %parallel_loop3A_186 : i32 to index
      %parallel_loop3A_188 = arith.constant 0 : index
      %parallel_loop3A_189 = tpu.vector_load %arg5[%parallel_loop3A_187, %parallel_loop3A_188] {strides = array<i32>} : memref<504x128xf32, #tpu.memory_space<vmem>>, vector<1x16xf32>,
      %parallel_loop3A_190 = vector.shape_cast %parallel_loop3A_189 : vector<1x16xf32> to vector<16xf32>
      %parallel_loop3A_191 = arith.mulf %parallel_loop3A_190, %div3A_124 : vector<16xf32>
      %parallel_loop3A_192 = arith.index_cast %parallel_loop3A_186 : i32 to index
      %parallel_loop3A_193 = arith.constant 0 : index
      %parallel_loop3A_194 = tpu.vector_load %arg5[%parallel_loop3A_192, %parallel_loop3A_193] {strides = array<i32>} : memref<504x128xf32, #tpu.memory_space<vmem>>, vector<1x16xf32>,
      %parallel_loop3A_195 = vector.shape_cast %parallel_loop3A_194 : vector<1x16xf32> to vector<16xf32>
      %parallel_loop3A_196 = vector.shape_cast %parallel_loop3A_191 : vector<16xf32> to vector<1x16xf32>
      tpu.vector_store %arg5[%parallel_loop3A_192, %parallel_loop3A_193], %parallel_loop3A_196 {strides = array<i32>} : memref<504x128xf32, #tpu.memory_space<vmem>>, vector<1x16xf32>,
      %parallel_loop3A_197 = arith.index_cast %parallel_loop3A_186 : i32 to index
      %parallel_loop3A_198 = arith.constant 16 : index
      %parallel_loop3A_199 = tpu.vector_load %arg5[%parallel_loop3A_197, %parallel_loop3A_198] {strides = array<i32>} : memref<504x128xf32, #tpu.memory_space<vmem>>, vector<1x16xf32>,
      %parallel_loop3A_200 = vector.shape_cast %parallel_loop3A_199 : vector<1x16xf32> to vector<16xf32>
      %parallel_loop3A_201 = arith.mulf %parallel_loop3A_200, %div3A_131 : vector<16xf32>
      %parallel_loop3A_202 = arith.index_cast %parallel_loop3A_186 : i32 to index
      %parallel_loop3A_203 = arith.constant 16 : index
      %parallel_loop3A_204 = tpu.vector_load %arg5[%parallel_loop3A_202, %parallel_loop3A_203] {strides = array<i32>} : memref<504x128xf32, #tpu.memory_space<vmem>>, vector<1x16xf32>,
      %parallel_loop3A_205 = vector.shape_cast %parallel_loop3A_204 : vector<1x16xf32> to vector<16xf32>
      %parallel_loop3A_206 = vector.shape_cast %parallel_loop3A_201 : vector<16xf32> to vector<1x16xf32>
      tpu.vector_store %arg5[%parallel_loop3A_202, %parallel_loop3A_203], %parallel_loop3A_206 {strides = array<i32>} : memref<504x128xf32, #tpu.memory_space<vmem>>, vector<1x16xf32>,
      %parallel_loop3A_207 = arith.index_cast %parallel_loop3A_186 : i32 to index
      %parallel_loop3A_208 = arith.constant 32 : index
      %parallel_loop3A_209 = tpu.vector_load %arg5[%parallel_loop3A_207, %parallel_loop3A_208] {strides = array<i32>} : memref<504x128xf32, #tpu.memory_space<vmem>>, vector<1x16xf32>,
      %parallel_loop3A_210 = vector.shape_cast %parallel_loop3A_209 : vector<1x16xf32> to vector<16xf32>
      %parallel_loop3A_211 = arith.mulf %parallel_loop3A_210, %div3A_138 : vector<16xf32>
      %parallel_loop3A_212 = arith.index_cast %parallel_loop3A_186 : i32 to index
      %parallel_loop3A_213 = arith.constant 32 : index
      %parallel_loop3A_214 = tpu.vector_load %arg5[%parallel_loop3A_212, %parallel_loop3A_213] {strides = array<i32>} : memref<504x128xf32, #tpu.memory_space<vmem>>, vector<1x16xf32>,
      %parallel_loop3A_215 = vector.shape_cast %parallel_loop3A_214 : vector<1x16xf32> to vector<16xf32>
      %parallel_loop3A_216 = vector.shape_cast %parallel_loop3A_211 : vector<16xf32> to vector<1x16xf32>
      tpu.vector_store %arg5[%parallel_loop3A_212, %parallel_loop3A_213], %parallel_loop3A_216 {strides = array<i32>} : memref<504x128xf32, #tpu.memory_space<vmem>>, vector<1x16xf32>,
      %parallel_loop3A_217 = arith.index_cast %parallel_loop3A_186 : i32 to index
      %parallel_loop3A_218 = arith.constant 48 : index
      %parallel_loop3A_219 = tpu.vector_load %arg5[%parallel_loop3A_217, %parallel_loop3A_218] {strides = array<i32>} : memref<504x128xf32, #tpu.memory_space<vmem>>, vector<1x16xf32>,
      %parallel_loop3A_220 = vector.shape_cast %parallel_loop3A_219 : vector<1x16xf32> to vector<16xf32>
      %parallel_loop3A_221 = arith.mulf %parallel_loop3A_220, %div3A_145 : vector<16xf32>
      %parallel_loop3A_222 = arith.index_cast %parallel_loop3A_186 : i32 to index
      %parallel_loop3A_223 = arith.constant 48 : index
      %parallel_loop3A_224 = tpu.vector_load %arg5[%parallel_loop3A_222, %parallel_loop3A_223] {strides = array<i32>} : memref<504x128xf32, #tpu.memory_space<vmem>>, vector<1x16xf32>,
      %parallel_loop3A_225 = vector.shape_cast %parallel_loop3A_224 : vector<1x16xf32> to vector<16xf32>
      %parallel_loop3A_226 = vector.shape_cast %parallel_loop3A_221 : vector<16xf32> to vector<1x16xf32>
      tpu.vector_store %arg5[%parallel_loop3A_222, %parallel_loop3A_223], %parallel_loop3A_226 {strides = array<i32>} : memref<504x128xf32, #tpu.memory_space<vmem>>, vector<1x16xf32>,
      %parallel_loop3A_227 = arith.index_cast %parallel_loop3A_186 : i32 to index
      %parallel_loop3A_228 = arith.constant 64 : index
      %parallel_loop3A_229 = tpu.vector_load %arg5[%parallel_loop3A_227, %parallel_loop3A_228] {strides = array<i32>} : memref<504x128xf32, #tpu.memory_space<vmem>>, vector<1x16xf32>,
      %parallel_loop3A_230 = vector.shape_cast %parallel_loop3A_229 : vector<1x16xf32> to vector<16xf32>
      %parallel_loop3A_231 = arith.mulf %parallel_loop3A_230, %div3A_152 : vector<16xf32>
      %parallel_loop3A_232 = arith.index_cast %parallel_loop3A_186 : i32 to index
      %parallel_loop3A_233 = arith.constant 64 : index
      %parallel_loop3A_234 = tpu.vector_load %arg5[%parallel_loop3A_232, %parallel_loop3A_233] {strides = array<i32>} : memref<504x128xf32, #tpu.memory_space<vmem>>, vector<1x16xf32>,
      %parallel_loop3A_235 = vector.shape_cast %parallel_loop3A_234 : vector<1x16xf32> to vector<16xf32>
      %parallel_loop3A_236 = vector.shape_cast %parallel_loop3A_231 : vector<16xf32> to vector<1x16xf32>
      tpu.vector_store %arg5[%parallel_loop3A_232, %parallel_loop3A_233], %parallel_loop3A_236 {strides = array<i32>} : memref<504x128xf32, #tpu.memory_space<vmem>>, vector<1x16xf32>,
      %parallel_loop3A_237 = arith.index_cast %parallel_loop3A_186 : i32 to index
      %parallel_loop3A_238 = arith.constant 80 : index
      %parallel_loop3A_239 = tpu.vector_load %arg5[%parallel_loop3A_237, %parallel_loop3A_238] {strides = array<i32>} : memref<504x128xf32, #tpu.memory_space<vmem>>, vector<1x16xf32>,
      %parallel_loop3A_240 = vector.shape_cast %parallel_loop3A_239 : vector<1x16xf32> to vector<16xf32>
      %parallel_loop3A_241 = arith.mulf %parallel_loop3A_240, %div3A_159 : vector<16xf32>
      %parallel_loop3A_242 = arith.index_cast %parallel_loop3A_186 : i32 to index
      %parallel_loop3A_243 = arith.constant 80 : index
      %parallel_loop3A_244 = tpu.vector_load %arg5[%parallel_loop3A_242, %parallel_loop3A_243] {strides = array<i32>} : memref<504x128xf32, #tpu.memory_space<vmem>>, vector<1x16xf32>,
      %parallel_loop3A_245 = vector.shape_cast %parallel_loop3A_244 : vector<1x16xf32> to vector<16xf32>
      %parallel_loop3A_246 = vector.shape_cast %parallel_loop3A_241 : vector<16xf32> to vector<1x16xf32>
      tpu.vector_store %arg5[%parallel_loop3A_242, %parallel_loop3A_243], %parallel_loop3A_246 {strides = array<i32>} : memref<504x128xf32, #tpu.memory_space<vmem>>, vector<1x16xf32>,
      %parallel_loop3A_247 = arith.index_cast %parallel_loop3A_186 : i32 to index
      %parallel_loop3A_248 = arith.constant 96 : index
      %parallel_loop3A_249 = tpu.vector_load %arg5[%parallel_loop3A_247, %parallel_loop3A_248] {strides = array<i32>} : memref<504x128xf32, #tpu.memory_space<vmem>>, vector<1x16xf32>,
      %parallel_loop3A_250 = vector.shape_cast %parallel_loop3A_249 : vector<1x16xf32> to vector<16xf32>
      %parallel_loop3A_251 = arith.mulf %parallel_loop3A_250, %div3A_166 : vector<16xf32>
      %parallel_loop3A_252 = arith.index_cast %parallel_loop3A_186 : i32 to index
      %parallel_loop3A_253 = arith.constant 96 : index
      %parallel_loop3A_254 = tpu.vector_load %arg5[%parallel_loop3A_252, %parallel_loop3A_253] {strides = array<i32>} : memref<504x128xf32, #tpu.memory_space<vmem>>, vector<1x16xf32>,
      %parallel_loop3A_255 = vector.shape_cast %parallel_loop3A_254 : vector<1x16xf32> to vector<16xf32>
      %parallel_loop3A_256 = vector.shape_cast %parallel_loop3A_251 : vector<16xf32> to vector<1x16xf32>
      tpu.vector_store %arg5[%parallel_loop3A_252, %parallel_loop3A_253], %parallel_loop3A_256 {strides = array<i32>} : memref<504x128xf32, #tpu.memory_space<vmem>>, vector<1x16xf32>,
      %parallel_loop3A_257 = arith.index_cast %parallel_loop3A_186 : i32 to index
      %parallel_loop3A_258 = arith.constant 112 : index
      %parallel_loop3A_259 = tpu.vector_load %arg5[%parallel_loop3A_257, %parallel_loop3A_258] {strides = array<i32>} : memref<504x128xf32, #tpu.memory_space<vmem>>, vector<1x16xf32>,
      %parallel_loop3A_260 = vector.shape_cast %parallel_loop3A_259 : vector<1x16xf32> to vector<16xf32>
      %parallel_loop3A_261 = arith.mulf %parallel_loop3A_260, %div3A_173 : vector<16xf32>
      %parallel_loop3A_262 = arith.index_cast %parallel_loop3A_186 : i32 to index
      %parallel_loop3A_263 = arith.constant 112 : index
      %parallel_loop3A_264 = tpu.vector_load %arg5[%parallel_loop3A_262, %parallel_loop3A_263] {strides = array<i32>} : memref<504x128xf32, #tpu.memory_space<vmem>>, vector<1x16xf32>,
      %parallel_loop3A_265 = vector.shape_cast %parallel_loop3A_264 : vector<1x16xf32> to vector<16xf32>
      %parallel_loop3A_266 = vector.shape_cast %parallel_loop3A_261 : vector<16xf32> to vector<1x16xf32>
      tpu.vector_store %arg5[%parallel_loop3A_262, %parallel_loop3A_263], %parallel_loop3A_266 {strides = array<i32>} : memref<504x128xf32, #tpu.memory_space<vmem>>, vector<1x16xf32>,
    } {sc.loop_unroll_factor = 4 : i64, sc.parallel_access}
    %mul3A_177 = arith.constant 128 : i32
    %mul3A_178 = arith.muli %add3A, %mul3A_177 : i32
    %eq3A = arith.constant 0 : i32
    %eq3A_179 = arith.cmpi eq, %shift_right_logical3A_2, %eq3A : i32
    %convert_element_type3A = arith.extui %eq3A_179 : i1 to i32
    %cond3A = arith.constant 0 : i32
    %cond3A_180 = arith.cmpi ne, %convert_element_type3A, %cond3A : i32
    scf.if %cond3A_180 {
      "tpu.region"() ({
        %run_scoped3A_186 = tpu.sem_alloc : memref<!tpu.dma_semaphore, #tpu.memory_space<semaphore_mem>>
        %dma_start3A = arith.constant 0 : i32
        %dma_start3A_187 = arith.constant 0 : i32
        %dma_start3A_188 = tpu.memref_slice %arg5[%dma_start3A, %dma_start3A_187] : memref<504x128xf32, #tpu.memory_space<vmem>> -> memref<504x128xf32, #tpu.memory_space<vmem>>
        %dma_start3A_189 = arith.constant 0 : i32
        %dma_start3A_190 = tpu.memref_slice %arg3[%dma_start3A_189, %mul3A_178] : memref<1000x2048xf32, #tpu.memory_space<hbm>> -> memref<1000x128xf32, #tpu.memory_space<hbm>>
        %dma_start3A_191 = arith.constant 0 : i32
        %dma_start3A_192 = arith.constant 0 : i32
        %dma_start3A_193 = tpu.memref_slice %dma_start3A_190[%dma_start3A_191, %dma_start3A_192] : memref<1000x128xf32, #tpu.memory_space<hbm>> -> memref<504x128xf32, #tpu.memory_space<hbm>>
        %dma_start3A_194 = arith.constant 0 : i32
        %dma_start3A_195 = tpu.memref_slice %arg3[%dma_start3A_194, %mul3A_178] : memref<1000x2048xf32, #tpu.memory_space<hbm>> -> memref<1000x128xf32, #tpu.memory_space<hbm>>
        %dma_start3A_196 = arith.constant 0 : i32
        %dma_start3A_197 = arith.constant 0 : i32
        %dma_start3A_198 = tpu.memref_slice %dma_start3A_195[%dma_start3A_196, %dma_start3A_197] : memref<1000x128xf32, #tpu.memory_space<hbm>> -> memref<504x128xf32, #tpu.memory_space<hbm>>
        %dma_start3A_199 = arith.constant 0 : i32
        %dma_start3A_200 = arith.constant 0 : i32
        %dma_start3A_201 = tpu.memref_slice %arg5[%dma_start3A_199, %dma_start3A_200] : memref<504x128xf32, #tpu.memory_space<vmem>> -> memref<504x128xf32, #tpu.memory_space<vmem>>
        tpu.enqueue_dma source(%dma_start3A_201 : memref<504x128xf32, #tpu.memory_space<vmem>>) target(%dma_start3A_198 : memref<504x128xf32, #tpu.memory_space<hbm>>) target_semaphore(%run_scoped3A_186 : memref<!tpu.dma_semaphore, #tpu.memory_space<semaphore_mem>>)
        %dma_wait3A = arith.constant 0 : i32
        %dma_wait3A_202 = arith.constant 0 : i32
        %dma_wait3A_203 = tpu.memref_slice %arg5[%dma_wait3A, %dma_wait3A_202] : memref<504x128xf32, #tpu.memory_space<vmem>> -> memref<504x128xf32, #tpu.memory_space<vmem>>
        %dma_wait3A_204 = arith.constant 0 : i32
        %dma_wait3A_205 = tpu.memref_slice %arg3[%dma_wait3A_204, %mul3A_178] : memref<1000x2048xf32, #tpu.memory_space<hbm>> -> memref<1000x128xf32, #tpu.memory_space<hbm>>
        %dma_wait3A_206 = arith.constant 0 : i32
        %dma_wait3A_207 = arith.constant 0 : i32
        %dma_wait3A_208 = tpu.memref_slice %dma_wait3A_205[%dma_wait3A_206, %dma_wait3A_207] : memref<1000x128xf32, #tpu.memory_space<hbm>> -> memref<504x128xf32, #tpu.memory_space<hbm>>
        %dma_wait3A_209 = arith.constant 0 : i32
        %dma_wait3A_210 = tpu.memref_slice %arg3[%dma_wait3A_209, %mul3A_178] : memref<1000x2048xf32, #tpu.memory_space<hbm>> -> memref<1000x128xf32, #tpu.memory_space<hbm>>
        %dma_wait3A_211 = arith.constant 0 : i32
        %dma_wait3A_212 = arith.constant 0 : i32
        %dma_wait3A_213 = tpu.memref_slice %dma_wait3A_210[%dma_wait3A_211, %dma_wait3A_212] : memref<1000x128xf32, #tpu.memory_space<hbm>> -> memref<504x128xf32, #tpu.memory_space<hbm>>
        %dma_wait3A_214 = arith.constant 0 : i32
        %dma_wait3A_215 = arith.constant 0 : i32
        %dma_wait3A_216 = tpu.memref_slice %arg5[%dma_wait3A_214, %dma_wait3A_215] : memref<504x128xf32, #tpu.memory_space<vmem>> -> memref<504x128xf32, #tpu.memory_space<vmem>>
        tpu.wait_dma2 semaphore(%run_scoped3A_186 : memref<!tpu.dma_semaphore, #tpu.memory_space<semaphore_mem>>) src(%dma_wait3A_216 : memref<504x128xf32, #tpu.memory_space<vmem>>) dst(%dma_wait3A_213 : memref<504x128xf32, #tpu.memory_space<hbm>>)
        tpu.yield
      }) : () -> ()
    } else {
    }
    %eq3A_181 = arith.constant 1 : i32
    %eq3A_182 = arith.cmpi eq, %shift_right_logical3A_2, %eq3A_181 : i32
    %convert_element_type3A_183 = arith.extui %eq3A_182 : i1 to i32
    %cond3A_184 = arith.constant 0 : i32
    %cond3A_185 = arith.cmpi ne, %convert_element_type3A_183, %cond3A_184 : i32
    scf.if %cond3A_185 {
      "tpu.region"() ({
        %run_scoped3A_186 = tpu.sem_alloc : memref<!tpu.dma_semaphore, #tpu.memory_space<semaphore_mem>>
        %dma_start3A = arith.constant 0 : i32
        %dma_start3A_187 = arith.constant 0 : i32
        %dma_start3A_188 = tpu.memref_slice %arg5[%dma_start3A, %dma_start3A_187] : memref<504x128xf32, #tpu.memory_space<vmem>> -> memref<496x128xf32, #tpu.memory_space<vmem>>
        %dma_start3A_189 = arith.constant 0 : i32
        %dma_start3A_190 = tpu.memref_slice %arg3[%dma_start3A_189, %mul3A_178] : memref<1000x2048xf32, #tpu.memory_space<hbm>> -> memref<1000x128xf32, #tpu.memory_space<hbm>>
        %dma_start3A_191 = arith.constant 504 : i32
        %dma_start3A_192 = arith.constant 0 : i32
        %dma_start3A_193 = tpu.memref_slice %dma_start3A_190[%dma_start3A_191, %dma_start3A_192] : memref<1000x128xf32, #tpu.memory_space<hbm>> -> memref<496x128xf32, #tpu.memory_space<hbm>>
        %dma_start3A_194 = arith.constant 0 : i32
        %dma_start3A_195 = tpu.memref_slice %arg3[%dma_start3A_194, %mul3A_178] : memref<1000x2048xf32, #tpu.memory_space<hbm>> -> memref<1000x128xf32, #tpu.memory_space<hbm>>
        %dma_start3A_196 = arith.constant 504 : i32
        %dma_start3A_197 = arith.constant 0 : i32
        %dma_start3A_198 = tpu.memref_slice %dma_start3A_195[%dma_start3A_196, %dma_start3A_197] : memref<1000x128xf32, #tpu.memory_space<hbm>> -> memref<496x128xf32, #tpu.memory_space<hbm>>
        %dma_start3A_199 = arith.constant 0 : i32
        %dma_start3A_200 = arith.constant 0 : i32
        %dma_start3A_201 = tpu.memref_slice %arg5[%dma_start3A_199, %dma_start3A_200] : memref<504x128xf32, #tpu.memory_space<vmem>> -> memref<496x128xf32, #tpu.memory_space<vmem>>
        tpu.enqueue_dma source(%dma_start3A_201 : memref<496x128xf32, #tpu.memory_space<vmem>>) target(%dma_start3A_198 : memref<496x128xf32, #tpu.memory_space<hbm>>) target_semaphore(%run_scoped3A_186 : memref<!tpu.dma_semaphore, #tpu.memory_space<semaphore_mem>>)
        %dma_wait3A = arith.constant 0 : i32
        %dma_wait3A_202 = arith.constant 0 : i32
        %dma_wait3A_203 = tpu.memref_slice %arg5[%dma_wait3A, %dma_wait3A_202] : memref<504x128xf32, #tpu.memory_space<vmem>> -> memref<496x128xf32, #tpu.memory_space<vmem>>
        %dma_wait3A_204 = arith.constant 0 : i32
        %dma_wait3A_205 = tpu.memref_slice %arg3[%dma_wait3A_204, %mul3A_178] : memref<1000x2048xf32, #tpu.memory_space<hbm>> -> memref<1000x128xf32, #tpu.memory_space<hbm>>
        %dma_wait3A_206 = arith.constant 504 : i32
        %dma_wait3A_207 = arith.constant 0 : i32
        %dma_wait3A_208 = tpu.memref_slice %dma_wait3A_205[%dma_wait3A_206, %dma_wait3A_207] : memref<1000x128xf32, #tpu.memory_space<hbm>> -> memref<496x128xf32, #tpu.memory_space<hbm>>
        %dma_wait3A_209 = arith.constant 0 : i32
        %dma_wait3A_210 = tpu.memref_slice %arg3[%dma_wait3A_209, %mul3A_178] : memref<1000x2048xf32, #tpu.memory_space<hbm>> -> memref<1000x128xf32, #tpu.memory_space<hbm>>
        %dma_wait3A_211 = arith.constant 504 : i32
        %dma_wait3A_212 = arith.constant 0 : i32
        %dma_wait3A_213 = tpu.memref_slice %dma_wait3A_210[%dma_wait3A_211, %dma_wait3A_212] : memref<1000x128xf32, #tpu.memory_space<hbm>> -> memref<496x128xf32, #tpu.memory_space<hbm>>
        %dma_wait3A_214 = arith.constant 0 : i32
        %dma_wait3A_215 = arith.constant 0 : i32
        %dma_wait3A_216 = tpu.memref_slice %arg5[%dma_wait3A_214, %dma_wait3A_215] : memref<504x128xf32, #tpu.memory_space<vmem>> -> memref<496x128xf32, #tpu.memory_space<vmem>>
        tpu.wait_dma2 semaphore(%run_scoped3A_186 : memref<!tpu.dma_semaphore, #tpu.memory_space<semaphore_mem>>) src(%dma_wait3A_216 : memref<496x128xf32, #tpu.memory_space<vmem>>) dst(%dma_wait3A_213 : memref<496x128xf32, #tpu.memory_space<hbm>>)
        tpu.yield
      }) : () -> ()
    } else {
    }
    return
  }
}

module attributes {stable_mosaic.version = 14 : i64} {
  func.func @_tc_body(%arg0: i32, %arg1: memref<1x1000xf32, #tpu.memory_space<vmem>>, %arg2: memref<1000x1024xf32, #tpu.memory_space<vmem>>) attributes {dimension_semantics = [#tpu.dimension_semantics<arbitrary>], iteration_bounds = array<i64: 14>, scalar_prefetch = 0 : i64, scratch_operands = 0 : i64, tpu.core_type = #tpu.core_type<tc>, window_params = [{pipeline_mode = #tpu.pipeline_mode<synchronous>, transform_indices = @transform_0, window_bounds = array<i64: 1, 1000>}, {transform_indices = @transform_1, window_bounds = array<i64: 1000, 1024>}]} {
    %get3A = arith.constant 0 : index
    %get3A_0 = arith.constant 0 : index
    %get3A_1 = vector.load %arg1[%get3A, %get3A_0] : memref<1x1000xf32, #tpu.memory_space<vmem>>, vector<1x1000xf32>
    %reduce_max3A = vector.shape_cast %get3A_1 : vector<1x1000xf32> to vector<1x1x1000xf32>
    %reduce_max3A_2 = arith.constant dense<0xFF800000> : vector<1xf32>
    %reduce_max3A_3 = vector.multi_reduction <maximumf>, %reduce_max3A, %reduce_max3A_2 [1, 2] : vector<1x1x1000xf32> to vector<1xf32>
    %reduce_max3A_4 = vector.shape_cast %reduce_max3A_3 : vector<1xf32> to vector<1x1x1xf32>
    %reduce_max3A_5 = vector.extract %reduce_max3A_4[0, 0, 0] : f32 from vector<1x1x1xf32>
    %sub3A = vector.broadcast %reduce_max3A_5 : f32 to vector<1x1000xf32>
    %sub3A_6 = arith.subf %get3A_1, %sub3A : vector<1x1000xf32>
    %exp3A = math.exp %sub3A_6 : vector<1x1000xf32>
    %mul3A = arith.mulf %exp3A, %exp3A : vector<1x1000xf32>
    %mul3A_7 = arith.constant 1024 : i32
    %mul3A_8 = arith.muli %arg0, %mul3A_7 : i32
    %iota3A = tpu.iota {dimensions = array<i32: 0>} : vector<1024x1000xi32>
    %iota3A_9 = tpu.iota {dimensions = array<i32: 1>} : vector<1024x1000xi32>
    %add3A = vector.broadcast %mul3A_8 : i32 to vector<1024x1000xi32>
    %add3A_10 = arith.addi %add3A, %iota3A : vector<1024x1000xi32>
    %mul3A_11 = arith.constant 1000 : i32
    %mul3A_12 = vector.broadcast %mul3A_11 : i32 to vector<1024x1000xi32>
    %mul3A_13 = arith.muli %add3A_10, %mul3A_12 : vector<1024x1000xi32>
    %add3A_14 = arith.addi %mul3A_13, %iota3A_9 : vector<1024x1000xi32>
    %broadcast_in_dim3A = arith.constant 0 : i32
    %broadcast_in_dim3A_15 = vector.broadcast %broadcast_in_dim3A : i32 to vector<1024x1000xi32>
    %add3A_16 = arith.constant 0 : i32
    %add3A_17 = vector.broadcast %add3A_16 : i32 to vector<1024x1000xi32>
    %add3A_18 = arith.addi %broadcast_in_dim3A_15, %add3A_17 : vector<1024x1000xi32>
    %add3A_19 = arith.constant 1234 : i32
    %add3A_20 = vector.broadcast %add3A_19 : i32 to vector<1024x1000xi32>
    %add3A_21 = arith.addi %add3A_14, %add3A_20 : vector<1024x1000xi32>
    %add3A_22 = arith.addi %add3A_18, %add3A_21 : vector<1024x1000xi32>
    %shift_left3A = arith.constant 13 : i32
    %shift_left3A_23 = vector.broadcast %shift_left3A : i32 to vector<1024x1000xi32>
    %shift_left3A_24 = arith.shli %add3A_21, %shift_left3A_23 : vector<1024x1000xi32>
    %shift_right_logical3A = arith.constant 19 : i32
    %shift_right_logical3A_25 = vector.broadcast %shift_right_logical3A : i32 to vector<1024x1000xi32>
    %shift_right_logical3A_26 = arith.shrui %add3A_21, %shift_right_logical3A_25 : vector<1024x1000xi32>
    %or3A = arith.ori %shift_left3A_24, %shift_right_logical3A_26 : vector<1024x1000xi32>
    %xor3A = arith.xori %or3A, %add3A_22 : vector<1024x1000xi32>
    %add3A_27 = arith.addi %add3A_22, %xor3A : vector<1024x1000xi32>
    %shift_left3A_28 = arith.constant 15 : i32
    %shift_left3A_29 = vector.broadcast %shift_left3A_28 : i32 to vector<1024x1000xi32>
    %shift_left3A_30 = arith.shli %xor3A, %shift_left3A_29 : vector<1024x1000xi32>
    %shift_right_logical3A_31 = arith.constant 17 : i32
    %shift_right_logical3A_32 = vector.broadcast %shift_right_logical3A_31 : i32 to vector<1024x1000xi32>
    %shift_right_logical3A_33 = arith.shrui %xor3A, %shift_right_logical3A_32 : vector<1024x1000xi32>
    %or3A_34 = arith.ori %shift_left3A_30, %shift_right_logical3A_33 : vector<1024x1000xi32>
    %xor3A_35 = arith.xori %or3A_34, %add3A_27 : vector<1024x1000xi32>
    %add3A_36 = arith.addi %add3A_27, %xor3A_35 : vector<1024x1000xi32>
    %shift_left3A_37 = arith.constant 26 : i32
    %shift_left3A_38 = vector.broadcast %shift_left3A_37 : i32 to vector<1024x1000xi32>
    %shift_left3A_39 = arith.shli %xor3A_35, %shift_left3A_38 : vector<1024x1000xi32>
    %shift_right_logical3A_40 = arith.constant 6 : i32
    %shift_right_logical3A_41 = vector.broadcast %shift_right_logical3A_40 : i32 to vector<1024x1000xi32>
    %shift_right_logical3A_42 = arith.shrui %xor3A_35, %shift_right_logical3A_41 : vector<1024x1000xi32>
    %or3A_43 = arith.ori %shift_left3A_39, %shift_right_logical3A_42 : vector<1024x1000xi32>
    %xor3A_44 = arith.xori %or3A_43, %add3A_36 : vector<1024x1000xi32>
    %add3A_45 = arith.addi %add3A_36, %xor3A_44 : vector<1024x1000xi32>
    %shift_left3A_46 = arith.constant 6 : i32
    %shift_left3A_47 = vector.broadcast %shift_left3A_46 : i32 to vector<1024x1000xi32>
    %shift_left3A_48 = arith.shli %xor3A_44, %shift_left3A_47 : vector<1024x1000xi32>
    %shift_right_logical3A_49 = arith.constant 26 : i32
    %shift_right_logical3A_50 = vector.broadcast %shift_right_logical3A_49 : i32 to vector<1024x1000xi32>
    %shift_right_logical3A_51 = arith.shrui %xor3A_44, %shift_right_logical3A_50 : vector<1024x1000xi32>
    %or3A_52 = arith.ori %shift_left3A_48, %shift_right_logical3A_51 : vector<1024x1000xi32>
    %xor3A_53 = arith.xori %or3A_52, %add3A_45 : vector<1024x1000xi32>
    %add3A_54 = arith.constant 1234 : i32
    %add3A_55 = vector.broadcast %add3A_54 : i32 to vector<1024x1000xi32>
    %add3A_56 = arith.addi %add3A_45, %add3A_55 : vector<1024x1000xi32>
    %add3A_57 = arith.constant 466689801 : i32
    %add3A_58 = vector.broadcast %add3A_57 : i32 to vector<1024x1000xi32>
    %add3A_59 = arith.addi %xor3A_53, %add3A_58 : vector<1024x1000xi32>
    %add3A_60 = arith.addi %add3A_56, %add3A_59 : vector<1024x1000xi32>
    %shift_left3A_61 = arith.constant 17 : i32
    %shift_left3A_62 = vector.broadcast %shift_left3A_61 : i32 to vector<1024x1000xi32>
    %shift_left3A_63 = arith.shli %add3A_59, %shift_left3A_62 : vector<1024x1000xi32>
    %shift_right_logical3A_64 = arith.constant 15 : i32
    %shift_right_logical3A_65 = vector.broadcast %shift_right_logical3A_64 : i32 to vector<1024x1000xi32>
    %shift_right_logical3A_66 = arith.shrui %add3A_59, %shift_right_logical3A_65 : vector<1024x1000xi32>
    %or3A_67 = arith.ori %shift_left3A_63, %shift_right_logical3A_66 : vector<1024x1000xi32>
    %xor3A_68 = arith.xori %or3A_67, %add3A_60 : vector<1024x1000xi32>
    %add3A_69 = arith.addi %add3A_60, %xor3A_68 : vector<1024x1000xi32>
    %shift_left3A_70 = arith.constant 29 : i32
    %shift_left3A_71 = vector.broadcast %shift_left3A_70 : i32 to vector<1024x1000xi32>
    %shift_left3A_72 = arith.shli %xor3A_68, %shift_left3A_71 : vector<1024x1000xi32>
    %shift_right_logical3A_73 = arith.constant 3 : i32
    %shift_right_logical3A_74 = vector.broadcast %shift_right_logical3A_73 : i32 to vector<1024x1000xi32>
    %shift_right_logical3A_75 = arith.shrui %xor3A_68, %shift_right_logical3A_74 : vector<1024x1000xi32>
    %or3A_76 = arith.ori %shift_left3A_72, %shift_right_logical3A_75 : vector<1024x1000xi32>
    %xor3A_77 = arith.xori %or3A_76, %add3A_69 : vector<1024x1000xi32>
    %add3A_78 = arith.addi %add3A_69, %xor3A_77 : vector<1024x1000xi32>
    %shift_left3A_79 = arith.constant 16 : i32
    %shift_left3A_80 = vector.broadcast %shift_left3A_79 : i32 to vector<1024x1000xi32>
    %shift_left3A_81 = arith.shli %xor3A_77, %shift_left3A_80 : vector<1024x1000xi32>
    %shift_right_logical3A_82 = arith.constant 16 : i32
    %shift_right_logical3A_83 = vector.broadcast %shift_right_logical3A_82 : i32 to vector<1024x1000xi32>
    %shift_right_logical3A_84 = arith.shrui %xor3A_77, %shift_right_logical3A_83 : vector<1024x1000xi32>
    %or3A_85 = arith.ori %shift_left3A_81, %shift_right_logical3A_84 : vector<1024x1000xi32>
    %xor3A_86 = arith.xori %or3A_85, %add3A_78 : vector<1024x1000xi32>
    %add3A_87 = arith.addi %add3A_78, %xor3A_86 : vector<1024x1000xi32>
    %shift_left3A_88 = arith.constant 24 : i32
    %shift_left3A_89 = vector.broadcast %shift_left3A_88 : i32 to vector<1024x1000xi32>
    %shift_left3A_90 = arith.shli %xor3A_86, %shift_left3A_89 : vector<1024x1000xi32>
    %shift_right_logical3A_91 = arith.constant 8 : i32
    %shift_right_logical3A_92 = vector.broadcast %shift_right_logical3A_91 : i32 to vector<1024x1000xi32>
    %shift_right_logical3A_93 = arith.shrui %xor3A_86, %shift_right_logical3A_92 : vector<1024x1000xi32>
    %or3A_94 = arith.ori %shift_left3A_90, %shift_right_logical3A_93 : vector<1024x1000xi32>
    %xor3A_95 = arith.xori %or3A_94, %add3A_87 : vector<1024x1000xi32>
    %add3A_96 = arith.constant 466689800 : i32
    %add3A_97 = vector.broadcast %add3A_96 : i32 to vector<1024x1000xi32>
    %add3A_98 = arith.addi %add3A_87, %add3A_97 : vector<1024x1000xi32>
    %add3A_99 = arith.constant 2 : i32
    %add3A_100 = vector.broadcast %add3A_99 : i32 to vector<1024x1000xi32>
    %add3A_101 = arith.addi %xor3A_95, %add3A_100 : vector<1024x1000xi32>
    %add3A_102 = arith.addi %add3A_98, %add3A_101 : vector<1024x1000xi32>
    %shift_left3A_103 = arith.constant 13 : i32
    %shift_left3A_104 = vector.broadcast %shift_left3A_103 : i32 to vector<1024x1000xi32>
    %shift_left3A_105 = arith.shli %add3A_101, %shift_left3A_104 : vector<1024x1000xi32>
    %shift_right_logical3A_106 = arith.constant 19 : i32
    %shift_right_logical3A_107 = vector.broadcast %shift_right_logical3A_106 : i32 to vector<1024x1000xi32>
    %shift_right_logical3A_108 = arith.shrui %add3A_101, %shift_right_logical3A_107 : vector<1024x1000xi32>
    %or3A_109 = arith.ori %shift_left3A_105, %shift_right_logical3A_108 : vector<1024x1000xi32>
    %xor3A_110 = arith.xori %or3A_109, %add3A_102 : vector<1024x1000xi32>
    %add3A_111 = arith.addi %add3A_102, %xor3A_110 : vector<1024x1000xi32>
    %shift_left3A_112 = arith.constant 15 : i32
    %shift_left3A_113 = vector.broadcast %shift_left3A_112 : i32 to vector<1024x1000xi32>
    %shift_left3A_114 = arith.shli %xor3A_110, %shift_left3A_113 : vector<1024x1000xi32>
    %shift_right_logical3A_115 = arith.constant 17 : i32
    %shift_right_logical3A_116 = vector.broadcast %shift_right_logical3A_115 : i32 to vector<1024x1000xi32>
    %shift_right_logical3A_117 = arith.shrui %xor3A_110, %shift_right_logical3A_116 : vector<1024x1000xi32>
    %or3A_118 = arith.ori %shift_left3A_114, %shift_right_logical3A_117 : vector<1024x1000xi32>
    %xor3A_119 = arith.xori %or3A_118, %add3A_111 : vector<1024x1000xi32>
    %add3A_120 = arith.addi %add3A_111, %xor3A_119 : vector<1024x1000xi32>
    %shift_left3A_121 = arith.constant 26 : i32
    %shift_left3A_122 = vector.broadcast %shift_left3A_121 : i32 to vector<1024x1000xi32>
    %shift_left3A_123 = arith.shli %xor3A_119, %shift_left3A_122 : vector<1024x1000xi32>
    %shift_right_logical3A_124 = arith.constant 6 : i32
    %shift_right_logical3A_125 = vector.broadcast %shift_right_logical3A_124 : i32 to vector<1024x1000xi32>
    %shift_right_logical3A_126 = arith.shrui %xor3A_119, %shift_right_logical3A_125 : vector<1024x1000xi32>
    %or3A_127 = arith.ori %shift_left3A_123, %shift_right_logical3A_126 : vector<1024x1000xi32>
    %xor3A_128 = arith.xori %or3A_127, %add3A_120 : vector<1024x1000xi32>
    %add3A_129 = arith.addi %add3A_120, %xor3A_128 : vector<1024x1000xi32>
    %shift_left3A_130 = arith.constant 6 : i32
    %shift_left3A_131 = vector.broadcast %shift_left3A_130 : i32 to vector<1024x1000xi32>
    %shift_left3A_132 = arith.shli %xor3A_128, %shift_left3A_131 : vector<1024x1000xi32>
    %shift_right_logical3A_133 = arith.constant 26 : i32
    %shift_right_logical3A_134 = vector.broadcast %shift_right_logical3A_133 : i32 to vector<1024x1000xi32>
    %shift_right_logical3A_135 = arith.shrui %xor3A_128, %shift_right_logical3A_134 : vector<1024x1000xi32>
    %or3A_136 = arith.ori %shift_left3A_132, %shift_right_logical3A_135 : vector<1024x1000xi32>
    %xor3A_137 = arith.xori %or3A_136, %add3A_129 : vector<1024x1000xi32>
    %add3A_138 = arith.constant 0 : i32
    %add3A_139 = vector.broadcast %add3A_138 : i32 to vector<1024x1000xi32>
    %add3A_140 = arith.addi %add3A_129, %add3A_139 : vector<1024x1000xi32>
    %add3A_141 = arith.constant 1237 : i32
    %add3A_142 = vector.broadcast %add3A_141 : i32 to vector<1024x1000xi32>
    %add3A_143 = arith.addi %xor3A_137, %add3A_142 : vector<1024x1000xi32>
    %add3A_144 = arith.addi %add3A_140, %add3A_143 : vector<1024x1000xi32>
    %shift_left3A_145 = arith.constant 17 : i32
    %shift_left3A_146 = vector.broadcast %shift_left3A_145 : i32 to vector<1024x1000xi32>
    %shift_left3A_147 = arith.shli %add3A_143, %shift_left3A_146 : vector<1024x1000xi32>
    %shift_right_logical3A_148 = arith.constant 15 : i32
    %shift_right_logical3A_149 = vector.broadcast %shift_right_logical3A_148 : i32 to vector<1024x1000xi32>
    %shift_right_logical3A_150 = arith.shrui %add3A_143, %shift_right_logical3A_149 : vector<1024x1000xi32>
    %or3A_151 = arith.ori %shift_left3A_147, %shift_right_logical3A_150 : vector<1024x1000xi32>
    %xor3A_152 = arith.xori %or3A_151, %add3A_144 : vector<1024x1000xi32>
    %add3A_153 = arith.addi %add3A_144, %xor3A_152 : vector<1024x1000xi32>
    %shift_left3A_154 = arith.constant 29 : i32
    %shift_left3A_155 = vector.broadcast %shift_left3A_154 : i32 to vector<1024x1000xi32>
    %shift_left3A_156 = arith.shli %xor3A_152, %shift_left3A_155 : vector<1024x1000xi32>
    %shift_right_logical3A_157 = arith.constant 3 : i32
    %shift_right_logical3A_158 = vector.broadcast %shift_right_logical3A_157 : i32 to vector<1024x1000xi32>
    %shift_right_logical3A_159 = arith.shrui %xor3A_152, %shift_right_logical3A_158 : vector<1024x1000xi32>
    %or3A_160 = arith.ori %shift_left3A_156, %shift_right_logical3A_159 : vector<1024x1000xi32>
    %xor3A_161 = arith.xori %or3A_160, %add3A_153 : vector<1024x1000xi32>
    %add3A_162 = arith.addi %add3A_153, %xor3A_161 : vector<1024x1000xi32>
    %shift_left3A_163 = arith.constant 16 : i32
    %shift_left3A_164 = vector.broadcast %shift_left3A_163 : i32 to vector<1024x1000xi32>
    %shift_left3A_165 = arith.shli %xor3A_161, %shift_left3A_164 : vector<1024x1000xi32>
    %shift_right_logical3A_166 = arith.constant 16 : i32
    %shift_right_logical3A_167 = vector.broadcast %shift_right_logical3A_166 : i32 to vector<1024x1000xi32>
    %shift_right_logical3A_168 = arith.shrui %xor3A_161, %shift_right_logical3A_167 : vector<1024x1000xi32>
    %or3A_169 = arith.ori %shift_left3A_165, %shift_right_logical3A_168 : vector<1024x1000xi32>
    %xor3A_170 = arith.xori %or3A_169, %add3A_162 : vector<1024x1000xi32>
    %add3A_171 = arith.addi %add3A_162, %xor3A_170 : vector<1024x1000xi32>
    %shift_left3A_172 = arith.constant 24 : i32
    %shift_left3A_173 = vector.broadcast %shift_left3A_172 : i32 to vector<1024x1000xi32>
    %shift_left3A_174 = arith.shli %xor3A_170, %shift_left3A_173 : vector<1024x1000xi32>
    %shift_right_logical3A_175 = arith.constant 8 : i32
    %shift_right_logical3A_176 = vector.broadcast %shift_right_logical3A_175 : i32 to vector<1024x1000xi32>
    %shift_right_logical3A_177 = arith.shrui %xor3A_170, %shift_right_logical3A_176 : vector<1024x1000xi32>
    %or3A_178 = arith.ori %shift_left3A_174, %shift_right_logical3A_177 : vector<1024x1000xi32>
    %xor3A_179 = arith.xori %or3A_178, %add3A_171 : vector<1024x1000xi32>
    %add3A_180 = arith.constant 1234 : i32
    %add3A_181 = vector.broadcast %add3A_180 : i32 to vector<1024x1000xi32>
    %add3A_182 = arith.addi %add3A_171, %add3A_181 : vector<1024x1000xi32>
    %add3A_183 = arith.constant 466689804 : i32
    %add3A_184 = vector.broadcast %add3A_183 : i32 to vector<1024x1000xi32>
    %add3A_185 = arith.addi %xor3A_179, %add3A_184 : vector<1024x1000xi32>
    %add3A_186 = arith.addi %add3A_182, %add3A_185 : vector<1024x1000xi32>
    %shift_left3A_187 = arith.constant 13 : i32
    %shift_left3A_188 = vector.broadcast %shift_left3A_187 : i32 to vector<1024x1000xi32>
    %shift_left3A_189 = arith.shli %add3A_185, %shift_left3A_188 : vector<1024x1000xi32>
    %shift_right_logical3A_190 = arith.constant 19 : i32
    %shift_right_logical3A_191 = vector.broadcast %shift_right_logical3A_190 : i32 to vector<1024x1000xi32>
    %shift_right_logical3A_192 = arith.shrui %add3A_185, %shift_right_logical3A_191 : vector<1024x1000xi32>
    %or3A_193 = arith.ori %shift_left3A_189, %shift_right_logical3A_192 : vector<1024x1000xi32>
    %xor3A_194 = arith.xori %or3A_193, %add3A_186 : vector<1024x1000xi32>
    %add3A_195 = arith.addi %add3A_186, %xor3A_194 : vector<1024x1000xi32>
    %shift_left3A_196 = arith.constant 15 : i32
    %shift_left3A_197 = vector.broadcast %shift_left3A_196 : i32 to vector<1024x1000xi32>
    %shift_left3A_198 = arith.shli %xor3A_194, %shift_left3A_197 : vector<1024x1000xi32>
    %shift_right_logical3A_199 = arith.constant 17 : i32
    %shift_right_logical3A_200 = vector.broadcast %shift_right_logical3A_199 : i32 to vector<1024x1000xi32>
    %shift_right_logical3A_201 = arith.shrui %xor3A_194, %shift_right_logical3A_200 : vector<1024x1000xi32>
    %or3A_202 = arith.ori %shift_left3A_198, %shift_right_logical3A_201 : vector<1024x1000xi32>
    %xor3A_203 = arith.xori %or3A_202, %add3A_195 : vector<1024x1000xi32>
    %add3A_204 = arith.addi %add3A_195, %xor3A_203 : vector<1024x1000xi32>
    %shift_left3A_205 = arith.constant 26 : i32
    %shift_left3A_206 = vector.broadcast %shift_left3A_205 : i32 to vector<1024x1000xi32>
    %shift_left3A_207 = arith.shli %xor3A_203, %shift_left3A_206 : vector<1024x1000xi32>
    %shift_right_logical3A_208 = arith.constant 6 : i32
    %shift_right_logical3A_209 = vector.broadcast %shift_right_logical3A_208 : i32 to vector<1024x1000xi32>
    %shift_right_logical3A_210 = arith.shrui %xor3A_203, %shift_right_logical3A_209 : vector<1024x1000xi32>
    %or3A_211 = arith.ori %shift_left3A_207, %shift_right_logical3A_210 : vector<1024x1000xi32>
    %xor3A_212 = arith.xori %or3A_211, %add3A_204 : vector<1024x1000xi32>
    %add3A_213 = arith.addi %add3A_204, %xor3A_212 : vector<1024x1000xi32>
    %shift_left3A_214 = arith.constant 6 : i32
    %shift_left3A_215 = vector.broadcast %shift_left3A_214 : i32 to vector<1024x1000xi32>
    %shift_left3A_216 = arith.shli %xor3A_212, %shift_left3A_215 : vector<1024x1000xi32>
    %shift_right_logical3A_217 = arith.constant 26 : i32
    %shift_right_logical3A_218 = vector.broadcast %shift_right_logical3A_217 : i32 to vector<1024x1000xi32>
    %shift_right_logical3A_219 = arith.shrui %xor3A_212, %shift_right_logical3A_218 : vector<1024x1000xi32>
    %or3A_220 = arith.ori %shift_left3A_216, %shift_right_logical3A_219 : vector<1024x1000xi32>
    %xor3A_221 = arith.xori %or3A_220, %add3A_213 : vector<1024x1000xi32>
    %add3A_222 = arith.constant 466689800 : i32
    %add3A_223 = vector.broadcast %add3A_222 : i32 to vector<1024x1000xi32>
    %add3A_224 = arith.addi %add3A_213, %add3A_223 : vector<1024x1000xi32>
    %add3A_225 = arith.constant 5 : i32
    %add3A_226 = vector.broadcast %add3A_225 : i32 to vector<1024x1000xi32>
    %add3A_227 = arith.addi %xor3A_221, %add3A_226 : vector<1024x1000xi32>
    %xor3A_228 = arith.xori %add3A_224, %add3A_227 : vector<1024x1000xi32>
    %shift_right_logical3A_229 = arith.constant 9 : i32
    %shift_right_logical3A_230 = vector.broadcast %shift_right_logical3A_229 : i32 to vector<1024x1000xi32>
    %shift_right_logical3A_231 = arith.shrui %xor3A_228, %shift_right_logical3A_230 : vector<1024x1000xi32>
    %or3A_232 = arith.constant 1065353216 : i32
    %or3A_233 = vector.broadcast %or3A_232 : i32 to vector<1024x1000xi32>
    %or3A_234 = arith.ori %shift_right_logical3A_231, %or3A_233 : vector<1024x1000xi32>
    %bitcast_convert_type3A = tpu.bitcast %or3A_234 : vector<1024x1000xi32> -> vector<1024x1000xf32>
    %sub3A_235 = arith.constant 1.000000e+00 : f32
    %sub3A_236 = vector.broadcast %sub3A_235 : f32 to vector<1024x1000xf32>
    %sub3A_237 = arith.subf %bitcast_convert_type3A, %sub3A_236 : vector<1024x1000xf32>
    %max3A = arith.constant 9.99999968E-21 : f32
    %max3A_238 = vector.broadcast %max3A : f32 to vector<1024x1000xf32>
    %max3A_239 = arith.maximumf %sub3A_237, %max3A_238 : vector<1024x1000xf32>
    %log3A = math.log %max3A_239 : vector<1024x1000xf32>
    %neg3A = arith.constant 0.000000e+00 : f32
    %neg3A_240 = vector.broadcast %neg3A : f32 to vector<1024x1000xf32>
    %neg3A_241 = arith.subf %neg3A_240, %log3A : vector<1024x1000xf32>
    %mul3A_242 = arith.mulf %neg3A_241, %neg3A_241 : vector<1024x1000xf32>
    %div3A = vector.broadcast %mul3A : vector<1x1000xf32> to vector<1024x1000xf32>
    %div3A_243 = arith.divf %div3A, %mul3A_242 : vector<1024x1000xf32>
    %reduce_sum3A = arith.constant dense<0.000000e+00> : vector<1024xf32>
    %reduce_sum3A_244 = vector.multi_reduction <add>, %div3A_243, %reduce_sum3A [1] : vector<1024x1000xf32> to vector<1024xf32>
    %broadcast_in_dim3A_245 = vector.shape_cast %reduce_sum3A_244 : vector<1024xf32> to vector<1024x1xf32>
    %div3A_246 = vector.broadcast %broadcast_in_dim3A_245 : vector<1024x1xf32> to vector<1024x1000xf32>
    %div3A_247 = arith.divf %div3A_243, %div3A_246 : vector<1024x1000xf32>
    %transpose3A = tpu.transpose %div3A_247, [1, 0] : vector<1024x1000xf32> -> vector<1000x1024xf32>
    %swap3A = arith.constant 0 : index
    %swap3A_248 = arith.constant 0 : index
    %swap3A_249 = vector.load %arg2[%swap3A, %swap3A_248] : memref<1000x1024xf32, #tpu.memory_space<vmem>>, vector<1000x1024xf32>
    tpu.vector_store %arg2[%swap3A, %swap3A_248], %transpose3A {strides = array<i32>} : memref<1000x1024xf32, #tpu.memory_space<vmem>>, vector<1000x1024xf32>,
    return
  }
  func.func @transform_0(%arg0: i32) -> (i32, i32) {
    %c0_i32 = arith.constant 0 : i32
    %c0_i32_0 = arith.constant 0 : i32
    %c0_i32_1 = arith.constant 0 : i32
    return %c0_i32, %c0_i32_0 : i32, i32
  }
  func.func @transform_1(%arg0: i32) -> (i32, i32) {
    %c0_i32 = arith.constant 0 : i32
    %c0_i32_0 = arith.constant 0 : i32
    return %c0_i32, %arg0 : i32, i32
  }
}

</mosaic_0001>

<sc_bundles>
// kernel: kernel.4.cloned.1.call-start
scs
__scs_entry_jumppad:
0x0: {  	(pc) =	sbr.rel $0x88, $3  }
0x1: {  	(tag) =	ssettag $0x0;
	lr =	simm.s32 $0x1  }
0x2: {  	[smem:$0x3FA0] =	sst lr;
	_ =	strace $0xD0000000  }
0x3: {  	_ = 	snop  }
0x4: {  	_ = 	snop  }
0x5: {  	_ = 	snop  }
0x6: {  	_ = 	snop  }
0x7: {  	_ = 	snop  }
__scs_overlays_trampoline_lowered:
0x8: {  	[smem:$0x3FAF] =	sst s0  }
0x9: {  	[smem:$0x3FB0] =	sst s1  }
0xa: {  	[smem:$0x3FB1] =	sst s2  }
0xb: {  	[smem:$0x3FB2] =	sst s3  }
0xc: {  	[smem:$0x3FB3] =	sst s4  }
0xd: {  	[smem:$0x3FB4] =	sst s5  }
0xe: {  	[smem:$0x3FB5] =	sst s6  }
0xf: {  	[smem:$0x3FB6] =	sst s7  }
0x10: {  	[smem:$0x3FB7] =	sst s8  }
0x11: {  	[smem:$0x3FB8] =	sst s9;
	s0 =	simm.s32 @!p0 $0x0  }
0x12: {  	s1 =	sld [smem:$0x3F9E];
	s0 =	simm.s32 @p0 $0x1  }
0x13: {  	[smem:$0x3FB9] =	sst s0;
	s0 =	simm.s32 @!p1 $0x0  }
0x14: {  	s2 =	sld [smem:$0x3F9D];
	s0 =	simm.s32 @p1 $0x1  }
0x15: {  	[smem:$0x3FBA] =	sst s0;
	s0 =	simm.s32 @!p2 $0x0  }
0x16: {  	s3 =	sld [smem:$0x3FDB];
	s0 =	simm.s32 @p2 $0x1  }
0x17: {  	s4 =	simm.s32 $0x1BF5;
	[smem:$0x3FBC] =	sst s0  }
0x18: {  	s0 =	sld [smem:$0x3F9F];
	_ =	swait.ge [sflag:s4], $0x0  }
0x19: {  	s7 =	sld [smem:$0x3FA0]  }
0x1a: {  	s8 =	sadd.s32 $0xFFFFE003, lr  }
0x1b: {  	s9 =	sadd.s32 $0xFFFFFEF7, lr;
	s5 =	simm.s32 $0xFFFFFFFF;
	p2 =	slt.u32 s8, $0xFFFFF086  }
0x1c: {  	p1 =	slt.u32 s9, $0xF7A;
	s5 =	simm.s32 @!p2 $0x0  }
0x1d: {  	s5 =	simm.s32 @p1 $0x1;
	p0 =	seq.s32 s7, s2  }
0x1e: {  	s7 =	smul.u32 @!p0 $0xF7A, s2;
	p2 =	seq.s32 @!p0 s5, $0x0  }
0x1f: {  	s9 =	smul.u32 $0xF7A, s1;
	s8 =	simm.s32 @!p0 $0x1BF5;
	p2 =	por !p2, p0  }
0x20: {  	[sflag:s8] =	ssyncset.s32 @!p0 $0xFFFFF086;
	s6 =	sadd.s32 @!p0 s3, s7;
	s7 =	simm.s32 @!p0 $0x108  }
0x21: {  	s3 =	sadd.s32 s3, s9;
	s6 =	sadd.s32 @!p0 $0x88, s6;
	s7 =	simm.s32 @p2 $0x1082  }
0x22: {  	[simem:s7], [sflag:s8] =	dma.local @!p0 [hbm:s6], $0xF7A  }
0x23: {  	s9 =	sor.u32 $0xD0000000, s2;
	s6 =	simm.s32 $0x108;
	_ =	swait.ge @!p0 [sflag:s8], $0x0  }
0x24: {  	s3 =	sadd.s32 $0x88, s3;
	s6 =	simm.s32 @!p1 $0x1082;
	[sflag:s4] =	ssyncset.s32 $0xFFFFF086  }
0x25: {  	[simem:s6], [sflag:s4] =	dma.local [hbm:s3], $0xF7A  }
0x26: {  	[smem:$0x3FA0] =	sst s1;
	(tag) =	ssettag s2;
	_ =	strace s9  }
0x27: {  	s1 =	sld [smem:$0x3FB0]  }
0x28: {  	s2 =	sld [smem:$0x3FB1]  }
0x29: {  	s4 =	sld [smem:$0x3FB3]  }
0x2a: {  	p0 =	seq.s32 s5, $0x0;
	s5 =	sld [smem:$0x3FB4]  }
0x2b: {  	s6 =	sld [smem:$0x3FB5]  }
0x2c: {  	s7 =	sld [smem:$0x3FB6]  }
0x2d: {  	s3 =	simm.s32 $0x108;
	s8 =	sld [smem:$0x3FB7]  }
0x2e: {  	s3 =	simm.s32 @!p0 $0x1082;
	s9 =	sld [smem:$0x3FB8]  }
0x2f: {  	lr =	sadd.s32 s0, s3;
	s0 =	sld [smem:$0x3FAF]  }
0x30: {  	s3 =	sld [smem:$0x3FB2]  }
0x31: {  	[smem:$0x3FBB] =	sst s10  }
0x32: {  	s10 =	sld [smem:$0x3FB9];
	_ =	sdelay $0x3  }
0x33: {  	p0 =	seq.s32 s10, $0x1;
	s10 =	sld [smem:$0x3FBB];
	_ =	sdelay $0x3  }
0x34: {  	[smem:$0x3FBB] =	sst s10  }
0x35: {  	s10 =	sld [smem:$0x3FBA];
	_ =	sdelay $0x3  }
0x36: {  	p1 =	seq.s32 s10, $0x1;
	s10 =	sld [smem:$0x3FBB];
	_ =	sdelay $0x3  }
0x37: {  	[smem:$0x3FBB] =	sst s10  }
0x38: {  	s10 =	sld [smem:$0x3FBC]  }
0x39: {  	_ = 	snop;
	(pc) =	sbr.ind lr, $3  }
0x3a: {  	_ = 	snop  }
0x3b: {  	_ = 	snop  }
0x3c: {  	p2 =	seq.s32 s10, $0x1;
	s10 =	sld [smem:$0x3FBB]  }
0x3d: {  	_ =	shalt  }
0x3e: {  	_ =	shalt  }
0x3f: {  	_ =	shalt  }
0x40: {  	_ =	shalt  }
0x41: {  	_ =	shalt  }
0x42: {  	_ =	shalt  }
0x43: {  	_ =	shalt  }
0x44: {  	_ =	shalt  }
0x45: {  	_ =	shalt  }
0x46: {  	_ =	shalt  }
0x47: {  	_ =	shalt  }
0x48: {  	_ =	shalt  }
0x49: {  	_ =	shalt  }
0x4a: {  	_ =	shalt  }
0x4b: {  	_ =	shalt  }
0x4c: {  	_ =	shalt  }
0x4d: {  	_ =	shalt  }
0x4e: {  	_ =	shalt  }
0x4f: {  	_ =	shalt  }
0x50: {  	_ =	shalt  }
0x51: {  	_ =	shalt  }
0x52: {  	_ =	shalt  }
0x53: {  	_ =	shalt  }
0x54: {  	_ =	shalt  }
0x55: {  	_ =	shalt  }
0x56: {  	_ =	shalt  }
0x57: {  	_ =	shalt  }
0x58: {  	_ =	shalt  }
0x59: {  	_ =	shalt  }
0x5a: {  	_ =	shalt  }
0x5b: {  	_ =	shalt  }
0x5c: {  	_ =	shalt  }
0x5d: {  	_ =	shalt  }
0x5e: {  	_ =	shalt  }
0x5f: {  	_ =	shalt  }
0x60: {  	_ =	shalt  }
0x61: {  	_ =	shalt  }
0x62: {  	_ =	shalt  }
0x63: {  	_ =	shalt  }
0x64: {  	_ =	shalt  }
0x65: {  	_ =	shalt  }
0x66: {  	_ =	shalt  }
0x67: {  	_ =	shalt  }
0x68: {  	_ =	shalt  }
0x69: {  	_ =	shalt  }
0x6a: {  	_ =	shalt  }
0x6b: {  	_ =	shalt  }
0x6c: {  	_ =	shalt  }
0x6d: {  	_ =	shalt  }
0x6e: {  	_ =	shalt  }
0x6f: {  	_ =	shalt  }
0x70: {  	_ =	shalt  }
0x71: {  	_ =	shalt  }
0x72: {  	_ =	shalt  }
0x73: {  	_ =	shalt  }
0x74: {  	_ =	shalt  }
0x75: {  	_ =	shalt  }
0x76: {  	_ =	shalt  }
0x77: {  	_ =	shalt  }
0x78: {  	_ =	shalt  }
0x79: {  	_ =	shalt  }
0x7a: {  	_ =	shalt  }
0x7b: {  	_ =	shalt  }
0x7c: {  	_ =	shalt  }
0x7d: {  	_ =	shalt  }
0x7e: {  	_ =	shalt  }
0x7f: {  	_ =	shalt  }
0x80: {  	_ =	shalt  }
0x81: {  	_ =	shalt  }
0x82: {  	_ =	shalt  }
0x83: {  	_ =	shalt  }
0x84: {  	_ =	shalt  }
0x85: {  	_ =	shalt  }
0x86: {  	_ =	shalt  }
0x87: {  	_ =	shalt  }
.Lfunc_end0:
.L_simem_size_0:
called_computation_lowered:
.L_overlay_start_0:
0x88: {  	s2 =	sld [smem:$0x3FD9]  }
0x89: {  	s3 =	sld [smem:$0x3FFE];
	_ =	sdelay $0x1  }
0x8a: {  	s1 =	srdreg.scid  }
0x8b: {  	s0 =	sand.u32 $0x1, s1  }
0x8c: {  	s17 =	sshll.u32 s0, $0xA;
	s2 =	sadd.s32 s3, s2  }
0x8d: {  	s2 =	sadd.s32 s2, s17  }
0x8e: {  	[smem:$0x3FC7] =	sst s2  }
0x8f: {  	_ = 	snop  }
0x90: {  	s2 =	sld [smem:$0x3FC9];
	(tm) =	ssettm $0x1  }
0x91: {  	s18 =	sld [smem:$0x3FFB];
	_ =	sdelay $0x3  }
0x92: {  	_ =	strace s18  }
0x93: {  	s3 =	sld [smem:$0x3FFC];
	_ =	sdelay $0x3  }
0x94: {  	_ =	strace s3  }
0x95: {  	s3 =	sld [smem:$0x3FFD];
	_ =	sdelay $0x3  }
0x96: {  	_ =	strace s3  }
0x97: {  	_ =	strace $0x8FFFFFFF  }
0x98: {  	s19 =	sld [smem:$0x3FDB];
	_ =	sdelay $0x1  }
0x99: {  	s4 =	simm.s32 $_scs_section_size  }
0x9a: {  	s5 =	simm.s32 $_size__tile_overlayer_lowered;
	s6 =	simm.s32 $_tile_overlayer_lowered  }
0x9b: {  	s22 =	simm.s32 $0x1BFF;
	s21 =	sshll.u32 s6, $0x1;
	s3 =	sadd.s32 s4, s19  }
0x9c: {  	s7 =	simm.s32 $0x0;
	s20 =	sshll.u32 s5, $0x1;
	s5 =	sadd.s32 s21, s3  }
0x9d: {  	[timem:s7], [sflag:s22] =	dma.local [hbm:s5], s20  }
0x9e: {  	_ =	swait.ge [sflag:s22], s20  }
0x9f: {  	s4 =	ssub.s32 $0x0, s20;
	[sflag:s22] =	ssyncset.done $0x0  }
0xa0: {  	[sflag:s22] =	ssyncadd.s32 s4;
	_ =	sdelay $0x1  }
0xa1: {  	s23 =	simm.s32 $0x1B8B  }
0xa2: {  	_ =	swait.ge [sflag:s23], $0x1  }
0xa3: {  	[sflag:s23] =	ssyncset.done $0x0  }
0xa4: {  	s25 =	simm.s32 $0x1B8E;
	s24 =	sld [smem:$0x3FFE];
	[sflag:s23] =	ssyncadd.s32 $0xFFFFFFFF  }
0xa5: {  	s26 =	simm.s32 $execute0_lowered;
	[smem:$0x3FD2] =	sst s25  }
0xa6: {  	s5 =	sshll.u32 s26, $0x1;
	_ =	strace $0x80000046;
	[dreg:$0x1] =	wrdreg $0xFFFFFFFF  }
0xa7: {  	s28 =	simm.s32 $_size_execute0_lowered;
	s3 =	sadd.s32 s3, s5;
	[dreg:$0x0] =	wrdreg $0x0  }
0xa8: {  	s5 =	sshll.u32 s28, $0x1;
	[dreg:$0x2] =	wrdreg s3  }
0xa9: {  	[dreg:$0x3] =	wrdreg s5  }
0xaa: {  	[dreg:$0x4] =	wrdreg $0xC0  }
0xab: {  	_ =	task [dreg:s7], $0x5FFFF  }
0xac: {  	[dreg:$0x1] =	wrdreg $0xFFFFFFFF  }
0xad: {  	[dreg:$0x0] =	wrdreg $0x60  }
0xae: {  	[dreg:$0x2] =	wrdreg s2  }
0xaf: {  	[dreg:$0x3] =	wrdreg s24  }
0xb0: {  	[dreg:$0x4] =	wrdreg $0x101000  }
0xb1: {  	[dreg:$0x5] =	wrdreg $0x9  }
0xb2: {  	_ =	task.clear_ibuf [dreg:s7], $0x6FFFF;
	_ =	strace $0x90000046  }
0xb3: {  	s29 =	simm.s32 $0x9;
	_ =	strace $0x80000048  }
0xb4: {  	_ =	swait.ge [sflag:s29], $0x1  }
0xb5: {  	[sflag:s29] =	ssyncadd.s32 $0xFFFFFFFF  }
0xb6: {  	_ =	strace $0x90000048  }
0xb7: {  	_ =	sfence  }
0xb8: {  	s30 =	sld [smem:$0x0];
	_ =	sdelay $0x2  }
0xb9: {  	s31 =	sshll.u32 s1, $0xD;
	s1 =	sshrl.u32 s1, $0x2  }
0xba: {  	s3 =	sand.u32 $0x4000, s31;
	s1 =	sadd.s32 s1, s30  }
0xbb: {  	s0 =	sor.u32 s3, s0;
	s1 =	sshll.u32 s1, $0x11  }
0xbc: {  	s0 =	sor.u32 s1, s0  }
0xbd: {  	s0 =	sadd.s32 $0x8F2B, s0  }
0xbe: {  	[sflag:s0] =	ssyncadd.remote.s32 $0x1  }
0xbf: {  	_ =	sfence.sel $0xFFFF  }
0xc0: {  	[dreg:$0x0] =	wrdreg $0xFFFFFFFF;
	(pc) =	sbr.abs _section_cstart, $3  }
0xc1: {  	[dreg:$0x1] =	wrdreg $0xFFFFFFFF  }
0xc2: {  	_ =	task.clear_ibuf [dreg:s7], $0x2FFFF;
	_ =	strace $0x9FFFFFFF  }
0xc3: {  	(tm) =	ssettm $0x7FFFFFFF  }
tec
execute0_lowered:
.L_overlay_start_1:
0x0: {  	(tag) =	ssettag $0x1  }
0x1: {  	s0 =	rddreg [dreg:$0x0]  }
0x2: {  	v0 =	vimm.s32 $0xFEDCBA98;
	s4 =	rddreg [dreg:$0x1]  }
0x3: {  	v1 =	vimm.s32 $0x76543210;
	s6 =	rddreg [dreg:$0x2];
	v0 =	vunpack.c.l.s4.s8 v0  }
0x4: {  	s3 =	srdreg.scid;
	s1 =	stileid.u32;
	v2 =	vimm.s32 $0xBA98FEDC;
	v3 =	vimm.s32 $0xDCFE98BA;
	v1 =	vunpack.c.l.s4.s8 v1  }
0x5: {  	s2 =	rddreg [dreg:$0x3];
	v4 =	vimm.s32 $0x54761032;
	v5 =	vimm.s32 $0xEFCDAB89;
	s5 =	sand.u32 $0x1, s3;
	s7 =	sshll.u32 s1, $0x7;
	v0 =	vunpack.c.0.s8.s32 v0  }
0x6: {  	v6 =	vimm.s32 $0x67452301;
	v2 =	vunpack.c.l.s4.s8 v2;
	s3 =	simm.s32 $0x0;
	s30 =	sand.u32 $0x7, s1;
	s13 =	sshrl.u32 s1, $0x3;
	v1 =	vunpack.c.0.s8.s32 v1  }
0x7: {  	s8 =	sshll.u32 s5, $0xA;
	s9 =	sand.u32 $0x380, s7;
	[smem:$0x7FF] =	sst s3;
	v0 =	vand.u32 $0xF, v0  }
0x8: {  	s28 =	ssub.s32 $0x2, s5;
	s10 =	smul.u32 $0xFA000, s5;
	s11 =	sxor.u32 $0x400, s7;
	v0 =	vcombine.low v0, v1;
	v1 =	vunpack.c.0.s8.s32 v2;
	v2 =	vimm.s32 $0x32107654  }
0x9: {  	v3 =	vunpack.c.l.s4.s8 v3;
	v4 =	vunpack.c.l.s4.s8 v4;
	s12 =	smul.u32 $0x1F400, s30;
	s5 =	sadd.s32 s7, s6;
	p0 =	sne.s32 s13, $0x0;
	v2 =	vunpack.c.l.s4.s8 v2  }
0xa: {  	v7 =	vlaneseq.u32;
	v5 =	vunpack.c.l.s4.s8 v5;
	v6 =	vunpack.c.l.s4.s8 v6;
	s8 =	sor.u32 s8, s9;
	_ =	strace $0x80000047;
	s29 =	sshrl.u32 s28, $0x1  }
0xb: {  	s6 =	sadd.s32 s11, s6;
	v3 =	vunpack.c.0.s8.s32 v3;
	v4 =	vunpack.c.0.s8.s32 v4;
	s11 =	simm.s32 $0x10000;
	s8 =	sadd.s32 s8, s4;
	v2 =	vunpack.c.0.s8.s32 v2  }
0xc: {  	v7 =	vmul.u32 $0x3E8, v7;
	v5 =	vunpack.c.0.s8.s32 v5;
	v6 =	vunpack.c.0.s8.s32 v6;
	s9 =	ssub.s32 s28, s29;
	s4 =	smul.u32 $0x1F8, s13;
	s31 =	sadd.s32 s12, s10  }
0xd: {  	s10 =	simm.s32 $0x1;
	s12 =	simm.s32 $0x10080;
	s13 =	simm.s32 $0x0;
	v1 =	vcombine.low v2, v1;
	v2 =	vcombine.low v4, v3  }
0xe: {  	s7 =	sadd.s32 $0x600, s8;
	s8 =	smax.u32 s9, $0x1;
	s9 =	sor.u32 s4, s31;
	v3 =	vcombine.low v6, v5;
	v4 =	vadd.s32 $0x4D2, v7;
	v5 =	vimm.s32 $0xFFFFFF81  }
.LBB2_1:
0xf: {  	v6 =	vimm.f32 $-1.000000020e+30  }
0x10: {  	[tilespmem:$0x3E0] =	vst v6  }
0x11: {  	[tilespmem:$0x3F0] =	vst v6  }
0x12: {  	[tilespmem:s3], [sflag:$0x1] =	stream.linear.gather [hbm4b:s0+s3], $0x3E8, $0x38;
	[tilespmem:$0x10180] =	vst v63  }
0x13: {  	_ =	swait.ge [sflag:s10], $0x3E8  }
0x14: {  	[sflag:s10] =	ssyncset.done $0x0  }
0x15: {  	s15 =	simm.s32 $0x0;
	[sflag:s10] =	ssyncadd.s32 $0xFFFFFC18  }
0x16: {  	s14 =	simm.s32 $0x40;
	v7 =	vld [tilespmem:s15+$0x0]  }
.LBB2_2:
0x17: {  	p1 =	sne.s32 s14, $0xF80  }
.Ltmp0:
0x18: {  	_ = 	snop;
	(pc) =	sbr.rel @p1 .LBB2_2-.Ltmp0, $3  }
0x19: {  	_ =	sdelay $0x1  }
0x1a: {  	s15 =	sshra.s32 s14, $0x2;
	s14 =	sadd.s32 $0x40, s14;
	v6 =	vmax.f32 v6, v7  }
0x1b: {  	v7 =	vld [tilespmem:s15+$0x0]  }
0x1c: {  	_ =	sdelay $0x3  }
0x1d: {  	v6 =	vmax.f32 v6, v7  }
0x1e: {  	v7 =	vperm.xlane v6, v0;
	_ =	sdelay $0x1  }
0x1f: {  	v6 =	vmax.f32 v6, v7  }
0x20: {  	v7 =	vperm.xlane v6, v1;
	_ =	sdelay $0x1  }
0x21: {  	v6 =	vmax.f32 v6, v7  }
0x22: {  	v7 =	vperm.xlane v6, v2;
	_ =	sdelay $0x1  }
0x23: {  	v6 =	vmax.f32 v6, v7  }
0x24: {  	v7 =	vperm.xlane v6, v3;
	_ =	sdelay $0x1  }
0x25: {  	s14 =	simm.s32 $0x0;
	s15 =	simm.s32 $0x0;
	s16 =	simm.s32 $0x40;
	v6 =	vmax.f32 v6, v7  }
.LBB2_4:
0x26: {  	p1 =	sne.s32 s16, $0xF80;
	v7 =	vld [tilespmem:s15+$0x0];
	_ =	sdelay $0x4  }
0x27: {  	v7 =	vsub.f32 v7, v6;
	_ =	sdelay $0x1  }
0x28: {  	v7 =	vmul.f32 $1.442695020e+00, v7;
	_ =	sdelay $0x1  }
0x29: {  	(erf) = vpow2.f32 v7;
	_ =	sdelay $0x7  }
.Ltmp1:
0x2a: {  	(pc) =	sbr.rel @p1 .LBB2_4-.Ltmp1, $3  }
0x2b: {  	v7 =	vpop (erf)  }
0x2c: {  	v7 =	vmul.f32 v7, v7;
	_ =	sdelay $0x1  }
0x2d: {  	[tilespmem:s15+$0x0] =	vst v7;
	s15 =	sshra.s32 s16, $0x2;
	s16 =	sadd.s32 $0x40, s16  }
0x2e: {  	v7 =	vld [tilespmem:s15+$0x0];
	_ =	sdelay $0x4  }
0x2f: {  	v6 =	vsub.f32 v7, v6;
	_ =	sdelay $0x1  }
0x30: {  	v6 =	vmul.f32 $1.442695020e+00, v6;
	_ =	sdelay $0x1  }
0x31: {  	(erf) = vpow2.f32 v6;
	_ =	sdelay $0x8  }
0x32: {  	v6 =	vpop (erf)  }
0x33: {  	v8 =	vimm.f32 $0.0e+00;
	v9 =	vimm.f32 $0.0e+00;
	v11 =	vmul.f32 v6, v6  }
0x34: {  	v10 =	vimm.f32 $0.0e+00;
	v12 =	vimm.f32 $0.0e+00;
	v13 =	vimm.f32 $0.0e+00  }
0x35: {  	s16 =	smov.u32 s4;
	v7 =	vimm.f32 $0.0e+00;
	v6 =	vimm.f32 $0.0e+00;
	[tilespmem:s15+$0x0] =	vst v11;
	s15 =	simm.s32 $0x440;
	v11 =	vimm.f32 $0.0e+00  }
.LBB2_6:
0x36: {  	s17 =	sadd.s32 s14, s9  }
0x37: {  	s18 =	sadd.s32 $0xDAC000, s17  }
0x38: {  	v14 =	vadd.s32 s18, v4  }
0x39: {  	v15 =	vshrl.u32 v14, $0x13;
	v16 =	vshll.u32 v14, $0xD  }
0x3a: {  	v15 =	vor.u32 v15, v16  }
0x3b: {  	v15 =	vxor.u32 v14, v15  }
0x3c: {  	v26 =	vshrl.u32 v15, $0x11;
	v17 =	vshll.u32 v15, $0xF  }
0x3d: {  	v14 =	vadd.s32 v14, v15;
	v15 =	vor.u32 v26, v17  }
0x3e: {  	v15 =	vxor.u32 v14, v15  }
0x3f: {  	v27 =	vshrl.u32 v15, $0x6;
	v28 =	vshll.u32 v15, $0x1A  }
0x40: {  	v14 =	vadd.s32 v14, v15;
	v15 =	vor.u32 v27, v28  }
0x41: {  	v15 =	vxor.u32 v14, v15  }
0x42: {  	v29 =	vshrl.u32 v15, $0x1A;
	v30 =	vshll.u32 v15, $0x6  }
0x43: {  	v14 =	vadd.s32 v14, v15;
	v15 =	vor.u32 v29, v30  }
0x44: {  	v15 =	vxor.u32 v14, v15  }
0x45: {  	v15 =	vadd.s32 $0x1BD11F09, v15  }
0x46: {  	v14 =	vadd.s32 v15, v14;
	v31 =	vshrl.u32 v15, $0xF;
	v15 =	vshll.u32 v15, $0x11  }
0x47: {  	v14 =	vadd.s32 $0x4D2, v14;
	v15 =	vor.u32 v31, v15  }
0x48: {  	v15 =	vxor.u32 v14, v15  }
0x49: {  	v32 =	vshrl.u32 v15, $0x3;
	v33 =	vshll.u32 v15, $0x1D  }
0x4a: {  	v14 =	vadd.s32 v14, v15;
	v15 =	vor.u32 v32, v33  }
0x4b: {  	v15 =	vxor.u32 v14, v15  }
0x4c: {  	v34 =	vshrl.u32 v15, $0x10;
	v35 =	vshll.u32 v15, $0x10  }
0x4d: {  	v14 =	vadd.s32 v14, v15;
	v15 =	vor.u32 v34, v35  }
0x4e: {  	v15 =	vxor.u32 v14, v15  }
0x4f: {  	v36 =	vshrl.u32 v15, $0x8;
	v37 =	vshll.u32 v15, $0x18  }
0x50: {  	v14 =	vadd.s32 v14, v15;
	v15 =	vor.u32 v36, v37  }
0x51: {  	v15 =	vxor.u32 v14, v15  }
0x52: {  	v15 =	vadd.s32 $0x2, v15  }
0x53: {  	v14 =	vadd.s32 v15, v14;
	v38 =	vshrl.u32 v15, $0x13;
	v15 =	vshll.u32 v15, $0xD  }
0x54: {  	v14 =	vadd.s32 $0x1BD11F08, v14;
	v15 =	vor.u32 v38, v15  }
0x55: {  	v15 =	vxor.u32 v14, v15  }
0x56: {  	v39 =	vshrl.u32 v15, $0x11;
	v40 =	vshll.u32 v15, $0xF  }
0x57: {  	v14 =	vadd.s32 v14, v15;
	v15 =	vor.u32 v39, v40  }
0x58: {  	v15 =	vxor.u32 v14, v15  }
0x59: {  	v41 =	vshrl.u32 v15, $0x6;
	v42 =	vshll.u32 v15, $0x1A  }
0x5a: {  	v14 =	vadd.s32 v14, v15;
	v15 =	vor.u32 v41, v42  }
0x5b: {  	v15 =	vxor.u32 v14, v15  }
0x5c: {  	v43 =	vshrl.u32 v15, $0x1A;
	v44 =	vshll.u32 v15, $0x6  }
0x5d: {  	v14 =	vadd.s32 v14, v15;
	v15 =	vor.u32 v43, v44  }
0x5e: {  	v15 =	vxor.u32 v14, v15  }
0x5f: {  	v15 =	vadd.s32 $0x4D5, v15  }
0x60: {  	v45 =	vshrl.u32 v15, $0xF;
	v46 =	vshll.u32 v15, $0x11  }
0x61: {  	v14 =	vadd.s32 v14, v15;
	v15 =	vor.u32 v45, v46  }
0x62: {  	v15 =	vxor.u32 v14, v15  }
0x63: {  	v47 =	vshrl.u32 v15, $0x3;
	v48 =	vshll.u32 v15, $0x1D  }
0x64: {  	v14 =	vadd.s32 v14, v15;
	v15 =	vor.u32 v47, v48  }
0x65: {  	v15 =	vxor.u32 v14, v15  }
0x66: {  	v49 =	vshrl.u32 v15, $0x10;
	v50 =	vshll.u32 v15, $0x10  }
0x67: {  	v14 =	vadd.s32 v14, v15;
	v15 =	vor.u32 v49, v50  }
0x68: {  	v15 =	vxor.u32 v14, v15  }
0x69: {  	v51 =	vshrl.u32 v15, $0x8;
	v52 =	vshll.u32 v15, $0x18  }
0x6a: {  	v14 =	vadd.s32 v14, v15;
	v15 =	vor.u32 v51, v52  }
0x6b: {  	v15 =	vxor.u32 v14, v15  }
0x6c: {  	v15 =	vadd.s32 $0x1BD11F0C, v15  }
0x6d: {  	s25 =	sadd.s32 $0xDAFE80, s17;
	v14 =	vadd.s32 v15, v14;
	v53 =	vshrl.u32 v15, $0x13;
	v15 =	vshll.u32 v15, $0xD  }
0x6e: {  	v56 =	vadd.s32 s25, v4;
	v14 =	vadd.s32 $0x4D2, v14;
	v15 =	vor.u32 v53, v15  }
0x6f: {  	v57 =	vshrl.u32 v56, $0x13;
	v18 =	vshll.u32 v56, $0xD;
	v15 =	vxor.u32 v14, v15  }
0x70: {  	v17 =	vor.u32 v57, v18;
	v54 =	vshrl.u32 v15, $0x11;
	v55 =	vshll.u32 v15, $0xF  }
0x71: {  	v17 =	vxor.u32 v56, v17;
	v14 =	vadd.s32 v14, v15;
	v15 =	vor.u32 v54, v55  }
0x72: {  	v58 =	vshrl.u32 v17, $0x11;
	v59 =	vshll.u32 v17, $0xF;
	v15 =	vxor.u32 v14, v15  }
0x73: {  	v16 =	vadd.s32 v56, v17;
	v19 =	vshrl.u32 v15, $0x6;
	v20 =	vshll.u32 v15, $0x1A  }
0x74: {  	v60 =	vor.u32 v58, v59;
	v14 =	vadd.s32 v14, v15;
	v15 =	vor.u32 v19, v20  }
0x75: {  	v17 =	vxor.u32 v16, v60;
	v15 =	vxor.u32 v14, v15  }
0x76: {  	v14 =	vadd.s32 v14, v15;
	v61 =	vshrl.u32 v15, $0x1A;
	v15 =	vshll.u32 v15, $0x6  }
0x77: {  	v62 =	vshrl.u32 v17, $0x6;
	v63 =	vshll.u32 v17, $0x1A;
	v15 =	vor.u32 v61, v15  }
0x78: {  	v16 =	vadd.s32 v16, v17;
	v21 =	vor.u32 v62, v63;
	v15 =	vxor.u32 v14, v15  }
0x79: {  	v17 =	vxor.u32 v16, v21;
	v14 =	vadd.s32 $0x1BD11F08, v14;
	v15 =	vadd.s32 $0x5, v15  }
0x7a: {  	v22 =	vshll.u32 v17, $0x6;
	v14 =	vxor.u32 v14, v15;
	v15 =	vshrl.u32 v17, $0x1A  }
0x7b: {  	v16 =	vadd.s32 v16, v17;
	v15 =	vor.u32 v15, v22  }
0x7c: {  	v15 =	vxor.u32 v16, v15  }
0x7d: {  	v14 =	vshrl.u32 v14, $0x9;
	v15 =	vadd.s32 $0x1BD11F09, v15  }
0x7e: {  	v16 =	vadd.s32 v15, v16;
	v23 =	vshrl.u32 v15, $0xF;
	v15 =	vshll.u32 v15, $0x11  }
0x7f: {  	v14 =	vor.u32 $0x3F800000, v14;
	v16 =	vadd.s32 $0x4D2, v16;
	v15 =	vor.u32 v23, v15  }
0x80: {  	v14 =	vadd.f32 $-1.000000000e+00, v14;
	v15 =	vxor.u32 v16, v15  }
0x81: {  	v25 =	vshrl.u32 v15, $0x3;
	v26 =	vshll.u32 v15, $0x1D  }
0x82: {  	v14 =	vmax.f32 v14, $9.999999680e-21;
	v15 =	vadd.s32 v16, v15;
	v27 =	vor.u32 v25, v26  }
0x83: {  	v24 =	vand.u32 $0x7FFFFF, v14;
	v16 =	vxor.u32 v15, v27  }
0x84: {  	v17 =	vor.u32 $0x3F800000, v24;
	v29 =	vshrl.u32 v16, $0x10;
	v30 =	vshll.u32 v16, $0x10  }
0x85: {  	v28 =	vmul.f32 $5.000000000e-01, v17;
	v15 =	vadd.s32 v15, v16;
	v31 =	vor.u32 v29, v30  }
0x86: {  	vm0 =	vgt.f32 v17, $1.414213540e+00;
	v16 =	vxor.u32 v15, v31  }
0x87: {  	v17 =	vsel vm0, v28, v17;
	v32 =	vshrl.u32 v16, $0x8;
	v33 =	vshll.u32 v16, $0x18  }
0x88: {  	v18 =	vadd.f32 $1.000000000e+00, v17;
	v15 =	vadd.s32 v15, v16;
	v34 =	vor.u32 v32, v33  }
0x89: {  	v16 =	vxor.u32 v15, v34  }
0x8a: {  	(erf) = vrcp.f32 v18;
	v16 =	vadd.s32 $0x2, v16  }
0x8b: {  	v15 =	vadd.s32 v16, v15;
	v35 =	vshrl.u32 v16, $0x13;
	v16 =	vshll.u32 v16, $0xD  }
0x8c: {  	v15 =	vadd.s32 $0x1BD11F08, v15;
	v16 =	vor.u32 v35, v16  }
0x8d: {  	v16 =	vxor.u32 v15, v16  }
0x8e: {  	v36 =	vshrl.u32 v16, $0x11;
	v37 =	vshll.u32 v16, $0xF  }
0x8f: {  	v15 =	vadd.s32 v15, v16;
	v38 =	vor.u32 v36, v37  }
0x90: {  	v16 =	vxor.u32 v15, v38  }
0x91: {  	v40 =	vshrl.u32 v16, $0x6;
	v41 =	vshll.u32 v16, $0x1A  }
0x92: {  	v17 =	vadd.f32 $-1.000000000e+00, v17;
	v15 =	vadd.s32 v15, v16;
	v42 =	vor.u32 v40, v41  }
0x93: {  	v39 =	vpop (erf);
	v16 =	vxor.u32 v15, v42  }
0x94: {  	v17 =	vmul.f32 v39, v17;
	v43 =	vshrl.u32 v16, $0x1A;
	v44 =	vshll.u32 v16, $0x6  }
0x95: {  	v15 =	vadd.s32 v15, v16;
	v45 =	vor.u32 v43, v44  }
0x96: {  	v18 =	vmul.f32 v17, v17;
	v16 =	vxor.u32 v15, v45  }
0x97: {  	v16 =	vadd.s32 $0x4D5, v16  }
0x98: {  	v46 =	vmul.f32 $1.111111120e-01, v18;
	v47 =	vshrl.u32 v16, $0xF;
	v21 =	vshll.u32 v16, $0x11  }
0x99: {  	v15 =	vadd.s32 v15, v16;
	v48 =	vor.u32 v47, v21  }
0x9a: {  	v19 =	vadd.f32 $1.428571490e-01, v46;
	v16 =	vxor.u32 v15, v48  }
0x9b: {  	v49 =	vshrl.u32 v16, $0x3;
	v50 =	vshll.u32 v16, $0x1D  }
0x9c: {  	s26 =	sadd.s32 $0xDB3D00, s17;
	v19 =	vmul.f32 v19, v18;
	v15 =	vadd.s32 v15, v16;
	v51 =	vor.u32 v49, v50  }
0x9d: {  	v62 =	vadd.s32 s26, v4;
	v16 =	vxor.u32 v15, v51  }
0x9e: {  	v19 =	vadd.f32 $2.000000030e-01, v19;
	v52 =	vshrl.u32 v16, $0x10;
	v53 =	vshll.u32 v16, $0x10  }
0x9f: {  	v63 =	vshrl.u32 v62, $0x13;
	v15 =	vadd.s32 v15, v16;
	v54 =	vor.u32 v52, v53  }
0xa0: {  	v14 =	vshrl.u32 v14, $0x17;
	v19 =	vmul.f32 v19, v18;
	v16 =	vxor.u32 v15, v54  }
0xa1: {  	v55 =	vsel vm0, $0xFFFFFF82, v5;
	v56 =	vshrl.u32 v16, $0x8;
	v22 =	vshll.u32 v16, $0x18  }
0xa2: {  	v19 =	vadd.f32 $3.333333430e-01, v19;
	v15 =	vadd.s32 v15, v16;
	v57 =	vor.u32 v56, v22  }
0xa3: {  	v24 =	vshll.u32 v62, $0xD;
	v14 =	vadd.s32 v14, v55;
	v16 =	vxor.u32 v15, v57  }
0xa4: {  	v17 =	vadd.f32 v17, v17;
	v18 =	vmul.f32 v19, v18;
	v16 =	vadd.s32 $0x1BD11F0C, v16  }
0xa5: {  	v15 =	vadd.s32 v16, v15;
	v58 =	vshrl.u32 v16, $0x13;
	v16 =	vshll.u32 v16, $0xD  }
0xa6: {  	v19 =	vor.u32 v63, v24;
	v15 =	vadd.s32 $0x4D2, v15;
	v16 =	vor.u32 v58, v16  }
0xa7: {  	v19 =	vxor.u32 v62, v19;
	v18 =	vadd.f32 $1.000000000e+00, v18;
	v16 =	vxor.u32 v15, v16  }
0xa8: {  	v28 =	vshrl.u32 v19, $0x11;
	v59 =	vshrl.u32 v16, $0x11;
	v60 =	vshll.u32 v16, $0xF  }
0xa9: {  	v29 =	vshll.u32 v19, $0xF;
	v15 =	vadd.s32 v15, v16;
	v61 =	vor.u32 v59, v60  }
0xaa: {  	v14 =	vcvt.s32.f32 v14;
	v30 =	vor.u32 v28, v29;
	v16 =	vxor.u32 v15, v61  }
0xab: {  	v17 =	vmul.f32 v18, v17;
	v25 =	vshrl.u32 v16, $0x6;
	v26 =	vshll.u32 v16, $0x1A  }
0xac: {  	v18 =	vadd.s32 v62, v19;
	v15 =	vadd.s32 v15, v16;
	v27 =	vor.u32 v25, v26  }
0xad: {  	v14 =	vmul.f32 $6.931471820e-01, v14;
	v19 =	vxor.u32 v18, v30;
	v16 =	vxor.u32 v15, v27  }
0xae: {  	v15 =	vadd.s32 v15, v16;
	v31 =	vshrl.u32 v16, $0x1A;
	v16 =	vshll.u32 v16, $0x6  }
0xaf: {  	v32 =	vshrl.u32 v19, $0x6;
	v33 =	vshll.u32 v19, $0x1A;
	v16 =	vor.u32 v31, v16  }
0xb0: {  	v18 =	vadd.s32 v18, v19;
	v34 =	vor.u32 v32, v33;
	v16 =	vxor.u32 v15, v16  }
0xb1: {  	v19 =	vxor.u32 v18, v34;
	v15 =	vadd.s32 $0x1BD11F08, v15;
	v16 =	vadd.s32 $0x5, v16  }
0xb2: {  	v35 =	vshrl.u32 v19, $0x1A;
	v36 =	vshll.u32 v19, $0x6;
	v15 =	vxor.u32 v15, v16  }
0xb3: {  	v18 =	vadd.s32 v18, v19;
	v16 =	vor.u32 v35, v36;
	v15 =	vshrl.u32 v15, $0x9  }
0xb4: {  	v16 =	vxor.u32 v18, v16;
	v15 =	vor.u32 $0x3F800000, v15  }
0xb5: {  	v14 =	vadd.f32 v17, v14;
	v16 =	vadd.s32 $0x1BD11F09, v16;
	v15 =	vadd.f32 $-1.000000000e+00, v15  }
0xb6: {  	v37 =	vadd.s32 v16, v18;
	v38 =	vshrl.u32 v16, $0xF;
	v16 =	vshll.u32 v16, $0x11  }
0xb7: {  	v17 =	vadd.s32 $0x4D2, v37;
	v16 =	vor.u32 v38, v16  }
0xb8: {  	v14 =	vsub.f32 $0.0e+00, v14;
	v15 =	vmax.f32 v15, $9.999999680e-21;
	v16 =	vxor.u32 v17, v16  }
0xb9: {  	v39 =	vand.u32 $0x7FFFFF, v15;
	v40 =	vshrl.u32 v16, $0x3;
	v41 =	vshll.u32 v16, $0x1D  }
0xba: {  	v16 =	vadd.s32 v17, v16;
	v18 =	vor.u32 $0x3F800000, v39;
	v42 =	vor.u32 v40, v41  }
0xbb: {  	v14 =	vmul.f32 v14, v14;
	v43 =	vmul.f32 $5.000000000e-01, v18;
	v17 =	vxor.u32 v16, v42  }
0xbc: {  	vm9 =	vgt.f32 v18, $1.414213540e+00;
	v44 =	vshrl.u32 v17, $0x10;
	v45 =	vshll.u32 v17, $0x10  }
0xbd: {  	v16 =	vadd.s32 v16, v17;
	v18 =	vsel vm9, v43, v18;
	v46 =	vor.u32 v44, v45  }
0xbe: {  	v19 =	vadd.f32 $1.000000000e+00, v18;
	v17 =	vxor.u32 v16, v46  }
0xbf: {  	(erf) = vrcp.f32 v14;
	v14 =	vshrl.u32 v17, $0x8;
	v47 =	vshll.u32 v17, $0x18  }
0xc0: {  	v16 =	vadd.s32 v16, v17;
	(erf) = vrcp.f32 v19;
	v14 =	vor.u32 v14, v47  }
0xc1: {  	v14 =	vxor.u32 v16, v14  }
0xc2: {  	v14 =	vadd.s32 $0x2, v14  }
0xc3: {  	v16 =	vadd.s32 v14, v16;
	v48 =	vshrl.u32 v14, $0x13;
	v14 =	vshll.u32 v14, $0xD  }
0xc4: {  	v16 =	vadd.s32 $0x1BD11F08, v16;
	v14 =	vor.u32 v48, v14  }
0xc5: {  	v14 =	vxor.u32 v16, v14  }
0xc6: {  	v49 =	vshrl.u32 v14, $0x11;
	v50 =	vshll.u32 v14, $0xF  }
0xc7: {  	v16 =	vadd.s32 v16, v14;
	v17 =	vor.u32 v49, v50  }
0xc8: {  	v18 =	vadd.f32 $-1.000000000e+00, v18;
	v14 =	vpop (erf);
	v17 =	vxor.u32 v16, v17  }
0xc9: {  	v51 =	vpop (erf);
	v52 =	vshrl.u32 v17, $0x6;
	v53 =	vshll.u32 v17, $0x1A  }
0xca: {  	v16 =	vadd.s32 v16, v17;
	v18 =	vmul.f32 v51, v18;
	v54 =	vor.u32 v52, v53  }
0xcb: {  	v17 =	vxor.u32 v16, v54  }
0xcc: {  	v19 =	vmul.f32 v18, v18;
	v55 =	vshrl.u32 v17, $0x1A;
	v56 =	vshll.u32 v17, $0x6  }
0xcd: {  	v16 =	vadd.s32 v16, v17;
	v57 =	vor.u32 v55, v56  }
0xce: {  	v58 =	vmul.f32 $1.111111120e-01, v19;
	v17 =	vxor.u32 v16, v57  }
0xcf: {  	v17 =	vadd.s32 $0x4D5, v17  }
0xd0: {  	v20 =	vadd.f32 $1.428571490e-01, v58;
	v59 =	vshrl.u32 v17, $0xF;
	v60 =	vshll.u32 v17, $0x11  }
0xd1: {  	v16 =	vadd.s32 v16, v17;
	v61 =	vor.u32 v59, v60  }
0xd2: {  	s28 =	sadd.s32 $0xDB7B80, s17;
	v20 =	vmul.f32 v20, v19;
	v17 =	vxor.u32 v16, v61  }
0xd3: {  	v34 =	vadd.s32 s28, v4;
	v62 =	vshrl.u32 v17, $0x3;
	v63 =	vshll.u32 v17, $0x1D  }
0xd4: {  	v16 =	vadd.s32 v16, v17;
	v20 =	vadd.f32 $2.000000030e-01, v20;
	v23 =	vor.u32 v62, v63  }
0xd5: {  	v35 =	vshrl.u32 v34, $0x13;
	v36 =	vshll.u32 v34, $0xD;
	v17 =	vxor.u32 v16, v23  }
0xd6: {  	v20 =	vmul.f32 v20, v19;
	v24 =	vshrl.u32 v17, $0x10;
	v25 =	vshll.u32 v17, $0x10  }
0xd7: {  	v15 =	vshrl.u32 v15, $0x17;
	v16 =	vadd.s32 v16, v17;
	v26 =	vor.u32 v24, v25  }
0xd8: {  	v27 =	vsel vm9, $0xFFFFFF82, v5;
	v20 =	vadd.f32 $3.333333430e-01, v20;
	v17 =	vxor.u32 v16, v26  }
0xd9: {  	v28 =	vshrl.u32 v17, $0x8;
	v23 =	vshll.u32 v17, $0x18;
	v16 =	vadd.s32 v16, v17  }
0xda: {  	v19 =	vmul.f32 v20, v19;
	v29 =	vor.u32 v28, v23;
	v20 =	vor.u32 v35, v36  }
0xdb: {  	v18 =	vadd.f32 v18, v18;
	v17 =	vxor.u32 v16, v29;
	v20 =	vxor.u32 v34, v20  }
0xdc: {  	v19 =	vadd.f32 $1.000000000e+00, v19;
	v17 =	vadd.s32 $0x1BD11F0C, v17;
	v40 =	vshrl.u32 v20, $0x11  }
0xdd: {  	v16 =	vadd.s32 v17, v16;
	v30 =	vshrl.u32 v17, $0x13;
	v17 =	vshll.u32 v17, $0xD  }
0xde: {  	v41 =	vshll.u32 v20, $0xF;
	v16 =	vadd.s32 $0x4D2, v16;
	v17 =	vor.u32 v30, v17  }
0xdf: {  	v15 =	vadd.s32 v15, v27;
	v42 =	vor.u32 v40, v41;
	v17 =	vxor.u32 v16, v17  }
0xe0: {  	v18 =	vmul.f32 v19, v18;
	v31 =	vshrl.u32 v17, $0x11;
	v32 =	vshll.u32 v17, $0xF  }
0xe1: {  	v19 =	vadd.s32 v34, v20;
	v16 =	vadd.s32 v16, v17;
	v33 =	vor.u32 v31, v32  }
0xe2: {  	v15 =	vcvt.s32.f32 v15;
	v20 =	vxor.u32 v19, v42;
	v17 =	vxor.u32 v16, v33  }
0xe3: {  	v44 =	vshrl.u32 v20, $0x6;
	v37 =	vshrl.u32 v17, $0x6;
	v38 =	vshll.u32 v17, $0x1A  }
0xe4: {  	v45 =	vshll.u32 v20, $0x1A;
	v16 =	vadd.s32 v16, v17;
	v39 =	vor.u32 v37, v38  }
0xe5: {  	v19 =	vadd.s32 v19, v20;
	v46 =	vor.u32 v44, v45;
	v17 =	vxor.u32 v16, v39  }
0xe6: {  	v16 =	vadd.s32 v16, v17;
	v43 =	vshrl.u32 v17, $0x1A;
	v17 =	vshll.u32 v17, $0x6  }
0xe7: {  	v20 =	vxor.u32 v19, v46;
	v17 =	vor.u32 v43, v17  }
0xe8: {  	v15 =	vmul.f32 $6.931471820e-01, v15;
	v47 =	vshrl.u32 v20, $0x1A;
	v17 =	vxor.u32 v16, v17  }
0xe9: {  	v48 =	vshll.u32 v20, $0x6;
	v16 =	vadd.s32 $0x1BD11F08, v16;
	v17 =	vadd.s32 $0x5, v17  }
0xea: {  	v19 =	vadd.s32 v19, v20;
	v16 =	vxor.u32 v16, v17;
	v17 =	vor.u32 v47, v48  }
0xeb: {  	v17 =	vxor.u32 v19, v17  }
0xec: {  	v15 =	vadd.f32 v18, v15;
	v16 =	vshrl.u32 v16, $0x9;
	v17 =	vadd.s32 $0x1BD11F09, v17  }
0xed: {  	v49 =	vadd.s32 v17, v19;
	v50 =	vshrl.u32 v17, $0xF;
	v17 =	vshll.u32 v17, $0x11  }
0xee: {  	v16 =	vor.u32 $0x3F800000, v16;
	v18 =	vadd.s32 $0x4D2, v49;
	v17 =	vor.u32 v50, v17  }
0xef: {  	v16 =	vadd.f32 $-1.000000000e+00, v16;
	v17 =	vxor.u32 v18, v17  }
0xf0: {  	v15 =	vsub.f32 $0.0e+00, v15;
	v52 =	vshrl.u32 v17, $0x3;
	v53 =	vshll.u32 v17, $0x1D  }
0xf1: {  	v16 =	vmax.f32 v16, $9.999999680e-21;
	v17 =	vadd.s32 v18, v17;
	v54 =	vor.u32 v52, v53  }
0xf2: {  	v15 =	vmul.f32 v15, v15;
	v51 =	vand.u32 $0x7FFFFF, v16;
	v18 =	vxor.u32 v17, v54  }
0xf3: {  	v19 =	vor.u32 $0x3F800000, v51;
	v56 =	vshrl.u32 v18, $0x10;
	v57 =	vshll.u32 v18, $0x10  }
0xf4: {  	v55 =	vmul.f32 $5.000000000e-01, v19;
	v17 =	vadd.s32 v17, v18;
	v58 =	vor.u32 v56, v57  }
0xf5: {  	(erf) = vrcp.f32 v15;
	vm10 =	vgt.f32 v19, $1.414213540e+00;
	v18 =	vxor.u32 v17, v58  }
0xf6: {  	v19 =	vsel vm10, v55, v19;
	v15 =	vshrl.u32 v18, $0x8;
	v59 =	vshll.u32 v18, $0x18  }
0xf7: {  	v20 =	vadd.f32 $1.000000000e+00, v19;
	v17 =	vadd.s32 v17, v18;
	v15 =	vor.u32 v15, v59  }
0xf8: {  	v15 =	vxor.u32 v17, v15  }
0xf9: {  	(erf) = vrcp.f32 v20;
	v15 =	vadd.s32 $0x2, v15  }
0xfa: {  	v17 =	vadd.s32 v15, v17;
	v60 =	vshrl.u32 v15, $0x13;
	v15 =	vshll.u32 v15, $0xD  }
0xfb: {  	v17 =	vadd.s32 $0x1BD11F08, v17;
	v15 =	vor.u32 v60, v15  }
0xfc: {  	v15 =	vxor.u32 v17, v15  }
0xfd: {  	v61 =	vshrl.u32 v15, $0x11;
	v62 =	vshll.u32 v15, $0xF  }
0xfe: {  	v17 =	vadd.s32 v17, v15;
	v18 =	vor.u32 v61, v62  }
0xff: {  	v18 =	vxor.u32 v17, v18  }
0x100: {  	v24 =	vshrl.u32 v18, $0x6;
	v25 =	vshll.u32 v18, $0x1A  }
0x101: {  	v19 =	vadd.f32 $-1.000000000e+00, v19;
	v15 =	vpop (erf);
	v17 =	vadd.s32 v17, v18;
	v26 =	vor.u32 v24, v25  }
0x102: {  	v63 =	vpop (erf);
	v18 =	vxor.u32 v17, v26  }
0x103: {  	v19 =	vmul.f32 v63, v19;
	v27 =	vshrl.u32 v18, $0x1A;
	v28 =	vshll.u32 v18, $0x6  }
0x104: {  	v17 =	vadd.s32 v17, v18;
	v29 =	vor.u32 v27, v28  }
0x105: {  	v20 =	vmul.f32 v19, v19;
	v18 =	vxor.u32 v17, v29  }
0x106: {  	v18 =	vadd.s32 $0x4D5, v18  }
0x107: {  	v30 =	vmul.f32 $1.111111120e-01, v20;
	v31 =	vshrl.u32 v18, $0xF;
	v32 =	vshll.u32 v18, $0x11  }
0x108: {  	v17 =	vadd.s32 v17, v18;
	v33 =	vor.u32 v31, v32  }
0x109: {  	v21 =	vadd.f32 $1.428571490e-01, v30;
	v18 =	vxor.u32 v17, v33  }
0x10a: {  	v34 =	vshrl.u32 v18, $0x3;
	v35 =	vshll.u32 v18, $0x1D  }
0x10b: {  	s29 =	sadd.s32 $0xDBBA00, s17;
	v21 =	vmul.f32 v21, v20;
	v17 =	vadd.s32 v17, v18;
	v36 =	vor.u32 v34, v35  }
0x10c: {  	v47 =	vadd.s32 s29, v4;
	v18 =	vxor.u32 v17, v36  }
0x10d: {  	v21 =	vadd.f32 $2.000000030e-01, v21;
	v37 =	vshrl.u32 v18, $0x10;
	v38 =	vshll.u32 v18, $0x10  }
0x10e: {  	v48 =	vshrl.u32 v47, $0x13;
	v17 =	vadd.s32 v17, v18;
	v39 =	vor.u32 v37, v38  }
0x10f: {  	v16 =	vshrl.u32 v16, $0x17;
	v21 =	vmul.f32 v21, v20;
	v18 =	vxor.u32 v17, v39  }
0x110: {  	v40 =	vsel vm10, $0xFFFFFF82, v5;
	v41 =	vshrl.u32 v18, $0x8;
	v24 =	vshll.u32 v18, $0x18  }
0x111: {  	v21 =	vadd.f32 $3.333333430e-01, v21;
	v17 =	vadd.s32 v17, v18;
	v42 =	vor.u32 v41, v24  }
0x112: {  	v49 =	vshll.u32 v47, $0xD;
	v16 =	vadd.s32 v16, v40;
	v18 =	vxor.u32 v17, v42  }
0x113: {  	v19 =	vadd.f32 v19, v19;
	v20 =	vmul.f32 v21, v20;
	v18 =	vadd.s32 $0x1BD11F0C, v18  }
0x114: {  	v17 =	vadd.s32 v18, v17;
	v43 =	vshrl.u32 v18, $0x13;
	v18 =	vshll.u32 v18, $0xD  }
0x115: {  	v21 =	vor.u32 v48, v49;
	v17 =	vadd.s32 $0x4D2, v17;
	v18 =	vor.u32 v43, v18  }
0x116: {  	v21 =	vxor.u32 v47, v21;
	v20 =	vadd.f32 $1.000000000e+00, v20;
	v18 =	vxor.u32 v17, v18  }
0x117: {  	v53 =	vshrl.u32 v21, $0x11;
	v44 =	vshrl.u32 v18, $0x11;
	v45 =	vshll.u32 v18, $0xF  }
0x118: {  	v54 =	vshll.u32 v21, $0xF;
	v17 =	vadd.s32 v17, v18;
	v46 =	vor.u32 v44, v45  }
0x119: {  	v16 =	vcvt.s32.f32 v16;
	v55 =	vor.u32 v53, v54;
	v18 =	vxor.u32 v17, v46  }
0x11a: {  	v19 =	vmul.f32 v20, v19;
	v50 =	vshrl.u32 v18, $0x6;
	v51 =	vshll.u32 v18, $0x1A  }
0x11b: {  	v20 =	vadd.s32 v47, v21;
	v17 =	vadd.s32 v17, v18;
	v52 =	vor.u32 v50, v51  }
0x11c: {  	v16 =	vmul.f32 $6.931471820e-01, v16;
	v21 =	vxor.u32 v20, v55;
	v18 =	vxor.u32 v17, v52  }
0x11d: {  	v17 =	vadd.s32 v17, v18;
	v56 =	vshrl.u32 v18, $0x1A;
	v18 =	vshll.u32 v18, $0x6  }
0x11e: {  	v57 =	vshrl.u32 v21, $0x6;
	v58 =	vshll.u32 v21, $0x1A;
	v18 =	vor.u32 v56, v18  }
0x11f: {  	v20 =	vadd.s32 v20, v21;
	v59 =	vor.u32 v57, v58;
	v18 =	vxor.u32 v17, v18  }
0x120: {  	v21 =	vxor.u32 v20, v59;
	v17 =	vadd.s32 $0x1BD11F08, v17;
	v18 =	vadd.s32 $0x5, v18  }
0x121: {  	v60 =	vshrl.u32 v21, $0x1A;
	v61 =	vshll.u32 v21, $0x6;
	v17 =	vxor.u32 v17, v18  }
0x122: {  	v20 =	vadd.s32 v20, v21;
	v18 =	vor.u32 v60, v61;
	v17 =	vshrl.u32 v17, $0x9  }
0x123: {  	v18 =	vxor.u32 v20, v18;
	v17 =	vor.u32 $0x3F800000, v17  }
0x124: {  	v16 =	vadd.f32 v19, v16;
	v18 =	vadd.s32 $0x1BD11F09, v18;
	v17 =	vadd.f32 $-1.000000000e+00, v17  }
0x125: {  	v62 =	vadd.s32 v18, v20;
	v63 =	vshrl.u32 v18, $0xF;
	v18 =	vshll.u32 v18, $0x11  }
0x126: {  	v19 =	vadd.s32 $0x4D2, v62;
	v18 =	vor.u32 v63, v18  }
0x127: {  	v16 =	vsub.f32 $0.0e+00, v16;
	v17 =	vmax.f32 v17, $9.999999680e-21;
	v18 =	vxor.u32 v19, v18  }
0x128: {  	v24 =	vand.u32 $0x7FFFFF, v17;
	v25 =	vshrl.u32 v18, $0x3;
	v26 =	vshll.u32 v18, $0x1D  }
0x129: {  	v18 =	vadd.s32 v19, v18;
	v20 =	vor.u32 $0x3F800000, v24;
	v27 =	vor.u32 v25, v26  }
0x12a: {  	v16 =	vmul.f32 v16, v16;
	v28 =	vmul.f32 $5.000000000e-01, v20;
	v19 =	vxor.u32 v18, v27  }
0x12b: {  	vm11 =	vgt.f32 v20, $1.414213540e+00;
	v29 =	vshrl.u32 v19, $0x10;
	v30 =	vshll.u32 v19, $0x10  }
0x12c: {  	v18 =	vadd.s32 v18, v19;
	v20 =	vsel vm11, v28, v20;
	v31 =	vor.u32 v29, v30  }
0x12d: {  	v21 =	vadd.f32 $1.000000000e+00, v20;
	v19 =	vxor.u32 v18, v31  }
0x12e: {  	(erf) = vrcp.f32 v16;
	v32 =	vshrl.u32 v19, $0x8;
	v33 =	vshll.u32 v19, $0x18  }
0x12f: {  	v18 =	vadd.s32 v18, v19;
	(erf) = vrcp.f32 v21;
	v16 =	vor.u32 v32, v33  }
0x130: {  	v16 =	vxor.u32 v18, v16  }
0x131: {  	v16 =	vadd.s32 $0x2, v16  }
0x132: {  	v18 =	vadd.s32 v16, v18;
	v34 =	vshrl.u32 v16, $0x13;
	v16 =	vshll.u32 v16, $0xD  }
0x133: {  	v18 =	vadd.s32 $0x1BD11F08, v18;
	v16 =	vor.u32 v34, v16  }
0x134: {  	v16 =	vxor.u32 v18, v16  }
0x135: {  	v35 =	vshrl.u32 v16, $0x11;
	v36 =	vshll.u32 v16, $0xF  }
0x136: {  	v18 =	vadd.s32 v18, v16;
	v19 =	vor.u32 v35, v36  }
0x137: {  	v20 =	vadd.f32 $-1.000000000e+00, v20;
	v16 =	vpop (erf);
	v19 =	vxor.u32 v18, v19  }
0x138: {  	v37 =	vpop (erf);
	v38 =	vshrl.u32 v19, $0x6;
	v39 =	vshll.u32 v19, $0x1A  }
0x139: {  	v18 =	vadd.s32 v18, v19;
	v20 =	vmul.f32 v37, v20;
	v40 =	vor.u32 v38, v39  }
0x13a: {  	v19 =	vxor.u32 v18, v40  }
0x13b: {  	v21 =	vmul.f32 v20, v20;
	v41 =	vshrl.u32 v19, $0x1A;
	v42 =	vshll.u32 v19, $0x6  }
0x13c: {  	s30 =	sadd.s32 $0xDBF880, s17;
	v18 =	vadd.s32 v18, v19;
	v43 =	vor.u32 v41, v42  }
0x13d: {  	v58 =	vadd.s32 s30, v4;
	v44 =	vmul.f32 $1.111111120e-01, v21;
	v19 =	vxor.u32 v18, v43  }
0x13e: {  	v59 =	vshrl.u32 v58, $0x13;
	v60 =	vshll.u32 v58, $0xD;
	v19 =	vadd.s32 $0x4D5, v19  }
0x13f: {  	v22 =	vadd.f32 $1.428571490e-01, v44;
	v45 =	vshrl.u32 v19, $0xF;
	v46 =	vshll.u32 v19, $0x11  }
0x140: {  	v23 =	vor.u32 v59, v60;
	v18 =	vadd.s32 v18, v19;
	v47 =	vor.u32 v45, v46  }
0x141: {  	v23 =	vxor.u32 v58, v23;
	v22 =	vmul.f32 v22, v21;
	v19 =	vxor.u32 v18, v47  }
0x142: {  	v62 =	vshrl.u32 v23, $0x11;
	v48 =	vshrl.u32 v19, $0x3;
	v49 =	vshll.u32 v19, $0x1D  }
0x143: {  	v18 =	vadd.s32 v18, v19;
	v22 =	vadd.f32 $2.000000030e-01, v22;
	v50 =	vor.u32 v48, v49  }
0x144: {  	v63 =	vshll.u32 v23, $0xF;
	v17 =	vshrl.u32 v17, $0x17;
	v19 =	vxor.u32 v18, v50  }
0x145: {  	v22 =	vmul.f32 v22, v21;
	v51 =	vshrl.u32 v19, $0x10;
	v52 =	vshll.u32 v19, $0x10  }
0x146: {  	v54 =	vsel vm11, $0xFFFFFF82, v5;
	v18 =	vadd.s32 v18, v19;
	v53 =	vor.u32 v51, v52  }
0x147: {  	v28 =	vor.u32 v62, v63;
	v22 =	vadd.f32 $3.333333430e-01, v22;
	v19 =	vxor.u32 v18, v53  }
0x148: {  	v55 =	vshrl.u32 v19, $0x8;
	v25 =	vshll.u32 v19, $0x18;
	v18 =	vadd.s32 v18, v19  }
0x149: {  	v21 =	vmul.f32 v22, v21;
	v56 =	vor.u32 v55, v25;
	v22 =	vadd.s32 v58, v23  }
0x14a: {  	v17 =	vadd.s32 v17, v54;
	v19 =	vxor.u32 v18, v56;
	v23 =	vxor.u32 v22, v28  }
0x14b: {  	v17 =	vcvt.s32.f32 v17;
	v19 =	vadd.s32 $0x1BD11F0C, v19;
	v30 =	vshrl.u32 v23, $0x6  }
0x14c: {  	v26 =	vshll.u32 v23, $0x1A;
	v22 =	vadd.s32 v22, v23;
	v18 =	vadd.s32 v19, v18  }
0x14d: {  	v57 =	vshrl.u32 v19, $0x13;
	v19 =	vshll.u32 v19, $0xD;
	v31 =	vor.u32 v30, v26  }
0x14e: {  	v18 =	vadd.s32 $0x4D2, v18;
	v19 =	vor.u32 v57, v19;
	v23 =	vxor.u32 v22, v31  }
0x14f: {  	v17 =	vmul.f32 $6.931471820e-01, v17;
	v19 =	vxor.u32 v18, v19;
	v33 =	vshrl.u32 v23, $0x1A  }
0x150: {  	v34 =	vshll.u32 v23, $0x6;
	v22 =	vadd.s32 v22, v23;
	v18 =	vadd.s32 v18, v19  }
0x151: {  	v61 =	vshrl.u32 v19, $0x11;
	v19 =	vshll.u32 v19, $0xF;
	v35 =	vor.u32 v33, v34  }
0x152: {  	v20 =	vadd.f32 v20, v20;
	v19 =	vor.u32 v61, v19;
	v23 =	vxor.u32 v22, v35  }
0x153: {  	v21 =	vadd.f32 $1.000000000e+00, v21;
	v19 =	vxor.u32 v18, v19;
	v23 =	vadd.s32 $0x1BD11F09, v23  }
0x154: {  	v18 =	vadd.s32 v18, v19;
	v29 =	vshrl.u32 v19, $0x6;
	v19 =	vshll.u32 v19, $0x1A  }
0x155: {  	v22 =	vadd.s32 v23, v22;
	v37 =	vshrl.u32 v23, $0xF;
	v19 =	vor.u32 v29, v19  }
0x156: {  	v23 =	vshll.u32 v23, $0x11;
	v22 =	vadd.s32 $0x4D2, v22;
	v19 =	vxor.u32 v18, v19  }
0x157: {  	v23 =	vor.u32 v37, v23;
	v32 =	vshrl.u32 v19, $0x1A;
	v27 =	vshll.u32 v19, $0x6  }
0x158: {  	v38 =	vxor.u32 v22, v23;
	v18 =	vadd.s32 v18, v19;
	v36 =	vor.u32 v32, v27  }
0x159: {  	v20 =	vmul.f32 v21, v20;
	v39 =	vshrl.u32 v38, $0x3;
	v19 =	vxor.u32 v18, v36  }
0x15a: {  	v23 =	vshll.u32 v38, $0x1D;
	v18 =	vadd.s32 $0x1BD11F08, v18;
	v19 =	vadd.s32 $0x5, v19  }
0x15b: {  	v21 =	vor.u32 v39, v23;
	v18 =	vxor.u32 v18, v19;
	v19 =	vadd.s32 v22, v38  }
0x15c: {  	v17 =	vadd.f32 v20, v17;
	v18 =	vshrl.u32 v18, $0x9;
	v21 =	vxor.u32 v19, v21  }
0x15d: {  	v18 =	vor.u32 $0x3F800000, v18;
	v40 =	vshrl.u32 v21, $0x10;
	v41 =	vshll.u32 v21, $0x10  }
0x15e: {  	v19 =	vadd.s32 v19, v21;
	v18 =	vadd.f32 $-1.000000000e+00, v18;
	v20 =	vor.u32 v40, v41  }
0x15f: {  	v20 =	vxor.u32 v19, v20  }
0x160: {  	v18 =	vmax.f32 v18, $9.999999680e-21;
	v43 =	vshrl.u32 v20, $0x8;
	v44 =	vshll.u32 v20, $0x18  }
0x161: {  	v19 =	vadd.s32 v19, v20;
	v42 =	vand.u32 $0x7FFFFF, v18;
	v46 =	vor.u32 v43, v44  }
0x162: {  	v17 =	vsub.f32 $0.0e+00, v17;
	v21 =	vor.u32 $0x3F800000, v42;
	v20 =	vxor.u32 v19, v46  }
0x163: {  	v45 =	vmul.f32 $5.000000000e-01, v21;
	v20 =	vadd.s32 $0x2, v20  }
0x164: {  	v17 =	vmul.f32 v17, v17;
	vm12 =	vgt.f32 v21, $1.414213540e+00;
	v19 =	vadd.s32 v20, v19  }
0x165: {  	v47 =	vshrl.u32 v20, $0x13;
	v20 =	vshll.u32 v20, $0xD;
	v21 =	vsel vm12, v45, v21  }
0x166: {  	v19 =	vadd.s32 $0x1BD11F08, v19;
	v20 =	vor.u32 v47, v20;
	v48 =	vadd.f32 $1.000000000e+00, v21  }
0x167: {  	(erf) = vrcp.f32 v17;
	v49 =	vxor.u32 v19, v20  }
0x168: {  	v20 =	vshrl.u32 v49, $0x11;
	v50 =	vshll.u32 v49, $0xF;
	(erf) = vrcp.f32 v48  }
0x169: {  	v17 =	vadd.s32 v19, v49;
	v51 =	vor.u32 v20, v50  }
0x16a: {  	v19 =	vxor.u32 v17, v51  }
0x16b: {  	v52 =	vshrl.u32 v19, $0x6;
	v53 =	vshll.u32 v19, $0x1A  }
0x16c: {  	v17 =	vadd.s32 v17, v19;
	v54 =	vor.u32 v52, v53  }
0x16d: {  	v19 =	vxor.u32 v17, v54  }
0x16e: {  	v55 =	vshrl.u32 v19, $0x1A;
	v56 =	vshll.u32 v19, $0x6  }
0x16f: {  	v19 =	vadd.s32 v17, v19;
	v20 =	vor.u32 v55, v56  }
0x170: {  	v21 =	vadd.f32 $-1.000000000e+00, v21;
	v17 =	vpop (erf);
	v20 =	vxor.u32 v19, v20  }
0x171: {  	v20 =	vadd.s32 $0x4D5, v20;
	v57 =	vpop (erf)  }
0x172: {  	v58 =	vshrl.u32 v20, $0xF;
	v59 =	vshll.u32 v20, $0x11;
	v21 =	vmul.f32 v57, v21  }
0x173: {  	v19 =	vadd.s32 v19, v20;
	v60 =	vor.u32 v58, v59  }
0x174: {  	v20 =	vxor.u32 v19, v60;
	v61 =	vmul.f32 v21, v21  }
0x175: {  	v62 =	vshrl.u32 v20, $0x3;
	v63 =	vshll.u32 v20, $0x1D  }
0x176: {  	v19 =	vadd.s32 v19, v20;
	v29 =	vor.u32 v62, v63;
	v28 =	vmul.f32 $1.111111120e-01, v61  }
0x177: {  	v20 =	vxor.u32 v19, v29  }
0x178: {  	v31 =	vshrl.u32 v20, $0x10;
	v32 =	vshll.u32 v20, $0x10;
	v30 =	vadd.f32 $1.428571490e-01, v28  }
0x179: {  	s31 =	sadd.s32 $0xDC3700, s17;
	v18 =	vshrl.u32 v18, $0x17;
	v19 =	vadd.s32 v19, v20;
	v33 =	vor.u32 v31, v32  }
0x17a: {  	v43 =	vadd.s32 s31, v4;
	v20 =	vxor.u32 v19, v33;
	v23 =	vmul.f32 v30, v61  }
0x17b: {  	v38 =	vsel vm12, $0xFFFFFF82, v5;
	v34 =	vshrl.u32 v20, $0x8;
	v35 =	vshll.u32 v20, $0x18  }
0x17c: {  	v19 =	vadd.s32 v19, v20;
	v36 =	vor.u32 v34, v35;
	v23 =	vadd.f32 $2.000000030e-01, v23  }
0x17d: {  	v44 =	vshrl.u32 v43, $0x13;
	v18 =	vadd.s32 v18, v38;
	v20 =	vxor.u32 v19, v36  }
0x17e: {  	v18 =	vcvt.s32.f32 v18;
	v20 =	vadd.s32 $0x1BD11F0C, v20;
	v23 =	vmul.f32 v23, v61  }
0x17f: {  	v19 =	vadd.s32 v20, v19;
	v37 =	vshrl.u32 v20, $0x13;
	v20 =	vshll.u32 v20, $0xD  }
0x180: {  	v45 =	vshll.u32 v43, $0xD;
	v19 =	vadd.s32 $0x4D2, v19;
	v20 =	vor.u32 v37, v20  }
0x181: {  	v18 =	vmul.f32 $6.931471820e-01, v18;
	v23 =	vadd.f32 $3.333333430e-01, v23;
	v20 =	vxor.u32 v19, v20  }
0x182: {  	v39 =	vshrl.u32 v20, $0x11;
	v40 =	vshll.u32 v20, $0xF;
	v19 =	vadd.s32 v19, v20  }
0x183: {  	v22 =	vmul.f32 v23, v61;
	v41 =	vor.u32 v39, v40;
	v23 =	vor.u32 v44, v45  }
0x184: {  	v21 =	vadd.f32 v21, v21;
	v20 =	vxor.u32 v19, v41;
	v23 =	vxor.u32 v43, v23  }
0x185: {  	v22 =	vadd.f32 $1.000000000e+00, v22;
	v19 =	vadd.s32 v19, v20;
	v42 =	vshrl.u32 v20, $0x6  }
0x186: {  	v20 =	vshll.u32 v20, $0x1A;
	v47 =	vshrl.u32 v23, $0x11;
	v48 =	vshll.u32 v23, $0xF  }
0x187: {  	v23 =	vadd.s32 v43, v23;
	v20 =	vor.u32 v42, v20;
	v49 =	vor.u32 v47, v48  }
0x188: {  	v20 =	vxor.u32 v19, v20;
	v24 =	vxor.u32 v23, v49;
	v21 =	vmul.f32 v22, v21  }
0x189: {  	v19 =	vadd.s32 v19, v20;
	v46 =	vshrl.u32 v20, $0x1A;
	v20 =	vshll.u32 v20, $0x6  }
0x18a: {  	v50 =	vshrl.u32 v24, $0x6;
	v51 =	vshll.u32 v24, $0x1A;
	v20 =	vor.u32 v46, v20  }
0x18b: {  	v52 =	vadd.s32 v23, v24;
	v53 =	vor.u32 v50, v51;
	v20 =	vxor.u32 v19, v20  }
0x18c: {  	v19 =	vadd.s32 $0x1BD11F08, v19;
	v54 =	vxor.u32 v52, v53;
	v20 =	vadd.s32 $0x5, v20  }
0x18d: {  	v23 =	vshrl.u32 v54, $0x1A;
	v55 =	vshll.u32 v54, $0x6;
	v19 =	vxor.u32 v19, v20  }
0x18e: {  	v20 =	vadd.s32 v52, v54;
	v56 =	vor.u32 v23, v55;
	v19 =	vshrl.u32 v19, $0x9  }
0x18f: {  	v22 =	vxor.u32 v20, v56;
	v19 =	vor.u32 $0x3F800000, v19  }
0x190: {  	v18 =	vadd.f32 v21, v18;
	v57 =	vadd.s32 $0x1BD11F09, v22;
	v19 =	vadd.f32 $-1.000000000e+00, v19  }
0x191: {  	v20 =	vadd.s32 v57, v20;
	v22 =	vshrl.u32 v57, $0xF;
	v21 =	vshll.u32 v57, $0x11  }
0x192: {  	v20 =	vadd.s32 $0x4D2, v20;
	v21 =	vor.u32 v22, v21  }
0x193: {  	v18 =	vsub.f32 $0.0e+00, v18;
	v19 =	vmax.f32 v19, $9.999999680e-21;
	v21 =	vxor.u32 v20, v21  }
0x194: {  	v58 =	vand.u32 $0x7FFFFF, v19;
	v60 =	vshrl.u32 v21, $0x3;
	v61 =	vshll.u32 v21, $0x1D  }
0x195: {  	v20 =	vadd.s32 v20, v21;
	v59 =	vor.u32 $0x3F800000, v58;
	v62 =	vor.u32 v60, v61  }
0x196: {  	v18 =	vmul.f32 v18, v18;
	v23 =	vmul.f32 $5.000000000e-01, v59;
	v21 =	vxor.u32 v20, v62  }
0x197: {  	vm13 =	vgt.f32 v59, $1.414213540e+00;
	v63 =	vshrl.u32 v21, $0x10;
	v28 =	vshll.u32 v21, $0x10  }
0x198: {  	v29 =	vadd.s32 v20, v21;
	v22 =	vsel vm13, v23, v59;
	v30 =	vor.u32 v63, v28  }
0x199: {  	v23 =	vadd.f32 $1.000000000e+00, v22;
	v20 =	vxor.u32 v29, v30  }
0x19a: {  	(erf) = vrcp.f32 v18;
	v31 =	vshrl.u32 v20, $0x8;
	v32 =	vshll.u32 v20, $0x18  }
0x19b: {  	v18 =	vadd.s32 v29, v20;
	(erf) = vrcp.f32 v23;
	v33 =	vor.u32 v31, v32  }
0x19c: {  	v20 =	vxor.u32 v18, v33  }
0x19d: {  	v20 =	vadd.s32 $0x2, v20  }
0x19e: {  	v18 =	vadd.s32 v20, v18;
	v34 =	vshrl.u32 v20, $0x13;
	v20 =	vshll.u32 v20, $0xD  }
0x19f: {  	v35 =	vadd.s32 $0x1BD11F08, v18;
	v36 =	vor.u32 v34, v20  }
0x1a0: {  	v20 =	vxor.u32 v35, v36  }
0x1a1: {  	v38 =	vshrl.u32 v20, $0x11;
	v39 =	vshll.u32 v20, $0xF  }
0x1a2: {  	v37 =	vadd.f32 $-1.000000000e+00, v22;
	v20 =	vadd.s32 v35, v20;
	v22 =	vor.u32 v38, v39  }
0x1a3: {  	v18 =	vpop (erf);
	v22 =	vxor.u32 v20, v22  }
0x1a4: {  	v40 =	vpop (erf);
	v41 =	vshrl.u32 v22, $0x6;
	v42 =	vshll.u32 v22, $0x1A  }
0x1a5: {  	v20 =	vadd.s32 v20, v22;
	v21 =	vmul.f32 v40, v37;
	v43 =	vor.u32 v41, v42  }
0x1a6: {  	v22 =	vxor.u32 v20, v43  }
0x1a7: {  	v25 =	vmul.f32 v21, v21;
	v45 =	vshrl.u32 v22, $0x1A;
	v46 =	vshll.u32 v22, $0x6  }
0x1a8: {  	v20 =	vadd.s32 v20, v22;
	v47 =	vor.u32 v45, v46  }
0x1a9: {  	v44 =	vmul.f32 $1.111111120e-01, v25;
	v22 =	vxor.u32 v20, v47  }
0x1aa: {  	v22 =	vadd.s32 $0x4D5, v22  }
0x1ab: {  	v23 =	vadd.f32 $1.428571490e-01, v44;
	v48 =	vshrl.u32 v22, $0xF;
	v49 =	vshll.u32 v22, $0x11  }
0x1ac: {  	s17 =	sadd.s32 $0xDC7580, s17;
	v19 =	vshrl.u32 v19, $0x17;
	v20 =	vadd.s32 v20, v22;
	v50 =	vor.u32 v48, v49  }
0x1ad: {  	v58 =	vadd.s32 s17, v4;
	v23 =	vmul.f32 v23, v25;
	v22 =	vxor.u32 v20, v50  }
0x1ae: {  	v51 =	vsel vm13, $0xFFFFFF82, v5;
	v52 =	vshrl.u32 v22, $0x3;
	v53 =	vshll.u32 v22, $0x1D  }
0x1af: {  	v20 =	vadd.s32 v20, v22;
	v23 =	vadd.f32 $2.000000030e-01, v23;
	v54 =	vor.u32 v52, v53  }
0x1b0: {  	v60 =	vshll.u32 v58, $0xD;
	v19 =	vadd.s32 v19, v51;
	v22 =	vxor.u32 v20, v54  }
0x1b1: {  	v23 =	vmul.f32 v23, v25;
	v55 =	vshrl.u32 v22, $0x10;
	v56 =	vshll.u32 v22, $0x10  }
0x1b2: {  	v59 =	vshrl.u32 v58, $0x13;
	v20 =	vadd.s32 v20, v22;
	v57 =	vor.u32 v55, v56  }
0x1b3: {  	v19 =	vcvt.s32.f32 v19;
	v23 =	vadd.f32 $3.333333430e-01, v23;
	v22 =	vxor.u32 v20, v57  }
0x1b4: {  	v61 =	vor.u32 v59, v60;
	v20 =	vadd.s32 v20, v22;
	v62 =	vshrl.u32 v22, $0x8  }
0x1b5: {  	v22 =	vshll.u32 v22, $0x18;
	v23 =	vmul.f32 v23, v25;
	v25 =	vxor.u32 v58, v61  }
0x1b6: {  	v22 =	vor.u32 v62, v22;
	v63 =	vshrl.u32 v25, $0x11;
	v30 =	vshll.u32 v25, $0xF  }
0x1b7: {  	v22 =	vxor.u32 v20, v22;
	v24 =	vadd.s32 v58, v25;
	v31 =	vor.u32 v63, v30  }
0x1b8: {  	v19 =	vmul.f32 $6.931471820e-01, v19;
	v22 =	vadd.s32 $0x1BD11F0C, v22;
	v25 =	vxor.u32 v24, v31  }
0x1b9: {  	v20 =	vadd.s32 v22, v20;
	v32 =	vshrl.u32 v25, $0x6;
	v33 =	vshll.u32 v25, $0x1A  }
0x1ba: {  	v35 =	vshrl.u32 v22, $0x13;
	v24 =	vadd.s32 v24, v25;
	v34 =	vor.u32 v32, v33  }
0x1bb: {  	v22 =	vshll.u32 v22, $0xD;
	v20 =	vadd.s32 $0x4D2, v20;
	v25 =	vxor.u32 v24, v34  }
0x1bc: {  	v22 =	vor.u32 v35, v22;
	v36 =	vshrl.u32 v25, $0x1A;
	v37 =	vshll.u32 v25, $0x6  }
0x1bd: {  	v22 =	vxor.u32 v20, v22;
	v24 =	vadd.s32 v24, v25;
	v38 =	vor.u32 v36, v37  }
0x1be: {  	v21 =	vadd.f32 v21, v21;
	v20 =	vadd.s32 v20, v22;
	v25 =	vxor.u32 v24, v38  }
0x1bf: {  	v39 =	vshrl.u32 v22, $0x11;
	v22 =	vshll.u32 v22, $0xF;
	v25 =	vadd.s32 $0x1BD11F09, v25  }
0x1c0: {  	v24 =	vadd.s32 v25, v24;
	v40 =	vshrl.u32 v25, $0xF;
	v25 =	vshll.u32 v25, $0x11  }
0x1c1: {  	v22 =	vor.u32 v39, v22;
	v24 =	vadd.s32 $0x4D2, v24;
	v25 =	vor.u32 v40, v25  }
0x1c2: {  	v23 =	vadd.f32 $1.000000000e+00, v23;
	v22 =	vxor.u32 v20, v22;
	v25 =	vxor.u32 v24, v25  }
0x1c3: {  	v24 =	vadd.s32 v24, v25;
	v41 =	vshrl.u32 v25, $0x3;
	v25 =	vshll.u32 v25, $0x1D  }
0x1c4: {  	v42 =	vshrl.u32 v22, $0x6;
	v43 =	vshll.u32 v22, $0x1A;
	v25 =	vor.u32 v41, v25  }
0x1c5: {  	v20 =	vadd.s32 v20, v22;
	v44 =	vor.u32 v42, v43;
	v25 =	vxor.u32 v24, v25  }
0x1c6: {  	v22 =	vxor.u32 v20, v44;
	v45 =	vshrl.u32 v25, $0x10;
	v46 =	vshll.u32 v25, $0x10  }
0x1c7: {  	v20 =	vadd.s32 v20, v22;
	v24 =	vadd.s32 v24, v25;
	v47 =	vor.u32 v45, v46  }
0x1c8: {  	v48 =	vshrl.u32 v22, $0x1A;
	v22 =	vshll.u32 v22, $0x6;
	v25 =	vxor.u32 v24, v47  }
0x1c9: {  	v22 =	vor.u32 v48, v22;
	v49 =	vshrl.u32 v25, $0x8;
	v50 =	vshll.u32 v25, $0x18  }
0x1ca: {  	v22 =	vxor.u32 v20, v22;
	v24 =	vadd.s32 v24, v25;
	v51 =	vor.u32 v49, v50  }
0x1cb: {  	v20 =	vadd.s32 $0x1BD11F08, v20;
	v22 =	vadd.s32 $0x5, v22;
	v25 =	vxor.u32 v24, v51  }
0x1cc: {  	v21 =	vmul.f32 v23, v21;
	v20 =	vxor.u32 v20, v22;
	v52 =	vadd.s32 $0x2, v25  }
0x1cd: {  	v53 =	vadd.s32 v52, v24;
	v54 =	vshrl.u32 v52, $0x13;
	v22 =	vshll.u32 v52, $0xD  }
0x1ce: {  	v20 =	vshrl.u32 v20, $0x9;
	v23 =	vadd.s32 $0x1BD11F08, v53;
	v22 =	vor.u32 v54, v22  }
0x1cf: {  	v19 =	vadd.f32 v21, v19;
	v20 =	vor.u32 $0x3F800000, v20;
	v55 =	vxor.u32 v23, v22  }
0x1d0: {  	v20 =	vadd.f32 $-1.000000000e+00, v20;
	v22 =	vshrl.u32 v55, $0x11;
	v56 =	vshll.u32 v55, $0xF  }
0x1d1: {  	v21 =	vadd.s32 v23, v55;
	v22 =	vor.u32 v22, v56  }
0x1d2: {  	v19 =	vsub.f32 $0.0e+00, v19;
	v20 =	vmax.f32 v20, $9.999999680e-21;
	v22 =	vxor.u32 v21, v22  }
0x1d3: {  	v57 =	vand.u32 $0x7FFFFF, v20;
	v58 =	vshrl.u32 v22, $0x6;
	v59 =	vshll.u32 v22, $0x1A  }
0x1d4: {  	v23 =	vor.u32 $0x3F800000, v57;
	v21 =	vadd.s32 v21, v22;
	v60 =	vor.u32 v58, v59  }
0x1d5: {  	v19 =	vmul.f32 v19, v19;
	v61 =	vmul.f32 $5.000000000e-01, v23;
	v22 =	vxor.u32 v21, v60  }
0x1d6: {  	vm14 =	vgt.f32 v23, $1.414213540e+00;
	v62 =	vshrl.u32 v22, $0x1A;
	v63 =	vshll.u32 v22, $0x6  }
0x1d7: {  	v23 =	vsel vm14, v61, v23;
	v21 =	vadd.s32 v21, v22;
	v28 =	vor.u32 v62, v63  }
0x1d8: {  	v24 =	vadd.f32 $1.000000000e+00, v23;
	v22 =	vxor.u32 v21, v28  }
0x1d9: {  	(erf) = vrcp.f32 v19;
	v29 =	vadd.s32 $0x4D5, v22  }
0x1da: {  	(erf) = vrcp.f32 v24;
	v22 =	vshrl.u32 v29, $0xF;
	v30 =	vshll.u32 v29, $0x11  }
0x1db: {  	v19 =	vadd.s32 v21, v29;
	v31 =	vor.u32 v22, v30  }
0x1dc: {  	v21 =	vxor.u32 v19, v31  }
0x1dd: {  	v32 =	vshrl.u32 v21, $0x3;
	v33 =	vshll.u32 v21, $0x1D  }
0x1de: {  	v19 =	vadd.s32 v19, v21;
	v34 =	vor.u32 v32, v33  }
0x1df: {  	v21 =	vxor.u32 v19, v34  }
0x1e0: {  	v35 =	vshrl.u32 v21, $0x10;
	v36 =	vshll.u32 v21, $0x10  }
0x1e1: {  	v19 =	vadd.s32 v19, v21;
	v37 =	vor.u32 v35, v36  }
0x1e2: {  	v38 =	vpop (erf);
	v23 =	vadd.f32 $-1.000000000e+00, v23;
	v21 =	vxor.u32 v19, v37  }
0x1e3: {  	v39 =	vpop (erf);
	v40 =	vshrl.u32 v21, $0x8;
	v41 =	vshll.u32 v21, $0x18  }
0x1e4: {  	v23 =	vmul.f32 v39, v23;
	v19 =	vadd.s32 v19, v21;
	v42 =	vor.u32 v40, v41  }
0x1e5: {  	v21 =	vxor.u32 v19, v42  }
0x1e6: {  	v24 =	vmul.f32 v23, v23;
	v21 =	vadd.s32 $0x1BD11F0C, v21  }
0x1e7: {  	v19 =	vadd.s32 v21, v19;
	v43 =	vshrl.u32 v21, $0x13;
	v21 =	vshll.u32 v21, $0xD  }
0x1e8: {  	v44 =	vmul.f32 $1.111111120e-01, v24;
	v19 =	vadd.s32 $0x4D2, v19;
	v21 =	vor.u32 v43, v21  }
0x1e9: {  	v21 =	vxor.u32 v19, v21  }
0x1ea: {  	v45 =	vadd.f32 $1.428571490e-01, v44;
	v46 =	vshrl.u32 v21, $0x11;
	v47 =	vshll.u32 v21, $0xF  }
0x1eb: {  	v19 =	vadd.s32 v19, v21;
	v48 =	vor.u32 v46, v47  }
0x1ec: {  	v25 =	vmul.f32 v45, v24;
	v21 =	vxor.u32 v19, v48  }
0x1ed: {  	v49 =	vshrl.u32 v21, $0x6;
	v50 =	vshll.u32 v21, $0x1A  }
0x1ee: {  	v25 =	vadd.f32 $2.000000030e-01, v25;
	v19 =	vadd.s32 v19, v21;
	v51 =	vor.u32 v49, v50  }
0x1ef: {  	v21 =	vxor.u32 v19, v51  }
0x1f0: {  	v25 =	vmul.f32 v25, v24;
	v52 =	vshrl.u32 v21, $0x1A;
	v53 =	vshll.u32 v21, $0x6  }
0x1f1: {  	v19 =	vadd.s32 v19, v21;
	v54 =	vor.u32 v52, v53  }
0x1f2: {  	v20 =	vshrl.u32 v20, $0x17;
	v25 =	vadd.f32 $3.333333430e-01, v25;
	v21 =	vxor.u32 v19, v54  }
0x1f3: {  	v55 =	vsel vm14, $0xFFFFFF82, v5;
	v19 =	vadd.s32 $0x1BD11F08, v19;
	v21 =	vadd.s32 $0x5, v21  }
0x1f4: {  	v20 =	vadd.s32 v20, v55;
	v24 =	vmul.f32 v25, v24;
	v19 =	vxor.u32 v19, v21  }
0x1f5: {  	v20 =	vcvt.s32.f32 v20;
	v19 =	vshrl.u32 v19, $0x9  }
0x1f6: {  	v23 =	vadd.f32 v23, v23;
	v56 =	vadd.f32 $1.000000000e+00, v24;
	v19 =	vor.u32 $0x3F800000, v19  }
0x1f7: {  	v19 =	vadd.f32 $-1.000000000e+00, v19  }
0x1f8: {  	v20 =	vmul.f32 $6.931471820e-01, v20;
	v21 =	vmul.f32 v56, v23  }
0x1f9: {  	v19 =	vmax.f32 v19, $9.999999680e-21  }
0x1fa: {  	v20 =	vadd.f32 v21, v20;
	v57 =	vand.u32 $0x7FFFFF, v19  }
0x1fb: {  	v21 =	vor.u32 $0x3F800000, v57  }
0x1fc: {  	v20 =	vsub.f32 $0.0e+00, v20;
	v58 =	vmul.f32 $5.000000000e-01, v21  }
0x1fd: {  	vm15 =	vgt.f32 v21, $1.414213540e+00  }
0x1fe: {  	v20 =	vmul.f32 v20, v20;
	v21 =	vsel vm15, v58, v21  }
0x1ff: {  	v23 =	vadd.f32 $1.000000000e+00, v21  }
0x200: {  	(erf) = vrcp.f32 v20  }
0x201: {  	(erf) = vrcp.f32 v23;
	_ =	sdelay $0x7  }
0x202: {  	v21 =	vadd.f32 $-1.000000000e+00, v21;
	v20 =	vpop (erf)  }
0x203: {  	v23 =	vpop (erf)  }
0x204: {  	v21 =	vmul.f32 v23, v21;
	_ =	sdelay $0x1  }
0x205: {  	v23 =	vmul.f32 v21, v21;
	_ =	sdelay $0x1  }
0x206: {  	v59 =	vmul.f32 $1.111111120e-01, v23;
	_ =	sdelay $0x1  }
0x207: {  	v24 =	vadd.f32 $1.428571490e-01, v59;
	_ =	sdelay $0x1  }
0x208: {  	v24 =	vmul.f32 v24, v23;
	_ =	sdelay $0x1  }
0x209: {  	v24 =	vadd.f32 $2.000000030e-01, v24;
	_ =	sdelay $0x1  }
0x20a: {  	v24 =	vmul.f32 v24, v23;
	_ =	sdelay $0x1  }
0x20b: {  	v24 =	vadd.f32 $3.333333430e-01, v24;
	_ =	sdelay $0x1  }
0x20c: {  	v19 =	vshrl.u32 v19, $0x17;
	v60 =	vsel vm15, $0xFFFFFF82, v5;
	v23 =	vmul.f32 v24, v23  }
0x20d: {  	v19 =	vadd.s32 v19, v60  }
0x20e: {  	v19 =	vcvt.s32.f32 v19;
	v21 =	vadd.f32 v21, v21;
	v23 =	vadd.f32 $1.000000000e+00, v23;
	_ =	sdelay $0x1  }
0x20f: {  	v19 =	vmul.f32 $6.931471820e-01, v19;
	v21 =	vmul.f32 v23, v21;
	_ =	sdelay $0x1  }
0x210: {  	v19 =	vadd.f32 v21, v19;
	_ =	sdelay $0x1  }
0x211: {  	v19 =	vsub.f32 $0.0e+00, v19;
	_ =	sdelay $0x1  }
0x212: {  	v61 =	vld.msk [tilespmem:s16+$0x0 ss:$0x0], $0xffff;
	v19 =	vmul.f32 v19, v19;
	_ =	sdelay $0x1  }
0x213: {  	(erf) = vrcp.f32 v19;
	_ =	sdelay $0x2  }
0x214: {  	v14 =	vmul.f32 v61, v14  }
0x215: {  	v15 =	vmul.f32 v61, v15  }
0x216: {  	v16 =	vmul.f32 v61, v16;
	[tilespmem:s15+$0xFFFFFFC0] =	vst v14  }
0x217: {  	v17 =	vmul.f32 v61, v17;
	[tilespmem:s15+$0xFFFFFFD0] =	vst v15  }
0x218: {  	p1 =	sne.s32 s14, $0x1F7;
	v18 =	vmul.f32 v61, v18;
	[tilespmem:s15+$0xFFFFFFE0] =	vst v16  }
.Ltmp2:
0x219: {  	v62 =	vmul.f32 v61, v38;
	[tilespmem:s15+$0xFFFFFFF0] =	vst v17;
	(pc) =	sbr.rel @p1 .LBB2_6-.Ltmp2, $4  }
0x21a: {  	[tilespmem:s15+$0x0] =	vst v18;
	v13 =	vadd.f32 v14, v13;
	v12 =	vadd.f32 v15, v12;
	v20 =	vmul.f32 v61, v20;
	v63 =	vpop (erf)  }
0x21b: {  	[tilespmem:s15+$0x10] =	vst v62;
	v11 =	vadd.f32 v16, v11;
	v10 =	vadd.f32 v17, v10;
	v14 =	vmul.f32 v61, v63  }
0x21c: {  	v9 =	vadd.f32 v18, v9;
	v8 =	vadd.f32 v62, v8;
	[tilespmem:s15+$0x20] =	vst v20  }
0x21d: {  	s14 =	sadd.s32 $0x1, s14;
	s16 =	sadd.s32 $0x1, s16;
	v7 =	vadd.f32 v20, v7;
	[tilespmem:s15+$0x30] =	vst v14;
	v6 =	vadd.f32 v14, v6;
	s15 =	sadd.s32 $0x80, s15  }
0x21e: {  	[tilespmem:$0x10000] =	vst v13  }
0x21f: {  	[tilespmem:$0x10010] =	vst v12  }
0x220: {  	[tilespmem:$0x10020] =	vst v11  }
0x221: {  	[tilespmem:$0x10030] =	vst v10  }
0x222: {  	[tilespmem:$0x10040] =	vst v9  }
0x223: {  	[tilespmem:$0x10050] =	vst v8  }
0x224: {  	[tilespmem:$0x10060] =	vst v7  }
0x225: {  	[tilespmem:$0x10070] =	vst v6  }
0x226: {  	[spmem:s5] =	stream.linear.scatter [tilespmem:s11], [sflag:$0x1], $0x80, $0x38;
	[tilespmem:$0x10180] =	vst v63  }
0x227: {  	_ =	swait.ge [sflag:s10], $0x80  }
0x228: {  	[sflag:s10] =	ssyncset.done $0x0  }
0x229: {  	[sflag:s10] =	ssyncadd.s32 $0xFFFFFF80  }
0x22a: {  	[bflag:$0x0] =	sbarrier.arrive $0xFFFF  }
0x22b: {  	[tilespmem:s12], [sflag:$0x1] =	stream.linear.gather [spmem:s6], $0x80, $0x38;
	[tilespmem:$0x10180] =	vst v63  }
0x22c: {  	_ =	swait.ge [sflag:s10], $0x80  }
0x22d: {  	[sflag:s10] =	ssyncset.done $0x0  }
0x22e: {  	[sflag:s10] =	ssyncadd.s32 $0xFFFFFF80  }
0x22f: {  	v14 =	vld [tilespmem:$0x10080]  }
0x230: {  	v15 =	vld [tilespmem:$0x10090]  }
0x231: {  	v16 =	vld [tilespmem:$0x100A0]  }
0x232: {  	v17 =	vld [tilespmem:$0x100B0]  }
0x233: {  	v18 =	vld [tilespmem:$0x100C0]  }
0x234: {  	v13 =	vadd.f32 v14, v13;
	v14 =	vld [tilespmem:$0x100D0]  }
0x235: {  	v12 =	vadd.f32 v15, v12;
	v15 =	vld [tilespmem:$0x100E0]  }
0x236: {  	v11 =	vadd.f32 v16, v11;
	(erf) = vrcp.f32 v13;
	v13 =	vld [tilespmem:$0x100F0]  }
0x237: {  	v10 =	vadd.f32 v17, v10;
	(erf) = vrcp.f32 v12  }
0x238: {  	v9 =	vadd.f32 v18, v9;
	(erf) = vrcp.f32 v11  }
0x239: {  	(erf) = vrcp.f32 v10;
	v8 =	vadd.f32 v14, v8  }
0x23a: {  	v7 =	vadd.f32 v15, v7;
	(erf) = vrcp.f32 v9  }
0x23b: {  	(erf) = vrcp.f32 v8;
	v6 =	vadd.f32 v13, v6  }
0x23c: {  	(erf) = vrcp.f32 v7  }
0x23d: {  	s14 =	simm.s32 $0x500;
	(erf) = vrcp.f32 v6  }
0x23e: {  	v15 =	vld [tilespmem:s14+$0xFFFFFF10]  }
0x23f: {  	v16 =	vld [tilespmem:s14+$0xFFFFFF20];
	v6 =	vpop (erf)  }
0x240: {  	v17 =	vld [tilespmem:s14+$0xFFFFFF30];
	v7 =	vpop (erf)  }
0x241: {  	v18 =	vld [tilespmem:s14+$0xFFFFFF40];
	v12 =	vpop (erf)  }
0x242: {  	v14 =	vld [tilespmem:s14+$0xF0];
	v8 =	vpop (erf)  }
0x243: {  	v20 =	vld [tilespmem:s14+$0xFFFFFF60];
	v15 =	vmul.f32 v15, v7;
	v9 =	vpop (erf)  }
0x244: {  	v22 =	vld [tilespmem:s14+$0xFFFFFF80];
	v16 =	vmul.f32 v16, v12;
	v10 =	vpop (erf)  }
0x245: {  	v19 =	vld [tilespmem:s14+$0xFFFFFF50];
	[tilespmem:s14+$0xFFFFFF10] =	vst v15;
	v15 =	vmul.f32 v17, v8;
	v11 =	vpop (erf)  }
0x246: {  	v21 =	vld [tilespmem:s14+$0xFFFFFF70];
	[tilespmem:s14+$0xFFFFFF20] =	vst v16;
	v16 =	vmul.f32 v18, v9;
	v13 =	vpop (erf)  }
0x247: {  	v17 =	vld [tilespmem:s14+$0xFFFFFFA0];
	[tilespmem:s14+$0xFFFFFF30] =	vst v15;
	v14 =	vmul.f32 v14, v13  }
0x248: {  	v18 =	vld [tilespmem:s14+$0xFFFFFFB0];
	[tilespmem:s14+$0xFFFFFF40] =	vst v16;
	v20 =	vmul.f32 v20, v11  }
0x249: {  	v16 =	vmul.f32 v22, v6;
	[tilespmem:s14+$0xF0] =	vst v14;
	v14 =	vld [tilespmem:s14+$0xFFFFFF90]  }
0x24a: {  	v15 =	vmul.f32 v19, v10;
	[tilespmem:s14+$0xFFFFFF60] =	vst v20;
	v20 =	vld [tilespmem:s14+$0xFFFFFFF0]  }
0x24b: {  	v19 =	vld [tilespmem:s14+$0xFFFFFFC0];
	[tilespmem:s14+$0xFFFFFF80] =	vst v16;
	v16 =	vmul.f32 v21, v13  }
0x24c: {  	v22 =	vld [tilespmem:s14+$0xFFFFFFD0];
	[tilespmem:s14+$0xFFFFFF50] =	vst v15  }
0x24d: {  	v15 =	vld [tilespmem:s14+$0xFFFFFFE0];
	[tilespmem:s14+$0xFFFFFF70] =	vst v16;
	v16 =	vmul.f32 v17, v12  }
0x24e: {  	v21 =	vld [tilespmem:s14+$0x30];
	v14 =	vmul.f32 v14, v7  }
0x24f: {  	v17 =	vld [tilespmem:s14+$0x0];
	[tilespmem:s14+$0xFFFFFFA0] =	vst v16;
	v20 =	vmul.f32 v20, v13  }
0x250: {  	[tilespmem:s14+$0xFFFFFF90] =	vst v14;
	v14 =	vmul.f32 v18, v8;
	v18 =	vld [tilespmem:s14+$0x10]  }
0x251: {  	v16 =	vmul.f32 v19, v9;
	v19 =	vld [tilespmem:s14+$0x20];
	[tilespmem:s14+$0xFFFFFFF0] =	vst v20  }
0x252: {  	v20 =	vld [tilespmem:s14+$0x80];
	[tilespmem:s14+$0xFFFFFFB0] =	vst v14;
	v14 =	vmul.f32 v22, v10  }
0x253: {  	v15 =	vmul.f32 v15, v11;
	[tilespmem:s14+$0xFFFFFFC0] =	vst v16;
	v16 =	vld [tilespmem:s14+$0x40]  }
0x254: {  	[tilespmem:s14+$0xFFFFFFD0] =	vst v14;
	v14 =	vmul.f32 v17, v6  }
0x255: {  	[tilespmem:s14+$0xFFFFFFE0] =	vst v15;
	v17 =	vld [tilespmem:s14+$0x50];
	v18 =	vmul.f32 v18, v7  }
0x256: {  	v15 =	vld [tilespmem:s14+$0x60];
	[tilespmem:s14+$0x0] =	vst v14;
	v14 =	vmul.f32 v19, v12  }
0x257: {  	v20 =	vmul.f32 v20, v6;
	v19 =	vld [tilespmem:s14+$0x70];
	[tilespmem:s14+$0x10] =	vst v18  }
0x258: {  	v18 =	vmul.f32 v21, v8;
	v21 =	vld [tilespmem:s14+$0x90];
	[tilespmem:s14+$0x20] =	vst v14;
	v14 =	vmul.f32 v16, v9  }
0x259: {  	v22 =	vld [tilespmem:s14+$0xA0];
	[tilespmem:s14+$0x80] =	vst v20  }
0x25a: {  	v16 =	vmul.f32 v17, v10;
	[tilespmem:s14+$0x40] =	vst v14;
	v14 =	vld [tilespmem:s14+$0xB0]  }
0x25b: {  	[tilespmem:s14+$0x30] =	vst v18;
	v17 =	vmul.f32 v15, v11;
	v15 =	vld [tilespmem:s14+$0xC0]  }
0x25c: {  	[tilespmem:s14+$0x50] =	vst v16;
	v18 =	vmul.f32 v19, v13;
	v16 =	vld [tilespmem:s14+$0xD0]  }
0x25d: {  	[tilespmem:s14+$0x60] =	vst v17;
	v17 =	vld [tilespmem:s14+$0xE0];
	v19 =	vmul.f32 v21, v7  }
0x25e: {  	s15 =	simm.s32 $0x0;
	s16 =	simm.s32 $0x700;
	v20 =	vmul.f32 v22, v12;
	[tilespmem:s14+$0x70] =	vst v18;
	v18 =	vld [tilespmem:s14+$0xFFFFFF00]  }
.LBB2_8:
0x25f: {  	v21 =	vld [tilespmem:s16+$0xF0];
	s15 =	sadd.s32 $0x4, s15;
	[tilespmem:s14+$0x90] =	vst v19;
	v14 =	vmul.f32 v14, v8  }
0x260: {  	v19 =	vld [tilespmem:s16+$0xFFFFFF10];
	p1 =	slt.u32 s15, $0x1F4;
	[tilespmem:s14+$0xA0] =	vst v20;
	v15 =	vmul.f32 v15, v9  }
0x261: {  	v20 =	vld [tilespmem:s16+$0xFFFFFF20];
	[tilespmem:s14+$0xB0] =	vst v14;
	v14 =	vmul.f32 v16, v10  }
0x262: {  	v16 =	vld [tilespmem:s16+$0xFFFFFF30];
	[tilespmem:s14+$0xC0] =	vst v15;
	v15 =	vmul.f32 v17, v11  }
0x263: {  	v17 =	vld [tilespmem:s16+$0xFFFFFF40];
	v18 =	vmul.f32 v18, v6;
	[tilespmem:s14+$0xD0] =	vst v14  }
0x264: {  	v14 =	vld [tilespmem:s16+$0xFFFFFF50];
	v21 =	vmul.f32 v21, v13;
	[tilespmem:s14+$0xE0] =	vst v15  }
0x265: {  	v15 =	vmul.f32 v19, v7;
	v19 =	vld [tilespmem:s16+$0xFFFFFF60];
	[tilespmem:s14+$0xFFFFFF00] =	vst v18;
	s14 =	smov.u32 s16  }
0x266: {  	v18 =	vmul.f32 v20, v12;
	v20 =	vld [tilespmem:s16+$0xFFFFFF70];
	[tilespmem:s16+$0xF0] =	vst v21  }
0x267: {  	[tilespmem:s16+$0xFFFFFF10] =	vst v15;
	v15 =	vmul.f32 v16, v8;
	v16 =	vld [tilespmem:s16+$0xFFFFFF80]  }
0x268: {  	[tilespmem:s16+$0xFFFFFF20] =	vst v18;
	v17 =	vmul.f32 v17, v9;
	v18 =	vld [tilespmem:s16+$0xFFFFFF90]  }
0x269: {  	[tilespmem:s16+$0xFFFFFF30] =	vst v15;
	v14 =	vmul.f32 v14, v10;
	v15 =	vld [tilespmem:s16+$0xFFFFFFA0]  }
0x26a: {  	[tilespmem:s16+$0xFFFFFF40] =	vst v17;
	v17 =	vmul.f32 v19, v11;
	v19 =	vld [tilespmem:s16+$0xFFFFFFB0]  }
0x26b: {  	[tilespmem:s16+$0xFFFFFF50] =	vst v14;
	v14 =	vmul.f32 v20, v13;
	v20 =	vld [tilespmem:s16+$0xFFFFFFC0]  }
0x26c: {  	[tilespmem:s16+$0xFFFFFF60] =	vst v17;
	v16 =	vmul.f32 v16, v6;
	v17 =	vld [tilespmem:s16+$0xFFFFFFD0]  }
0x26d: {  	[tilespmem:s16+$0xFFFFFF70] =	vst v14;
	v14 =	vmul.f32 v18, v7;
	v18 =	vld [tilespmem:s16+$0xFFFFFFE0]  }
0x26e: {  	[tilespmem:s16+$0xFFFFFF80] =	vst v16;
	v15 =	vmul.f32 v15, v12;
	v16 =	vld [tilespmem:s16+$0xFFFFFFF0]  }
0x26f: {  	[tilespmem:s16+$0xFFFFFF90] =	vst v14;
	v14 =	vmul.f32 v19, v8;
	v19 =	vld [tilespmem:s16+$0x0]  }
0x270: {  	[tilespmem:s16+$0xFFFFFFA0] =	vst v15;
	v15 =	vmul.f32 v20, v9;
	v20 =	vld [tilespmem:s16+$0x10]  }
0x271: {  	[tilespmem:s16+$0xFFFFFFB0] =	vst v14;
	v14 =	vmul.f32 v17, v10;
	v17 =	vld [tilespmem:s16+$0x20]  }
0x272: {  	[tilespmem:s16+$0xFFFFFFC0] =	vst v15;
	v15 =	vmul.f32 v18, v11;
	v18 =	vld [tilespmem:s16+$0x30]  }
0x273: {  	[tilespmem:s16+$0xFFFFFFD0] =	vst v14;
	v14 =	vmul.f32 v16, v13;
	v16 =	vld [tilespmem:s16+$0x40]  }
0x274: {  	[tilespmem:s16+$0xFFFFFFE0] =	vst v15;
	v15 =	vmul.f32 v19, v6;
	v19 =	vld [tilespmem:s16+$0x50]  }
0x275: {  	[tilespmem:s16+$0xFFFFFFF0] =	vst v14;
	v14 =	vmul.f32 v20, v7;
	v20 =	vld [tilespmem:s16+$0x60]  }
0x276: {  	[tilespmem:s16+$0x0] =	vst v15;
	v15 =	vmul.f32 v17, v12;
	v17 =	vld [tilespmem:s16+$0x70]  }
0x277: {  	[tilespmem:s16+$0x10] =	vst v14;
	v14 =	vmul.f32 v18, v8;
	v18 =	vld [tilespmem:s16+$0x80]  }
0x278: {  	[tilespmem:s16+$0x20] =	vst v15;
	v15 =	vmul.f32 v16, v9;
	v21 =	vld [tilespmem:s16+$0x90]  }
0x279: {  	[tilespmem:s16+$0x30] =	vst v14;
	v16 =	vmul.f32 v19, v10;
	v22 =	vld [tilespmem:s16+$0xA0]  }
.Ltmp3:
0x27a: {  	[tilespmem:s16+$0x40] =	vst v15;
	v19 =	vmul.f32 v20, v11;
	v14 =	vld [tilespmem:s16+$0xB0];
	(pc) =	sbr.rel @p1 .LBB2_8-.Ltmp3, $4  }
0x27b: {  	[tilespmem:s16+$0x50] =	vst v16;
	v17 =	vmul.f32 v17, v13;
	v15 =	vld [tilespmem:s16+$0xC0]  }
0x27c: {  	[tilespmem:s16+$0x60] =	vst v19;
	v20 =	vmul.f32 v18, v6;
	v16 =	vld [tilespmem:s16+$0xD0]  }
0x27d: {  	[tilespmem:s16+$0x70] =	vst v17;
	v19 =	vmul.f32 v21, v7;
	v17 =	vld [tilespmem:s16+$0xE0]  }
0x27e: {  	s16 =	sadd.s32 $0x200, s16;
	v18 =	vld [tilespmem:s14+$0xFFFFFF00];
	[tilespmem:s14+$0x80] =	vst v20;
	v20 =	vmul.f32 v22, v12  }
0x27f: {  	[tilespmem:s14+$0x90] =	vst v19;
	v7 =	vmul.f32 v14, v8  }
0x280: {  	[tilespmem:s14+$0xA0] =	vst v20;
	v62 =	vmul.f32 v15, v9  }
0x281: {  	[tilespmem:s14+$0xB0] =	vst v7;
	v7 =	vmul.f32 v16, v10  }
0x282: {  	[tilespmem:s14+$0xC0] =	vst v62;
	v63 =	vmul.f32 v17, v11  }
0x283: {  	v6 =	vmul.f32 v18, v6;
	[tilespmem:s14+$0xD0] =	vst v7  }
0x284: {  	[tilespmem:s14+$0xE0] =	vst v63  }
0x285: {  	s15 =	simm.s32 @p0 $0x4000;
	s16 =	simm.s32 @p0 $0x400;
	[tilespmem:s14+$0xFFFFFF00] =	vst v6;
	s14 =	sadd.s32 @p0 $0x1F800, s7  }
0x286: {  	[hbm4b:s14+s16] =	stream.strided.scatter @p0 [tilespmem:s16], [sflag:$0x1], $0xF800, s15, s16, $0x38;
	[tilespmem:$0x10180] =	vst v63  }
0x287: {  	s14 =	simm.s32 @p0 $0x1  }
0x288: {  	s13 =	sadd.s32 $0x1, s13;
	_ =	swait.ge @p0 [sflag:s14], $0xF800  }
0x289: {  	p1 =	sne.s32 s13, s8;
	[sflag:s14] =	ssyncset.done @p0 $0x0  }
0x28a: {  	s15 =	simm.s32 @!p0 $0x400;
	[sflag:s14] =	ssyncadd.s32 @p0 $0xFFFF0800;
	s14 =	simm.s32 @!p0 $0x4000  }
0x28b: {  	[hbm4b:s7+s15] =	stream.strided.scatter @!p0 [tilespmem:s15], [sflag:$0x1], $0xFC00, s14, s15, $0x38;
	[tilespmem:$0x10180] =	vst v63  }
.Ltmp4:
0x28c: {  	_ = 	snop;
	(pc) =	sbr.rel @p1 .LBB2_1-.Ltmp4, $4  }
0x28d: {  	s14 =	simm.s32 @!p0 $0x1  }
0x28e: {  	_ =	swait.ge @!p0 [sflag:s14], $0xFC00  }
0x28f: {  	[sflag:s14] =	ssyncset.done @!p0 $0x0  }
0x290: {  	[sflag:s14] =	ssyncadd.s32 @!p0 $0xFFFF0400  }
0x291: {  	_ =	sfence.sel $0x180000  }
0x292: {  	[bflag:$0x0] =	sbarrier.arrive $0xFFFF  }
0x293: {  	p0 =	sne.s32 s1, $0x0;
	_ =	strace $0x90000047  }
0x294: {  	s0 =	sadd.s32 @!p0 $0x100000, s2;
	[bflag:$0x2] =	sbarrier.arrive $0xFFFF  }
0x295: {  	[sflag:s0] =	ssyncadd.tile.s32 @!p0 $0x1;
	_ =	shalt  }
.Lfunc_end2:
_tile_overlayer_lowered:
.L_overlay_start_2:
0x296: {  	(tag) =	ssettag $0x2  }
0x297: {  	s0 =	rddreg [dreg:$0x0];
	s2 =	stileid.u32  }
0x298: {  	s1 =	rddreg [dreg:$0x1];
	p0 =	sne.s32 s2, $0x0  }
0x299: {  	s3 =	rddreg [dreg:$0x2];
	[bflag:$0x3] =	sbarrier.arrive $0xFFFF;
	s2 =	simm.s32 @!p0 $0x1C01  }
0x29a: {  	[timem:s3], [sflag:s2] =	dma.local @!p0 [hbm:s0], s1  }
0x29b: {  	s0 =	simm.s32 @!p0 $0x1  }
0x29c: {  	_ =	swait.ge @!p0 [sflag:s0], s1  }
0x29d: {  	s1 =	ssub.s32 @!p0 $0x0, s1;
	[sflag:s0] =	ssyncset.done @!p0 $0x0  }
0x29e: {  	[sflag:s0] =	ssyncadd.s32 @!p0 s1  }
0x29f: {  	[bflag:$0x3] =	sbarrier.arrive $0xFFFF  }
0x2a0: {  	_ =	shalt  }

</sc_bundles>
